<compile_context>
chip_gen: v7x
topology: tpu7x:2x2x1
jax: 0.10.2.dev20260603
libtpu: 0.0.44.dev20260713+nightly
codegen_flags: <defaults>
</compile_context>

<pallas_src>
import jax
import jax.numpy as jnp
import numpy as np
from jax import lax
from jax.experimental import pallas as pl
from jax.experimental.pallas import tpu as pltpu, tpu_sc as plsc

R, N, TOPK = 64, 32768, 256
L = 16
NC, NS = 2, 16
NW = NC * NS
ROWS_PER_W = R // NW
CH = N // L
HB = 256
UNROLL = 8

_SIGN = np.uint32(0x80000000)
_ONES = np.uint32(0xFFFFFFFF)


def _keys_u(u):
    return u ^ jnp.where(u >= _SIGN, _ONES, _SIGN)


def _inv_key(k):
    u = k ^ jnp.where(k >= _SIGN, _SIGN, _ONES)
    return lax.bitcast_convert_type(u, jnp.float32)


def _process_row(row_v, cand_v, hist_v):
    iota = lax.iota(jnp.int32, L)
    iota16 = iota * L
    ones = jnp.ones((L,), jnp.int32)
    zeros = jnp.zeros((L,), jnp.int32)

    def zero_hist():
        for i in range(HB // L):
            hist_v[pl.ds(i * L, L)] = zeros

    def scan_buckets(kk):
        parts = [hist_v[pl.ds(i * L, L)] for i in range(L)]
        while len(parts) > 1:
            parts = [a + b for a, b in zip(parts[::2], parts[1::2])]
        tot = parts[0]
        cum_ge = lax.rev(plsc.cumsum(lax.rev(tot, (0,))), (0,))
        sel = cum_ge >= kk
        dstar = jnp.max(jnp.where(sel, iota, -1))
        knext = jnp.max(jnp.where(sel, kk - (cum_ge - tot), np.int32(-(2**31))))
        return dstar, knext, tot

    zero_hist()

    @plsc.parallel_loop(0, CH, unroll=UNROLL)
    def _(j):
        u = lax.bitcast_convert_type(row_v[pl.ds(j * L, L)], jnp.uint32)
        a = lax.shift_right_logical(u, jnp.broadcast_to(np.uint32(28), (L,)))
        flip = jnp.where(a >= 8, np.uint32(15), np.uint32(8))
        idx = iota16 + lax.bitcast_convert_type(a ^ flip, jnp.int32)
        plsc.addupdate_scatter(hist_v, [idx], ones)

    dstar, kk, _ = scan_buckets(np.int32(TOPK))
    dstar_u = lax.convert_element_type(dstar, jnp.uint32)
    prefix = lax.shift_left(dstar_u, np.uint32(28))

    zero_hist()

    @plsc.parallel_loop(0, CH, unroll=UNROLL, carry=dstar * 0)
    def n_cand(j, off):
        u = lax.bitcast_convert_type(row_v[pl.ds(j * L, L)], jnp.uint32)
        kv = _keys_u(u)
        digit = lax.shift_right_logical(
            kv, jnp.broadcast_to(np.uint32(28), (L,)))
        m = digit == dstar_u
        plsc.store_compressed(cand_v.at[pl.ds(off, L)], kv, mask=m)
        nd = jnp.bitwise_and(
            jnp.right_shift(kv, np.uint32(24)), np.uint32(15))
        idx = iota16 + lax.bitcast_convert_type(nd, jnp.int32)
        plsc.addupdate_scatter(hist_v, [idx], ones, mask=m)
        return off + plsc.all_reduce_population_count(m)[0]

    excess = None
    for l in range(1, 8):
        dstar, knext, tot = scan_buckets(kk)
        dstar_u = lax.convert_element_type(dstar, jnp.uint32)
        prefix = prefix | lax.shift_left(dstar_u, np.uint32(28 - 4 * l))

        if l == 7:
            n_eq = jnp.max(jnp.where(iota == dstar, tot, 0))
            excess = n_eq - knext
            break

        zero_hist()
        sh_this = np.uint32(28 - 4 * l)
        sh_next = np.uint32(28 - 4 * (l + 1))

        def cbody(j, off, sh_this=sh_this, sh_next=sh_next,
                  dstar_u=dstar_u, lvl=l, n_src=n_cand):
            kv = cand_v[pl.ds(j * L, L)]
            digit = jnp.bitwise_and(
                jnp.right_shift(kv, sh_this), np.uint32(15))
            m = (digit == dstar_u) & ((j * L + iota) < n_src)
            plsc.store_compressed(cand_v.at[pl.ds(off, L)], kv, mask=m)
            nd = jnp.bitwise_and(
                jnp.right_shift(kv, sh_next), np.uint32(15))
            idx = iota16 + lax.bitcast_convert_type(nd, jnp.int32)
            plsc.addupdate_scatter(hist_v, [idx], ones, mask=m)
            return off + plsc.all_reduce_population_count(m)[0]

        trip = (n_cand + (L - 1)) // L
        n_cand = lax.fori_loop(0, trip, cbody, np.int32(0))
        kk = knext

    thresh_f = _inv_key(prefix)

    @plsc.parallel_loop(0, CH, unroll=UNROLL)
    def _(j):
        sl = pl.ds(j * L, L)
        xv = row_v[sl]
        row_v[sl] = jnp.where(xv >= thresh_f, xv, 0.0)

    @pl.when(excess > 0)
    def _():
        def cond(c):
            j, z = c
            return (j >= 0) & (z > 0)

        def body(c):
            j, z = c
            sl = pl.ds(j * L, L)
            xv = row_v[sl]
            eqm = xv == thresh_f
            inc = plsc.cumsum(jnp.where(eqm, 1, 0).astype(jnp.int32))
            csp = plsc.all_reduce_population_count(eqm)
            kill = eqm & ((csp - inc + 1) <= z)
            row_v[sl] = jnp.where(kill, 0.0, xv)
            return (j - 1, z - csp[0])

        lax.while_loop(cond, body, (np.int32(CH - 1), excess))


def _body(x_hbm, out_hbm, row_a, row_b, cand_v, hist_v, sem_a, sem_b):
    wid = lax.axis_index("s") * NC + lax.axis_index("c")
    row0 = wid * ROWS_PER_W
    row1 = row0 + 1

    in0 = pltpu.async_copy(x_hbm.at[row0], row_a, sem_a)
    in1 = pltpu.async_copy(x_hbm.at[row1], row_b, sem_b)
    in0.wait()
    _process_row(row_a, cand_v, hist_v)
    out0 = pltpu.async_copy(row_a, out_hbm.at[row0], sem_a)
    in1.wait()
    _process_row(row_b, cand_v, hist_v)
    out0.wait()
    pltpu.async_copy(row_b, out_hbm.at[row1], sem_b).wait()


@jax.jit
def kernel(x):
    mesh = plsc.VectorSubcoreMesh(
        core_axis_name="c", subcore_axis_name="s",
        num_cores=NC, num_subcores=NS)
    return pl.kernel(
        _body,
        out_type=jax.ShapeDtypeStruct((R, N), jnp.float32),
        mesh=mesh,
        compiler_params=pltpu.CompilerParams(needs_layout_passes=False),
        scratch_types=[
            pltpu.VMEM((N,), jnp.float32),
            pltpu.VMEM((N,), jnp.float32),
            pltpu.VMEM((N,), jnp.uint32),
            pltpu.VMEM((HB,), jnp.int32),
            pltpu.SemaphoreType.DMA,
            pltpu.SemaphoreType.DMA,
        ],
    )(x)

# --- scband reference (transcript-rebuilt; emitter-appended) ---
"""Pipeline reference for scband-top-k-30863634989513 (READ-ONLY COPY).

The authoritative reference and input builder live on the scoring server;
editing this copy changes nothing except your own understanding.
"""

import jax, jax.numpy as jnp
import numpy as np

K = 256

def setup_inputs(seed: int = 0) -> dict:
    key = jax.random.key(seed)
    x = jax.random.normal(key, (64, 32768), dtype=jnp.float32)
    return {"x": x}

def reference(x):
    # torch.topk along last dim
    _, indices = jax.lax.top_k(x, K)
    # gate = zeros_like(x); gate.scatter_(dim=-1, index=indices, value=1)
    rows = jnp.arange(x.shape[0])[:, None]
    gate = jnp.zeros_like(x).at[rows, indices].set(1.0)
    return x * gate.astype(x.dtype)

if __name__ == "__main__":
    import jax
    _d = setup_inputs()
    print(jax.jit(kernel)(*tuple(_d.values())))

</pallas_src>

<mosaic_0001>
#map = affine_map<(d0, d1) -> (0, 0)>
module attributes {stable_mosaic.version = 14 : i64} {
  func.func @_body(%arg0: i32, %arg1: i32, %arg2: memref<64x32768xf32, #tpu.memory_space<hbm>>, %arg3: memref<64x32768xf32, #tpu.memory_space<hbm>>, %arg4: memref<32768xf32, #tpu.memory_space<vmem>>, %arg5: memref<32768xf32, #tpu.memory_space<vmem>>, %arg6: memref<32768xi32, #tpu.memory_space<vmem>>, %arg7: memref<256xi32, #tpu.memory_space<vmem>>, %arg8: memref<!tpu.dma_semaphore, #tpu.memory_space<semaphore_mem>>, %arg9: memref<!tpu.dma_semaphore, #tpu.memory_space<semaphore_mem>>) attributes {dimension_semantics = [#tpu.dimension_semantics<core_parallel>, #tpu.dimension_semantics<subcore_parallel>], iteration_bounds = array<i64: 2, 16>, scalar_prefetch = 0 : i64, scratch_operands = 6 : i64, tpu.core_type = #tpu.core_type<sc_vector_subcore>, window_params = [{transform_indices = #map}, {transform_indices = #map}]} {
    %mul3A = arith.constant 2 : i32
    %mul3A_0 = arith.muli %arg1, %mul3A : i32
    %add3A = arith.addi %mul3A_0, %arg0 : i32
    %mul3A_1 = arith.constant 2 : i32
    %mul3A_2 = arith.muli %add3A, %mul3A_1 : i32
    %add3A_3 = arith.constant 1 : i32
    %add3A_4 = arith.addi %mul3A_2, %add3A_3 : i32
    %dma_start3A = arith.constant 0 : i32
    %dma_start3A_5 = tpu.memref_slice %arg2[%mul3A_2, %dma_start3A] : memref<64x32768xf32, #tpu.memory_space<hbm>> -> memref<1x32768xf32, #tpu.memory_space<hbm>>
    %dma_start3A_6 = tpu.memref_squeeze %dma_start3A_5 : memref<1x32768xf32, #tpu.memory_space<hbm>> -> memref<32768xf32, #tpu.memory_space<hbm>>
    %dma_start3A_7 = arith.constant 0 : i32
    %dma_start3A_8 = tpu.memref_slice %arg2[%mul3A_2, %dma_start3A_7] : memref<64x32768xf32, #tpu.memory_space<hbm>> -> memref<1x32768xf32, #tpu.memory_space<hbm>>
    %dma_start3A_9 = tpu.memref_squeeze %dma_start3A_8 : memref<1x32768xf32, #tpu.memory_space<hbm>> -> memref<32768xf32, #tpu.memory_space<hbm>>
    tpu.enqueue_dma source(%dma_start3A_9 : memref<32768xf32, #tpu.memory_space<hbm>>) target(%arg4 : memref<32768xf32, #tpu.memory_space<vmem>>) target_semaphore(%arg8 : memref<!tpu.dma_semaphore, #tpu.memory_space<semaphore_mem>>)
    %dma_start3A_10 = arith.constant 0 : i32
    %dma_start3A_11 = tpu.memref_slice %arg2[%add3A_4, %dma_start3A_10] : memref<64x32768xf32, #tpu.memory_space<hbm>> -> memref<1x32768xf32, #tpu.memory_space<hbm>>
    %dma_start3A_12 = tpu.memref_squeeze %dma_start3A_11 : memref<1x32768xf32, #tpu.memory_space<hbm>> -> memref<32768xf32, #tpu.memory_space<hbm>>
    %dma_start3A_13 = arith.constant 0 : i32
    %dma_start3A_14 = tpu.memref_slice %arg2[%add3A_4, %dma_start3A_13] : memref<64x32768xf32, #tpu.memory_space<hbm>> -> memref<1x32768xf32, #tpu.memory_space<hbm>>
    %dma_start3A_15 = tpu.memref_squeeze %dma_start3A_14 : memref<1x32768xf32, #tpu.memory_space<hbm>> -> memref<32768xf32, #tpu.memory_space<hbm>>
    tpu.enqueue_dma source(%dma_start3A_15 : memref<32768xf32, #tpu.memory_space<hbm>>) target(%arg5 : memref<32768xf32, #tpu.memory_space<vmem>>) target_semaphore(%arg9 : memref<!tpu.dma_semaphore, #tpu.memory_space<semaphore_mem>>)
    %dma_wait3A = arith.constant 0 : i32
    %dma_wait3A_16 = tpu.memref_slice %arg2[%mul3A_2, %dma_wait3A] : memref<64x32768xf32, #tpu.memory_space<hbm>> -> memref<1x32768xf32, #tpu.memory_space<hbm>>
    %dma_wait3A_17 = tpu.memref_squeeze %dma_wait3A_16 : memref<1x32768xf32, #tpu.memory_space<hbm>> -> memref<32768xf32, #tpu.memory_space<hbm>>
    %dma_wait3A_18 = arith.constant 0 : i32
    %dma_wait3A_19 = tpu.memref_slice %arg2[%mul3A_2, %dma_wait3A_18] : memref<64x32768xf32, #tpu.memory_space<hbm>> -> memref<1x32768xf32, #tpu.memory_space<hbm>>
    %dma_wait3A_20 = tpu.memref_squeeze %dma_wait3A_19 : memref<1x32768xf32, #tpu.memory_space<hbm>> -> memref<32768xf32, #tpu.memory_space<hbm>>
    tpu.wait_dma2 semaphore(%arg8 : memref<!tpu.dma_semaphore, #tpu.memory_space<semaphore_mem>>) src(%dma_wait3A_20 : memref<32768xf32, #tpu.memory_space<hbm>>) dst(%arg4 : memref<32768xf32, #tpu.memory_space<vmem>>)
    %iota3A = tpu.iota {dimensions = array<i32: 0>} : vector<16xi32>
    %mul3A_21 = arith.constant 16 : i32
    %mul3A_22 = vector.broadcast %mul3A_21 : i32 to vector<16xi32>
    %mul3A_23 = arith.muli %iota3A, %mul3A_22 : vector<16xi32>
    %broadcast_in_dim3A = arith.constant 1 : i32
    %broadcast_in_dim3A_24 = vector.broadcast %broadcast_in_dim3A : i32 to vector<16xi32>
    %broadcast_in_dim3A_25 = arith.constant 0 : i32
    %broadcast_in_dim3A_26 = vector.broadcast %broadcast_in_dim3A_25 : i32 to vector<16xi32>
    %swap3A = arith.constant 0 : index
    %swap3A_27 = tpu.vector_load %arg7[%swap3A] {strides = array<i32>} : memref<256xi32, #tpu.memory_space<vmem>>, vector<16xi32>,
    tpu.vector_store %arg7[%swap3A], %broadcast_in_dim3A_26 {strides = array<i32>} : memref<256xi32, #tpu.memory_space<vmem>>, vector<16xi32>,
    %swap3A_28 = arith.constant 16 : index
    %swap3A_29 = tpu.vector_load %arg7[%swap3A_28] {strides = array<i32>} : memref<256xi32, #tpu.memory_space<vmem>>, vector<16xi32>,
    tpu.vector_store %arg7[%swap3A_28], %broadcast_in_dim3A_26 {strides = array<i32>} : memref<256xi32, #tpu.memory_space<vmem>>, vector<16xi32>,
    %swap3A_30 = arith.constant 32 : index
    %swap3A_31 = tpu.vector_load %arg7[%swap3A_30] {strides = array<i32>} : memref<256xi32, #tpu.memory_space<vmem>>, vector<16xi32>,
    tpu.vector_store %arg7[%swap3A_30], %broadcast_in_dim3A_26 {strides = array<i32>} : memref<256xi32, #tpu.memory_space<vmem>>, vector<16xi32>,
    %swap3A_32 = arith.constant 48 : index
    %swap3A_33 = tpu.vector_load %arg7[%swap3A_32] {strides = array<i32>} : memref<256xi32, #tpu.memory_space<vmem>>, vector<16xi32>,
    tpu.vector_store %arg7[%swap3A_32], %broadcast_in_dim3A_26 {strides = array<i32>} : memref<256xi32, #tpu.memory_space<vmem>>, vector<16xi32>,
    %swap3A_34 = arith.constant 64 : index
    %swap3A_35 = tpu.vector_load %arg7[%swap3A_34] {strides = array<i32>} : memref<256xi32, #tpu.memory_space<vmem>>, vector<16xi32>,
    tpu.vector_store %arg7[%swap3A_34], %broadcast_in_dim3A_26 {strides = array<i32>} : memref<256xi32, #tpu.memory_space<vmem>>, vector<16xi32>,
    %swap3A_36 = arith.constant 80 : index
    %swap3A_37 = tpu.vector_load %arg7[%swap3A_36] {strides = array<i32>} : memref<256xi32, #tpu.memory_space<vmem>>, vector<16xi32>,
    tpu.vector_store %arg7[%swap3A_36], %broadcast_in_dim3A_26 {strides = array<i32>} : memref<256xi32, #tpu.memory_space<vmem>>, vector<16xi32>,
    %swap3A_38 = arith.constant 96 : index
    %swap3A_39 = tpu.vector_load %arg7[%swap3A_38] {strides = array<i32>} : memref<256xi32, #tpu.memory_space<vmem>>, vector<16xi32>,
    tpu.vector_store %arg7[%swap3A_38], %broadcast_in_dim3A_26 {strides = array<i32>} : memref<256xi32, #tpu.memory_space<vmem>>, vector<16xi32>,
    %swap3A_40 = arith.constant 112 : index
    %swap3A_41 = tpu.vector_load %arg7[%swap3A_40] {strides = array<i32>} : memref<256xi32, #tpu.memory_space<vmem>>, vector<16xi32>,
    tpu.vector_store %arg7[%swap3A_40], %broadcast_in_dim3A_26 {strides = array<i32>} : memref<256xi32, #tpu.memory_space<vmem>>, vector<16xi32>,
    %swap3A_42 = arith.constant 128 : index
    %swap3A_43 = tpu.vector_load %arg7[%swap3A_42] {strides = array<i32>} : memref<256xi32, #tpu.memory_space<vmem>>, vector<16xi32>,
    tpu.vector_store %arg7[%swap3A_42], %broadcast_in_dim3A_26 {strides = array<i32>} : memref<256xi32, #tpu.memory_space<vmem>>, vector<16xi32>,
    %swap3A_44 = arith.constant 144 : index
    %swap3A_45 = tpu.vector_load %arg7[%swap3A_44] {strides = array<i32>} : memref<256xi32, #tpu.memory_space<vmem>>, vector<16xi32>,
    tpu.vector_store %arg7[%swap3A_44], %broadcast_in_dim3A_26 {strides = array<i32>} : memref<256xi32, #tpu.memory_space<vmem>>, vector<16xi32>,
    %swap3A_46 = arith.constant 160 : index
    %swap3A_47 = tpu.vector_load %arg7[%swap3A_46] {strides = array<i32>} : memref<256xi32, #tpu.memory_space<vmem>>, vector<16xi32>,
    tpu.vector_store %arg7[%swap3A_46], %broadcast_in_dim3A_26 {strides = array<i32>} : memref<256xi32, #tpu.memory_space<vmem>>, vector<16xi32>,
    %swap3A_48 = arith.constant 176 : index
    %swap3A_49 = tpu.vector_load %arg7[%swap3A_48] {strides = array<i32>} : memref<256xi32, #tpu.memory_space<vmem>>, vector<16xi32>,
    tpu.vector_store %arg7[%swap3A_48], %broadcast_in_dim3A_26 {strides = array<i32>} : memref<256xi32, #tpu.memory_space<vmem>>, vector<16xi32>,
    %swap3A_50 = arith.constant 192 : index
    %swap3A_51 = tpu.vector_load %arg7[%swap3A_50] {strides = array<i32>} : memref<256xi32, #tpu.memory_space<vmem>>, vector<16xi32>,
    tpu.vector_store %arg7[%swap3A_50], %broadcast_in_dim3A_26 {strides = array<i32>} : memref<256xi32, #tpu.memory_space<vmem>>, vector<16xi32>,
    %swap3A_52 = arith.constant 208 : index
    %swap3A_53 = tpu.vector_load %arg7[%swap3A_52] {strides = array<i32>} : memref<256xi32, #tpu.memory_space<vmem>>, vector<16xi32>,
    tpu.vector_store %arg7[%swap3A_52], %broadcast_in_dim3A_26 {strides = array<i32>} : memref<256xi32, #tpu.memory_space<vmem>>, vector<16xi32>,
    %swap3A_54 = arith.constant 224 : index
    %swap3A_55 = tpu.vector_load %arg7[%swap3A_54] {strides = array<i32>} : memref<256xi32, #tpu.memory_space<vmem>>, vector<16xi32>,
    tpu.vector_store %arg7[%swap3A_54], %broadcast_in_dim3A_26 {strides = array<i32>} : memref<256xi32, #tpu.memory_space<vmem>>, vector<16xi32>,
    %swap3A_56 = arith.constant 240 : index
    %swap3A_57 = tpu.vector_load %arg7[%swap3A_56] {strides = array<i32>} : memref<256xi32, #tpu.memory_space<vmem>>, vector<16xi32>,
    tpu.vector_store %arg7[%swap3A_56], %broadcast_in_dim3A_26 {strides = array<i32>} : memref<256xi32, #tpu.memory_space<vmem>>, vector<16xi32>,
    %parallel_loop3A = arith.constant 0 : i32
    %parallel_loop3A_58 = arith.constant 2048 : i32
    %parallel_loop3A_59 = arith.constant 1 : i32
    scf.for %parallel_loop3A_2527 = %parallel_loop3A to %parallel_loop3A_58 step %parallel_loop3A_59  : i32 {
      %parallel_loop3A_2528 = arith.constant 16 : i32
      %parallel_loop3A_2529 = arith.muli %parallel_loop3A_2527, %parallel_loop3A_2528 : i32
      %parallel_loop3A_2530 = arith.index_cast %parallel_loop3A_2529 : i32 to index
      %parallel_loop3A_2531 = tpu.vector_load %arg4[%parallel_loop3A_2530] {strides = array<i32>} : memref<32768xf32, #tpu.memory_space<vmem>>, vector<16xf32>,
      %parallel_loop3A_2532 = tpu.bitcast %parallel_loop3A_2531 : vector<16xf32> -> vector<16xi32>
      %parallel_loop3A_2533 = arith.constant 28 : i32
      %parallel_loop3A_2534 = vector.broadcast %parallel_loop3A_2533 : i32 to vector<16xi32>
      %parallel_loop3A_2535 = arith.shrui %parallel_loop3A_2532, %parallel_loop3A_2534 : vector<16xi32>
      %parallel_loop3A_2536 = arith.constant 8 : i32
      %parallel_loop3A_2537 = vector.broadcast %parallel_loop3A_2536 : i32 to vector<16xi32>
      %parallel_loop3A_2538 = arith.cmpi uge, %parallel_loop3A_2535, %parallel_loop3A_2537 : vector<16xi32>
      %parallel_loop3A_2539 = arith.constant 15 : i32
      %parallel_loop3A_2540 = arith.constant 8 : i32
      %parallel_loop3A_2541 = vector.broadcast %parallel_loop3A_2539 : i32 to vector<16xi32>
      %parallel_loop3A_2542 = vector.broadcast %parallel_loop3A_2540 : i32 to vector<16xi32>
      %parallel_loop3A_2543 = arith.select %parallel_loop3A_2538, %parallel_loop3A_2541, %parallel_loop3A_2542 : vector<16xi1>, vector<16xi32>
      %parallel_loop3A_2544 = arith.xori %parallel_loop3A_2535, %parallel_loop3A_2543 : vector<16xi32>
      %parallel_loop3A_2545 = tpu.bitcast %parallel_loop3A_2544 : vector<16xi32> -> vector<16xi32>
      %parallel_loop3A_2546 = arith.addi %mul3A_23, %parallel_loop3A_2545 : vector<16xi32>
      tpu.vector_store_idx %arg7[%parallel_loop3A_2546], %broadcast_in_dim3A_24 {add = true} : memref<256xi32, #tpu.memory_space<vmem>>[vector<16xi32>], vector<16xi32>,
    } {sc.loop_unroll_factor = 8 : i64, sc.parallel_access}
    %get3A = arith.constant 0 : index
    %get3A_60 = tpu.vector_load %arg7[%get3A] {strides = array<i32>} : memref<256xi32, #tpu.memory_space<vmem>>, vector<16xi32>,
    %get3A_61 = arith.constant 16 : index
    %get3A_62 = tpu.vector_load %arg7[%get3A_61] {strides = array<i32>} : memref<256xi32, #tpu.memory_space<vmem>>, vector<16xi32>,
    %get3A_63 = arith.constant 32 : index
    %get3A_64 = tpu.vector_load %arg7[%get3A_63] {strides = array<i32>} : memref<256xi32, #tpu.memory_space<vmem>>, vector<16xi32>,
    %get3A_65 = arith.constant 48 : index
    %get3A_66 = tpu.vector_load %arg7[%get3A_65] {strides = array<i32>} : memref<256xi32, #tpu.memory_space<vmem>>, vector<16xi32>,
    %get3A_67 = arith.constant 64 : index
    %get3A_68 = tpu.vector_load %arg7[%get3A_67] {strides = array<i32>} : memref<256xi32, #tpu.memory_space<vmem>>, vector<16xi32>,
    %get3A_69 = arith.constant 80 : index
    %get3A_70 = tpu.vector_load %arg7[%get3A_69] {strides = array<i32>} : memref<256xi32, #tpu.memory_space<vmem>>, vector<16xi32>,
    %get3A_71 = arith.constant 96 : index
    %get3A_72 = tpu.vector_load %arg7[%get3A_71] {strides = array<i32>} : memref<256xi32, #tpu.memory_space<vmem>>, vector<16xi32>,
    %get3A_73 = arith.constant 112 : index
    %get3A_74 = tpu.vector_load %arg7[%get3A_73] {strides = array<i32>} : memref<256xi32, #tpu.memory_space<vmem>>, vector<16xi32>,
    %get3A_75 = arith.constant 128 : index
    %get3A_76 = tpu.vector_load %arg7[%get3A_75] {strides = array<i32>} : memref<256xi32, #tpu.memory_space<vmem>>, vector<16xi32>,
    %get3A_77 = arith.constant 144 : index
    %get3A_78 = tpu.vector_load %arg7[%get3A_77] {strides = array<i32>} : memref<256xi32, #tpu.memory_space<vmem>>, vector<16xi32>,
    %get3A_79 = arith.constant 160 : index
    %get3A_80 = tpu.vector_load %arg7[%get3A_79] {strides = array<i32>} : memref<256xi32, #tpu.memory_space<vmem>>, vector<16xi32>,
    %get3A_81 = arith.constant 176 : index
    %get3A_82 = tpu.vector_load %arg7[%get3A_81] {strides = array<i32>} : memref<256xi32, #tpu.memory_space<vmem>>, vector<16xi32>,
    %get3A_83 = arith.constant 192 : index
    %get3A_84 = tpu.vector_load %arg7[%get3A_83] {strides = array<i32>} : memref<256xi32, #tpu.memory_space<vmem>>, vector<16xi32>,
    %get3A_85 = arith.constant 208 : index
    %get3A_86 = tpu.vector_load %arg7[%get3A_85] {strides = array<i32>} : memref<256xi32, #tpu.memory_space<vmem>>, vector<16xi32>,
    %get3A_87 = arith.constant 224 : index
    %get3A_88 = tpu.vector_load %arg7[%get3A_87] {strides = array<i32>} : memref<256xi32, #tpu.memory_space<vmem>>, vector<16xi32>,
    %get3A_89 = arith.constant 240 : index
    %get3A_90 = tpu.vector_load %arg7[%get3A_89] {strides = array<i32>} : memref<256xi32, #tpu.memory_space<vmem>>, vector<16xi32>,
    %add3A_91 = arith.addi %get3A_60, %get3A_62 : vector<16xi32>
    %add3A_92 = arith.addi %get3A_64, %get3A_66 : vector<16xi32>
    %add3A_93 = arith.addi %get3A_68, %get3A_70 : vector<16xi32>
    %add3A_94 = arith.addi %get3A_72, %get3A_74 : vector<16xi32>
    %add3A_95 = arith.addi %get3A_76, %get3A_78 : vector<16xi32>
    %add3A_96 = arith.addi %get3A_80, %get3A_82 : vector<16xi32>
    %add3A_97 = arith.addi %get3A_84, %get3A_86 : vector<16xi32>
    %add3A_98 = arith.addi %get3A_88, %get3A_90 : vector<16xi32>
    %add3A_99 = arith.addi %add3A_91, %add3A_92 : vector<16xi32>
    %add3A_100 = arith.addi %add3A_93, %add3A_94 : vector<16xi32>
    %add3A_101 = arith.addi %add3A_95, %add3A_96 : vector<16xi32>
    %add3A_102 = arith.addi %add3A_97, %add3A_98 : vector<16xi32>
    %add3A_103 = arith.addi %add3A_99, %add3A_100 : vector<16xi32>
    %add3A_104 = arith.addi %add3A_101, %add3A_102 : vector<16xi32>
    %add3A_105 = arith.addi %add3A_103, %add3A_104 : vector<16xi32>
    %rev3A = arith.constant 15 : i32
    %rev3A_106 = vector.broadcast %rev3A : i32 to vector<16xi32>
    %rev3A_107 = tpu.iota {dimensions = array<i32: 0>} : vector<16xi32>
    %rev3A_108 = arith.subi %rev3A_106, %rev3A_107 : vector<16xi32>
    %rev3A_109 = tpu.dynamic_gather %add3A_105[%rev3A_108] in [0] : vector<16xi32>, vector<16xi32> -> vector<16xi32>
    %broadcast_in_dim3A_110 = arith.constant true
    %broadcast_in_dim3A_111 = vector.broadcast %broadcast_in_dim3A_110 : i1 to vector<16xi1>
    %masked_cumsum3A = tpu.scan <sum>, %rev3A_109 masked %broadcast_in_dim3A_111 : vector<16xi32>, vector<16xi1> -> vector<16xi32>
    %rev3A_112 = arith.constant 15 : i32
    %rev3A_113 = vector.broadcast %rev3A_112 : i32 to vector<16xi32>
    %rev3A_114 = tpu.iota {dimensions = array<i32: 0>} : vector<16xi32>
    %rev3A_115 = arith.subi %rev3A_113, %rev3A_114 : vector<16xi32>
    %rev3A_116 = tpu.dynamic_gather %masked_cumsum3A[%rev3A_115] in [0] : vector<16xi32>, vector<16xi32> -> vector<16xi32>
    %ge3A = arith.constant 256 : i32
    %ge3A_117 = vector.broadcast %ge3A : i32 to vector<16xi32>
    %ge3A_118 = arith.cmpi sge, %rev3A_116, %ge3A_117 : vector<16xi32>
    %jit3A = arith.constant -1 : i32
    %broadcast_in_dim3A_119 = vector.broadcast %jit3A : i32 to vector<16xi32>
    %select_n3A = arith.select %ge3A_118, %iota3A, %broadcast_in_dim3A_119 : vector<16xi1>, vector<16xi32>
    %reduce_max3A = arith.constant true
    %reduce_max3A_120 = vector.broadcast %reduce_max3A : i1 to vector<16xi1>
    %reduce_max3A_121 = arith.constant -2147483648 : i32
    %reduce_max3A_122 = vector.broadcast %reduce_max3A_121 : i32 to vector<16xi32>
    %reduce_max3A_123 = arith.xori %select_n3A, %reduce_max3A_122 : vector<16xi32>
    %reduce_max3A_124 = tpu.scan <max>, %reduce_max3A_123 masked %reduce_max3A_120 : vector<16xi32>, vector<16xi1> -> vector<16xi32>
    %reduce_max3A_125 = arith.xori %reduce_max3A_124, %reduce_max3A_122 : vector<16xi32>
    %reduce_max3A_126 = vector.extract %reduce_max3A_125[15] : i32 from vector<16xi32>
    %sub3A = arith.subi %rev3A_116, %add3A_105 : vector<16xi32>
    %sub3A_127 = arith.constant 256 : i32
    %sub3A_128 = vector.broadcast %sub3A_127 : i32 to vector<16xi32>
    %sub3A_129 = arith.subi %sub3A_128, %sub3A : vector<16xi32>
    %jit3A_130 = arith.constant -2147483648 : i32
    %broadcast_in_dim3A_131 = vector.broadcast %jit3A_130 : i32 to vector<16xi32>
    %select_n3A_132 = arith.select %ge3A_118, %sub3A_129, %broadcast_in_dim3A_131 : vector<16xi1>, vector<16xi32>
    %reduce_max3A_133 = arith.constant true
    %reduce_max3A_134 = vector.broadcast %reduce_max3A_133 : i1 to vector<16xi1>
    %reduce_max3A_135 = arith.constant -2147483648 : i32
    %reduce_max3A_136 = vector.broadcast %reduce_max3A_135 : i32 to vector<16xi32>
    %reduce_max3A_137 = arith.xori %select_n3A_132, %reduce_max3A_136 : vector<16xi32>
    %reduce_max3A_138 = tpu.scan <max>, %reduce_max3A_137 masked %reduce_max3A_134 : vector<16xi32>, vector<16xi1> -> vector<16xi32>
    %reduce_max3A_139 = arith.xori %reduce_max3A_138, %reduce_max3A_136 : vector<16xi32>
    %reduce_max3A_140 = vector.extract %reduce_max3A_139[15] : i32 from vector<16xi32>
    %shift_left3A = arith.constant 28 : i32
    %shift_left3A_141 = arith.shli %reduce_max3A_126, %shift_left3A : i32
    %swap3A_142 = arith.constant 0 : index
    %swap3A_143 = tpu.vector_load %arg7[%swap3A_142] {strides = array<i32>} : memref<256xi32, #tpu.memory_space<vmem>>, vector<16xi32>,
    tpu.vector_store %arg7[%swap3A_142], %broadcast_in_dim3A_26 {strides = array<i32>} : memref<256xi32, #tpu.memory_space<vmem>>, vector<16xi32>,
    %swap3A_144 = arith.constant 16 : index
    %swap3A_145 = tpu.vector_load %arg7[%swap3A_144] {strides = array<i32>} : memref<256xi32, #tpu.memory_space<vmem>>, vector<16xi32>,
    tpu.vector_store %arg7[%swap3A_144], %broadcast_in_dim3A_26 {strides = array<i32>} : memref<256xi32, #tpu.memory_space<vmem>>, vector<16xi32>,
    %swap3A_146 = arith.constant 32 : index
    %swap3A_147 = tpu.vector_load %arg7[%swap3A_146] {strides = array<i32>} : memref<256xi32, #tpu.memory_space<vmem>>, vector<16xi32>,
    tpu.vector_store %arg7[%swap3A_146], %broadcast_in_dim3A_26 {strides = array<i32>} : memref<256xi32, #tpu.memory_space<vmem>>, vector<16xi32>,
    %swap3A_148 = arith.constant 48 : index
    %swap3A_149 = tpu.vector_load %arg7[%swap3A_148] {strides = array<i32>} : memref<256xi32, #tpu.memory_space<vmem>>, vector<16xi32>,
    tpu.vector_store %arg7[%swap3A_148], %broadcast_in_dim3A_26 {strides = array<i32>} : memref<256xi32, #tpu.memory_space<vmem>>, vector<16xi32>,
    %swap3A_150 = arith.constant 64 : index
    %swap3A_151 = tpu.vector_load %arg7[%swap3A_150] {strides = array<i32>} : memref<256xi32, #tpu.memory_space<vmem>>, vector<16xi32>,
    tpu.vector_store %arg7[%swap3A_150], %broadcast_in_dim3A_26 {strides = array<i32>} : memref<256xi32, #tpu.memory_space<vmem>>, vector<16xi32>,
    %swap3A_152 = arith.constant 80 : index
    %swap3A_153 = tpu.vector_load %arg7[%swap3A_152] {strides = array<i32>} : memref<256xi32, #tpu.memory_space<vmem>>, vector<16xi32>,
    tpu.vector_store %arg7[%swap3A_152], %broadcast_in_dim3A_26 {strides = array<i32>} : memref<256xi32, #tpu.memory_space<vmem>>, vector<16xi32>,
    %swap3A_154 = arith.constant 96 : index
    %swap3A_155 = tpu.vector_load %arg7[%swap3A_154] {strides = array<i32>} : memref<256xi32, #tpu.memory_space<vmem>>, vector<16xi32>,
    tpu.vector_store %arg7[%swap3A_154], %broadcast_in_dim3A_26 {strides = array<i32>} : memref<256xi32, #tpu.memory_space<vmem>>, vector<16xi32>,
    %swap3A_156 = arith.constant 112 : index
    %swap3A_157 = tpu.vector_load %arg7[%swap3A_156] {strides = array<i32>} : memref<256xi32, #tpu.memory_space<vmem>>, vector<16xi32>,
    tpu.vector_store %arg7[%swap3A_156], %broadcast_in_dim3A_26 {strides = array<i32>} : memref<256xi32, #tpu.memory_space<vmem>>, vector<16xi32>,
    %swap3A_158 = arith.constant 128 : index
    %swap3A_159 = tpu.vector_load %arg7[%swap3A_158] {strides = array<i32>} : memref<256xi32, #tpu.memory_space<vmem>>, vector<16xi32>,
    tpu.vector_store %arg7[%swap3A_158], %broadcast_in_dim3A_26 {strides = array<i32>} : memref<256xi32, #tpu.memory_space<vmem>>, vector<16xi32>,
    %swap3A_160 = arith.constant 144 : index
    %swap3A_161 = tpu.vector_load %arg7[%swap3A_160] {strides = array<i32>} : memref<256xi32, #tpu.memory_space<vmem>>, vector<16xi32>,
    tpu.vector_store %arg7[%swap3A_160], %broadcast_in_dim3A_26 {strides = array<i32>} : memref<256xi32, #tpu.memory_space<vmem>>, vector<16xi32>,
    %swap3A_162 = arith.constant 160 : index
    %swap3A_163 = tpu.vector_load %arg7[%swap3A_162] {strides = array<i32>} : memref<256xi32, #tpu.memory_space<vmem>>, vector<16xi32>,
    tpu.vector_store %arg7[%swap3A_162], %broadcast_in_dim3A_26 {strides = array<i32>} : memref<256xi32, #tpu.memory_space<vmem>>, vector<16xi32>,
    %swap3A_164 = arith.constant 176 : index
    %swap3A_165 = tpu.vector_load %arg7[%swap3A_164] {strides = array<i32>} : memref<256xi32, #tpu.memory_space<vmem>>, vector<16xi32>,
    tpu.vector_store %arg7[%swap3A_164], %broadcast_in_dim3A_26 {strides = array<i32>} : memref<256xi32, #tpu.memory_space<vmem>>, vector<16xi32>,
    %swap3A_166 = arith.constant 192 : index
    %swap3A_167 = tpu.vector_load %arg7[%swap3A_166] {strides = array<i32>} : memref<256xi32, #tpu.memory_space<vmem>>, vector<16xi32>,
    tpu.vector_store %arg7[%swap3A_166], %broadcast_in_dim3A_26 {strides = array<i32>} : memref<256xi32, #tpu.memory_space<vmem>>, vector<16xi32>,
    %swap3A_168 = arith.constant 208 : index
    %swap3A_169 = tpu.vector_load %arg7[%swap3A_168] {strides = array<i32>} : memref<256xi32, #tpu.memory_space<vmem>>, vector<16xi32>,
    tpu.vector_store %arg7[%swap3A_168], %broadcast_in_dim3A_26 {strides = array<i32>} : memref<256xi32, #tpu.memory_space<vmem>>, vector<16xi32>,
    %swap3A_170 = arith.constant 224 : index
    %swap3A_171 = tpu.vector_load %arg7[%swap3A_170] {strides = array<i32>} : memref<256xi32, #tpu.memory_space<vmem>>, vector<16xi32>,
    tpu.vector_store %arg7[%swap3A_170], %broadcast_in_dim3A_26 {strides = array<i32>} : memref<256xi32, #tpu.memory_space<vmem>>, vector<16xi32>,
    %swap3A_172 = arith.constant 240 : index
    %swap3A_173 = tpu.vector_load %arg7[%swap3A_172] {strides = array<i32>} : memref<256xi32, #tpu.memory_space<vmem>>, vector<16xi32>,
    tpu.vector_store %arg7[%swap3A_172], %broadcast_in_dim3A_26 {strides = array<i32>} : memref<256xi32, #tpu.memory_space<vmem>>, vector<16xi32>,
    %mul3A_174 = arith.constant 0 : i32
    %mul3A_175 = arith.muli %reduce_max3A_126, %mul3A_174 : i32
    %parallel_loop3A_176 = arith.constant 0 : i32
    %parallel_loop3A_177 = arith.constant 2048 : i32
    %parallel_loop3A_178 = arith.constant 1 : i32
    %parallel_loop3A_179 = scf.for %parallel_loop3A_2527 = %parallel_loop3A_176 to %parallel_loop3A_177 step %parallel_loop3A_178 iter_args(%parallel_loop3A_2528 = %mul3A_175) -> (i32)  : i32 {
      %parallel_loop3A_2529 = arith.constant 16 : i32
      %parallel_loop3A_2530 = arith.muli %parallel_loop3A_2527, %parallel_loop3A_2529 : i32
      %parallel_loop3A_2531 = arith.index_cast %parallel_loop3A_2530 : i32 to index
      %parallel_loop3A_2532 = tpu.vector_load %arg4[%parallel_loop3A_2531] {strides = array<i32>} : memref<32768xf32, #tpu.memory_space<vmem>>, vector<16xf32>,
      %parallel_loop3A_2533 = tpu.bitcast %parallel_loop3A_2532 : vector<16xf32> -> vector<16xi32>
      %parallel_loop3A_2534 = arith.constant -2147483648 : i32
      %parallel_loop3A_2535 = vector.broadcast %parallel_loop3A_2534 : i32 to vector<16xi32>
      %parallel_loop3A_2536 = arith.cmpi uge, %parallel_loop3A_2533, %parallel_loop3A_2535 : vector<16xi32>
      %parallel_loop3A_2537 = arith.constant -1 : i32
      %parallel_loop3A_2538 = arith.constant -2147483648 : i32
      %parallel_loop3A_2539 = vector.broadcast %parallel_loop3A_2537 : i32 to vector<16xi32>
      %parallel_loop3A_2540 = vector.broadcast %parallel_loop3A_2538 : i32 to vector<16xi32>
      %parallel_loop3A_2541 = arith.select %parallel_loop3A_2536, %parallel_loop3A_2539, %parallel_loop3A_2540 : vector<16xi1>, vector<16xi32>
      %parallel_loop3A_2542 = arith.xori %parallel_loop3A_2533, %parallel_loop3A_2541 : vector<16xi32>
      %parallel_loop3A_2543 = arith.constant 28 : i32
      %parallel_loop3A_2544 = vector.broadcast %parallel_loop3A_2543 : i32 to vector<16xi32>
      %parallel_loop3A_2545 = arith.shrui %parallel_loop3A_2542, %parallel_loop3A_2544 : vector<16xi32>
      %parallel_loop3A_2546 = vector.broadcast %reduce_max3A_126 : i32 to vector<16xi32>
      %parallel_loop3A_2547 = arith.cmpi eq, %parallel_loop3A_2545, %parallel_loop3A_2546 : vector<16xi32>
      %parallel_loop3A_2548 = arith.index_cast %parallel_loop3A_2528 : i32 to index
      %parallel_loop3A_2549 = tpu.vector_load %arg6[%parallel_loop3A_2548] masked %parallel_loop3A_2547 {strides = array<i32>} : memref<32768xi32, #tpu.memory_space<vmem>>, vector<16xi32>, vector<16xi1>
      tpu.vector_store %arg6[%parallel_loop3A_2548], %parallel_loop3A_2542 masked %parallel_loop3A_2547 {strides = array<i32>} : memref<32768xi32, #tpu.memory_space<vmem>>, vector<16xi32>, vector<16xi1>
      %parallel_loop3A_2550 = arith.constant 24 : i32
      %parallel_loop3A_2551 = vector.broadcast %parallel_loop3A_2550 : i32 to vector<16xi32>
      %parallel_loop3A_2552 = arith.shrui %parallel_loop3A_2542, %parallel_loop3A_2551 : vector<16xi32>
      %parallel_loop3A_2553 = arith.constant 15 : i32
      %parallel_loop3A_2554 = vector.broadcast %parallel_loop3A_2553 : i32 to vector<16xi32>
      %parallel_loop3A_2555 = arith.andi %parallel_loop3A_2552, %parallel_loop3A_2554 : vector<16xi32>
      %parallel_loop3A_2556 = tpu.bitcast %parallel_loop3A_2555 : vector<16xi32> -> vector<16xi32>
      %parallel_loop3A_2557 = arith.addi %mul3A_23, %parallel_loop3A_2556 : vector<16xi32>
      tpu.vector_store_idx %arg7[%parallel_loop3A_2557], %broadcast_in_dim3A_24 masked %parallel_loop3A_2547 {add = true} : memref<256xi32, #tpu.memory_space<vmem>>[vector<16xi32>], vector<16xi32>, vector<16xi1>
      %parallel_loop3A_2558 = tpu.all_reduce %parallel_loop3A_2547 {dim = 0 : i64, kind = #tpu.reduction_kind<sum>} : vector<16xi1> -> vector<16xi32>
      %parallel_loop3A_2559 = vector.extract_strided_slice %parallel_loop3A_2558 {offsets = [0], sizes = [1], strides = [1]} : vector<16xi32> to vector<1xi32>
      %parallel_loop3A_2560 = vector.extract %parallel_loop3A_2559[0] : i32 from vector<1xi32>
      %parallel_loop3A_2561 = arith.addi %parallel_loop3A_2528, %parallel_loop3A_2560 : i32
      scf.yield %parallel_loop3A_2561 : i32
    } {sc.loop_unroll_factor = 8 : i64, sc.parallel_access}
    %get3A_180 = arith.constant 0 : index
    %get3A_181 = tpu.vector_load %arg7[%get3A_180] {strides = array<i32>} : memref<256xi32, #tpu.memory_space<vmem>>, vector<16xi32>,
    %get3A_182 = arith.constant 16 : index
    %get3A_183 = tpu.vector_load %arg7[%get3A_182] {strides = array<i32>} : memref<256xi32, #tpu.memory_space<vmem>>, vector<16xi32>,
    %get3A_184 = arith.constant 32 : index
    %get3A_185 = tpu.vector_load %arg7[%get3A_184] {strides = array<i32>} : memref<256xi32, #tpu.memory_space<vmem>>, vector<16xi32>,
    %get3A_186 = arith.constant 48 : index
    %get3A_187 = tpu.vector_load %arg7[%get3A_186] {strides = array<i32>} : memref<256xi32, #tpu.memory_space<vmem>>, vector<16xi32>,
    %get3A_188 = arith.constant 64 : index
    %get3A_189 = tpu.vector_load %arg7[%get3A_188] {strides = array<i32>} : memref<256xi32, #tpu.memory_space<vmem>>, vector<16xi32>,
    %get3A_190 = arith.constant 80 : index
    %get3A_191 = tpu.vector_load %arg7[%get3A_190] {strides = array<i32>} : memref<256xi32, #tpu.memory_space<vmem>>, vector<16xi32>,
    %get3A_192 = arith.constant 96 : index
    %get3A_193 = tpu.vector_load %arg7[%get3A_192] {strides = array<i32>} : memref<256xi32, #tpu.memory_space<vmem>>, vector<16xi32>,
    %get3A_194 = arith.constant 112 : index
    %get3A_195 = tpu.vector_load %arg7[%get3A_194] {strides = array<i32>} : memref<256xi32, #tpu.memory_space<vmem>>, vector<16xi32>,
    %get3A_196 = arith.constant 128 : index
    %get3A_197 = tpu.vector_load %arg7[%get3A_196] {strides = array<i32>} : memref<256xi32, #tpu.memory_space<vmem>>, vector<16xi32>,
    %get3A_198 = arith.constant 144 : index
    %get3A_199 = tpu.vector_load %arg7[%get3A_198] {strides = array<i32>} : memref<256xi32, #tpu.memory_space<vmem>>, vector<16xi32>,
    %get3A_200 = arith.constant 160 : index
    %get3A_201 = tpu.vector_load %arg7[%get3A_200] {strides = array<i32>} : memref<256xi32, #tpu.memory_space<vmem>>, vector<16xi32>,
    %get3A_202 = arith.constant 176 : index
    %get3A_203 = tpu.vector_load %arg7[%get3A_202] {strides = array<i32>} : memref<256xi32, #tpu.memory_space<vmem>>, vector<16xi32>,
    %get3A_204 = arith.constant 192 : index
    %get3A_205 = tpu.vector_load %arg7[%get3A_204] {strides = array<i32>} : memref<256xi32, #tpu.memory_space<vmem>>, vector<16xi32>,
    %get3A_206 = arith.constant 208 : index
    %get3A_207 = tpu.vector_load %arg7[%get3A_206] {strides = array<i32>} : memref<256xi32, #tpu.memory_space<vmem>>, vector<16xi32>,
    %get3A_208 = arith.constant 224 : index
    %get3A_209 = tpu.vector_load %arg7[%get3A_208] {strides = array<i32>} : memref<256xi32, #tpu.memory_space<vmem>>, vector<16xi32>,
    %get3A_210 = arith.constant 240 : index
    %get3A_211 = tpu.vector_load %arg7[%get3A_210] {strides = array<i32>} : memref<256xi32, #tpu.memory_space<vmem>>, vector<16xi32>,
    %add3A_212 = arith.addi %get3A_181, %get3A_183 : vector<16xi32>
    %add3A_213 = arith.addi %get3A_185, %get3A_187 : vector<16xi32>
    %add3A_214 = arith.addi %get3A_189, %get3A_191 : vector<16xi32>
    %add3A_215 = arith.addi %get3A_193, %get3A_195 : vector<16xi32>
    %add3A_216 = arith.addi %get3A_197, %get3A_199 : vector<16xi32>
    %add3A_217 = arith.addi %get3A_201, %get3A_203 : vector<16xi32>
    %add3A_218 = arith.addi %get3A_205, %get3A_207 : vector<16xi32>
    %add3A_219 = arith.addi %get3A_209, %get3A_211 : vector<16xi32>
    %add3A_220 = arith.addi %add3A_212, %add3A_213 : vector<16xi32>
    %add3A_221 = arith.addi %add3A_214, %add3A_215 : vector<16xi32>
    %add3A_222 = arith.addi %add3A_216, %add3A_217 : vector<16xi32>
    %add3A_223 = arith.addi %add3A_218, %add3A_219 : vector<16xi32>
    %add3A_224 = arith.addi %add3A_220, %add3A_221 : vector<16xi32>
    %add3A_225 = arith.addi %add3A_222, %add3A_223 : vector<16xi32>
    %add3A_226 = arith.addi %add3A_224, %add3A_225 : vector<16xi32>
    %rev3A_227 = arith.constant 15 : i32
    %rev3A_228 = vector.broadcast %rev3A_227 : i32 to vector<16xi32>
    %rev3A_229 = tpu.iota {dimensions = array<i32: 0>} : vector<16xi32>
    %rev3A_230 = arith.subi %rev3A_228, %rev3A_229 : vector<16xi32>
    %rev3A_231 = tpu.dynamic_gather %add3A_226[%rev3A_230] in [0] : vector<16xi32>, vector<16xi32> -> vector<16xi32>
    %broadcast_in_dim3A_232 = arith.constant true
    %broadcast_in_dim3A_233 = vector.broadcast %broadcast_in_dim3A_232 : i1 to vector<16xi1>
    %masked_cumsum3A_234 = tpu.scan <sum>, %rev3A_231 masked %broadcast_in_dim3A_233 : vector<16xi32>, vector<16xi1> -> vector<16xi32>
    %rev3A_235 = arith.constant 15 : i32
    %rev3A_236 = vector.broadcast %rev3A_235 : i32 to vector<16xi32>
    %rev3A_237 = tpu.iota {dimensions = array<i32: 0>} : vector<16xi32>
    %rev3A_238 = arith.subi %rev3A_236, %rev3A_237 : vector<16xi32>
    %rev3A_239 = tpu.dynamic_gather %masked_cumsum3A_234[%rev3A_238] in [0] : vector<16xi32>, vector<16xi32> -> vector<16xi32>
    %ge3A_240 = vector.broadcast %reduce_max3A_140 : i32 to vector<16xi32>
    %ge3A_241 = arith.cmpi sge, %rev3A_239, %ge3A_240 : vector<16xi32>
    %jit3A_242 = arith.constant -1 : i32
    %broadcast_in_dim3A_243 = vector.broadcast %jit3A_242 : i32 to vector<16xi32>
    %select_n3A_244 = arith.select %ge3A_241, %iota3A, %broadcast_in_dim3A_243 : vector<16xi1>, vector<16xi32>
    %reduce_max3A_245 = arith.constant true
    %reduce_max3A_246 = vector.broadcast %reduce_max3A_245 : i1 to vector<16xi1>
    %reduce_max3A_247 = arith.constant -2147483648 : i32
    %reduce_max3A_248 = vector.broadcast %reduce_max3A_247 : i32 to vector<16xi32>
    %reduce_max3A_249 = arith.xori %select_n3A_244, %reduce_max3A_248 : vector<16xi32>
    %reduce_max3A_250 = tpu.scan <max>, %reduce_max3A_249 masked %reduce_max3A_246 : vector<16xi32>, vector<16xi1> -> vector<16xi32>
    %reduce_max3A_251 = arith.xori %reduce_max3A_250, %reduce_max3A_248 : vector<16xi32>
    %reduce_max3A_252 = vector.extract %reduce_max3A_251[15] : i32 from vector<16xi32>
    %sub3A_253 = arith.subi %rev3A_239, %add3A_226 : vector<16xi32>
    %sub3A_254 = vector.broadcast %reduce_max3A_140 : i32 to vector<16xi32>
    %sub3A_255 = arith.subi %sub3A_254, %sub3A_253 : vector<16xi32>
    %jit3A_256 = arith.constant -2147483648 : i32
    %broadcast_in_dim3A_257 = vector.broadcast %jit3A_256 : i32 to vector<16xi32>
    %select_n3A_258 = arith.select %ge3A_241, %sub3A_255, %broadcast_in_dim3A_257 : vector<16xi1>, vector<16xi32>
    %reduce_max3A_259 = arith.constant true
    %reduce_max3A_260 = vector.broadcast %reduce_max3A_259 : i1 to vector<16xi1>
    %reduce_max3A_261 = arith.constant -2147483648 : i32
    %reduce_max3A_262 = vector.broadcast %reduce_max3A_261 : i32 to vector<16xi32>
    %reduce_max3A_263 = arith.xori %select_n3A_258, %reduce_max3A_262 : vector<16xi32>
    %reduce_max3A_264 = tpu.scan <max>, %reduce_max3A_263 masked %reduce_max3A_260 : vector<16xi32>, vector<16xi1> -> vector<16xi32>
    %reduce_max3A_265 = arith.xori %reduce_max3A_264, %reduce_max3A_262 : vector<16xi32>
    %reduce_max3A_266 = vector.extract %reduce_max3A_265[15] : i32 from vector<16xi32>
    %shift_left3A_267 = arith.constant 24 : i32
    %shift_left3A_268 = arith.shli %reduce_max3A_252, %shift_left3A_267 : i32
    %or3A = arith.ori %shift_left3A_141, %shift_left3A_268 : i32
    %swap3A_269 = arith.constant 0 : index
    %swap3A_270 = tpu.vector_load %arg7[%swap3A_269] {strides = array<i32>} : memref<256xi32, #tpu.memory_space<vmem>>, vector<16xi32>,
    tpu.vector_store %arg7[%swap3A_269], %broadcast_in_dim3A_26 {strides = array<i32>} : memref<256xi32, #tpu.memory_space<vmem>>, vector<16xi32>,
    %swap3A_271 = arith.constant 16 : index
    %swap3A_272 = tpu.vector_load %arg7[%swap3A_271] {strides = array<i32>} : memref<256xi32, #tpu.memory_space<vmem>>, vector<16xi32>,
    tpu.vector_store %arg7[%swap3A_271], %broadcast_in_dim3A_26 {strides = array<i32>} : memref<256xi32, #tpu.memory_space<vmem>>, vector<16xi32>,
    %swap3A_273 = arith.constant 32 : index
    %swap3A_274 = tpu.vector_load %arg7[%swap3A_273] {strides = array<i32>} : memref<256xi32, #tpu.memory_space<vmem>>, vector<16xi32>,
    tpu.vector_store %arg7[%swap3A_273], %broadcast_in_dim3A_26 {strides = array<i32>} : memref<256xi32, #tpu.memory_space<vmem>>, vector<16xi32>,
    %swap3A_275 = arith.constant 48 : index
    %swap3A_276 = tpu.vector_load %arg7[%swap3A_275] {strides = array<i32>} : memref<256xi32, #tpu.memory_space<vmem>>, vector<16xi32>,
    tpu.vector_store %arg7[%swap3A_275], %broadcast_in_dim3A_26 {strides = array<i32>} : memref<256xi32, #tpu.memory_space<vmem>>, vector<16xi32>,
    %swap3A_277 = arith.constant 64 : index
    %swap3A_278 = tpu.vector_load %arg7[%swap3A_277] {strides = array<i32>} : memref<256xi32, #tpu.memory_space<vmem>>, vector<16xi32>,
    tpu.vector_store %arg7[%swap3A_277], %broadcast_in_dim3A_26 {strides = array<i32>} : memref<256xi32, #tpu.memory_space<vmem>>, vector<16xi32>,
    %swap3A_279 = arith.constant 80 : index
    %swap3A_280 = tpu.vector_load %arg7[%swap3A_279] {strides = array<i32>} : memref<256xi32, #tpu.memory_space<vmem>>, vector<16xi32>,
    tpu.vector_store %arg7[%swap3A_279], %broadcast_in_dim3A_26 {strides = array<i32>} : memref<256xi32, #tpu.memory_space<vmem>>, vector<16xi32>,
    %swap3A_281 = arith.constant 96 : index
    %swap3A_282 = tpu.vector_load %arg7[%swap3A_281] {strides = array<i32>} : memref<256xi32, #tpu.memory_space<vmem>>, vector<16xi32>,
    tpu.vector_store %arg7[%swap3A_281], %broadcast_in_dim3A_26 {strides = array<i32>} : memref<256xi32, #tpu.memory_space<vmem>>, vector<16xi32>,
    %swap3A_283 = arith.constant 112 : index
    %swap3A_284 = tpu.vector_load %arg7[%swap3A_283] {strides = array<i32>} : memref<256xi32, #tpu.memory_space<vmem>>, vector<16xi32>,
    tpu.vector_store %arg7[%swap3A_283], %broadcast_in_dim3A_26 {strides = array<i32>} : memref<256xi32, #tpu.memory_space<vmem>>, vector<16xi32>,
    %swap3A_285 = arith.constant 128 : index
    %swap3A_286 = tpu.vector_load %arg7[%swap3A_285] {strides = array<i32>} : memref<256xi32, #tpu.memory_space<vmem>>, vector<16xi32>,
    tpu.vector_store %arg7[%swap3A_285], %broadcast_in_dim3A_26 {strides = array<i32>} : memref<256xi32, #tpu.memory_space<vmem>>, vector<16xi32>,
    %swap3A_287 = arith.constant 144 : index
    %swap3A_288 = tpu.vector_load %arg7[%swap3A_287] {strides = array<i32>} : memref<256xi32, #tpu.memory_space<vmem>>, vector<16xi32>,
    tpu.vector_store %arg7[%swap3A_287], %broadcast_in_dim3A_26 {strides = array<i32>} : memref<256xi32, #tpu.memory_space<vmem>>, vector<16xi32>,
    %swap3A_289 = arith.constant 160 : index
    %swap3A_290 = tpu.vector_load %arg7[%swap3A_289] {strides = array<i32>} : memref<256xi32, #tpu.memory_space<vmem>>, vector<16xi32>,
    tpu.vector_store %arg7[%swap3A_289], %broadcast_in_dim3A_26 {strides = array<i32>} : memref<256xi32, #tpu.memory_space<vmem>>, vector<16xi32>,
    %swap3A_291 = arith.constant 176 : index
    %swap3A_292 = tpu.vector_load %arg7[%swap3A_291] {strides = array<i32>} : memref<256xi32, #tpu.memory_space<vmem>>, vector<16xi32>,
    tpu.vector_store %arg7[%swap3A_291], %broadcast_in_dim3A_26 {strides = array<i32>} : memref<256xi32, #tpu.memory_space<vmem>>, vector<16xi32>,
    %swap3A_293 = arith.constant 192 : index
    %swap3A_294 = tpu.vector_load %arg7[%swap3A_293] {strides = array<i32>} : memref<256xi32, #tpu.memory_space<vmem>>, vector<16xi32>,
    tpu.vector_store %arg7[%swap3A_293], %broadcast_in_dim3A_26 {strides = array<i32>} : memref<256xi32, #tpu.memory_space<vmem>>, vector<16xi32>,
    %swap3A_295 = arith.constant 208 : index
    %swap3A_296 = tpu.vector_load %arg7[%swap3A_295] {strides = array<i32>} : memref<256xi32, #tpu.memory_space<vmem>>, vector<16xi32>,
    tpu.vector_store %arg7[%swap3A_295], %broadcast_in_dim3A_26 {strides = array<i32>} : memref<256xi32, #tpu.memory_space<vmem>>, vector<16xi32>,
    %swap3A_297 = arith.constant 224 : index
    %swap3A_298 = tpu.vector_load %arg7[%swap3A_297] {strides = array<i32>} : memref<256xi32, #tpu.memory_space<vmem>>, vector<16xi32>,
    tpu.vector_store %arg7[%swap3A_297], %broadcast_in_dim3A_26 {strides = array<i32>} : memref<256xi32, #tpu.memory_space<vmem>>, vector<16xi32>,
    %swap3A_299 = arith.constant 240 : index
    %swap3A_300 = tpu.vector_load %arg7[%swap3A_299] {strides = array<i32>} : memref<256xi32, #tpu.memory_space<vmem>>, vector<16xi32>,
    tpu.vector_store %arg7[%swap3A_299], %broadcast_in_dim3A_26 {strides = array<i32>} : memref<256xi32, #tpu.memory_space<vmem>>, vector<16xi32>,
    %add3A_301 = arith.constant 15 : i32
    %add3A_302 = arith.addi %parallel_loop3A_179, %add3A_301 : i32
    %jit3A_303 = arith.constant 16 : i32
    %div3A = arith.divsi %add3A_302, %jit3A_303 : i32
    %sign3A = arith.constant 0 : i32
    %sign3A_304 = arith.cmpi sgt, %add3A_302, %sign3A : i32
    %sign3A_305 = arith.extui %sign3A_304 : i1 to i32
    %sign3A_306 = arith.constant 0 : i32
    %sign3A_307 = arith.cmpi slt, %add3A_302, %sign3A_306 : i32
    %sign3A_308 = arith.extui %sign3A_307 : i1 to i32
    %sign3A_309 = arith.subi %sign3A_305, %sign3A_308 : i32
    %sign3A_310 = arith.constant 0 : i32
    %sign3A_311 = arith.cmpi sgt, %jit3A_303, %sign3A_310 : i32
    %sign3A_312 = arith.extui %sign3A_311 : i1 to i32
    %sign3A_313 = arith.constant 0 : i32
    %sign3A_314 = arith.cmpi slt, %jit3A_303, %sign3A_313 : i32
    %sign3A_315 = arith.extui %sign3A_314 : i1 to i32
    %sign3A_316 = arith.subi %sign3A_312, %sign3A_315 : i32
    %ne3A = arith.cmpi ne, %sign3A_309, %sign3A_316 : i32
    %rem3A = arith.remsi %add3A_302, %jit3A_303 : i32
    %ne3A_317 = arith.constant 0 : i32
    %ne3A_318 = arith.cmpi ne, %rem3A, %ne3A_317 : i32
    %and3A = arith.andi %ne3A, %ne3A_318 : i1
    %sub3A_319 = arith.constant 1 : i32
    %sub3A_320 = arith.subi %div3A, %sub3A_319 : i32
    %select_n3A_321 = arith.select %and3A, %sub3A_320, %div3A : i32
    %while3A = arith.constant 0 : i32
    %while3A_322 = arith.constant 0 : i32
    %while3A_323 = arith.subi %select_n3A_321, %while3A : i32
    %while3A_324 = arith.addi %while3A, %while3A_323 : i32
    %while3A_325 = arith.constant 1 : i32
    %while3A_326 = arith.divsi %while3A_323, %while3A_325 : i32
    %while3A_327 = arith.muli %while3A_326, %while3A_325 : i32
    %while3A_328 = arith.addi %while3A, %while3A_327 : i32
    %while3A_329 = arith.constant 1 : i32
    %while3A_330 = scf.for %while3A_2527 = %while3A to %while3A_328 step %while3A_329 iter_args(%while3A_2528 = %while3A_322) -> (i32)  : i32 {
      %mul3A_2529 = arith.constant 16 : i32
      %mul3A_2530 = arith.muli %while3A_2527, %mul3A_2529 : i32
      %get3A_2531 = arith.index_cast %mul3A_2530 : i32 to index
      %get3A_2532 = tpu.vector_load %arg6[%get3A_2531] {strides = array<i32>} : memref<32768xi32, #tpu.memory_space<vmem>>, vector<16xi32>,
      %shift_right_logical3A = arith.constant 24 : i32
      %shift_right_logical3A_2533 = vector.broadcast %shift_right_logical3A : i32 to vector<16xi32>
      %shift_right_logical3A_2534 = arith.shrui %get3A_2532, %shift_right_logical3A_2533 : vector<16xi32>
      %and3A_2535 = arith.constant 15 : i32
      %and3A_2536 = vector.broadcast %and3A_2535 : i32 to vector<16xi32>
      %and3A_2537 = arith.andi %shift_right_logical3A_2534, %and3A_2536 : vector<16xi32>
      %eq3A_2538 = vector.broadcast %reduce_max3A_252 : i32 to vector<16xi32>
      %eq3A_2539 = arith.cmpi eq, %and3A_2537, %eq3A_2538 : vector<16xi32>
      %mul3A_2540 = arith.constant 16 : i32
      %mul3A_2541 = arith.muli %while3A_2527, %mul3A_2540 : i32
      %add3A_2542 = vector.broadcast %mul3A_2541 : i32 to vector<16xi32>
      %add3A_2543 = arith.addi %add3A_2542, %iota3A : vector<16xi32>
      %lt3A = vector.broadcast %parallel_loop3A_179 : i32 to vector<16xi32>
      %lt3A_2544 = arith.cmpi slt, %add3A_2543, %lt3A : vector<16xi32>
      %and3A_2545 = arith.andi %eq3A_2539, %lt3A_2544 : vector<16xi1>
      %swap3A_2546 = arith.index_cast %while3A_2528 : i32 to index
      %swap3A_2547 = tpu.vector_load %arg6[%swap3A_2546] masked %and3A_2545 {strides = array<i32>} : memref<32768xi32, #tpu.memory_space<vmem>>, vector<16xi32>, vector<16xi1>
      tpu.vector_store %arg6[%swap3A_2546], %get3A_2532 masked %and3A_2545 {strides = array<i32>} : memref<32768xi32, #tpu.memory_space<vmem>>, vector<16xi32>, vector<16xi1>
      %shift_right_logical3A_2548 = arith.constant 20 : i32
      %shift_right_logical3A_2549 = vector.broadcast %shift_right_logical3A_2548 : i32 to vector<16xi32>
      %shift_right_logical3A_2550 = arith.shrui %get3A_2532, %shift_right_logical3A_2549 : vector<16xi32>
      %and3A_2551 = arith.constant 15 : i32
      %and3A_2552 = vector.broadcast %and3A_2551 : i32 to vector<16xi32>
      %and3A_2553 = arith.andi %shift_right_logical3A_2550, %and3A_2552 : vector<16xi32>
      %bitcast_convert_type3A_2554 = tpu.bitcast %and3A_2553 : vector<16xi32> -> vector<16xi32>
      %add3A_2555 = arith.addi %mul3A_23, %bitcast_convert_type3A_2554 : vector<16xi32>
      tpu.vector_store_idx %arg7[%add3A_2555], %broadcast_in_dim3A_24 masked %and3A_2545 {add = true} : memref<256xi32, #tpu.memory_space<vmem>>[vector<16xi32>], vector<16xi32>, vector<16xi1>
      %all_reduce_population_count3A = tpu.all_reduce %and3A_2545 {dim = 0 : i64, kind = #tpu.reduction_kind<sum>} : vector<16xi1> -> vector<16xi32>
      %slice3A = vector.extract_strided_slice %all_reduce_population_count3A {offsets = [0], sizes = [1], strides = [1]} : vector<16xi32> to vector<1xi32>
      %squeeze3A = vector.extract %slice3A[0] : i32 from vector<1xi32>
      %add3A_2556 = arith.addi %while3A_2528, %squeeze3A : i32
      scf.yield %add3A_2556 : i32
    }
    %while3A_331 = arith.constant 1 : i32
    %while3A_332 = scf.for %while3A_2527 = %while3A_328 to %while3A_324 step %while3A_331 iter_args(%while3A_2528 = %while3A_330) -> (i32)  : i32 {
      %mul3A_2529 = arith.constant 16 : i32
      %mul3A_2530 = arith.muli %while3A_2527, %mul3A_2529 : i32
      %get3A_2531 = arith.index_cast %mul3A_2530 : i32 to index
      %get3A_2532 = tpu.vector_load %arg6[%get3A_2531] {strides = array<i32>} : memref<32768xi32, #tpu.memory_space<vmem>>, vector<16xi32>,
      %shift_right_logical3A = arith.constant 24 : i32
      %shift_right_logical3A_2533 = vector.broadcast %shift_right_logical3A : i32 to vector<16xi32>
      %shift_right_logical3A_2534 = arith.shrui %get3A_2532, %shift_right_logical3A_2533 : vector<16xi32>
      %and3A_2535 = arith.constant 15 : i32
      %and3A_2536 = vector.broadcast %and3A_2535 : i32 to vector<16xi32>
      %and3A_2537 = arith.andi %shift_right_logical3A_2534, %and3A_2536 : vector<16xi32>
      %eq3A_2538 = vector.broadcast %reduce_max3A_252 : i32 to vector<16xi32>
      %eq3A_2539 = arith.cmpi eq, %and3A_2537, %eq3A_2538 : vector<16xi32>
      %mul3A_2540 = arith.constant 16 : i32
      %mul3A_2541 = arith.muli %while3A_2527, %mul3A_2540 : i32
      %add3A_2542 = vector.broadcast %mul3A_2541 : i32 to vector<16xi32>
      %add3A_2543 = arith.addi %add3A_2542, %iota3A : vector<16xi32>
      %lt3A = vector.broadcast %parallel_loop3A_179 : i32 to vector<16xi32>
      %lt3A_2544 = arith.cmpi slt, %add3A_2543, %lt3A : vector<16xi32>
      %and3A_2545 = arith.andi %eq3A_2539, %lt3A_2544 : vector<16xi1>
      %swap3A_2546 = arith.index_cast %while3A_2528 : i32 to index
      %swap3A_2547 = tpu.vector_load %arg6[%swap3A_2546] masked %and3A_2545 {strides = array<i32>} : memref<32768xi32, #tpu.memory_space<vmem>>, vector<16xi32>, vector<16xi1>
      tpu.vector_store %arg6[%swap3A_2546], %get3A_2532 masked %and3A_2545 {strides = array<i32>} : memref<32768xi32, #tpu.memory_space<vmem>>, vector<16xi32>, vector<16xi1>
      %shift_right_logical3A_2548 = arith.constant 20 : i32
      %shift_right_logical3A_2549 = vector.broadcast %shift_right_logical3A_2548 : i32 to vector<16xi32>
      %shift_right_logical3A_2550 = arith.shrui %get3A_2532, %shift_right_logical3A_2549 : vector<16xi32>
      %and3A_2551 = arith.constant 15 : i32
      %and3A_2552 = vector.broadcast %and3A_2551 : i32 to vector<16xi32>
      %and3A_2553 = arith.andi %shift_right_logical3A_2550, %and3A_2552 : vector<16xi32>
      %bitcast_convert_type3A_2554 = tpu.bitcast %and3A_2553 : vector<16xi32> -> vector<16xi32>
      %add3A_2555 = arith.addi %mul3A_23, %bitcast_convert_type3A_2554 : vector<16xi32>
      tpu.vector_store_idx %arg7[%add3A_2555], %broadcast_in_dim3A_24 masked %and3A_2545 {add = true} : memref<256xi32, #tpu.memory_space<vmem>>[vector<16xi32>], vector<16xi32>, vector<16xi1>
      %all_reduce_population_count3A = tpu.all_reduce %and3A_2545 {dim = 0 : i64, kind = #tpu.reduction_kind<sum>} : vector<16xi1> -> vector<16xi32>
      %slice3A = vector.extract_strided_slice %all_reduce_population_count3A {offsets = [0], sizes = [1], strides = [1]} : vector<16xi32> to vector<1xi32>
      %squeeze3A = vector.extract %slice3A[0] : i32 from vector<1xi32>
      %add3A_2556 = arith.addi %while3A_2528, %squeeze3A : i32
      scf.yield %add3A_2556 : i32
    }
    %get3A_333 = arith.constant 0 : index
    %get3A_334 = tpu.vector_load %arg7[%get3A_333] {strides = array<i32>} : memref<256xi32, #tpu.memory_space<vmem>>, vector<16xi32>,
    %get3A_335 = arith.constant 16 : index
    %get3A_336 = tpu.vector_load %arg7[%get3A_335] {strides = array<i32>} : memref<256xi32, #tpu.memory_space<vmem>>, vector<16xi32>,
    %get3A_337 = arith.constant 32 : index
    %get3A_338 = tpu.vector_load %arg7[%get3A_337] {strides = array<i32>} : memref<256xi32, #tpu.memory_space<vmem>>, vector<16xi32>,
    %get3A_339 = arith.constant 48 : index
    %get3A_340 = tpu.vector_load %arg7[%get3A_339] {strides = array<i32>} : memref<256xi32, #tpu.memory_space<vmem>>, vector<16xi32>,
    %get3A_341 = arith.constant 64 : index
    %get3A_342 = tpu.vector_load %arg7[%get3A_341] {strides = array<i32>} : memref<256xi32, #tpu.memory_space<vmem>>, vector<16xi32>,
    %get3A_343 = arith.constant 80 : index
    %get3A_344 = tpu.vector_load %arg7[%get3A_343] {strides = array<i32>} : memref<256xi32, #tpu.memory_space<vmem>>, vector<16xi32>,
    %get3A_345 = arith.constant 96 : index
    %get3A_346 = tpu.vector_load %arg7[%get3A_345] {strides = array<i32>} : memref<256xi32, #tpu.memory_space<vmem>>, vector<16xi32>,
    %get3A_347 = arith.constant 112 : index
    %get3A_348 = tpu.vector_load %arg7[%get3A_347] {strides = array<i32>} : memref<256xi32, #tpu.memory_space<vmem>>, vector<16xi32>,
    %get3A_349 = arith.constant 128 : index
    %get3A_350 = tpu.vector_load %arg7[%get3A_349] {strides = array<i32>} : memref<256xi32, #tpu.memory_space<vmem>>, vector<16xi32>,
    %get3A_351 = arith.constant 144 : index
    %get3A_352 = tpu.vector_load %arg7[%get3A_351] {strides = array<i32>} : memref<256xi32, #tpu.memory_space<vmem>>, vector<16xi32>,
    %get3A_353 = arith.constant 160 : index
    %get3A_354 = tpu.vector_load %arg7[%get3A_353] {strides = array<i32>} : memref<256xi32, #tpu.memory_space<vmem>>, vector<16xi32>,
    %get3A_355 = arith.constant 176 : index
    %get3A_356 = tpu.vector_load %arg7[%get3A_355] {strides = array<i32>} : memref<256xi32, #tpu.memory_space<vmem>>, vector<16xi32>,
    %get3A_357 = arith.constant 192 : index
    %get3A_358 = tpu.vector_load %arg7[%get3A_357] {strides = array<i32>} : memref<256xi32, #tpu.memory_space<vmem>>, vector<16xi32>,
    %get3A_359 = arith.constant 208 : index
    %get3A_360 = tpu.vector_load %arg7[%get3A_359] {strides = array<i32>} : memref<256xi32, #tpu.memory_space<vmem>>, vector<16xi32>,
    %get3A_361 = arith.constant 224 : index
    %get3A_362 = tpu.vector_load %arg7[%get3A_361] {strides = array<i32>} : memref<256xi32, #tpu.memory_space<vmem>>, vector<16xi32>,
    %get3A_363 = arith.constant 240 : index
    %get3A_364 = tpu.vector_load %arg7[%get3A_363] {strides = array<i32>} : memref<256xi32, #tpu.memory_space<vmem>>, vector<16xi32>,
    %add3A_365 = arith.addi %get3A_334, %get3A_336 : vector<16xi32>
    %add3A_366 = arith.addi %get3A_338, %get3A_340 : vector<16xi32>
    %add3A_367 = arith.addi %get3A_342, %get3A_344 : vector<16xi32>
    %add3A_368 = arith.addi %get3A_346, %get3A_348 : vector<16xi32>
    %add3A_369 = arith.addi %get3A_350, %get3A_352 : vector<16xi32>
    %add3A_370 = arith.addi %get3A_354, %get3A_356 : vector<16xi32>
    %add3A_371 = arith.addi %get3A_358, %get3A_360 : vector<16xi32>
    %add3A_372 = arith.addi %get3A_362, %get3A_364 : vector<16xi32>
    %add3A_373 = arith.addi %add3A_365, %add3A_366 : vector<16xi32>
    %add3A_374 = arith.addi %add3A_367, %add3A_368 : vector<16xi32>
    %add3A_375 = arith.addi %add3A_369, %add3A_370 : vector<16xi32>
    %add3A_376 = arith.addi %add3A_371, %add3A_372 : vector<16xi32>
    %add3A_377 = arith.addi %add3A_373, %add3A_374 : vector<16xi32>
    %add3A_378 = arith.addi %add3A_375, %add3A_376 : vector<16xi32>
    %add3A_379 = arith.addi %add3A_377, %add3A_378 : vector<16xi32>
    %rev3A_380 = arith.constant 15 : i32
    %rev3A_381 = vector.broadcast %rev3A_380 : i32 to vector<16xi32>
    %rev3A_382 = tpu.iota {dimensions = array<i32: 0>} : vector<16xi32>
    %rev3A_383 = arith.subi %rev3A_381, %rev3A_382 : vector<16xi32>
    %rev3A_384 = tpu.dynamic_gather %add3A_379[%rev3A_383] in [0] : vector<16xi32>, vector<16xi32> -> vector<16xi32>
    %broadcast_in_dim3A_385 = arith.constant true
    %broadcast_in_dim3A_386 = vector.broadcast %broadcast_in_dim3A_385 : i1 to vector<16xi1>
    %masked_cumsum3A_387 = tpu.scan <sum>, %rev3A_384 masked %broadcast_in_dim3A_386 : vector<16xi32>, vector<16xi1> -> vector<16xi32>
    %rev3A_388 = arith.constant 15 : i32
    %rev3A_389 = vector.broadcast %rev3A_388 : i32 to vector<16xi32>
    %rev3A_390 = tpu.iota {dimensions = array<i32: 0>} : vector<16xi32>
    %rev3A_391 = arith.subi %rev3A_389, %rev3A_390 : vector<16xi32>
    %rev3A_392 = tpu.dynamic_gather %masked_cumsum3A_387[%rev3A_391] in [0] : vector<16xi32>, vector<16xi32> -> vector<16xi32>
    %ge3A_393 = vector.broadcast %reduce_max3A_266 : i32 to vector<16xi32>
    %ge3A_394 = arith.cmpi sge, %rev3A_392, %ge3A_393 : vector<16xi32>
    %jit3A_395 = arith.constant -1 : i32
    %broadcast_in_dim3A_396 = vector.broadcast %jit3A_395 : i32 to vector<16xi32>
    %select_n3A_397 = arith.select %ge3A_394, %iota3A, %broadcast_in_dim3A_396 : vector<16xi1>, vector<16xi32>
    %reduce_max3A_398 = arith.constant true
    %reduce_max3A_399 = vector.broadcast %reduce_max3A_398 : i1 to vector<16xi1>
    %reduce_max3A_400 = arith.constant -2147483648 : i32
    %reduce_max3A_401 = vector.broadcast %reduce_max3A_400 : i32 to vector<16xi32>
    %reduce_max3A_402 = arith.xori %select_n3A_397, %reduce_max3A_401 : vector<16xi32>
    %reduce_max3A_403 = tpu.scan <max>, %reduce_max3A_402 masked %reduce_max3A_399 : vector<16xi32>, vector<16xi1> -> vector<16xi32>
    %reduce_max3A_404 = arith.xori %reduce_max3A_403, %reduce_max3A_401 : vector<16xi32>
    %reduce_max3A_405 = vector.extract %reduce_max3A_404[15] : i32 from vector<16xi32>
    %sub3A_406 = arith.subi %rev3A_392, %add3A_379 : vector<16xi32>
    %sub3A_407 = vector.broadcast %reduce_max3A_266 : i32 to vector<16xi32>
    %sub3A_408 = arith.subi %sub3A_407, %sub3A_406 : vector<16xi32>
    %jit3A_409 = arith.constant -2147483648 : i32
    %broadcast_in_dim3A_410 = vector.broadcast %jit3A_409 : i32 to vector<16xi32>
    %select_n3A_411 = arith.select %ge3A_394, %sub3A_408, %broadcast_in_dim3A_410 : vector<16xi1>, vector<16xi32>
    %reduce_max3A_412 = arith.constant true
    %reduce_max3A_413 = vector.broadcast %reduce_max3A_412 : i1 to vector<16xi1>
    %reduce_max3A_414 = arith.constant -2147483648 : i32
    %reduce_max3A_415 = vector.broadcast %reduce_max3A_414 : i32 to vector<16xi32>
    %reduce_max3A_416 = arith.xori %select_n3A_411, %reduce_max3A_415 : vector<16xi32>
    %reduce_max3A_417 = tpu.scan <max>, %reduce_max3A_416 masked %reduce_max3A_413 : vector<16xi32>, vector<16xi1> -> vector<16xi32>
    %reduce_max3A_418 = arith.xori %reduce_max3A_417, %reduce_max3A_415 : vector<16xi32>
    %reduce_max3A_419 = vector.extract %reduce_max3A_418[15] : i32 from vector<16xi32>
    %shift_left3A_420 = arith.constant 20 : i32
    %shift_left3A_421 = arith.shli %reduce_max3A_405, %shift_left3A_420 : i32
    %or3A_422 = arith.ori %or3A, %shift_left3A_421 : i32
    %swap3A_423 = arith.constant 0 : index
    %swap3A_424 = tpu.vector_load %arg7[%swap3A_423] {strides = array<i32>} : memref<256xi32, #tpu.memory_space<vmem>>, vector<16xi32>,
    tpu.vector_store %arg7[%swap3A_423], %broadcast_in_dim3A_26 {strides = array<i32>} : memref<256xi32, #tpu.memory_space<vmem>>, vector<16xi32>,
    %swap3A_425 = arith.constant 16 : index
    %swap3A_426 = tpu.vector_load %arg7[%swap3A_425] {strides = array<i32>} : memref<256xi32, #tpu.memory_space<vmem>>, vector<16xi32>,
    tpu.vector_store %arg7[%swap3A_425], %broadcast_in_dim3A_26 {strides = array<i32>} : memref<256xi32, #tpu.memory_space<vmem>>, vector<16xi32>,
    %swap3A_427 = arith.constant 32 : index
    %swap3A_428 = tpu.vector_load %arg7[%swap3A_427] {strides = array<i32>} : memref<256xi32, #tpu.memory_space<vmem>>, vector<16xi32>,
    tpu.vector_store %arg7[%swap3A_427], %broadcast_in_dim3A_26 {strides = array<i32>} : memref<256xi32, #tpu.memory_space<vmem>>, vector<16xi32>,
    %swap3A_429 = arith.constant 48 : index
    %swap3A_430 = tpu.vector_load %arg7[%swap3A_429] {strides = array<i32>} : memref<256xi32, #tpu.memory_space<vmem>>, vector<16xi32>,
    tpu.vector_store %arg7[%swap3A_429], %broadcast_in_dim3A_26 {strides = array<i32>} : memref<256xi32, #tpu.memory_space<vmem>>, vector<16xi32>,
    %swap3A_431 = arith.constant 64 : index
    %swap3A_432 = tpu.vector_load %arg7[%swap3A_431] {strides = array<i32>} : memref<256xi32, #tpu.memory_space<vmem>>, vector<16xi32>,
    tpu.vector_store %arg7[%swap3A_431], %broadcast_in_dim3A_26 {strides = array<i32>} : memref<256xi32, #tpu.memory_space<vmem>>, vector<16xi32>,
    %swap3A_433 = arith.constant 80 : index
    %swap3A_434 = tpu.vector_load %arg7[%swap3A_433] {strides = array<i32>} : memref<256xi32, #tpu.memory_space<vmem>>, vector<16xi32>,
    tpu.vector_store %arg7[%swap3A_433], %broadcast_in_dim3A_26 {strides = array<i32>} : memref<256xi32, #tpu.memory_space<vmem>>, vector<16xi32>,
    %swap3A_435 = arith.constant 96 : index
    %swap3A_436 = tpu.vector_load %arg7[%swap3A_435] {strides = array<i32>} : memref<256xi32, #tpu.memory_space<vmem>>, vector<16xi32>,
    tpu.vector_store %arg7[%swap3A_435], %broadcast_in_dim3A_26 {strides = array<i32>} : memref<256xi32, #tpu.memory_space<vmem>>, vector<16xi32>,
    %swap3A_437 = arith.constant 112 : index
    %swap3A_438 = tpu.vector_load %arg7[%swap3A_437] {strides = array<i32>} : memref<256xi32, #tpu.memory_space<vmem>>, vector<16xi32>,
    tpu.vector_store %arg7[%swap3A_437], %broadcast_in_dim3A_26 {strides = array<i32>} : memref<256xi32, #tpu.memory_space<vmem>>, vector<16xi32>,
    %swap3A_439 = arith.constant 128 : index
    %swap3A_440 = tpu.vector_load %arg7[%swap3A_439] {strides = array<i32>} : memref<256xi32, #tpu.memory_space<vmem>>, vector<16xi32>,
    tpu.vector_store %arg7[%swap3A_439], %broadcast_in_dim3A_26 {strides = array<i32>} : memref<256xi32, #tpu.memory_space<vmem>>, vector<16xi32>,
    %swap3A_441 = arith.constant 144 : index
    %swap3A_442 = tpu.vector_load %arg7[%swap3A_441] {strides = array<i32>} : memref<256xi32, #tpu.memory_space<vmem>>, vector<16xi32>,
    tpu.vector_store %arg7[%swap3A_441], %broadcast_in_dim3A_26 {strides = array<i32>} : memref<256xi32, #tpu.memory_space<vmem>>, vector<16xi32>,
    %swap3A_443 = arith.constant 160 : index
    %swap3A_444 = tpu.vector_load %arg7[%swap3A_443] {strides = array<i32>} : memref<256xi32, #tpu.memory_space<vmem>>, vector<16xi32>,
    tpu.vector_store %arg7[%swap3A_443], %broadcast_in_dim3A_26 {strides = array<i32>} : memref<256xi32, #tpu.memory_space<vmem>>, vector<16xi32>,
    %swap3A_445 = arith.constant 176 : index
    %swap3A_446 = tpu.vector_load %arg7[%swap3A_445] {strides = array<i32>} : memref<256xi32, #tpu.memory_space<vmem>>, vector<16xi32>,
    tpu.vector_store %arg7[%swap3A_445], %broadcast_in_dim3A_26 {strides = array<i32>} : memref<256xi32, #tpu.memory_space<vmem>>, vector<16xi32>,
    %swap3A_447 = arith.constant 192 : index
    %swap3A_448 = tpu.vector_load %arg7[%swap3A_447] {strides = array<i32>} : memref<256xi32, #tpu.memory_space<vmem>>, vector<16xi32>,
    tpu.vector_store %arg7[%swap3A_447], %broadcast_in_dim3A_26 {strides = array<i32>} : memref<256xi32, #tpu.memory_space<vmem>>, vector<16xi32>,
    %swap3A_449 = arith.constant 208 : index
    %swap3A_450 = tpu.vector_load %arg7[%swap3A_449] {strides = array<i32>} : memref<256xi32, #tpu.memory_space<vmem>>, vector<16xi32>,
    tpu.vector_store %arg7[%swap3A_449], %broadcast_in_dim3A_26 {strides = array<i32>} : memref<256xi32, #tpu.memory_space<vmem>>, vector<16xi32>,
    %swap3A_451 = arith.constant 224 : index
    %swap3A_452 = tpu.vector_load %arg7[%swap3A_451] {strides = array<i32>} : memref<256xi32, #tpu.memory_space<vmem>>, vector<16xi32>,
    tpu.vector_store %arg7[%swap3A_451], %broadcast_in_dim3A_26 {strides = array<i32>} : memref<256xi32, #tpu.memory_space<vmem>>, vector<16xi32>,
    %swap3A_453 = arith.constant 240 : index
    %swap3A_454 = tpu.vector_load %arg7[%swap3A_453] {strides = array<i32>} : memref<256xi32, #tpu.memory_space<vmem>>, vector<16xi32>,
    tpu.vector_store %arg7[%swap3A_453], %broadcast_in_dim3A_26 {strides = array<i32>} : memref<256xi32, #tpu.memory_space<vmem>>, vector<16xi32>,
    %add3A_455 = arith.constant 15 : i32
    %add3A_456 = arith.addi %while3A_332, %add3A_455 : i32
    %jit3A_457 = arith.constant 16 : i32
    %div3A_458 = arith.divsi %add3A_456, %jit3A_457 : i32
    %sign3A_459 = arith.constant 0 : i32
    %sign3A_460 = arith.cmpi sgt, %add3A_456, %sign3A_459 : i32
    %sign3A_461 = arith.extui %sign3A_460 : i1 to i32
    %sign3A_462 = arith.constant 0 : i32
    %sign3A_463 = arith.cmpi slt, %add3A_456, %sign3A_462 : i32
    %sign3A_464 = arith.extui %sign3A_463 : i1 to i32
    %sign3A_465 = arith.subi %sign3A_461, %sign3A_464 : i32
    %sign3A_466 = arith.constant 0 : i32
    %sign3A_467 = arith.cmpi sgt, %jit3A_457, %sign3A_466 : i32
    %sign3A_468 = arith.extui %sign3A_467 : i1 to i32
    %sign3A_469 = arith.constant 0 : i32
    %sign3A_470 = arith.cmpi slt, %jit3A_457, %sign3A_469 : i32
    %sign3A_471 = arith.extui %sign3A_470 : i1 to i32
    %sign3A_472 = arith.subi %sign3A_468, %sign3A_471 : i32
    %ne3A_473 = arith.cmpi ne, %sign3A_465, %sign3A_472 : i32
    %rem3A_474 = arith.remsi %add3A_456, %jit3A_457 : i32
    %ne3A_475 = arith.constant 0 : i32
    %ne3A_476 = arith.cmpi ne, %rem3A_474, %ne3A_475 : i32
    %and3A_477 = arith.andi %ne3A_473, %ne3A_476 : i1
    %sub3A_478 = arith.constant 1 : i32
    %sub3A_479 = arith.subi %div3A_458, %sub3A_478 : i32
    %select_n3A_480 = arith.select %and3A_477, %sub3A_479, %div3A_458 : i32
    %while3A_481 = arith.constant 0 : i32
    %while3A_482 = arith.constant 0 : i32
    %while3A_483 = arith.subi %select_n3A_480, %while3A_481 : i32
    %while3A_484 = arith.addi %while3A_481, %while3A_483 : i32
    %while3A_485 = arith.constant 1 : i32
    %while3A_486 = arith.divsi %while3A_483, %while3A_485 : i32
    %while3A_487 = arith.muli %while3A_486, %while3A_485 : i32
    %while3A_488 = arith.addi %while3A_481, %while3A_487 : i32
    %while3A_489 = arith.constant 1 : i32
    %while3A_490 = scf.for %while3A_2527 = %while3A_481 to %while3A_488 step %while3A_489 iter_args(%while3A_2528 = %while3A_482) -> (i32)  : i32 {
      %mul3A_2529 = arith.constant 16 : i32
      %mul3A_2530 = arith.muli %while3A_2527, %mul3A_2529 : i32
      %get3A_2531 = arith.index_cast %mul3A_2530 : i32 to index
      %get3A_2532 = tpu.vector_load %arg6[%get3A_2531] {strides = array<i32>} : memref<32768xi32, #tpu.memory_space<vmem>>, vector<16xi32>,
      %shift_right_logical3A = arith.constant 20 : i32
      %shift_right_logical3A_2533 = vector.broadcast %shift_right_logical3A : i32 to vector<16xi32>
      %shift_right_logical3A_2534 = arith.shrui %get3A_2532, %shift_right_logical3A_2533 : vector<16xi32>
      %and3A_2535 = arith.constant 15 : i32
      %and3A_2536 = vector.broadcast %and3A_2535 : i32 to vector<16xi32>
      %and3A_2537 = arith.andi %shift_right_logical3A_2534, %and3A_2536 : vector<16xi32>
      %eq3A_2538 = vector.broadcast %reduce_max3A_405 : i32 to vector<16xi32>
      %eq3A_2539 = arith.cmpi eq, %and3A_2537, %eq3A_2538 : vector<16xi32>
      %mul3A_2540 = arith.constant 16 : i32
      %mul3A_2541 = arith.muli %while3A_2527, %mul3A_2540 : i32
      %add3A_2542 = vector.broadcast %mul3A_2541 : i32 to vector<16xi32>
      %add3A_2543 = arith.addi %add3A_2542, %iota3A : vector<16xi32>
      %lt3A = vector.broadcast %while3A_332 : i32 to vector<16xi32>
      %lt3A_2544 = arith.cmpi slt, %add3A_2543, %lt3A : vector<16xi32>
      %and3A_2545 = arith.andi %eq3A_2539, %lt3A_2544 : vector<16xi1>
      %swap3A_2546 = arith.index_cast %while3A_2528 : i32 to index
      %swap3A_2547 = tpu.vector_load %arg6[%swap3A_2546] masked %and3A_2545 {strides = array<i32>} : memref<32768xi32, #tpu.memory_space<vmem>>, vector<16xi32>, vector<16xi1>
      tpu.vector_store %arg6[%swap3A_2546], %get3A_2532 masked %and3A_2545 {strides = array<i32>} : memref<32768xi32, #tpu.memory_space<vmem>>, vector<16xi32>, vector<16xi1>
      %shift_right_logical3A_2548 = arith.constant 16 : i32
      %shift_right_logical3A_2549 = vector.broadcast %shift_right_logical3A_2548 : i32 to vector<16xi32>
      %shift_right_logical3A_2550 = arith.shrui %get3A_2532, %shift_right_logical3A_2549 : vector<16xi32>
      %and3A_2551 = arith.constant 15 : i32
      %and3A_2552 = vector.broadcast %and3A_2551 : i32 to vector<16xi32>
      %and3A_2553 = arith.andi %shift_right_logical3A_2550, %and3A_2552 : vector<16xi32>
      %bitcast_convert_type3A_2554 = tpu.bitcast %and3A_2553 : vector<16xi32> -> vector<16xi32>
      %add3A_2555 = arith.addi %mul3A_23, %bitcast_convert_type3A_2554 : vector<16xi32>
      tpu.vector_store_idx %arg7[%add3A_2555], %broadcast_in_dim3A_24 masked %and3A_2545 {add = true} : memref<256xi32, #tpu.memory_space<vmem>>[vector<16xi32>], vector<16xi32>, vector<16xi1>
      %all_reduce_population_count3A = tpu.all_reduce %and3A_2545 {dim = 0 : i64, kind = #tpu.reduction_kind<sum>} : vector<16xi1> -> vector<16xi32>
      %slice3A = vector.extract_strided_slice %all_reduce_population_count3A {offsets = [0], sizes = [1], strides = [1]} : vector<16xi32> to vector<1xi32>
      %squeeze3A = vector.extract %slice3A[0] : i32 from vector<1xi32>
      %add3A_2556 = arith.addi %while3A_2528, %squeeze3A : i32
      scf.yield %add3A_2556 : i32
    }
    %while3A_491 = arith.constant 1 : i32
    %while3A_492 = scf.for %while3A_2527 = %while3A_488 to %while3A_484 step %while3A_491 iter_args(%while3A_2528 = %while3A_490) -> (i32)  : i32 {
      %mul3A_2529 = arith.constant 16 : i32
      %mul3A_2530 = arith.muli %while3A_2527, %mul3A_2529 : i32
      %get3A_2531 = arith.index_cast %mul3A_2530 : i32 to index
      %get3A_2532 = tpu.vector_load %arg6[%get3A_2531] {strides = array<i32>} : memref<32768xi32, #tpu.memory_space<vmem>>, vector<16xi32>,
      %shift_right_logical3A = arith.constant 20 : i32
      %shift_right_logical3A_2533 = vector.broadcast %shift_right_logical3A : i32 to vector<16xi32>
      %shift_right_logical3A_2534 = arith.shrui %get3A_2532, %shift_right_logical3A_2533 : vector<16xi32>
      %and3A_2535 = arith.constant 15 : i32
      %and3A_2536 = vector.broadcast %and3A_2535 : i32 to vector<16xi32>
      %and3A_2537 = arith.andi %shift_right_logical3A_2534, %and3A_2536 : vector<16xi32>
      %eq3A_2538 = vector.broadcast %reduce_max3A_405 : i32 to vector<16xi32>
      %eq3A_2539 = arith.cmpi eq, %and3A_2537, %eq3A_2538 : vector<16xi32>
      %mul3A_2540 = arith.constant 16 : i32
      %mul3A_2541 = arith.muli %while3A_2527, %mul3A_2540 : i32
      %add3A_2542 = vector.broadcast %mul3A_2541 : i32 to vector<16xi32>
      %add3A_2543 = arith.addi %add3A_2542, %iota3A : vector<16xi32>
      %lt3A = vector.broadcast %while3A_332 : i32 to vector<16xi32>
      %lt3A_2544 = arith.cmpi slt, %add3A_2543, %lt3A : vector<16xi32>
      %and3A_2545 = arith.andi %eq3A_2539, %lt3A_2544 : vector<16xi1>
      %swap3A_2546 = arith.index_cast %while3A_2528 : i32 to index
      %swap3A_2547 = tpu.vector_load %arg6[%swap3A_2546] masked %and3A_2545 {strides = array<i32>} : memref<32768xi32, #tpu.memory_space<vmem>>, vector<16xi32>, vector<16xi1>
      tpu.vector_store %arg6[%swap3A_2546], %get3A_2532 masked %and3A_2545 {strides = array<i32>} : memref<32768xi32, #tpu.memory_space<vmem>>, vector<16xi32>, vector<16xi1>
      %shift_right_logical3A_2548 = arith.constant 16 : i32
      %shift_right_logical3A_2549 = vector.broadcast %shift_right_logical3A_2548 : i32 to vector<16xi32>
      %shift_right_logical3A_2550 = arith.shrui %get3A_2532, %shift_right_logical3A_2549 : vector<16xi32>
      %and3A_2551 = arith.constant 15 : i32
      %and3A_2552 = vector.broadcast %and3A_2551 : i32 to vector<16xi32>
      %and3A_2553 = arith.andi %shift_right_logical3A_2550, %and3A_2552 : vector<16xi32>
      %bitcast_convert_type3A_2554 = tpu.bitcast %and3A_2553 : vector<16xi32> -> vector<16xi32>
      %add3A_2555 = arith.addi %mul3A_23, %bitcast_convert_type3A_2554 : vector<16xi32>
      tpu.vector_store_idx %arg7[%add3A_2555], %broadcast_in_dim3A_24 masked %and3A_2545 {add = true} : memref<256xi32, #tpu.memory_space<vmem>>[vector<16xi32>], vector<16xi32>, vector<16xi1>
      %all_reduce_population_count3A = tpu.all_reduce %and3A_2545 {dim = 0 : i64, kind = #tpu.reduction_kind<sum>} : vector<16xi1> -> vector<16xi32>
      %slice3A = vector.extract_strided_slice %all_reduce_population_count3A {offsets = [0], sizes = [1], strides = [1]} : vector<16xi32> to vector<1xi32>
      %squeeze3A = vector.extract %slice3A[0] : i32 from vector<1xi32>
      %add3A_2556 = arith.addi %while3A_2528, %squeeze3A : i32
      scf.yield %add3A_2556 : i32
    }
    %get3A_493 = arith.constant 0 : index
    %get3A_494 = tpu.vector_load %arg7[%get3A_493] {strides = array<i32>} : memref<256xi32, #tpu.memory_space<vmem>>, vector<16xi32>,
    %get3A_495 = arith.constant 16 : index
    %get3A_496 = tpu.vector_load %arg7[%get3A_495] {strides = array<i32>} : memref<256xi32, #tpu.memory_space<vmem>>, vector<16xi32>,
    %get3A_497 = arith.constant 32 : index
    %get3A_498 = tpu.vector_load %arg7[%get3A_497] {strides = array<i32>} : memref<256xi32, #tpu.memory_space<vmem>>, vector<16xi32>,
    %get3A_499 = arith.constant 48 : index
    %get3A_500 = tpu.vector_load %arg7[%get3A_499] {strides = array<i32>} : memref<256xi32, #tpu.memory_space<vmem>>, vector<16xi32>,
    %get3A_501 = arith.constant 64 : index
    %get3A_502 = tpu.vector_load %arg7[%get3A_501] {strides = array<i32>} : memref<256xi32, #tpu.memory_space<vmem>>, vector<16xi32>,
    %get3A_503 = arith.constant 80 : index
    %get3A_504 = tpu.vector_load %arg7[%get3A_503] {strides = array<i32>} : memref<256xi32, #tpu.memory_space<vmem>>, vector<16xi32>,
    %get3A_505 = arith.constant 96 : index
    %get3A_506 = tpu.vector_load %arg7[%get3A_505] {strides = array<i32>} : memref<256xi32, #tpu.memory_space<vmem>>, vector<16xi32>,
    %get3A_507 = arith.constant 112 : index
    %get3A_508 = tpu.vector_load %arg7[%get3A_507] {strides = array<i32>} : memref<256xi32, #tpu.memory_space<vmem>>, vector<16xi32>,
    %get3A_509 = arith.constant 128 : index
    %get3A_510 = tpu.vector_load %arg7[%get3A_509] {strides = array<i32>} : memref<256xi32, #tpu.memory_space<vmem>>, vector<16xi32>,
    %get3A_511 = arith.constant 144 : index
    %get3A_512 = tpu.vector_load %arg7[%get3A_511] {strides = array<i32>} : memref<256xi32, #tpu.memory_space<vmem>>, vector<16xi32>,
    %get3A_513 = arith.constant 160 : index
    %get3A_514 = tpu.vector_load %arg7[%get3A_513] {strides = array<i32>} : memref<256xi32, #tpu.memory_space<vmem>>, vector<16xi32>,
    %get3A_515 = arith.constant 176 : index
    %get3A_516 = tpu.vector_load %arg7[%get3A_515] {strides = array<i32>} : memref<256xi32, #tpu.memory_space<vmem>>, vector<16xi32>,
    %get3A_517 = arith.constant 192 : index
    %get3A_518 = tpu.vector_load %arg7[%get3A_517] {strides = array<i32>} : memref<256xi32, #tpu.memory_space<vmem>>, vector<16xi32>,
    %get3A_519 = arith.constant 208 : index
    %get3A_520 = tpu.vector_load %arg7[%get3A_519] {strides = array<i32>} : memref<256xi32, #tpu.memory_space<vmem>>, vector<16xi32>,
    %get3A_521 = arith.constant 224 : index
    %get3A_522 = tpu.vector_load %arg7[%get3A_521] {strides = array<i32>} : memref<256xi32, #tpu.memory_space<vmem>>, vector<16xi32>,
    %get3A_523 = arith.constant 240 : index
    %get3A_524 = tpu.vector_load %arg7[%get3A_523] {strides = array<i32>} : memref<256xi32, #tpu.memory_space<vmem>>, vector<16xi32>,
    %add3A_525 = arith.addi %get3A_494, %get3A_496 : vector<16xi32>
    %add3A_526 = arith.addi %get3A_498, %get3A_500 : vector<16xi32>
    %add3A_527 = arith.addi %get3A_502, %get3A_504 : vector<16xi32>
    %add3A_528 = arith.addi %get3A_506, %get3A_508 : vector<16xi32>
    %add3A_529 = arith.addi %get3A_510, %get3A_512 : vector<16xi32>
    %add3A_530 = arith.addi %get3A_514, %get3A_516 : vector<16xi32>
    %add3A_531 = arith.addi %get3A_518, %get3A_520 : vector<16xi32>
    %add3A_532 = arith.addi %get3A_522, %get3A_524 : vector<16xi32>
    %add3A_533 = arith.addi %add3A_525, %add3A_526 : vector<16xi32>
    %add3A_534 = arith.addi %add3A_527, %add3A_528 : vector<16xi32>
    %add3A_535 = arith.addi %add3A_529, %add3A_530 : vector<16xi32>
    %add3A_536 = arith.addi %add3A_531, %add3A_532 : vector<16xi32>
    %add3A_537 = arith.addi %add3A_533, %add3A_534 : vector<16xi32>
    %add3A_538 = arith.addi %add3A_535, %add3A_536 : vector<16xi32>
    %add3A_539 = arith.addi %add3A_537, %add3A_538 : vector<16xi32>
    %rev3A_540 = arith.constant 15 : i32
    %rev3A_541 = vector.broadcast %rev3A_540 : i32 to vector<16xi32>
    %rev3A_542 = tpu.iota {dimensions = array<i32: 0>} : vector<16xi32>
    %rev3A_543 = arith.subi %rev3A_541, %rev3A_542 : vector<16xi32>
    %rev3A_544 = tpu.dynamic_gather %add3A_539[%rev3A_543] in [0] : vector<16xi32>, vector<16xi32> -> vector<16xi32>
    %broadcast_in_dim3A_545 = arith.constant true
    %broadcast_in_dim3A_546 = vector.broadcast %broadcast_in_dim3A_545 : i1 to vector<16xi1>
    %masked_cumsum3A_547 = tpu.scan <sum>, %rev3A_544 masked %broadcast_in_dim3A_546 : vector<16xi32>, vector<16xi1> -> vector<16xi32>
    %rev3A_548 = arith.constant 15 : i32
    %rev3A_549 = vector.broadcast %rev3A_548 : i32 to vector<16xi32>
    %rev3A_550 = tpu.iota {dimensions = array<i32: 0>} : vector<16xi32>
    %rev3A_551 = arith.subi %rev3A_549, %rev3A_550 : vector<16xi32>
    %rev3A_552 = tpu.dynamic_gather %masked_cumsum3A_547[%rev3A_551] in [0] : vector<16xi32>, vector<16xi32> -> vector<16xi32>
    %ge3A_553 = vector.broadcast %reduce_max3A_419 : i32 to vector<16xi32>
    %ge3A_554 = arith.cmpi sge, %rev3A_552, %ge3A_553 : vector<16xi32>
    %jit3A_555 = arith.constant -1 : i32
    %broadcast_in_dim3A_556 = vector.broadcast %jit3A_555 : i32 to vector<16xi32>
    %select_n3A_557 = arith.select %ge3A_554, %iota3A, %broadcast_in_dim3A_556 : vector<16xi1>, vector<16xi32>
    %reduce_max3A_558 = arith.constant true
    %reduce_max3A_559 = vector.broadcast %reduce_max3A_558 : i1 to vector<16xi1>
    %reduce_max3A_560 = arith.constant -2147483648 : i32
    %reduce_max3A_561 = vector.broadcast %reduce_max3A_560 : i32 to vector<16xi32>
    %reduce_max3A_562 = arith.xori %select_n3A_557, %reduce_max3A_561 : vector<16xi32>
    %reduce_max3A_563 = tpu.scan <max>, %reduce_max3A_562 masked %reduce_max3A_559 : vector<16xi32>, vector<16xi1> -> vector<16xi32>
    %reduce_max3A_564 = arith.xori %reduce_max3A_563, %reduce_max3A_561 : vector<16xi32>
    %reduce_max3A_565 = vector.extract %reduce_max3A_564[15] : i32 from vector<16xi32>
    %sub3A_566 = arith.subi %rev3A_552, %add3A_539 : vector<16xi32>
    %sub3A_567 = vector.broadcast %reduce_max3A_419 : i32 to vector<16xi32>
    %sub3A_568 = arith.subi %sub3A_567, %sub3A_566 : vector<16xi32>
    %jit3A_569 = arith.constant -2147483648 : i32
    %broadcast_in_dim3A_570 = vector.broadcast %jit3A_569 : i32 to vector<16xi32>
    %select_n3A_571 = arith.select %ge3A_554, %sub3A_568, %broadcast_in_dim3A_570 : vector<16xi1>, vector<16xi32>
    %reduce_max3A_572 = arith.constant true
    %reduce_max3A_573 = vector.broadcast %reduce_max3A_572 : i1 to vector<16xi1>
    %reduce_max3A_574 = arith.constant -2147483648 : i32
    %reduce_max3A_575 = vector.broadcast %reduce_max3A_574 : i32 to vector<16xi32>
    %reduce_max3A_576 = arith.xori %select_n3A_571, %reduce_max3A_575 : vector<16xi32>
    %reduce_max3A_577 = tpu.scan <max>, %reduce_max3A_576 masked %reduce_max3A_573 : vector<16xi32>, vector<16xi1> -> vector<16xi32>
    %reduce_max3A_578 = arith.xori %reduce_max3A_577, %reduce_max3A_575 : vector<16xi32>
    %reduce_max3A_579 = vector.extract %reduce_max3A_578[15] : i32 from vector<16xi32>
    %shift_left3A_580 = arith.constant 16 : i32
    %shift_left3A_581 = arith.shli %reduce_max3A_565, %shift_left3A_580 : i32
    %or3A_582 = arith.ori %or3A_422, %shift_left3A_581 : i32
    %swap3A_583 = arith.constant 0 : index
    %swap3A_584 = tpu.vector_load %arg7[%swap3A_583] {strides = array<i32>} : memref<256xi32, #tpu.memory_space<vmem>>, vector<16xi32>,
    tpu.vector_store %arg7[%swap3A_583], %broadcast_in_dim3A_26 {strides = array<i32>} : memref<256xi32, #tpu.memory_space<vmem>>, vector<16xi32>,
    %swap3A_585 = arith.constant 16 : index
    %swap3A_586 = tpu.vector_load %arg7[%swap3A_585] {strides = array<i32>} : memref<256xi32, #tpu.memory_space<vmem>>, vector<16xi32>,
    tpu.vector_store %arg7[%swap3A_585], %broadcast_in_dim3A_26 {strides = array<i32>} : memref<256xi32, #tpu.memory_space<vmem>>, vector<16xi32>,
    %swap3A_587 = arith.constant 32 : index
    %swap3A_588 = tpu.vector_load %arg7[%swap3A_587] {strides = array<i32>} : memref<256xi32, #tpu.memory_space<vmem>>, vector<16xi32>,
    tpu.vector_store %arg7[%swap3A_587], %broadcast_in_dim3A_26 {strides = array<i32>} : memref<256xi32, #tpu.memory_space<vmem>>, vector<16xi32>,
    %swap3A_589 = arith.constant 48 : index
    %swap3A_590 = tpu.vector_load %arg7[%swap3A_589] {strides = array<i32>} : memref<256xi32, #tpu.memory_space<vmem>>, vector<16xi32>,
    tpu.vector_store %arg7[%swap3A_589], %broadcast_in_dim3A_26 {strides = array<i32>} : memref<256xi32, #tpu.memory_space<vmem>>, vector<16xi32>,
    %swap3A_591 = arith.constant 64 : index
    %swap3A_592 = tpu.vector_load %arg7[%swap3A_591] {strides = array<i32>} : memref<256xi32, #tpu.memory_space<vmem>>, vector<16xi32>,
    tpu.vector_store %arg7[%swap3A_591], %broadcast_in_dim3A_26 {strides = array<i32>} : memref<256xi32, #tpu.memory_space<vmem>>, vector<16xi32>,
    %swap3A_593 = arith.constant 80 : index
    %swap3A_594 = tpu.vector_load %arg7[%swap3A_593] {strides = array<i32>} : memref<256xi32, #tpu.memory_space<vmem>>, vector<16xi32>,
    tpu.vector_store %arg7[%swap3A_593], %broadcast_in_dim3A_26 {strides = array<i32>} : memref<256xi32, #tpu.memory_space<vmem>>, vector<16xi32>,
    %swap3A_595 = arith.constant 96 : index
    %swap3A_596 = tpu.vector_load %arg7[%swap3A_595] {strides = array<i32>} : memref<256xi32, #tpu.memory_space<vmem>>, vector<16xi32>,
    tpu.vector_store %arg7[%swap3A_595], %broadcast_in_dim3A_26 {strides = array<i32>} : memref<256xi32, #tpu.memory_space<vmem>>, vector<16xi32>,
    %swap3A_597 = arith.constant 112 : index
    %swap3A_598 = tpu.vector_load %arg7[%swap3A_597] {strides = array<i32>} : memref<256xi32, #tpu.memory_space<vmem>>, vector<16xi32>,
    tpu.vector_store %arg7[%swap3A_597], %broadcast_in_dim3A_26 {strides = array<i32>} : memref<256xi32, #tpu.memory_space<vmem>>, vector<16xi32>,
    %swap3A_599 = arith.constant 128 : index
    %swap3A_600 = tpu.vector_load %arg7[%swap3A_599] {strides = array<i32>} : memref<256xi32, #tpu.memory_space<vmem>>, vector<16xi32>,
    tpu.vector_store %arg7[%swap3A_599], %broadcast_in_dim3A_26 {strides = array<i32>} : memref<256xi32, #tpu.memory_space<vmem>>, vector<16xi32>,
    %swap3A_601 = arith.constant 144 : index
    %swap3A_602 = tpu.vector_load %arg7[%swap3A_601] {strides = array<i32>} : memref<256xi32, #tpu.memory_space<vmem>>, vector<16xi32>,
    tpu.vector_store %arg7[%swap3A_601], %broadcast_in_dim3A_26 {strides = array<i32>} : memref<256xi32, #tpu.memory_space<vmem>>, vector<16xi32>,
    %swap3A_603 = arith.constant 160 : index
    %swap3A_604 = tpu.vector_load %arg7[%swap3A_603] {strides = array<i32>} : memref<256xi32, #tpu.memory_space<vmem>>, vector<16xi32>,
    tpu.vector_store %arg7[%swap3A_603], %broadcast_in_dim3A_26 {strides = array<i32>} : memref<256xi32, #tpu.memory_space<vmem>>, vector<16xi32>,
    %swap3A_605 = arith.constant 176 : index
    %swap3A_606 = tpu.vector_load %arg7[%swap3A_605] {strides = array<i32>} : memref<256xi32, #tpu.memory_space<vmem>>, vector<16xi32>,
    tpu.vector_store %arg7[%swap3A_605], %broadcast_in_dim3A_26 {strides = array<i32>} : memref<256xi32, #tpu.memory_space<vmem>>, vector<16xi32>,
    %swap3A_607 = arith.constant 192 : index
    %swap3A_608 = tpu.vector_load %arg7[%swap3A_607] {strides = array<i32>} : memref<256xi32, #tpu.memory_space<vmem>>, vector<16xi32>,
    tpu.vector_store %arg7[%swap3A_607], %broadcast_in_dim3A_26 {strides = array<i32>} : memref<256xi32, #tpu.memory_space<vmem>>, vector<16xi32>,
    %swap3A_609 = arith.constant 208 : index
    %swap3A_610 = tpu.vector_load %arg7[%swap3A_609] {strides = array<i32>} : memref<256xi32, #tpu.memory_space<vmem>>, vector<16xi32>,
    tpu.vector_store %arg7[%swap3A_609], %broadcast_in_dim3A_26 {strides = array<i32>} : memref<256xi32, #tpu.memory_space<vmem>>, vector<16xi32>,
    %swap3A_611 = arith.constant 224 : index
    %swap3A_612 = tpu.vector_load %arg7[%swap3A_611] {strides = array<i32>} : memref<256xi32, #tpu.memory_space<vmem>>, vector<16xi32>,
    tpu.vector_store %arg7[%swap3A_611], %broadcast_in_dim3A_26 {strides = array<i32>} : memref<256xi32, #tpu.memory_space<vmem>>, vector<16xi32>,
    %swap3A_613 = arith.constant 240 : index
    %swap3A_614 = tpu.vector_load %arg7[%swap3A_613] {strides = array<i32>} : memref<256xi32, #tpu.memory_space<vmem>>, vector<16xi32>,
    tpu.vector_store %arg7[%swap3A_613], %broadcast_in_dim3A_26 {strides = array<i32>} : memref<256xi32, #tpu.memory_space<vmem>>, vector<16xi32>,
    %add3A_615 = arith.constant 15 : i32
    %add3A_616 = arith.addi %while3A_492, %add3A_615 : i32
    %jit3A_617 = arith.constant 16 : i32
    %div3A_618 = arith.divsi %add3A_616, %jit3A_617 : i32
    %sign3A_619 = arith.constant 0 : i32
    %sign3A_620 = arith.cmpi sgt, %add3A_616, %sign3A_619 : i32
    %sign3A_621 = arith.extui %sign3A_620 : i1 to i32
    %sign3A_622 = arith.constant 0 : i32
    %sign3A_623 = arith.cmpi slt, %add3A_616, %sign3A_622 : i32
    %sign3A_624 = arith.extui %sign3A_623 : i1 to i32
    %sign3A_625 = arith.subi %sign3A_621, %sign3A_624 : i32
    %sign3A_626 = arith.constant 0 : i32
    %sign3A_627 = arith.cmpi sgt, %jit3A_617, %sign3A_626 : i32
    %sign3A_628 = arith.extui %sign3A_627 : i1 to i32
    %sign3A_629 = arith.constant 0 : i32
    %sign3A_630 = arith.cmpi slt, %jit3A_617, %sign3A_629 : i32
    %sign3A_631 = arith.extui %sign3A_630 : i1 to i32
    %sign3A_632 = arith.subi %sign3A_628, %sign3A_631 : i32
    %ne3A_633 = arith.cmpi ne, %sign3A_625, %sign3A_632 : i32
    %rem3A_634 = arith.remsi %add3A_616, %jit3A_617 : i32
    %ne3A_635 = arith.constant 0 : i32
    %ne3A_636 = arith.cmpi ne, %rem3A_634, %ne3A_635 : i32
    %and3A_637 = arith.andi %ne3A_633, %ne3A_636 : i1
    %sub3A_638 = arith.constant 1 : i32
    %sub3A_639 = arith.subi %div3A_618, %sub3A_638 : i32
    %select_n3A_640 = arith.select %and3A_637, %sub3A_639, %div3A_618 : i32
    %while3A_641 = arith.constant 0 : i32
    %while3A_642 = arith.constant 0 : i32
    %while3A_643 = arith.subi %select_n3A_640, %while3A_641 : i32
    %while3A_644 = arith.addi %while3A_641, %while3A_643 : i32
    %while3A_645 = arith.constant 1 : i32
    %while3A_646 = arith.divsi %while3A_643, %while3A_645 : i32
    %while3A_647 = arith.muli %while3A_646, %while3A_645 : i32
    %while3A_648 = arith.addi %while3A_641, %while3A_647 : i32
    %while3A_649 = arith.constant 1 : i32
    %while3A_650 = scf.for %while3A_2527 = %while3A_641 to %while3A_648 step %while3A_649 iter_args(%while3A_2528 = %while3A_642) -> (i32)  : i32 {
      %mul3A_2529 = arith.constant 16 : i32
      %mul3A_2530 = arith.muli %while3A_2527, %mul3A_2529 : i32
      %get3A_2531 = arith.index_cast %mul3A_2530 : i32 to index
      %get3A_2532 = tpu.vector_load %arg6[%get3A_2531] {strides = array<i32>} : memref<32768xi32, #tpu.memory_space<vmem>>, vector<16xi32>,
      %shift_right_logical3A = arith.constant 16 : i32
      %shift_right_logical3A_2533 = vector.broadcast %shift_right_logical3A : i32 to vector<16xi32>
      %shift_right_logical3A_2534 = arith.shrui %get3A_2532, %shift_right_logical3A_2533 : vector<16xi32>
      %and3A_2535 = arith.constant 15 : i32
      %and3A_2536 = vector.broadcast %and3A_2535 : i32 to vector<16xi32>
      %and3A_2537 = arith.andi %shift_right_logical3A_2534, %and3A_2536 : vector<16xi32>
      %eq3A_2538 = vector.broadcast %reduce_max3A_565 : i32 to vector<16xi32>
      %eq3A_2539 = arith.cmpi eq, %and3A_2537, %eq3A_2538 : vector<16xi32>
      %mul3A_2540 = arith.constant 16 : i32
      %mul3A_2541 = arith.muli %while3A_2527, %mul3A_2540 : i32
      %add3A_2542 = vector.broadcast %mul3A_2541 : i32 to vector<16xi32>
      %add3A_2543 = arith.addi %add3A_2542, %iota3A : vector<16xi32>
      %lt3A = vector.broadcast %while3A_492 : i32 to vector<16xi32>
      %lt3A_2544 = arith.cmpi slt, %add3A_2543, %lt3A : vector<16xi32>
      %and3A_2545 = arith.andi %eq3A_2539, %lt3A_2544 : vector<16xi1>
      %swap3A_2546 = arith.index_cast %while3A_2528 : i32 to index
      %swap3A_2547 = tpu.vector_load %arg6[%swap3A_2546] masked %and3A_2545 {strides = array<i32>} : memref<32768xi32, #tpu.memory_space<vmem>>, vector<16xi32>, vector<16xi1>
      tpu.vector_store %arg6[%swap3A_2546], %get3A_2532 masked %and3A_2545 {strides = array<i32>} : memref<32768xi32, #tpu.memory_space<vmem>>, vector<16xi32>, vector<16xi1>
      %shift_right_logical3A_2548 = arith.constant 12 : i32
      %shift_right_logical3A_2549 = vector.broadcast %shift_right_logical3A_2548 : i32 to vector<16xi32>
      %shift_right_logical3A_2550 = arith.shrui %get3A_2532, %shift_right_logical3A_2549 : vector<16xi32>
      %and3A_2551 = arith.constant 15 : i32
      %and3A_2552 = vector.broadcast %and3A_2551 : i32 to vector<16xi32>
      %and3A_2553 = arith.andi %shift_right_logical3A_2550, %and3A_2552 : vector<16xi32>
      %bitcast_convert_type3A_2554 = tpu.bitcast %and3A_2553 : vector<16xi32> -> vector<16xi32>
      %add3A_2555 = arith.addi %mul3A_23, %bitcast_convert_type3A_2554 : vector<16xi32>
      tpu.vector_store_idx %arg7[%add3A_2555], %broadcast_in_dim3A_24 masked %and3A_2545 {add = true} : memref<256xi32, #tpu.memory_space<vmem>>[vector<16xi32>], vector<16xi32>, vector<16xi1>
      %all_reduce_population_count3A = tpu.all_reduce %and3A_2545 {dim = 0 : i64, kind = #tpu.reduction_kind<sum>} : vector<16xi1> -> vector<16xi32>
      %slice3A = vector.extract_strided_slice %all_reduce_population_count3A {offsets = [0], sizes = [1], strides = [1]} : vector<16xi32> to vector<1xi32>
      %squeeze3A = vector.extract %slice3A[0] : i32 from vector<1xi32>
      %add3A_2556 = arith.addi %while3A_2528, %squeeze3A : i32
      scf.yield %add3A_2556 : i32
    }
    %while3A_651 = arith.constant 1 : i32
    %while3A_652 = scf.for %while3A_2527 = %while3A_648 to %while3A_644 step %while3A_651 iter_args(%while3A_2528 = %while3A_650) -> (i32)  : i32 {
      %mul3A_2529 = arith.constant 16 : i32
      %mul3A_2530 = arith.muli %while3A_2527, %mul3A_2529 : i32
      %get3A_2531 = arith.index_cast %mul3A_2530 : i32 to index
      %get3A_2532 = tpu.vector_load %arg6[%get3A_2531] {strides = array<i32>} : memref<32768xi32, #tpu.memory_space<vmem>>, vector<16xi32>,
      %shift_right_logical3A = arith.constant 16 : i32
      %shift_right_logical3A_2533 = vector.broadcast %shift_right_logical3A : i32 to vector<16xi32>
      %shift_right_logical3A_2534 = arith.shrui %get3A_2532, %shift_right_logical3A_2533 : vector<16xi32>
      %and3A_2535 = arith.constant 15 : i32
      %and3A_2536 = vector.broadcast %and3A_2535 : i32 to vector<16xi32>
      %and3A_2537 = arith.andi %shift_right_logical3A_2534, %and3A_2536 : vector<16xi32>
      %eq3A_2538 = vector.broadcast %reduce_max3A_565 : i32 to vector<16xi32>
      %eq3A_2539 = arith.cmpi eq, %and3A_2537, %eq3A_2538 : vector<16xi32>
      %mul3A_2540 = arith.constant 16 : i32
      %mul3A_2541 = arith.muli %while3A_2527, %mul3A_2540 : i32
      %add3A_2542 = vector.broadcast %mul3A_2541 : i32 to vector<16xi32>
      %add3A_2543 = arith.addi %add3A_2542, %iota3A : vector<16xi32>
      %lt3A = vector.broadcast %while3A_492 : i32 to vector<16xi32>
      %lt3A_2544 = arith.cmpi slt, %add3A_2543, %lt3A : vector<16xi32>
      %and3A_2545 = arith.andi %eq3A_2539, %lt3A_2544 : vector<16xi1>
      %swap3A_2546 = arith.index_cast %while3A_2528 : i32 to index
      %swap3A_2547 = tpu.vector_load %arg6[%swap3A_2546] masked %and3A_2545 {strides = array<i32>} : memref<32768xi32, #tpu.memory_space<vmem>>, vector<16xi32>, vector<16xi1>
      tpu.vector_store %arg6[%swap3A_2546], %get3A_2532 masked %and3A_2545 {strides = array<i32>} : memref<32768xi32, #tpu.memory_space<vmem>>, vector<16xi32>, vector<16xi1>
      %shift_right_logical3A_2548 = arith.constant 12 : i32
      %shift_right_logical3A_2549 = vector.broadcast %shift_right_logical3A_2548 : i32 to vector<16xi32>
      %shift_right_logical3A_2550 = arith.shrui %get3A_2532, %shift_right_logical3A_2549 : vector<16xi32>
      %and3A_2551 = arith.constant 15 : i32
      %and3A_2552 = vector.broadcast %and3A_2551 : i32 to vector<16xi32>
      %and3A_2553 = arith.andi %shift_right_logical3A_2550, %and3A_2552 : vector<16xi32>
      %bitcast_convert_type3A_2554 = tpu.bitcast %and3A_2553 : vector<16xi32> -> vector<16xi32>
      %add3A_2555 = arith.addi %mul3A_23, %bitcast_convert_type3A_2554 : vector<16xi32>
      tpu.vector_store_idx %arg7[%add3A_2555], %broadcast_in_dim3A_24 masked %and3A_2545 {add = true} : memref<256xi32, #tpu.memory_space<vmem>>[vector<16xi32>], vector<16xi32>, vector<16xi1>
      %all_reduce_population_count3A = tpu.all_reduce %and3A_2545 {dim = 0 : i64, kind = #tpu.reduction_kind<sum>} : vector<16xi1> -> vector<16xi32>
      %slice3A = vector.extract_strided_slice %all_reduce_population_count3A {offsets = [0], sizes = [1], strides = [1]} : vector<16xi32> to vector<1xi32>
      %squeeze3A = vector.extract %slice3A[0] : i32 from vector<1xi32>
      %add3A_2556 = arith.addi %while3A_2528, %squeeze3A : i32
      scf.yield %add3A_2556 : i32
    }
    %get3A_653 = arith.constant 0 : index
    %get3A_654 = tpu.vector_load %arg7[%get3A_653] {strides = array<i32>} : memref<256xi32, #tpu.memory_space<vmem>>, vector<16xi32>,
    %get3A_655 = arith.constant 16 : index
    %get3A_656 = tpu.vector_load %arg7[%get3A_655] {strides = array<i32>} : memref<256xi32, #tpu.memory_space<vmem>>, vector<16xi32>,
    %get3A_657 = arith.constant 32 : index
    %get3A_658 = tpu.vector_load %arg7[%get3A_657] {strides = array<i32>} : memref<256xi32, #tpu.memory_space<vmem>>, vector<16xi32>,
    %get3A_659 = arith.constant 48 : index
    %get3A_660 = tpu.vector_load %arg7[%get3A_659] {strides = array<i32>} : memref<256xi32, #tpu.memory_space<vmem>>, vector<16xi32>,
    %get3A_661 = arith.constant 64 : index
    %get3A_662 = tpu.vector_load %arg7[%get3A_661] {strides = array<i32>} : memref<256xi32, #tpu.memory_space<vmem>>, vector<16xi32>,
    %get3A_663 = arith.constant 80 : index
    %get3A_664 = tpu.vector_load %arg7[%get3A_663] {strides = array<i32>} : memref<256xi32, #tpu.memory_space<vmem>>, vector<16xi32>,
    %get3A_665 = arith.constant 96 : index
    %get3A_666 = tpu.vector_load %arg7[%get3A_665] {strides = array<i32>} : memref<256xi32, #tpu.memory_space<vmem>>, vector<16xi32>,
    %get3A_667 = arith.constant 112 : index
    %get3A_668 = tpu.vector_load %arg7[%get3A_667] {strides = array<i32>} : memref<256xi32, #tpu.memory_space<vmem>>, vector<16xi32>,
    %get3A_669 = arith.constant 128 : index
    %get3A_670 = tpu.vector_load %arg7[%get3A_669] {strides = array<i32>} : memref<256xi32, #tpu.memory_space<vmem>>, vector<16xi32>,
    %get3A_671 = arith.constant 144 : index
    %get3A_672 = tpu.vector_load %arg7[%get3A_671] {strides = array<i32>} : memref<256xi32, #tpu.memory_space<vmem>>, vector<16xi32>,
    %get3A_673 = arith.constant 160 : index
    %get3A_674 = tpu.vector_load %arg7[%get3A_673] {strides = array<i32>} : memref<256xi32, #tpu.memory_space<vmem>>, vector<16xi32>,
    %get3A_675 = arith.constant 176 : index
    %get3A_676 = tpu.vector_load %arg7[%get3A_675] {strides = array<i32>} : memref<256xi32, #tpu.memory_space<vmem>>, vector<16xi32>,
    %get3A_677 = arith.constant 192 : index
    %get3A_678 = tpu.vector_load %arg7[%get3A_677] {strides = array<i32>} : memref<256xi32, #tpu.memory_space<vmem>>, vector<16xi32>,
    %get3A_679 = arith.constant 208 : index
    %get3A_680 = tpu.vector_load %arg7[%get3A_679] {strides = array<i32>} : memref<256xi32, #tpu.memory_space<vmem>>, vector<16xi32>,
    %get3A_681 = arith.constant 224 : index
    %get3A_682 = tpu.vector_load %arg7[%get3A_681] {strides = array<i32>} : memref<256xi32, #tpu.memory_space<vmem>>, vector<16xi32>,
    %get3A_683 = arith.constant 240 : index
    %get3A_684 = tpu.vector_load %arg7[%get3A_683] {strides = array<i32>} : memref<256xi32, #tpu.memory_space<vmem>>, vector<16xi32>,
    %add3A_685 = arith.addi %get3A_654, %get3A_656 : vector<16xi32>
    %add3A_686 = arith.addi %get3A_658, %get3A_660 : vector<16xi32>
    %add3A_687 = arith.addi %get3A_662, %get3A_664 : vector<16xi32>
    %add3A_688 = arith.addi %get3A_666, %get3A_668 : vector<16xi32>
    %add3A_689 = arith.addi %get3A_670, %get3A_672 : vector<16xi32>
    %add3A_690 = arith.addi %get3A_674, %get3A_676 : vector<16xi32>
    %add3A_691 = arith.addi %get3A_678, %get3A_680 : vector<16xi32>
    %add3A_692 = arith.addi %get3A_682, %get3A_684 : vector<16xi32>
    %add3A_693 = arith.addi %add3A_685, %add3A_686 : vector<16xi32>
    %add3A_694 = arith.addi %add3A_687, %add3A_688 : vector<16xi32>
    %add3A_695 = arith.addi %add3A_689, %add3A_690 : vector<16xi32>
    %add3A_696 = arith.addi %add3A_691, %add3A_692 : vector<16xi32>
    %add3A_697 = arith.addi %add3A_693, %add3A_694 : vector<16xi32>
    %add3A_698 = arith.addi %add3A_695, %add3A_696 : vector<16xi32>
    %add3A_699 = arith.addi %add3A_697, %add3A_698 : vector<16xi32>
    %rev3A_700 = arith.constant 15 : i32
    %rev3A_701 = vector.broadcast %rev3A_700 : i32 to vector<16xi32>
    %rev3A_702 = tpu.iota {dimensions = array<i32: 0>} : vector<16xi32>
    %rev3A_703 = arith.subi %rev3A_701, %rev3A_702 : vector<16xi32>
    %rev3A_704 = tpu.dynamic_gather %add3A_699[%rev3A_703] in [0] : vector<16xi32>, vector<16xi32> -> vector<16xi32>
    %broadcast_in_dim3A_705 = arith.constant true
    %broadcast_in_dim3A_706 = vector.broadcast %broadcast_in_dim3A_705 : i1 to vector<16xi1>
    %masked_cumsum3A_707 = tpu.scan <sum>, %rev3A_704 masked %broadcast_in_dim3A_706 : vector<16xi32>, vector<16xi1> -> vector<16xi32>
    %rev3A_708 = arith.constant 15 : i32
    %rev3A_709 = vector.broadcast %rev3A_708 : i32 to vector<16xi32>
    %rev3A_710 = tpu.iota {dimensions = array<i32: 0>} : vector<16xi32>
    %rev3A_711 = arith.subi %rev3A_709, %rev3A_710 : vector<16xi32>
    %rev3A_712 = tpu.dynamic_gather %masked_cumsum3A_707[%rev3A_711] in [0] : vector<16xi32>, vector<16xi32> -> vector<16xi32>
    %ge3A_713 = vector.broadcast %reduce_max3A_579 : i32 to vector<16xi32>
    %ge3A_714 = arith.cmpi sge, %rev3A_712, %ge3A_713 : vector<16xi32>
    %jit3A_715 = arith.constant -1 : i32
    %broadcast_in_dim3A_716 = vector.broadcast %jit3A_715 : i32 to vector<16xi32>
    %select_n3A_717 = arith.select %ge3A_714, %iota3A, %broadcast_in_dim3A_716 : vector<16xi1>, vector<16xi32>
    %reduce_max3A_718 = arith.constant true
    %reduce_max3A_719 = vector.broadcast %reduce_max3A_718 : i1 to vector<16xi1>
    %reduce_max3A_720 = arith.constant -2147483648 : i32
    %reduce_max3A_721 = vector.broadcast %reduce_max3A_720 : i32 to vector<16xi32>
    %reduce_max3A_722 = arith.xori %select_n3A_717, %reduce_max3A_721 : vector<16xi32>
    %reduce_max3A_723 = tpu.scan <max>, %reduce_max3A_722 masked %reduce_max3A_719 : vector<16xi32>, vector<16xi1> -> vector<16xi32>
    %reduce_max3A_724 = arith.xori %reduce_max3A_723, %reduce_max3A_721 : vector<16xi32>
    %reduce_max3A_725 = vector.extract %reduce_max3A_724[15] : i32 from vector<16xi32>
    %sub3A_726 = arith.subi %rev3A_712, %add3A_699 : vector<16xi32>
    %sub3A_727 = vector.broadcast %reduce_max3A_579 : i32 to vector<16xi32>
    %sub3A_728 = arith.subi %sub3A_727, %sub3A_726 : vector<16xi32>
    %jit3A_729 = arith.constant -2147483648 : i32
    %broadcast_in_dim3A_730 = vector.broadcast %jit3A_729 : i32 to vector<16xi32>
    %select_n3A_731 = arith.select %ge3A_714, %sub3A_728, %broadcast_in_dim3A_730 : vector<16xi1>, vector<16xi32>
    %reduce_max3A_732 = arith.constant true
    %reduce_max3A_733 = vector.broadcast %reduce_max3A_732 : i1 to vector<16xi1>
    %reduce_max3A_734 = arith.constant -2147483648 : i32
    %reduce_max3A_735 = vector.broadcast %reduce_max3A_734 : i32 to vector<16xi32>
    %reduce_max3A_736 = arith.xori %select_n3A_731, %reduce_max3A_735 : vector<16xi32>
    %reduce_max3A_737 = tpu.scan <max>, %reduce_max3A_736 masked %reduce_max3A_733 : vector<16xi32>, vector<16xi1> -> vector<16xi32>
    %reduce_max3A_738 = arith.xori %reduce_max3A_737, %reduce_max3A_735 : vector<16xi32>
    %reduce_max3A_739 = vector.extract %reduce_max3A_738[15] : i32 from vector<16xi32>
    %shift_left3A_740 = arith.constant 12 : i32
    %shift_left3A_741 = arith.shli %reduce_max3A_725, %shift_left3A_740 : i32
    %or3A_742 = arith.ori %or3A_582, %shift_left3A_741 : i32
    %swap3A_743 = arith.constant 0 : index
    %swap3A_744 = tpu.vector_load %arg7[%swap3A_743] {strides = array<i32>} : memref<256xi32, #tpu.memory_space<vmem>>, vector<16xi32>,
    tpu.vector_store %arg7[%swap3A_743], %broadcast_in_dim3A_26 {strides = array<i32>} : memref<256xi32, #tpu.memory_space<vmem>>, vector<16xi32>,
    %swap3A_745 = arith.constant 16 : index
    %swap3A_746 = tpu.vector_load %arg7[%swap3A_745] {strides = array<i32>} : memref<256xi32, #tpu.memory_space<vmem>>, vector<16xi32>,
    tpu.vector_store %arg7[%swap3A_745], %broadcast_in_dim3A_26 {strides = array<i32>} : memref<256xi32, #tpu.memory_space<vmem>>, vector<16xi32>,
    %swap3A_747 = arith.constant 32 : index
    %swap3A_748 = tpu.vector_load %arg7[%swap3A_747] {strides = array<i32>} : memref<256xi32, #tpu.memory_space<vmem>>, vector<16xi32>,
    tpu.vector_store %arg7[%swap3A_747], %broadcast_in_dim3A_26 {strides = array<i32>} : memref<256xi32, #tpu.memory_space<vmem>>, vector<16xi32>,
    %swap3A_749 = arith.constant 48 : index
    %swap3A_750 = tpu.vector_load %arg7[%swap3A_749] {strides = array<i32>} : memref<256xi32, #tpu.memory_space<vmem>>, vector<16xi32>,
    tpu.vector_store %arg7[%swap3A_749], %broadcast_in_dim3A_26 {strides = array<i32>} : memref<256xi32, #tpu.memory_space<vmem>>, vector<16xi32>,
    %swap3A_751 = arith.constant 64 : index
    %swap3A_752 = tpu.vector_load %arg7[%swap3A_751] {strides = array<i32>} : memref<256xi32, #tpu.memory_space<vmem>>, vector<16xi32>,
    tpu.vector_store %arg7[%swap3A_751], %broadcast_in_dim3A_26 {strides = array<i32>} : memref<256xi32, #tpu.memory_space<vmem>>, vector<16xi32>,
    %swap3A_753 = arith.constant 80 : index
    %swap3A_754 = tpu.vector_load %arg7[%swap3A_753] {strides = array<i32>} : memref<256xi32, #tpu.memory_space<vmem>>, vector<16xi32>,
    tpu.vector_store %arg7[%swap3A_753], %broadcast_in_dim3A_26 {strides = array<i32>} : memref<256xi32, #tpu.memory_space<vmem>>, vector<16xi32>,
    %swap3A_755 = arith.constant 96 : index
    %swap3A_756 = tpu.vector_load %arg7[%swap3A_755] {strides = array<i32>} : memref<256xi32, #tpu.memory_space<vmem>>, vector<16xi32>,
    tpu.vector_store %arg7[%swap3A_755], %broadcast_in_dim3A_26 {strides = array<i32>} : memref<256xi32, #tpu.memory_space<vmem>>, vector<16xi32>,
    %swap3A_757 = arith.constant 112 : index
    %swap3A_758 = tpu.vector_load %arg7[%swap3A_757] {strides = array<i32>} : memref<256xi32, #tpu.memory_space<vmem>>, vector<16xi32>,
    tpu.vector_store %arg7[%swap3A_757], %broadcast_in_dim3A_26 {strides = array<i32>} : memref<256xi32, #tpu.memory_space<vmem>>, vector<16xi32>,
    %swap3A_759 = arith.constant 128 : index
    %swap3A_760 = tpu.vector_load %arg7[%swap3A_759] {strides = array<i32>} : memref<256xi32, #tpu.memory_space<vmem>>, vector<16xi32>,
    tpu.vector_store %arg7[%swap3A_759], %broadcast_in_dim3A_26 {strides = array<i32>} : memref<256xi32, #tpu.memory_space<vmem>>, vector<16xi32>,
    %swap3A_761 = arith.constant 144 : index
    %swap3A_762 = tpu.vector_load %arg7[%swap3A_761] {strides = array<i32>} : memref<256xi32, #tpu.memory_space<vmem>>, vector<16xi32>,
    tpu.vector_store %arg7[%swap3A_761], %broadcast_in_dim3A_26 {strides = array<i32>} : memref<256xi32, #tpu.memory_space<vmem>>, vector<16xi32>,
    %swap3A_763 = arith.constant 160 : index
    %swap3A_764 = tpu.vector_load %arg7[%swap3A_763] {strides = array<i32>} : memref<256xi32, #tpu.memory_space<vmem>>, vector<16xi32>,
    tpu.vector_store %arg7[%swap3A_763], %broadcast_in_dim3A_26 {strides = array<i32>} : memref<256xi32, #tpu.memory_space<vmem>>, vector<16xi32>,
    %swap3A_765 = arith.constant 176 : index
    %swap3A_766 = tpu.vector_load %arg7[%swap3A_765] {strides = array<i32>} : memref<256xi32, #tpu.memory_space<vmem>>, vector<16xi32>,
    tpu.vector_store %arg7[%swap3A_765], %broadcast_in_dim3A_26 {strides = array<i32>} : memref<256xi32, #tpu.memory_space<vmem>>, vector<16xi32>,
    %swap3A_767 = arith.constant 192 : index
    %swap3A_768 = tpu.vector_load %arg7[%swap3A_767] {strides = array<i32>} : memref<256xi32, #tpu.memory_space<vmem>>, vector<16xi32>,
    tpu.vector_store %arg7[%swap3A_767], %broadcast_in_dim3A_26 {strides = array<i32>} : memref<256xi32, #tpu.memory_space<vmem>>, vector<16xi32>,
    %swap3A_769 = arith.constant 208 : index
    %swap3A_770 = tpu.vector_load %arg7[%swap3A_769] {strides = array<i32>} : memref<256xi32, #tpu.memory_space<vmem>>, vector<16xi32>,
    tpu.vector_store %arg7[%swap3A_769], %broadcast_in_dim3A_26 {strides = array<i32>} : memref<256xi32, #tpu.memory_space<vmem>>, vector<16xi32>,
    %swap3A_771 = arith.constant 224 : index
    %swap3A_772 = tpu.vector_load %arg7[%swap3A_771] {strides = array<i32>} : memref<256xi32, #tpu.memory_space<vmem>>, vector<16xi32>,
    tpu.vector_store %arg7[%swap3A_771], %broadcast_in_dim3A_26 {strides = array<i32>} : memref<256xi32, #tpu.memory_space<vmem>>, vector<16xi32>,
    %swap3A_773 = arith.constant 240 : index
    %swap3A_774 = tpu.vector_load %arg7[%swap3A_773] {strides = array<i32>} : memref<256xi32, #tpu.memory_space<vmem>>, vector<16xi32>,
    tpu.vector_store %arg7[%swap3A_773], %broadcast_in_dim3A_26 {strides = array<i32>} : memref<256xi32, #tpu.memory_space<vmem>>, vector<16xi32>,
    %add3A_775 = arith.constant 15 : i32
    %add3A_776 = arith.addi %while3A_652, %add3A_775 : i32
    %jit3A_777 = arith.constant 16 : i32
    %div3A_778 = arith.divsi %add3A_776, %jit3A_777 : i32
    %sign3A_779 = arith.constant 0 : i32
    %sign3A_780 = arith.cmpi sgt, %add3A_776, %sign3A_779 : i32
    %sign3A_781 = arith.extui %sign3A_780 : i1 to i32
    %sign3A_782 = arith.constant 0 : i32
    %sign3A_783 = arith.cmpi slt, %add3A_776, %sign3A_782 : i32
    %sign3A_784 = arith.extui %sign3A_783 : i1 to i32
    %sign3A_785 = arith.subi %sign3A_781, %sign3A_784 : i32
    %sign3A_786 = arith.constant 0 : i32
    %sign3A_787 = arith.cmpi sgt, %jit3A_777, %sign3A_786 : i32
    %sign3A_788 = arith.extui %sign3A_787 : i1 to i32
    %sign3A_789 = arith.constant 0 : i32
    %sign3A_790 = arith.cmpi slt, %jit3A_777, %sign3A_789 : i32
    %sign3A_791 = arith.extui %sign3A_790 : i1 to i32
    %sign3A_792 = arith.subi %sign3A_788, %sign3A_791 : i32
    %ne3A_793 = arith.cmpi ne, %sign3A_785, %sign3A_792 : i32
    %rem3A_794 = arith.remsi %add3A_776, %jit3A_777 : i32
    %ne3A_795 = arith.constant 0 : i32
    %ne3A_796 = arith.cmpi ne, %rem3A_794, %ne3A_795 : i32
    %and3A_797 = arith.andi %ne3A_793, %ne3A_796 : i1
    %sub3A_798 = arith.constant 1 : i32
    %sub3A_799 = arith.subi %div3A_778, %sub3A_798 : i32
    %select_n3A_800 = arith.select %and3A_797, %sub3A_799, %div3A_778 : i32
    %while3A_801 = arith.constant 0 : i32
    %while3A_802 = arith.constant 0 : i32
    %while3A_803 = arith.subi %select_n3A_800, %while3A_801 : i32
    %while3A_804 = arith.addi %while3A_801, %while3A_803 : i32
    %while3A_805 = arith.constant 1 : i32
    %while3A_806 = arith.divsi %while3A_803, %while3A_805 : i32
    %while3A_807 = arith.muli %while3A_806, %while3A_805 : i32
    %while3A_808 = arith.addi %while3A_801, %while3A_807 : i32
    %while3A_809 = arith.constant 1 : i32
    %while3A_810 = scf.for %while3A_2527 = %while3A_801 to %while3A_808 step %while3A_809 iter_args(%while3A_2528 = %while3A_802) -> (i32)  : i32 {
      %mul3A_2529 = arith.constant 16 : i32
      %mul3A_2530 = arith.muli %while3A_2527, %mul3A_2529 : i32
      %get3A_2531 = arith.index_cast %mul3A_2530 : i32 to index
      %get3A_2532 = tpu.vector_load %arg6[%get3A_2531] {strides = array<i32>} : memref<32768xi32, #tpu.memory_space<vmem>>, vector<16xi32>,
      %shift_right_logical3A = arith.constant 12 : i32
      %shift_right_logical3A_2533 = vector.broadcast %shift_right_logical3A : i32 to vector<16xi32>
      %shift_right_logical3A_2534 = arith.shrui %get3A_2532, %shift_right_logical3A_2533 : vector<16xi32>
      %and3A_2535 = arith.constant 15 : i32
      %and3A_2536 = vector.broadcast %and3A_2535 : i32 to vector<16xi32>
      %and3A_2537 = arith.andi %shift_right_logical3A_2534, %and3A_2536 : vector<16xi32>
      %eq3A_2538 = vector.broadcast %reduce_max3A_725 : i32 to vector<16xi32>
      %eq3A_2539 = arith.cmpi eq, %and3A_2537, %eq3A_2538 : vector<16xi32>
      %mul3A_2540 = arith.constant 16 : i32
      %mul3A_2541 = arith.muli %while3A_2527, %mul3A_2540 : i32
      %add3A_2542 = vector.broadcast %mul3A_2541 : i32 to vector<16xi32>
      %add3A_2543 = arith.addi %add3A_2542, %iota3A : vector<16xi32>
      %lt3A = vector.broadcast %while3A_652 : i32 to vector<16xi32>
      %lt3A_2544 = arith.cmpi slt, %add3A_2543, %lt3A : vector<16xi32>
      %and3A_2545 = arith.andi %eq3A_2539, %lt3A_2544 : vector<16xi1>
      %swap3A_2546 = arith.index_cast %while3A_2528 : i32 to index
      %swap3A_2547 = tpu.vector_load %arg6[%swap3A_2546] masked %and3A_2545 {strides = array<i32>} : memref<32768xi32, #tpu.memory_space<vmem>>, vector<16xi32>, vector<16xi1>
      tpu.vector_store %arg6[%swap3A_2546], %get3A_2532 masked %and3A_2545 {strides = array<i32>} : memref<32768xi32, #tpu.memory_space<vmem>>, vector<16xi32>, vector<16xi1>
      %shift_right_logical3A_2548 = arith.constant 8 : i32
      %shift_right_logical3A_2549 = vector.broadcast %shift_right_logical3A_2548 : i32 to vector<16xi32>
      %shift_right_logical3A_2550 = arith.shrui %get3A_2532, %shift_right_logical3A_2549 : vector<16xi32>
      %and3A_2551 = arith.constant 15 : i32
      %and3A_2552 = vector.broadcast %and3A_2551 : i32 to vector<16xi32>
      %and3A_2553 = arith.andi %shift_right_logical3A_2550, %and3A_2552 : vector<16xi32>
      %bitcast_convert_type3A_2554 = tpu.bitcast %and3A_2553 : vector<16xi32> -> vector<16xi32>
      %add3A_2555 = arith.addi %mul3A_23, %bitcast_convert_type3A_2554 : vector<16xi32>
      tpu.vector_store_idx %arg7[%add3A_2555], %broadcast_in_dim3A_24 masked %and3A_2545 {add = true} : memref<256xi32, #tpu.memory_space<vmem>>[vector<16xi32>], vector<16xi32>, vector<16xi1>
      %all_reduce_population_count3A = tpu.all_reduce %and3A_2545 {dim = 0 : i64, kind = #tpu.reduction_kind<sum>} : vector<16xi1> -> vector<16xi32>
      %slice3A = vector.extract_strided_slice %all_reduce_population_count3A {offsets = [0], sizes = [1], strides = [1]} : vector<16xi32> to vector<1xi32>
      %squeeze3A = vector.extract %slice3A[0] : i32 from vector<1xi32>
      %add3A_2556 = arith.addi %while3A_2528, %squeeze3A : i32
      scf.yield %add3A_2556 : i32
    }
    %while3A_811 = arith.constant 1 : i32
    %while3A_812 = scf.for %while3A_2527 = %while3A_808 to %while3A_804 step %while3A_811 iter_args(%while3A_2528 = %while3A_810) -> (i32)  : i32 {
      %mul3A_2529 = arith.constant 16 : i32
      %mul3A_2530 = arith.muli %while3A_2527, %mul3A_2529 : i32
      %get3A_2531 = arith.index_cast %mul3A_2530 : i32 to index
      %get3A_2532 = tpu.vector_load %arg6[%get3A_2531] {strides = array<i32>} : memref<32768xi32, #tpu.memory_space<vmem>>, vector<16xi32>,
      %shift_right_logical3A = arith.constant 12 : i32
      %shift_right_logical3A_2533 = vector.broadcast %shift_right_logical3A : i32 to vector<16xi32>
      %shift_right_logical3A_2534 = arith.shrui %get3A_2532, %shift_right_logical3A_2533 : vector<16xi32>
      %and3A_2535 = arith.constant 15 : i32
      %and3A_2536 = vector.broadcast %and3A_2535 : i32 to vector<16xi32>
      %and3A_2537 = arith.andi %shift_right_logical3A_2534, %and3A_2536 : vector<16xi32>
      %eq3A_2538 = vector.broadcast %reduce_max3A_725 : i32 to vector<16xi32>
      %eq3A_2539 = arith.cmpi eq, %and3A_2537, %eq3A_2538 : vector<16xi32>
      %mul3A_2540 = arith.constant 16 : i32
      %mul3A_2541 = arith.muli %while3A_2527, %mul3A_2540 : i32
      %add3A_2542 = vector.broadcast %mul3A_2541 : i32 to vector<16xi32>
      %add3A_2543 = arith.addi %add3A_2542, %iota3A : vector<16xi32>
      %lt3A = vector.broadcast %while3A_652 : i32 to vector<16xi32>
      %lt3A_2544 = arith.cmpi slt, %add3A_2543, %lt3A : vector<16xi32>
      %and3A_2545 = arith.andi %eq3A_2539, %lt3A_2544 : vector<16xi1>
      %swap3A_2546 = arith.index_cast %while3A_2528 : i32 to index
      %swap3A_2547 = tpu.vector_load %arg6[%swap3A_2546] masked %and3A_2545 {strides = array<i32>} : memref<32768xi32, #tpu.memory_space<vmem>>, vector<16xi32>, vector<16xi1>
      tpu.vector_store %arg6[%swap3A_2546], %get3A_2532 masked %and3A_2545 {strides = array<i32>} : memref<32768xi32, #tpu.memory_space<vmem>>, vector<16xi32>, vector<16xi1>
      %shift_right_logical3A_2548 = arith.constant 8 : i32
      %shift_right_logical3A_2549 = vector.broadcast %shift_right_logical3A_2548 : i32 to vector<16xi32>
      %shift_right_logical3A_2550 = arith.shrui %get3A_2532, %shift_right_logical3A_2549 : vector<16xi32>
      %and3A_2551 = arith.constant 15 : i32
      %and3A_2552 = vector.broadcast %and3A_2551 : i32 to vector<16xi32>
      %and3A_2553 = arith.andi %shift_right_logical3A_2550, %and3A_2552 : vector<16xi32>
      %bitcast_convert_type3A_2554 = tpu.bitcast %and3A_2553 : vector<16xi32> -> vector<16xi32>
      %add3A_2555 = arith.addi %mul3A_23, %bitcast_convert_type3A_2554 : vector<16xi32>
      tpu.vector_store_idx %arg7[%add3A_2555], %broadcast_in_dim3A_24 masked %and3A_2545 {add = true} : memref<256xi32, #tpu.memory_space<vmem>>[vector<16xi32>], vector<16xi32>, vector<16xi1>
      %all_reduce_population_count3A = tpu.all_reduce %and3A_2545 {dim = 0 : i64, kind = #tpu.reduction_kind<sum>} : vector<16xi1> -> vector<16xi32>
      %slice3A = vector.extract_strided_slice %all_reduce_population_count3A {offsets = [0], sizes = [1], strides = [1]} : vector<16xi32> to vector<1xi32>
      %squeeze3A = vector.extract %slice3A[0] : i32 from vector<1xi32>
      %add3A_2556 = arith.addi %while3A_2528, %squeeze3A : i32
      scf.yield %add3A_2556 : i32
    }
    %get3A_813 = arith.constant 0 : index
    %get3A_814 = tpu.vector_load %arg7[%get3A_813] {strides = array<i32>} : memref<256xi32, #tpu.memory_space<vmem>>, vector<16xi32>,
    %get3A_815 = arith.constant 16 : index
    %get3A_816 = tpu.vector_load %arg7[%get3A_815] {strides = array<i32>} : memref<256xi32, #tpu.memory_space<vmem>>, vector<16xi32>,
    %get3A_817 = arith.constant 32 : index
    %get3A_818 = tpu.vector_load %arg7[%get3A_817] {strides = array<i32>} : memref<256xi32, #tpu.memory_space<vmem>>, vector<16xi32>,
    %get3A_819 = arith.constant 48 : index
    %get3A_820 = tpu.vector_load %arg7[%get3A_819] {strides = array<i32>} : memref<256xi32, #tpu.memory_space<vmem>>, vector<16xi32>,
    %get3A_821 = arith.constant 64 : index
    %get3A_822 = tpu.vector_load %arg7[%get3A_821] {strides = array<i32>} : memref<256xi32, #tpu.memory_space<vmem>>, vector<16xi32>,
    %get3A_823 = arith.constant 80 : index
    %get3A_824 = tpu.vector_load %arg7[%get3A_823] {strides = array<i32>} : memref<256xi32, #tpu.memory_space<vmem>>, vector<16xi32>,
    %get3A_825 = arith.constant 96 : index
    %get3A_826 = tpu.vector_load %arg7[%get3A_825] {strides = array<i32>} : memref<256xi32, #tpu.memory_space<vmem>>, vector<16xi32>,
    %get3A_827 = arith.constant 112 : index
    %get3A_828 = tpu.vector_load %arg7[%get3A_827] {strides = array<i32>} : memref<256xi32, #tpu.memory_space<vmem>>, vector<16xi32>,
    %get3A_829 = arith.constant 128 : index
    %get3A_830 = tpu.vector_load %arg7[%get3A_829] {strides = array<i32>} : memref<256xi32, #tpu.memory_space<vmem>>, vector<16xi32>,
    %get3A_831 = arith.constant 144 : index
    %get3A_832 = tpu.vector_load %arg7[%get3A_831] {strides = array<i32>} : memref<256xi32, #tpu.memory_space<vmem>>, vector<16xi32>,
    %get3A_833 = arith.constant 160 : index
    %get3A_834 = tpu.vector_load %arg7[%get3A_833] {strides = array<i32>} : memref<256xi32, #tpu.memory_space<vmem>>, vector<16xi32>,
    %get3A_835 = arith.constant 176 : index
    %get3A_836 = tpu.vector_load %arg7[%get3A_835] {strides = array<i32>} : memref<256xi32, #tpu.memory_space<vmem>>, vector<16xi32>,
    %get3A_837 = arith.constant 192 : index
    %get3A_838 = tpu.vector_load %arg7[%get3A_837] {strides = array<i32>} : memref<256xi32, #tpu.memory_space<vmem>>, vector<16xi32>,
    %get3A_839 = arith.constant 208 : index
    %get3A_840 = tpu.vector_load %arg7[%get3A_839] {strides = array<i32>} : memref<256xi32, #tpu.memory_space<vmem>>, vector<16xi32>,
    %get3A_841 = arith.constant 224 : index
    %get3A_842 = tpu.vector_load %arg7[%get3A_841] {strides = array<i32>} : memref<256xi32, #tpu.memory_space<vmem>>, vector<16xi32>,
    %get3A_843 = arith.constant 240 : index
    %get3A_844 = tpu.vector_load %arg7[%get3A_843] {strides = array<i32>} : memref<256xi32, #tpu.memory_space<vmem>>, vector<16xi32>,
    %add3A_845 = arith.addi %get3A_814, %get3A_816 : vector<16xi32>
    %add3A_846 = arith.addi %get3A_818, %get3A_820 : vector<16xi32>
    %add3A_847 = arith.addi %get3A_822, %get3A_824 : vector<16xi32>
    %add3A_848 = arith.addi %get3A_826, %get3A_828 : vector<16xi32>
    %add3A_849 = arith.addi %get3A_830, %get3A_832 : vector<16xi32>
    %add3A_850 = arith.addi %get3A_834, %get3A_836 : vector<16xi32>
    %add3A_851 = arith.addi %get3A_838, %get3A_840 : vector<16xi32>
    %add3A_852 = arith.addi %get3A_842, %get3A_844 : vector<16xi32>
    %add3A_853 = arith.addi %add3A_845, %add3A_846 : vector<16xi32>
    %add3A_854 = arith.addi %add3A_847, %add3A_848 : vector<16xi32>
    %add3A_855 = arith.addi %add3A_849, %add3A_850 : vector<16xi32>
    %add3A_856 = arith.addi %add3A_851, %add3A_852 : vector<16xi32>
    %add3A_857 = arith.addi %add3A_853, %add3A_854 : vector<16xi32>
    %add3A_858 = arith.addi %add3A_855, %add3A_856 : vector<16xi32>
    %add3A_859 = arith.addi %add3A_857, %add3A_858 : vector<16xi32>
    %rev3A_860 = arith.constant 15 : i32
    %rev3A_861 = vector.broadcast %rev3A_860 : i32 to vector<16xi32>
    %rev3A_862 = tpu.iota {dimensions = array<i32: 0>} : vector<16xi32>
    %rev3A_863 = arith.subi %rev3A_861, %rev3A_862 : vector<16xi32>
    %rev3A_864 = tpu.dynamic_gather %add3A_859[%rev3A_863] in [0] : vector<16xi32>, vector<16xi32> -> vector<16xi32>
    %broadcast_in_dim3A_865 = arith.constant true
    %broadcast_in_dim3A_866 = vector.broadcast %broadcast_in_dim3A_865 : i1 to vector<16xi1>
    %masked_cumsum3A_867 = tpu.scan <sum>, %rev3A_864 masked %broadcast_in_dim3A_866 : vector<16xi32>, vector<16xi1> -> vector<16xi32>
    %rev3A_868 = arith.constant 15 : i32
    %rev3A_869 = vector.broadcast %rev3A_868 : i32 to vector<16xi32>
    %rev3A_870 = tpu.iota {dimensions = array<i32: 0>} : vector<16xi32>
    %rev3A_871 = arith.subi %rev3A_869, %rev3A_870 : vector<16xi32>
    %rev3A_872 = tpu.dynamic_gather %masked_cumsum3A_867[%rev3A_871] in [0] : vector<16xi32>, vector<16xi32> -> vector<16xi32>
    %ge3A_873 = vector.broadcast %reduce_max3A_739 : i32 to vector<16xi32>
    %ge3A_874 = arith.cmpi sge, %rev3A_872, %ge3A_873 : vector<16xi32>
    %jit3A_875 = arith.constant -1 : i32
    %broadcast_in_dim3A_876 = vector.broadcast %jit3A_875 : i32 to vector<16xi32>
    %select_n3A_877 = arith.select %ge3A_874, %iota3A, %broadcast_in_dim3A_876 : vector<16xi1>, vector<16xi32>
    %reduce_max3A_878 = arith.constant true
    %reduce_max3A_879 = vector.broadcast %reduce_max3A_878 : i1 to vector<16xi1>
    %reduce_max3A_880 = arith.constant -2147483648 : i32
    %reduce_max3A_881 = vector.broadcast %reduce_max3A_880 : i32 to vector<16xi32>
    %reduce_max3A_882 = arith.xori %select_n3A_877, %reduce_max3A_881 : vector<16xi32>
    %reduce_max3A_883 = tpu.scan <max>, %reduce_max3A_882 masked %reduce_max3A_879 : vector<16xi32>, vector<16xi1> -> vector<16xi32>
    %reduce_max3A_884 = arith.xori %reduce_max3A_883, %reduce_max3A_881 : vector<16xi32>
    %reduce_max3A_885 = vector.extract %reduce_max3A_884[15] : i32 from vector<16xi32>
    %sub3A_886 = arith.subi %rev3A_872, %add3A_859 : vector<16xi32>
    %sub3A_887 = vector.broadcast %reduce_max3A_739 : i32 to vector<16xi32>
    %sub3A_888 = arith.subi %sub3A_887, %sub3A_886 : vector<16xi32>
    %jit3A_889 = arith.constant -2147483648 : i32
    %broadcast_in_dim3A_890 = vector.broadcast %jit3A_889 : i32 to vector<16xi32>
    %select_n3A_891 = arith.select %ge3A_874, %sub3A_888, %broadcast_in_dim3A_890 : vector<16xi1>, vector<16xi32>
    %reduce_max3A_892 = arith.constant true
    %reduce_max3A_893 = vector.broadcast %reduce_max3A_892 : i1 to vector<16xi1>
    %reduce_max3A_894 = arith.constant -2147483648 : i32
    %reduce_max3A_895 = vector.broadcast %reduce_max3A_894 : i32 to vector<16xi32>
    %reduce_max3A_896 = arith.xori %select_n3A_891, %reduce_max3A_895 : vector<16xi32>
    %reduce_max3A_897 = tpu.scan <max>, %reduce_max3A_896 masked %reduce_max3A_893 : vector<16xi32>, vector<16xi1> -> vector<16xi32>
    %reduce_max3A_898 = arith.xori %reduce_max3A_897, %reduce_max3A_895 : vector<16xi32>
    %reduce_max3A_899 = vector.extract %reduce_max3A_898[15] : i32 from vector<16xi32>
    %shift_left3A_900 = arith.constant 8 : i32
    %shift_left3A_901 = arith.shli %reduce_max3A_885, %shift_left3A_900 : i32
    %or3A_902 = arith.ori %or3A_742, %shift_left3A_901 : i32
    %swap3A_903 = arith.constant 0 : index
    %swap3A_904 = tpu.vector_load %arg7[%swap3A_903] {strides = array<i32>} : memref<256xi32, #tpu.memory_space<vmem>>, vector<16xi32>,
    tpu.vector_store %arg7[%swap3A_903], %broadcast_in_dim3A_26 {strides = array<i32>} : memref<256xi32, #tpu.memory_space<vmem>>, vector<16xi32>,
    %swap3A_905 = arith.constant 16 : index
    %swap3A_906 = tpu.vector_load %arg7[%swap3A_905] {strides = array<i32>} : memref<256xi32, #tpu.memory_space<vmem>>, vector<16xi32>,
    tpu.vector_store %arg7[%swap3A_905], %broadcast_in_dim3A_26 {strides = array<i32>} : memref<256xi32, #tpu.memory_space<vmem>>, vector<16xi32>,
    %swap3A_907 = arith.constant 32 : index
    %swap3A_908 = tpu.vector_load %arg7[%swap3A_907] {strides = array<i32>} : memref<256xi32, #tpu.memory_space<vmem>>, vector<16xi32>,
    tpu.vector_store %arg7[%swap3A_907], %broadcast_in_dim3A_26 {strides = array<i32>} : memref<256xi32, #tpu.memory_space<vmem>>, vector<16xi32>,
    %swap3A_909 = arith.constant 48 : index
    %swap3A_910 = tpu.vector_load %arg7[%swap3A_909] {strides = array<i32>} : memref<256xi32, #tpu.memory_space<vmem>>, vector<16xi32>,
    tpu.vector_store %arg7[%swap3A_909], %broadcast_in_dim3A_26 {strides = array<i32>} : memref<256xi32, #tpu.memory_space<vmem>>, vector<16xi32>,
    %swap3A_911 = arith.constant 64 : index
    %swap3A_912 = tpu.vector_load %arg7[%swap3A_911] {strides = array<i32>} : memref<256xi32, #tpu.memory_space<vmem>>, vector<16xi32>,
    tpu.vector_store %arg7[%swap3A_911], %broadcast_in_dim3A_26 {strides = array<i32>} : memref<256xi32, #tpu.memory_space<vmem>>, vector<16xi32>,
    %swap3A_913 = arith.constant 80 : index
    %swap3A_914 = tpu.vector_load %arg7[%swap3A_913] {strides = array<i32>} : memref<256xi32, #tpu.memory_space<vmem>>, vector<16xi32>,
    tpu.vector_store %arg7[%swap3A_913], %broadcast_in_dim3A_26 {strides = array<i32>} : memref<256xi32, #tpu.memory_space<vmem>>, vector<16xi32>,
    %swap3A_915 = arith.constant 96 : index
    %swap3A_916 = tpu.vector_load %arg7[%swap3A_915] {strides = array<i32>} : memref<256xi32, #tpu.memory_space<vmem>>, vector<16xi32>,
    tpu.vector_store %arg7[%swap3A_915], %broadcast_in_dim3A_26 {strides = array<i32>} : memref<256xi32, #tpu.memory_space<vmem>>, vector<16xi32>,
    %swap3A_917 = arith.constant 112 : index
    %swap3A_918 = tpu.vector_load %arg7[%swap3A_917] {strides = array<i32>} : memref<256xi32, #tpu.memory_space<vmem>>, vector<16xi32>,
    tpu.vector_store %arg7[%swap3A_917], %broadcast_in_dim3A_26 {strides = array<i32>} : memref<256xi32, #tpu.memory_space<vmem>>, vector<16xi32>,
    %swap3A_919 = arith.constant 128 : index
    %swap3A_920 = tpu.vector_load %arg7[%swap3A_919] {strides = array<i32>} : memref<256xi32, #tpu.memory_space<vmem>>, vector<16xi32>,
    tpu.vector_store %arg7[%swap3A_919], %broadcast_in_dim3A_26 {strides = array<i32>} : memref<256xi32, #tpu.memory_space<vmem>>, vector<16xi32>,
    %swap3A_921 = arith.constant 144 : index
    %swap3A_922 = tpu.vector_load %arg7[%swap3A_921] {strides = array<i32>} : memref<256xi32, #tpu.memory_space<vmem>>, vector<16xi32>,
    tpu.vector_store %arg7[%swap3A_921], %broadcast_in_dim3A_26 {strides = array<i32>} : memref<256xi32, #tpu.memory_space<vmem>>, vector<16xi32>,
    %swap3A_923 = arith.constant 160 : index
    %swap3A_924 = tpu.vector_load %arg7[%swap3A_923] {strides = array<i32>} : memref<256xi32, #tpu.memory_space<vmem>>, vector<16xi32>,
    tpu.vector_store %arg7[%swap3A_923], %broadcast_in_dim3A_26 {strides = array<i32>} : memref<256xi32, #tpu.memory_space<vmem>>, vector<16xi32>,
    %swap3A_925 = arith.constant 176 : index
    %swap3A_926 = tpu.vector_load %arg7[%swap3A_925] {strides = array<i32>} : memref<256xi32, #tpu.memory_space<vmem>>, vector<16xi32>,
    tpu.vector_store %arg7[%swap3A_925], %broadcast_in_dim3A_26 {strides = array<i32>} : memref<256xi32, #tpu.memory_space<vmem>>, vector<16xi32>,
    %swap3A_927 = arith.constant 192 : index
    %swap3A_928 = tpu.vector_load %arg7[%swap3A_927] {strides = array<i32>} : memref<256xi32, #tpu.memory_space<vmem>>, vector<16xi32>,
    tpu.vector_store %arg7[%swap3A_927], %broadcast_in_dim3A_26 {strides = array<i32>} : memref<256xi32, #tpu.memory_space<vmem>>, vector<16xi32>,
    %swap3A_929 = arith.constant 208 : index
    %swap3A_930 = tpu.vector_load %arg7[%swap3A_929] {strides = array<i32>} : memref<256xi32, #tpu.memory_space<vmem>>, vector<16xi32>,
    tpu.vector_store %arg7[%swap3A_929], %broadcast_in_dim3A_26 {strides = array<i32>} : memref<256xi32, #tpu.memory_space<vmem>>, vector<16xi32>,
    %swap3A_931 = arith.constant 224 : index
    %swap3A_932 = tpu.vector_load %arg7[%swap3A_931] {strides = array<i32>} : memref<256xi32, #tpu.memory_space<vmem>>, vector<16xi32>,
    tpu.vector_store %arg7[%swap3A_931], %broadcast_in_dim3A_26 {strides = array<i32>} : memref<256xi32, #tpu.memory_space<vmem>>, vector<16xi32>,
    %swap3A_933 = arith.constant 240 : index
    %swap3A_934 = tpu.vector_load %arg7[%swap3A_933] {strides = array<i32>} : memref<256xi32, #tpu.memory_space<vmem>>, vector<16xi32>,
    tpu.vector_store %arg7[%swap3A_933], %broadcast_in_dim3A_26 {strides = array<i32>} : memref<256xi32, #tpu.memory_space<vmem>>, vector<16xi32>,
    %add3A_935 = arith.constant 15 : i32
    %add3A_936 = arith.addi %while3A_812, %add3A_935 : i32
    %jit3A_937 = arith.constant 16 : i32
    %div3A_938 = arith.divsi %add3A_936, %jit3A_937 : i32
    %sign3A_939 = arith.constant 0 : i32
    %sign3A_940 = arith.cmpi sgt, %add3A_936, %sign3A_939 : i32
    %sign3A_941 = arith.extui %sign3A_940 : i1 to i32
    %sign3A_942 = arith.constant 0 : i32
    %sign3A_943 = arith.cmpi slt, %add3A_936, %sign3A_942 : i32
    %sign3A_944 = arith.extui %sign3A_943 : i1 to i32
    %sign3A_945 = arith.subi %sign3A_941, %sign3A_944 : i32
    %sign3A_946 = arith.constant 0 : i32
    %sign3A_947 = arith.cmpi sgt, %jit3A_937, %sign3A_946 : i32
    %sign3A_948 = arith.extui %sign3A_947 : i1 to i32
    %sign3A_949 = arith.constant 0 : i32
    %sign3A_950 = arith.cmpi slt, %jit3A_937, %sign3A_949 : i32
    %sign3A_951 = arith.extui %sign3A_950 : i1 to i32
    %sign3A_952 = arith.subi %sign3A_948, %sign3A_951 : i32
    %ne3A_953 = arith.cmpi ne, %sign3A_945, %sign3A_952 : i32
    %rem3A_954 = arith.remsi %add3A_936, %jit3A_937 : i32
    %ne3A_955 = arith.constant 0 : i32
    %ne3A_956 = arith.cmpi ne, %rem3A_954, %ne3A_955 : i32
    %and3A_957 = arith.andi %ne3A_953, %ne3A_956 : i1
    %sub3A_958 = arith.constant 1 : i32
    %sub3A_959 = arith.subi %div3A_938, %sub3A_958 : i32
    %select_n3A_960 = arith.select %and3A_957, %sub3A_959, %div3A_938 : i32
    %while3A_961 = arith.constant 0 : i32
    %while3A_962 = arith.constant 0 : i32
    %while3A_963 = arith.subi %select_n3A_960, %while3A_961 : i32
    %while3A_964 = arith.addi %while3A_961, %while3A_963 : i32
    %while3A_965 = arith.constant 1 : i32
    %while3A_966 = arith.divsi %while3A_963, %while3A_965 : i32
    %while3A_967 = arith.muli %while3A_966, %while3A_965 : i32
    %while3A_968 = arith.addi %while3A_961, %while3A_967 : i32
    %while3A_969 = arith.constant 1 : i32
    %while3A_970 = scf.for %while3A_2527 = %while3A_961 to %while3A_968 step %while3A_969 iter_args(%while3A_2528 = %while3A_962) -> (i32)  : i32 {
      %mul3A_2529 = arith.constant 16 : i32
      %mul3A_2530 = arith.muli %while3A_2527, %mul3A_2529 : i32
      %get3A_2531 = arith.index_cast %mul3A_2530 : i32 to index
      %get3A_2532 = tpu.vector_load %arg6[%get3A_2531] {strides = array<i32>} : memref<32768xi32, #tpu.memory_space<vmem>>, vector<16xi32>,
      %shift_right_logical3A = arith.constant 8 : i32
      %shift_right_logical3A_2533 = vector.broadcast %shift_right_logical3A : i32 to vector<16xi32>
      %shift_right_logical3A_2534 = arith.shrui %get3A_2532, %shift_right_logical3A_2533 : vector<16xi32>
      %and3A_2535 = arith.constant 15 : i32
      %and3A_2536 = vector.broadcast %and3A_2535 : i32 to vector<16xi32>
      %and3A_2537 = arith.andi %shift_right_logical3A_2534, %and3A_2536 : vector<16xi32>
      %eq3A_2538 = vector.broadcast %reduce_max3A_885 : i32 to vector<16xi32>
      %eq3A_2539 = arith.cmpi eq, %and3A_2537, %eq3A_2538 : vector<16xi32>
      %mul3A_2540 = arith.constant 16 : i32
      %mul3A_2541 = arith.muli %while3A_2527, %mul3A_2540 : i32
      %add3A_2542 = vector.broadcast %mul3A_2541 : i32 to vector<16xi32>
      %add3A_2543 = arith.addi %add3A_2542, %iota3A : vector<16xi32>
      %lt3A = vector.broadcast %while3A_812 : i32 to vector<16xi32>
      %lt3A_2544 = arith.cmpi slt, %add3A_2543, %lt3A : vector<16xi32>
      %and3A_2545 = arith.andi %eq3A_2539, %lt3A_2544 : vector<16xi1>
      %swap3A_2546 = arith.index_cast %while3A_2528 : i32 to index
      %swap3A_2547 = tpu.vector_load %arg6[%swap3A_2546] masked %and3A_2545 {strides = array<i32>} : memref<32768xi32, #tpu.memory_space<vmem>>, vector<16xi32>, vector<16xi1>
      tpu.vector_store %arg6[%swap3A_2546], %get3A_2532 masked %and3A_2545 {strides = array<i32>} : memref<32768xi32, #tpu.memory_space<vmem>>, vector<16xi32>, vector<16xi1>
      %shift_right_logical3A_2548 = arith.constant 4 : i32
      %shift_right_logical3A_2549 = vector.broadcast %shift_right_logical3A_2548 : i32 to vector<16xi32>
      %shift_right_logical3A_2550 = arith.shrui %get3A_2532, %shift_right_logical3A_2549 : vector<16xi32>
      %and3A_2551 = arith.constant 15 : i32
      %and3A_2552 = vector.broadcast %and3A_2551 : i32 to vector<16xi32>
      %and3A_2553 = arith.andi %shift_right_logical3A_2550, %and3A_2552 : vector<16xi32>
      %bitcast_convert_type3A_2554 = tpu.bitcast %and3A_2553 : vector<16xi32> -> vector<16xi32>
      %add3A_2555 = arith.addi %mul3A_23, %bitcast_convert_type3A_2554 : vector<16xi32>
      tpu.vector_store_idx %arg7[%add3A_2555], %broadcast_in_dim3A_24 masked %and3A_2545 {add = true} : memref<256xi32, #tpu.memory_space<vmem>>[vector<16xi32>], vector<16xi32>, vector<16xi1>
      %all_reduce_population_count3A = tpu.all_reduce %and3A_2545 {dim = 0 : i64, kind = #tpu.reduction_kind<sum>} : vector<16xi1> -> vector<16xi32>
      %slice3A = vector.extract_strided_slice %all_reduce_population_count3A {offsets = [0], sizes = [1], strides = [1]} : vector<16xi32> to vector<1xi32>
      %squeeze3A = vector.extract %slice3A[0] : i32 from vector<1xi32>
      %add3A_2556 = arith.addi %while3A_2528, %squeeze3A : i32
      scf.yield %add3A_2556 : i32
    }
    %while3A_971 = arith.constant 1 : i32
    %while3A_972 = scf.for %while3A_2527 = %while3A_968 to %while3A_964 step %while3A_971 iter_args(%while3A_2528 = %while3A_970) -> (i32)  : i32 {
      %mul3A_2529 = arith.constant 16 : i32
      %mul3A_2530 = arith.muli %while3A_2527, %mul3A_2529 : i32
      %get3A_2531 = arith.index_cast %mul3A_2530 : i32 to index
      %get3A_2532 = tpu.vector_load %arg6[%get3A_2531] {strides = array<i32>} : memref<32768xi32, #tpu.memory_space<vmem>>, vector<16xi32>,
      %shift_right_logical3A = arith.constant 8 : i32
      %shift_right_logical3A_2533 = vector.broadcast %shift_right_logical3A : i32 to vector<16xi32>
      %shift_right_logical3A_2534 = arith.shrui %get3A_2532, %shift_right_logical3A_2533 : vector<16xi32>
      %and3A_2535 = arith.constant 15 : i32
      %and3A_2536 = vector.broadcast %and3A_2535 : i32 to vector<16xi32>
      %and3A_2537 = arith.andi %shift_right_logical3A_2534, %and3A_2536 : vector<16xi32>
      %eq3A_2538 = vector.broadcast %reduce_max3A_885 : i32 to vector<16xi32>
      %eq3A_2539 = arith.cmpi eq, %and3A_2537, %eq3A_2538 : vector<16xi32>
      %mul3A_2540 = arith.constant 16 : i32
      %mul3A_2541 = arith.muli %while3A_2527, %mul3A_2540 : i32
      %add3A_2542 = vector.broadcast %mul3A_2541 : i32 to vector<16xi32>
      %add3A_2543 = arith.addi %add3A_2542, %iota3A : vector<16xi32>
      %lt3A = vector.broadcast %while3A_812 : i32 to vector<16xi32>
      %lt3A_2544 = arith.cmpi slt, %add3A_2543, %lt3A : vector<16xi32>
      %and3A_2545 = arith.andi %eq3A_2539, %lt3A_2544 : vector<16xi1>
      %swap3A_2546 = arith.index_cast %while3A_2528 : i32 to index
      %swap3A_2547 = tpu.vector_load %arg6[%swap3A_2546] masked %and3A_2545 {strides = array<i32>} : memref<32768xi32, #tpu.memory_space<vmem>>, vector<16xi32>, vector<16xi1>
      tpu.vector_store %arg6[%swap3A_2546], %get3A_2532 masked %and3A_2545 {strides = array<i32>} : memref<32768xi32, #tpu.memory_space<vmem>>, vector<16xi32>, vector<16xi1>
      %shift_right_logical3A_2548 = arith.constant 4 : i32
      %shift_right_logical3A_2549 = vector.broadcast %shift_right_logical3A_2548 : i32 to vector<16xi32>
      %shift_right_logical3A_2550 = arith.shrui %get3A_2532, %shift_right_logical3A_2549 : vector<16xi32>
      %and3A_2551 = arith.constant 15 : i32
      %and3A_2552 = vector.broadcast %and3A_2551 : i32 to vector<16xi32>
      %and3A_2553 = arith.andi %shift_right_logical3A_2550, %and3A_2552 : vector<16xi32>
      %bitcast_convert_type3A_2554 = tpu.bitcast %and3A_2553 : vector<16xi32> -> vector<16xi32>
      %add3A_2555 = arith.addi %mul3A_23, %bitcast_convert_type3A_2554 : vector<16xi32>
      tpu.vector_store_idx %arg7[%add3A_2555], %broadcast_in_dim3A_24 masked %and3A_2545 {add = true} : memref<256xi32, #tpu.memory_space<vmem>>[vector<16xi32>], vector<16xi32>, vector<16xi1>
      %all_reduce_population_count3A = tpu.all_reduce %and3A_2545 {dim = 0 : i64, kind = #tpu.reduction_kind<sum>} : vector<16xi1> -> vector<16xi32>
      %slice3A = vector.extract_strided_slice %all_reduce_population_count3A {offsets = [0], sizes = [1], strides = [1]} : vector<16xi32> to vector<1xi32>
      %squeeze3A = vector.extract %slice3A[0] : i32 from vector<1xi32>
      %add3A_2556 = arith.addi %while3A_2528, %squeeze3A : i32
      scf.yield %add3A_2556 : i32
    }
    %get3A_973 = arith.constant 0 : index
    %get3A_974 = tpu.vector_load %arg7[%get3A_973] {strides = array<i32>} : memref<256xi32, #tpu.memory_space<vmem>>, vector<16xi32>,
    %get3A_975 = arith.constant 16 : index
    %get3A_976 = tpu.vector_load %arg7[%get3A_975] {strides = array<i32>} : memref<256xi32, #tpu.memory_space<vmem>>, vector<16xi32>,
    %get3A_977 = arith.constant 32 : index
    %get3A_978 = tpu.vector_load %arg7[%get3A_977] {strides = array<i32>} : memref<256xi32, #tpu.memory_space<vmem>>, vector<16xi32>,
    %get3A_979 = arith.constant 48 : index
    %get3A_980 = tpu.vector_load %arg7[%get3A_979] {strides = array<i32>} : memref<256xi32, #tpu.memory_space<vmem>>, vector<16xi32>,
    %get3A_981 = arith.constant 64 : index
    %get3A_982 = tpu.vector_load %arg7[%get3A_981] {strides = array<i32>} : memref<256xi32, #tpu.memory_space<vmem>>, vector<16xi32>,
    %get3A_983 = arith.constant 80 : index
    %get3A_984 = tpu.vector_load %arg7[%get3A_983] {strides = array<i32>} : memref<256xi32, #tpu.memory_space<vmem>>, vector<16xi32>,
    %get3A_985 = arith.constant 96 : index
    %get3A_986 = tpu.vector_load %arg7[%get3A_985] {strides = array<i32>} : memref<256xi32, #tpu.memory_space<vmem>>, vector<16xi32>,
    %get3A_987 = arith.constant 112 : index
    %get3A_988 = tpu.vector_load %arg7[%get3A_987] {strides = array<i32>} : memref<256xi32, #tpu.memory_space<vmem>>, vector<16xi32>,
    %get3A_989 = arith.constant 128 : index
    %get3A_990 = tpu.vector_load %arg7[%get3A_989] {strides = array<i32>} : memref<256xi32, #tpu.memory_space<vmem>>, vector<16xi32>,
    %get3A_991 = arith.constant 144 : index
    %get3A_992 = tpu.vector_load %arg7[%get3A_991] {strides = array<i32>} : memref<256xi32, #tpu.memory_space<vmem>>, vector<16xi32>,
    %get3A_993 = arith.constant 160 : index
    %get3A_994 = tpu.vector_load %arg7[%get3A_993] {strides = array<i32>} : memref<256xi32, #tpu.memory_space<vmem>>, vector<16xi32>,
    %get3A_995 = arith.constant 176 : index
    %get3A_996 = tpu.vector_load %arg7[%get3A_995] {strides = array<i32>} : memref<256xi32, #tpu.memory_space<vmem>>, vector<16xi32>,
    %get3A_997 = arith.constant 192 : index
    %get3A_998 = tpu.vector_load %arg7[%get3A_997] {strides = array<i32>} : memref<256xi32, #tpu.memory_space<vmem>>, vector<16xi32>,
    %get3A_999 = arith.constant 208 : index
    %get3A_1000 = tpu.vector_load %arg7[%get3A_999] {strides = array<i32>} : memref<256xi32, #tpu.memory_space<vmem>>, vector<16xi32>,
    %get3A_1001 = arith.constant 224 : index
    %get3A_1002 = tpu.vector_load %arg7[%get3A_1001] {strides = array<i32>} : memref<256xi32, #tpu.memory_space<vmem>>, vector<16xi32>,
    %get3A_1003 = arith.constant 240 : index
    %get3A_1004 = tpu.vector_load %arg7[%get3A_1003] {strides = array<i32>} : memref<256xi32, #tpu.memory_space<vmem>>, vector<16xi32>,
    %add3A_1005 = arith.addi %get3A_974, %get3A_976 : vector<16xi32>
    %add3A_1006 = arith.addi %get3A_978, %get3A_980 : vector<16xi32>
    %add3A_1007 = arith.addi %get3A_982, %get3A_984 : vector<16xi32>
    %add3A_1008 = arith.addi %get3A_986, %get3A_988 : vector<16xi32>
    %add3A_1009 = arith.addi %get3A_990, %get3A_992 : vector<16xi32>
    %add3A_1010 = arith.addi %get3A_994, %get3A_996 : vector<16xi32>
    %add3A_1011 = arith.addi %get3A_998, %get3A_1000 : vector<16xi32>
    %add3A_1012 = arith.addi %get3A_1002, %get3A_1004 : vector<16xi32>
    %add3A_1013 = arith.addi %add3A_1005, %add3A_1006 : vector<16xi32>
    %add3A_1014 = arith.addi %add3A_1007, %add3A_1008 : vector<16xi32>
    %add3A_1015 = arith.addi %add3A_1009, %add3A_1010 : vector<16xi32>
    %add3A_1016 = arith.addi %add3A_1011, %add3A_1012 : vector<16xi32>
    %add3A_1017 = arith.addi %add3A_1013, %add3A_1014 : vector<16xi32>
    %add3A_1018 = arith.addi %add3A_1015, %add3A_1016 : vector<16xi32>
    %add3A_1019 = arith.addi %add3A_1017, %add3A_1018 : vector<16xi32>
    %rev3A_1020 = arith.constant 15 : i32
    %rev3A_1021 = vector.broadcast %rev3A_1020 : i32 to vector<16xi32>
    %rev3A_1022 = tpu.iota {dimensions = array<i32: 0>} : vector<16xi32>
    %rev3A_1023 = arith.subi %rev3A_1021, %rev3A_1022 : vector<16xi32>
    %rev3A_1024 = tpu.dynamic_gather %add3A_1019[%rev3A_1023] in [0] : vector<16xi32>, vector<16xi32> -> vector<16xi32>
    %broadcast_in_dim3A_1025 = arith.constant true
    %broadcast_in_dim3A_1026 = vector.broadcast %broadcast_in_dim3A_1025 : i1 to vector<16xi1>
    %masked_cumsum3A_1027 = tpu.scan <sum>, %rev3A_1024 masked %broadcast_in_dim3A_1026 : vector<16xi32>, vector<16xi1> -> vector<16xi32>
    %rev3A_1028 = arith.constant 15 : i32
    %rev3A_1029 = vector.broadcast %rev3A_1028 : i32 to vector<16xi32>
    %rev3A_1030 = tpu.iota {dimensions = array<i32: 0>} : vector<16xi32>
    %rev3A_1031 = arith.subi %rev3A_1029, %rev3A_1030 : vector<16xi32>
    %rev3A_1032 = tpu.dynamic_gather %masked_cumsum3A_1027[%rev3A_1031] in [0] : vector<16xi32>, vector<16xi32> -> vector<16xi32>
    %ge3A_1033 = vector.broadcast %reduce_max3A_899 : i32 to vector<16xi32>
    %ge3A_1034 = arith.cmpi sge, %rev3A_1032, %ge3A_1033 : vector<16xi32>
    %jit3A_1035 = arith.constant -1 : i32
    %broadcast_in_dim3A_1036 = vector.broadcast %jit3A_1035 : i32 to vector<16xi32>
    %select_n3A_1037 = arith.select %ge3A_1034, %iota3A, %broadcast_in_dim3A_1036 : vector<16xi1>, vector<16xi32>
    %reduce_max3A_1038 = arith.constant true
    %reduce_max3A_1039 = vector.broadcast %reduce_max3A_1038 : i1 to vector<16xi1>
    %reduce_max3A_1040 = arith.constant -2147483648 : i32
    %reduce_max3A_1041 = vector.broadcast %reduce_max3A_1040 : i32 to vector<16xi32>
    %reduce_max3A_1042 = arith.xori %select_n3A_1037, %reduce_max3A_1041 : vector<16xi32>
    %reduce_max3A_1043 = tpu.scan <max>, %reduce_max3A_1042 masked %reduce_max3A_1039 : vector<16xi32>, vector<16xi1> -> vector<16xi32>
    %reduce_max3A_1044 = arith.xori %reduce_max3A_1043, %reduce_max3A_1041 : vector<16xi32>
    %reduce_max3A_1045 = vector.extract %reduce_max3A_1044[15] : i32 from vector<16xi32>
    %sub3A_1046 = arith.subi %rev3A_1032, %add3A_1019 : vector<16xi32>
    %sub3A_1047 = vector.broadcast %reduce_max3A_899 : i32 to vector<16xi32>
    %sub3A_1048 = arith.subi %sub3A_1047, %sub3A_1046 : vector<16xi32>
    %jit3A_1049 = arith.constant -2147483648 : i32
    %broadcast_in_dim3A_1050 = vector.broadcast %jit3A_1049 : i32 to vector<16xi32>
    %select_n3A_1051 = arith.select %ge3A_1034, %sub3A_1048, %broadcast_in_dim3A_1050 : vector<16xi1>, vector<16xi32>
    %reduce_max3A_1052 = arith.constant true
    %reduce_max3A_1053 = vector.broadcast %reduce_max3A_1052 : i1 to vector<16xi1>
    %reduce_max3A_1054 = arith.constant -2147483648 : i32
    %reduce_max3A_1055 = vector.broadcast %reduce_max3A_1054 : i32 to vector<16xi32>
    %reduce_max3A_1056 = arith.xori %select_n3A_1051, %reduce_max3A_1055 : vector<16xi32>
    %reduce_max3A_1057 = tpu.scan <max>, %reduce_max3A_1056 masked %reduce_max3A_1053 : vector<16xi32>, vector<16xi1> -> vector<16xi32>
    %reduce_max3A_1058 = arith.xori %reduce_max3A_1057, %reduce_max3A_1055 : vector<16xi32>
    %reduce_max3A_1059 = vector.extract %reduce_max3A_1058[15] : i32 from vector<16xi32>
    %shift_left3A_1060 = arith.constant 4 : i32
    %shift_left3A_1061 = arith.shli %reduce_max3A_1045, %shift_left3A_1060 : i32
    %or3A_1062 = arith.ori %or3A_902, %shift_left3A_1061 : i32
    %swap3A_1063 = arith.constant 0 : index
    %swap3A_1064 = tpu.vector_load %arg7[%swap3A_1063] {strides = array<i32>} : memref<256xi32, #tpu.memory_space<vmem>>, vector<16xi32>,
    tpu.vector_store %arg7[%swap3A_1063], %broadcast_in_dim3A_26 {strides = array<i32>} : memref<256xi32, #tpu.memory_space<vmem>>, vector<16xi32>,
    %swap3A_1065 = arith.constant 16 : index
    %swap3A_1066 = tpu.vector_load %arg7[%swap3A_1065] {strides = array<i32>} : memref<256xi32, #tpu.memory_space<vmem>>, vector<16xi32>,
    tpu.vector_store %arg7[%swap3A_1065], %broadcast_in_dim3A_26 {strides = array<i32>} : memref<256xi32, #tpu.memory_space<vmem>>, vector<16xi32>,
    %swap3A_1067 = arith.constant 32 : index
    %swap3A_1068 = tpu.vector_load %arg7[%swap3A_1067] {strides = array<i32>} : memref<256xi32, #tpu.memory_space<vmem>>, vector<16xi32>,
    tpu.vector_store %arg7[%swap3A_1067], %broadcast_in_dim3A_26 {strides = array<i32>} : memref<256xi32, #tpu.memory_space<vmem>>, vector<16xi32>,
    %swap3A_1069 = arith.constant 48 : index
    %swap3A_1070 = tpu.vector_load %arg7[%swap3A_1069] {strides = array<i32>} : memref<256xi32, #tpu.memory_space<vmem>>, vector<16xi32>,
    tpu.vector_store %arg7[%swap3A_1069], %broadcast_in_dim3A_26 {strides = array<i32>} : memref<256xi32, #tpu.memory_space<vmem>>, vector<16xi32>,
    %swap3A_1071 = arith.constant 64 : index
    %swap3A_1072 = tpu.vector_load %arg7[%swap3A_1071] {strides = array<i32>} : memref<256xi32, #tpu.memory_space<vmem>>, vector<16xi32>,
    tpu.vector_store %arg7[%swap3A_1071], %broadcast_in_dim3A_26 {strides = array<i32>} : memref<256xi32, #tpu.memory_space<vmem>>, vector<16xi32>,
    %swap3A_1073 = arith.constant 80 : index
    %swap3A_1074 = tpu.vector_load %arg7[%swap3A_1073] {strides = array<i32>} : memref<256xi32, #tpu.memory_space<vmem>>, vector<16xi32>,
    tpu.vector_store %arg7[%swap3A_1073], %broadcast_in_dim3A_26 {strides = array<i32>} : memref<256xi32, #tpu.memory_space<vmem>>, vector<16xi32>,
    %swap3A_1075 = arith.constant 96 : index
    %swap3A_1076 = tpu.vector_load %arg7[%swap3A_1075] {strides = array<i32>} : memref<256xi32, #tpu.memory_space<vmem>>, vector<16xi32>,
    tpu.vector_store %arg7[%swap3A_1075], %broadcast_in_dim3A_26 {strides = array<i32>} : memref<256xi32, #tpu.memory_space<vmem>>, vector<16xi32>,
    %swap3A_1077 = arith.constant 112 : index
    %swap3A_1078 = tpu.vector_load %arg7[%swap3A_1077] {strides = array<i32>} : memref<256xi32, #tpu.memory_space<vmem>>, vector<16xi32>,
    tpu.vector_store %arg7[%swap3A_1077], %broadcast_in_dim3A_26 {strides = array<i32>} : memref<256xi32, #tpu.memory_space<vmem>>, vector<16xi32>,
    %swap3A_1079 = arith.constant 128 : index
    %swap3A_1080 = tpu.vector_load %arg7[%swap3A_1079] {strides = array<i32>} : memref<256xi32, #tpu.memory_space<vmem>>, vector<16xi32>,
    tpu.vector_store %arg7[%swap3A_1079], %broadcast_in_dim3A_26 {strides = array<i32>} : memref<256xi32, #tpu.memory_space<vmem>>, vector<16xi32>,
    %swap3A_1081 = arith.constant 144 : index
    %swap3A_1082 = tpu.vector_load %arg7[%swap3A_1081] {strides = array<i32>} : memref<256xi32, #tpu.memory_space<vmem>>, vector<16xi32>,
    tpu.vector_store %arg7[%swap3A_1081], %broadcast_in_dim3A_26 {strides = array<i32>} : memref<256xi32, #tpu.memory_space<vmem>>, vector<16xi32>,
    %swap3A_1083 = arith.constant 160 : index
    %swap3A_1084 = tpu.vector_load %arg7[%swap3A_1083] {strides = array<i32>} : memref<256xi32, #tpu.memory_space<vmem>>, vector<16xi32>,
    tpu.vector_store %arg7[%swap3A_1083], %broadcast_in_dim3A_26 {strides = array<i32>} : memref<256xi32, #tpu.memory_space<vmem>>, vector<16xi32>,
    %swap3A_1085 = arith.constant 176 : index
    %swap3A_1086 = tpu.vector_load %arg7[%swap3A_1085] {strides = array<i32>} : memref<256xi32, #tpu.memory_space<vmem>>, vector<16xi32>,
    tpu.vector_store %arg7[%swap3A_1085], %broadcast_in_dim3A_26 {strides = array<i32>} : memref<256xi32, #tpu.memory_space<vmem>>, vector<16xi32>,
    %swap3A_1087 = arith.constant 192 : index
    %swap3A_1088 = tpu.vector_load %arg7[%swap3A_1087] {strides = array<i32>} : memref<256xi32, #tpu.memory_space<vmem>>, vector<16xi32>,
    tpu.vector_store %arg7[%swap3A_1087], %broadcast_in_dim3A_26 {strides = array<i32>} : memref<256xi32, #tpu.memory_space<vmem>>, vector<16xi32>,
    %swap3A_1089 = arith.constant 208 : index
    %swap3A_1090 = tpu.vector_load %arg7[%swap3A_1089] {strides = array<i32>} : memref<256xi32, #tpu.memory_space<vmem>>, vector<16xi32>,
    tpu.vector_store %arg7[%swap3A_1089], %broadcast_in_dim3A_26 {strides = array<i32>} : memref<256xi32, #tpu.memory_space<vmem>>, vector<16xi32>,
    %swap3A_1091 = arith.constant 224 : index
    %swap3A_1092 = tpu.vector_load %arg7[%swap3A_1091] {strides = array<i32>} : memref<256xi32, #tpu.memory_space<vmem>>, vector<16xi32>,
    tpu.vector_store %arg7[%swap3A_1091], %broadcast_in_dim3A_26 {strides = array<i32>} : memref<256xi32, #tpu.memory_space<vmem>>, vector<16xi32>,
    %swap3A_1093 = arith.constant 240 : index
    %swap3A_1094 = tpu.vector_load %arg7[%swap3A_1093] {strides = array<i32>} : memref<256xi32, #tpu.memory_space<vmem>>, vector<16xi32>,
    tpu.vector_store %arg7[%swap3A_1093], %broadcast_in_dim3A_26 {strides = array<i32>} : memref<256xi32, #tpu.memory_space<vmem>>, vector<16xi32>,
    %add3A_1095 = arith.constant 15 : i32
    %add3A_1096 = arith.addi %while3A_972, %add3A_1095 : i32
    %jit3A_1097 = arith.constant 16 : i32
    %div3A_1098 = arith.divsi %add3A_1096, %jit3A_1097 : i32
    %sign3A_1099 = arith.constant 0 : i32
    %sign3A_1100 = arith.cmpi sgt, %add3A_1096, %sign3A_1099 : i32
    %sign3A_1101 = arith.extui %sign3A_1100 : i1 to i32
    %sign3A_1102 = arith.constant 0 : i32
    %sign3A_1103 = arith.cmpi slt, %add3A_1096, %sign3A_1102 : i32
    %sign3A_1104 = arith.extui %sign3A_1103 : i1 to i32
    %sign3A_1105 = arith.subi %sign3A_1101, %sign3A_1104 : i32
    %sign3A_1106 = arith.constant 0 : i32
    %sign3A_1107 = arith.cmpi sgt, %jit3A_1097, %sign3A_1106 : i32
    %sign3A_1108 = arith.extui %sign3A_1107 : i1 to i32
    %sign3A_1109 = arith.constant 0 : i32
    %sign3A_1110 = arith.cmpi slt, %jit3A_1097, %sign3A_1109 : i32
    %sign3A_1111 = arith.extui %sign3A_1110 : i1 to i32
    %sign3A_1112 = arith.subi %sign3A_1108, %sign3A_1111 : i32
    %ne3A_1113 = arith.cmpi ne, %sign3A_1105, %sign3A_1112 : i32
    %rem3A_1114 = arith.remsi %add3A_1096, %jit3A_1097 : i32
    %ne3A_1115 = arith.constant 0 : i32
    %ne3A_1116 = arith.cmpi ne, %rem3A_1114, %ne3A_1115 : i32
    %and3A_1117 = arith.andi %ne3A_1113, %ne3A_1116 : i1
    %sub3A_1118 = arith.constant 1 : i32
    %sub3A_1119 = arith.subi %div3A_1098, %sub3A_1118 : i32
    %select_n3A_1120 = arith.select %and3A_1117, %sub3A_1119, %div3A_1098 : i32
    %while3A_1121 = arith.constant 0 : i32
    %while3A_1122 = arith.constant 0 : i32
    %while3A_1123 = arith.subi %select_n3A_1120, %while3A_1121 : i32
    %while3A_1124 = arith.addi %while3A_1121, %while3A_1123 : i32
    %while3A_1125 = arith.constant 1 : i32
    %while3A_1126 = arith.divsi %while3A_1123, %while3A_1125 : i32
    %while3A_1127 = arith.muli %while3A_1126, %while3A_1125 : i32
    %while3A_1128 = arith.addi %while3A_1121, %while3A_1127 : i32
    %while3A_1129 = arith.constant 1 : i32
    %while3A_1130 = scf.for %while3A_2527 = %while3A_1121 to %while3A_1128 step %while3A_1129 iter_args(%while3A_2528 = %while3A_1122) -> (i32)  : i32 {
      %mul3A_2529 = arith.constant 16 : i32
      %mul3A_2530 = arith.muli %while3A_2527, %mul3A_2529 : i32
      %get3A_2531 = arith.index_cast %mul3A_2530 : i32 to index
      %get3A_2532 = tpu.vector_load %arg6[%get3A_2531] {strides = array<i32>} : memref<32768xi32, #tpu.memory_space<vmem>>, vector<16xi32>,
      %shift_right_logical3A = arith.constant 4 : i32
      %shift_right_logical3A_2533 = vector.broadcast %shift_right_logical3A : i32 to vector<16xi32>
      %shift_right_logical3A_2534 = arith.shrui %get3A_2532, %shift_right_logical3A_2533 : vector<16xi32>
      %and3A_2535 = arith.constant 15 : i32
      %and3A_2536 = vector.broadcast %and3A_2535 : i32 to vector<16xi32>
      %and3A_2537 = arith.andi %shift_right_logical3A_2534, %and3A_2536 : vector<16xi32>
      %eq3A_2538 = vector.broadcast %reduce_max3A_1045 : i32 to vector<16xi32>
      %eq3A_2539 = arith.cmpi eq, %and3A_2537, %eq3A_2538 : vector<16xi32>
      %mul3A_2540 = arith.constant 16 : i32
      %mul3A_2541 = arith.muli %while3A_2527, %mul3A_2540 : i32
      %add3A_2542 = vector.broadcast %mul3A_2541 : i32 to vector<16xi32>
      %add3A_2543 = arith.addi %add3A_2542, %iota3A : vector<16xi32>
      %lt3A = vector.broadcast %while3A_972 : i32 to vector<16xi32>
      %lt3A_2544 = arith.cmpi slt, %add3A_2543, %lt3A : vector<16xi32>
      %and3A_2545 = arith.andi %eq3A_2539, %lt3A_2544 : vector<16xi1>
      %swap3A_2546 = arith.index_cast %while3A_2528 : i32 to index
      %swap3A_2547 = tpu.vector_load %arg6[%swap3A_2546] masked %and3A_2545 {strides = array<i32>} : memref<32768xi32, #tpu.memory_space<vmem>>, vector<16xi32>, vector<16xi1>
      tpu.vector_store %arg6[%swap3A_2546], %get3A_2532 masked %and3A_2545 {strides = array<i32>} : memref<32768xi32, #tpu.memory_space<vmem>>, vector<16xi32>, vector<16xi1>
      %shift_right_logical3A_2548 = arith.constant 0 : i32
      %shift_right_logical3A_2549 = vector.broadcast %shift_right_logical3A_2548 : i32 to vector<16xi32>
      %shift_right_logical3A_2550 = arith.shrui %get3A_2532, %shift_right_logical3A_2549 : vector<16xi32>
      %and3A_2551 = arith.constant 15 : i32
      %and3A_2552 = vector.broadcast %and3A_2551 : i32 to vector<16xi32>
      %and3A_2553 = arith.andi %shift_right_logical3A_2550, %and3A_2552 : vector<16xi32>
      %bitcast_convert_type3A_2554 = tpu.bitcast %and3A_2553 : vector<16xi32> -> vector<16xi32>
      %add3A_2555 = arith.addi %mul3A_23, %bitcast_convert_type3A_2554 : vector<16xi32>
      tpu.vector_store_idx %arg7[%add3A_2555], %broadcast_in_dim3A_24 masked %and3A_2545 {add = true} : memref<256xi32, #tpu.memory_space<vmem>>[vector<16xi32>], vector<16xi32>, vector<16xi1>
      %all_reduce_population_count3A = tpu.all_reduce %and3A_2545 {dim = 0 : i64, kind = #tpu.reduction_kind<sum>} : vector<16xi1> -> vector<16xi32>
      %slice3A = vector.extract_strided_slice %all_reduce_population_count3A {offsets = [0], sizes = [1], strides = [1]} : vector<16xi32> to vector<1xi32>
      %squeeze3A = vector.extract %slice3A[0] : i32 from vector<1xi32>
      %add3A_2556 = arith.addi %while3A_2528, %squeeze3A : i32
      scf.yield %add3A_2556 : i32
    }
    %while3A_1131 = arith.constant 1 : i32
    %while3A_1132 = scf.for %while3A_2527 = %while3A_1128 to %while3A_1124 step %while3A_1131 iter_args(%while3A_2528 = %while3A_1130) -> (i32)  : i32 {
      %mul3A_2529 = arith.constant 16 : i32
      %mul3A_2530 = arith.muli %while3A_2527, %mul3A_2529 : i32
      %get3A_2531 = arith.index_cast %mul3A_2530 : i32 to index
      %get3A_2532 = tpu.vector_load %arg6[%get3A_2531] {strides = array<i32>} : memref<32768xi32, #tpu.memory_space<vmem>>, vector<16xi32>,
      %shift_right_logical3A = arith.constant 4 : i32
      %shift_right_logical3A_2533 = vector.broadcast %shift_right_logical3A : i32 to vector<16xi32>
      %shift_right_logical3A_2534 = arith.shrui %get3A_2532, %shift_right_logical3A_2533 : vector<16xi32>
      %and3A_2535 = arith.constant 15 : i32
      %and3A_2536 = vector.broadcast %and3A_2535 : i32 to vector<16xi32>
      %and3A_2537 = arith.andi %shift_right_logical3A_2534, %and3A_2536 : vector<16xi32>
      %eq3A_2538 = vector.broadcast %reduce_max3A_1045 : i32 to vector<16xi32>
      %eq3A_2539 = arith.cmpi eq, %and3A_2537, %eq3A_2538 : vector<16xi32>
      %mul3A_2540 = arith.constant 16 : i32
      %mul3A_2541 = arith.muli %while3A_2527, %mul3A_2540 : i32
      %add3A_2542 = vector.broadcast %mul3A_2541 : i32 to vector<16xi32>
      %add3A_2543 = arith.addi %add3A_2542, %iota3A : vector<16xi32>
      %lt3A = vector.broadcast %while3A_972 : i32 to vector<16xi32>
      %lt3A_2544 = arith.cmpi slt, %add3A_2543, %lt3A : vector<16xi32>
      %and3A_2545 = arith.andi %eq3A_2539, %lt3A_2544 : vector<16xi1>
      %swap3A_2546 = arith.index_cast %while3A_2528 : i32 to index
      %swap3A_2547 = tpu.vector_load %arg6[%swap3A_2546] masked %and3A_2545 {strides = array<i32>} : memref<32768xi32, #tpu.memory_space<vmem>>, vector<16xi32>, vector<16xi1>
      tpu.vector_store %arg6[%swap3A_2546], %get3A_2532 masked %and3A_2545 {strides = array<i32>} : memref<32768xi32, #tpu.memory_space<vmem>>, vector<16xi32>, vector<16xi1>
      %shift_right_logical3A_2548 = arith.constant 0 : i32
      %shift_right_logical3A_2549 = vector.broadcast %shift_right_logical3A_2548 : i32 to vector<16xi32>
      %shift_right_logical3A_2550 = arith.shrui %get3A_2532, %shift_right_logical3A_2549 : vector<16xi32>
      %and3A_2551 = arith.constant 15 : i32
      %and3A_2552 = vector.broadcast %and3A_2551 : i32 to vector<16xi32>
      %and3A_2553 = arith.andi %shift_right_logical3A_2550, %and3A_2552 : vector<16xi32>
      %bitcast_convert_type3A_2554 = tpu.bitcast %and3A_2553 : vector<16xi32> -> vector<16xi32>
      %add3A_2555 = arith.addi %mul3A_23, %bitcast_convert_type3A_2554 : vector<16xi32>
      tpu.vector_store_idx %arg7[%add3A_2555], %broadcast_in_dim3A_24 masked %and3A_2545 {add = true} : memref<256xi32, #tpu.memory_space<vmem>>[vector<16xi32>], vector<16xi32>, vector<16xi1>
      %all_reduce_population_count3A = tpu.all_reduce %and3A_2545 {dim = 0 : i64, kind = #tpu.reduction_kind<sum>} : vector<16xi1> -> vector<16xi32>
      %slice3A = vector.extract_strided_slice %all_reduce_population_count3A {offsets = [0], sizes = [1], strides = [1]} : vector<16xi32> to vector<1xi32>
      %squeeze3A = vector.extract %slice3A[0] : i32 from vector<1xi32>
      %add3A_2556 = arith.addi %while3A_2528, %squeeze3A : i32
      scf.yield %add3A_2556 : i32
    }
    %get3A_1133 = arith.constant 0 : index
    %get3A_1134 = tpu.vector_load %arg7[%get3A_1133] {strides = array<i32>} : memref<256xi32, #tpu.memory_space<vmem>>, vector<16xi32>,
    %get3A_1135 = arith.constant 16 : index
    %get3A_1136 = tpu.vector_load %arg7[%get3A_1135] {strides = array<i32>} : memref<256xi32, #tpu.memory_space<vmem>>, vector<16xi32>,
    %get3A_1137 = arith.constant 32 : index
    %get3A_1138 = tpu.vector_load %arg7[%get3A_1137] {strides = array<i32>} : memref<256xi32, #tpu.memory_space<vmem>>, vector<16xi32>,
    %get3A_1139 = arith.constant 48 : index
    %get3A_1140 = tpu.vector_load %arg7[%get3A_1139] {strides = array<i32>} : memref<256xi32, #tpu.memory_space<vmem>>, vector<16xi32>,
    %get3A_1141 = arith.constant 64 : index
    %get3A_1142 = tpu.vector_load %arg7[%get3A_1141] {strides = array<i32>} : memref<256xi32, #tpu.memory_space<vmem>>, vector<16xi32>,
    %get3A_1143 = arith.constant 80 : index
    %get3A_1144 = tpu.vector_load %arg7[%get3A_1143] {strides = array<i32>} : memref<256xi32, #tpu.memory_space<vmem>>, vector<16xi32>,
    %get3A_1145 = arith.constant 96 : index
    %get3A_1146 = tpu.vector_load %arg7[%get3A_1145] {strides = array<i32>} : memref<256xi32, #tpu.memory_space<vmem>>, vector<16xi32>,
    %get3A_1147 = arith.constant 112 : index
    %get3A_1148 = tpu.vector_load %arg7[%get3A_1147] {strides = array<i32>} : memref<256xi32, #tpu.memory_space<vmem>>, vector<16xi32>,
    %get3A_1149 = arith.constant 128 : index
    %get3A_1150 = tpu.vector_load %arg7[%get3A_1149] {strides = array<i32>} : memref<256xi32, #tpu.memory_space<vmem>>, vector<16xi32>,
    %get3A_1151 = arith.constant 144 : index
    %get3A_1152 = tpu.vector_load %arg7[%get3A_1151] {strides = array<i32>} : memref<256xi32, #tpu.memory_space<vmem>>, vector<16xi32>,
    %get3A_1153 = arith.constant 160 : index
    %get3A_1154 = tpu.vector_load %arg7[%get3A_1153] {strides = array<i32>} : memref<256xi32, #tpu.memory_space<vmem>>, vector<16xi32>,
    %get3A_1155 = arith.constant 176 : index
    %get3A_1156 = tpu.vector_load %arg7[%get3A_1155] {strides = array<i32>} : memref<256xi32, #tpu.memory_space<vmem>>, vector<16xi32>,
    %get3A_1157 = arith.constant 192 : index
    %get3A_1158 = tpu.vector_load %arg7[%get3A_1157] {strides = array<i32>} : memref<256xi32, #tpu.memory_space<vmem>>, vector<16xi32>,
    %get3A_1159 = arith.constant 208 : index
    %get3A_1160 = tpu.vector_load %arg7[%get3A_1159] {strides = array<i32>} : memref<256xi32, #tpu.memory_space<vmem>>, vector<16xi32>,
    %get3A_1161 = arith.constant 224 : index
    %get3A_1162 = tpu.vector_load %arg7[%get3A_1161] {strides = array<i32>} : memref<256xi32, #tpu.memory_space<vmem>>, vector<16xi32>,
    %get3A_1163 = arith.constant 240 : index
    %get3A_1164 = tpu.vector_load %arg7[%get3A_1163] {strides = array<i32>} : memref<256xi32, #tpu.memory_space<vmem>>, vector<16xi32>,
    %add3A_1165 = arith.addi %get3A_1134, %get3A_1136 : vector<16xi32>
    %add3A_1166 = arith.addi %get3A_1138, %get3A_1140 : vector<16xi32>
    %add3A_1167 = arith.addi %get3A_1142, %get3A_1144 : vector<16xi32>
    %add3A_1168 = arith.addi %get3A_1146, %get3A_1148 : vector<16xi32>
    %add3A_1169 = arith.addi %get3A_1150, %get3A_1152 : vector<16xi32>
    %add3A_1170 = arith.addi %get3A_1154, %get3A_1156 : vector<16xi32>
    %add3A_1171 = arith.addi %get3A_1158, %get3A_1160 : vector<16xi32>
    %add3A_1172 = arith.addi %get3A_1162, %get3A_1164 : vector<16xi32>
    %add3A_1173 = arith.addi %add3A_1165, %add3A_1166 : vector<16xi32>
    %add3A_1174 = arith.addi %add3A_1167, %add3A_1168 : vector<16xi32>
    %add3A_1175 = arith.addi %add3A_1169, %add3A_1170 : vector<16xi32>
    %add3A_1176 = arith.addi %add3A_1171, %add3A_1172 : vector<16xi32>
    %add3A_1177 = arith.addi %add3A_1173, %add3A_1174 : vector<16xi32>
    %add3A_1178 = arith.addi %add3A_1175, %add3A_1176 : vector<16xi32>
    %add3A_1179 = arith.addi %add3A_1177, %add3A_1178 : vector<16xi32>
    %rev3A_1180 = arith.constant 15 : i32
    %rev3A_1181 = vector.broadcast %rev3A_1180 : i32 to vector<16xi32>
    %rev3A_1182 = tpu.iota {dimensions = array<i32: 0>} : vector<16xi32>
    %rev3A_1183 = arith.subi %rev3A_1181, %rev3A_1182 : vector<16xi32>
    %rev3A_1184 = tpu.dynamic_gather %add3A_1179[%rev3A_1183] in [0] : vector<16xi32>, vector<16xi32> -> vector<16xi32>
    %broadcast_in_dim3A_1185 = arith.constant true
    %broadcast_in_dim3A_1186 = vector.broadcast %broadcast_in_dim3A_1185 : i1 to vector<16xi1>
    %masked_cumsum3A_1187 = tpu.scan <sum>, %rev3A_1184 masked %broadcast_in_dim3A_1186 : vector<16xi32>, vector<16xi1> -> vector<16xi32>
    %rev3A_1188 = arith.constant 15 : i32
    %rev3A_1189 = vector.broadcast %rev3A_1188 : i32 to vector<16xi32>
    %rev3A_1190 = tpu.iota {dimensions = array<i32: 0>} : vector<16xi32>
    %rev3A_1191 = arith.subi %rev3A_1189, %rev3A_1190 : vector<16xi32>
    %rev3A_1192 = tpu.dynamic_gather %masked_cumsum3A_1187[%rev3A_1191] in [0] : vector<16xi32>, vector<16xi32> -> vector<16xi32>
    %ge3A_1193 = vector.broadcast %reduce_max3A_1059 : i32 to vector<16xi32>
    %ge3A_1194 = arith.cmpi sge, %rev3A_1192, %ge3A_1193 : vector<16xi32>
    %jit3A_1195 = arith.constant -1 : i32
    %broadcast_in_dim3A_1196 = vector.broadcast %jit3A_1195 : i32 to vector<16xi32>
    %select_n3A_1197 = arith.select %ge3A_1194, %iota3A, %broadcast_in_dim3A_1196 : vector<16xi1>, vector<16xi32>
    %reduce_max3A_1198 = arith.constant true
    %reduce_max3A_1199 = vector.broadcast %reduce_max3A_1198 : i1 to vector<16xi1>
    %reduce_max3A_1200 = arith.constant -2147483648 : i32
    %reduce_max3A_1201 = vector.broadcast %reduce_max3A_1200 : i32 to vector<16xi32>
    %reduce_max3A_1202 = arith.xori %select_n3A_1197, %reduce_max3A_1201 : vector<16xi32>
    %reduce_max3A_1203 = tpu.scan <max>, %reduce_max3A_1202 masked %reduce_max3A_1199 : vector<16xi32>, vector<16xi1> -> vector<16xi32>
    %reduce_max3A_1204 = arith.xori %reduce_max3A_1203, %reduce_max3A_1201 : vector<16xi32>
    %reduce_max3A_1205 = vector.extract %reduce_max3A_1204[15] : i32 from vector<16xi32>
    %sub3A_1206 = arith.subi %rev3A_1192, %add3A_1179 : vector<16xi32>
    %sub3A_1207 = vector.broadcast %reduce_max3A_1059 : i32 to vector<16xi32>
    %sub3A_1208 = arith.subi %sub3A_1207, %sub3A_1206 : vector<16xi32>
    %jit3A_1209 = arith.constant -2147483648 : i32
    %broadcast_in_dim3A_1210 = vector.broadcast %jit3A_1209 : i32 to vector<16xi32>
    %select_n3A_1211 = arith.select %ge3A_1194, %sub3A_1208, %broadcast_in_dim3A_1210 : vector<16xi1>, vector<16xi32>
    %reduce_max3A_1212 = arith.constant true
    %reduce_max3A_1213 = vector.broadcast %reduce_max3A_1212 : i1 to vector<16xi1>
    %reduce_max3A_1214 = arith.constant -2147483648 : i32
    %reduce_max3A_1215 = vector.broadcast %reduce_max3A_1214 : i32 to vector<16xi32>
    %reduce_max3A_1216 = arith.xori %select_n3A_1211, %reduce_max3A_1215 : vector<16xi32>
    %reduce_max3A_1217 = tpu.scan <max>, %reduce_max3A_1216 masked %reduce_max3A_1213 : vector<16xi32>, vector<16xi1> -> vector<16xi32>
    %reduce_max3A_1218 = arith.xori %reduce_max3A_1217, %reduce_max3A_1215 : vector<16xi32>
    %reduce_max3A_1219 = vector.extract %reduce_max3A_1218[15] : i32 from vector<16xi32>
    %shift_left3A_1220 = arith.constant 0 : i32
    %shift_left3A_1221 = arith.shli %reduce_max3A_1205, %shift_left3A_1220 : i32
    %or3A_1222 = arith.ori %or3A_1062, %shift_left3A_1221 : i32
    %eq3A = vector.broadcast %reduce_max3A_1205 : i32 to vector<16xi32>
    %eq3A_1223 = arith.cmpi eq, %iota3A, %eq3A : vector<16xi32>
    %jit3A_1224 = arith.constant 0 : i32
    %broadcast_in_dim3A_1225 = vector.broadcast %jit3A_1224 : i32 to vector<16xi32>
    %select_n3A_1226 = arith.select %eq3A_1223, %add3A_1179, %broadcast_in_dim3A_1225 : vector<16xi1>, vector<16xi32>
    %reduce_max3A_1227 = arith.constant true
    %reduce_max3A_1228 = vector.broadcast %reduce_max3A_1227 : i1 to vector<16xi1>
    %reduce_max3A_1229 = arith.constant -2147483648 : i32
    %reduce_max3A_1230 = vector.broadcast %reduce_max3A_1229 : i32 to vector<16xi32>
    %reduce_max3A_1231 = arith.xori %select_n3A_1226, %reduce_max3A_1230 : vector<16xi32>
    %reduce_max3A_1232 = tpu.scan <max>, %reduce_max3A_1231 masked %reduce_max3A_1228 : vector<16xi32>, vector<16xi1> -> vector<16xi32>
    %reduce_max3A_1233 = arith.xori %reduce_max3A_1232, %reduce_max3A_1230 : vector<16xi32>
    %reduce_max3A_1234 = vector.extract %reduce_max3A_1233[15] : i32 from vector<16xi32>
    %sub3A_1235 = arith.subi %reduce_max3A_1234, %reduce_max3A_1219 : i32
    %ge3A_1236 = arith.constant -2147483648 : i32
    %ge3A_1237 = arith.cmpi uge, %or3A_1222, %ge3A_1236 : i32
    %jit3A_1238 = arith.constant -2147483648 : i32
    %jit3A_1239 = arith.constant -1 : i32
    %select_n3A_1240 = arith.select %ge3A_1237, %jit3A_1238, %jit3A_1239 : i32
    %xor3A = arith.xori %or3A_1222, %select_n3A_1240 : i32
    %bitcast_convert_type3A = arith.bitcast %xor3A : i32 to f32
    %parallel_loop3A_1241 = arith.constant 0 : i32
    %parallel_loop3A_1242 = arith.constant 2048 : i32
    %parallel_loop3A_1243 = arith.constant 1 : i32
    scf.for %parallel_loop3A_2527 = %parallel_loop3A_1241 to %parallel_loop3A_1242 step %parallel_loop3A_1243  : i32 {
      %parallel_loop3A_2528 = arith.constant 16 : i32
      %parallel_loop3A_2529 = arith.muli %parallel_loop3A_2527, %parallel_loop3A_2528 : i32
      %parallel_loop3A_2530 = arith.index_cast %parallel_loop3A_2529 : i32 to index
      %parallel_loop3A_2531 = tpu.vector_load %arg4[%parallel_loop3A_2530] {strides = array<i32>} : memref<32768xf32, #tpu.memory_space<vmem>>, vector<16xf32>,
      %parallel_loop3A_2532 = vector.broadcast %bitcast_convert_type3A : f32 to vector<16xf32>
      %parallel_loop3A_2533 = arith.cmpf oge, %parallel_loop3A_2531, %parallel_loop3A_2532 : vector<16xf32>
      %parallel_loop3A_2534 = arith.constant 0.000000e+00 : f32
      %parallel_loop3A_2535 = vector.broadcast %parallel_loop3A_2534 : f32 to vector<16xf32>
      %parallel_loop3A_2536 = arith.select %parallel_loop3A_2533, %parallel_loop3A_2531, %parallel_loop3A_2535 : vector<16xi1>, vector<16xf32>
      %parallel_loop3A_2537 = arith.index_cast %parallel_loop3A_2529 : i32 to index
      %parallel_loop3A_2538 = tpu.vector_load %arg4[%parallel_loop3A_2537] {strides = array<i32>} : memref<32768xf32, #tpu.memory_space<vmem>>, vector<16xf32>,
      tpu.vector_store %arg4[%parallel_loop3A_2537], %parallel_loop3A_2536 {strides = array<i32>} : memref<32768xf32, #tpu.memory_space<vmem>>, vector<16xf32>,
    } {sc.loop_unroll_factor = 8 : i64, sc.parallel_access}
    %gt3A = arith.constant 0 : i32
    %gt3A_1244 = arith.cmpi sgt, %sub3A_1235, %gt3A : i32
    %convert_element_type3A = arith.extui %gt3A_1244 : i1 to i32
    %cond3A = arith.constant 0 : i32
    %cond3A_1245 = arith.cmpi ne, %convert_element_type3A, %cond3A : i32
    scf.if %cond3A_1245 {
      %while3A_2527 = arith.constant 2047 : i32
      %while3A_2528:2 = scf.while (%while3A_2529 = %while3A_2527, %while3A_2530 = %sub3A_1235) : (i32, i32) -> (i32, i32) {
        %ge3A_2531 = arith.constant 0 : i32
        %ge3A_2532 = arith.cmpi sge, %while3A_2529, %ge3A_2531 : i32
        %gt3A_2533 = arith.constant 0 : i32
        %gt3A_2534 = arith.cmpi sgt, %while3A_2530, %gt3A_2533 : i32
        %and3A_2535 = arith.andi %ge3A_2532, %gt3A_2534 : i1
        scf.condition(%and3A_2535) %while3A_2529, %while3A_2530 : i32, i32
      } do {
      ^bb0(%while3A_2529: i32, %while3A_2530: i32):
        %mul3A_2531 = arith.constant 16 : i32
        %mul3A_2532 = arith.muli %while3A_2529, %mul3A_2531 : i32
        %get3A_2533 = arith.index_cast %mul3A_2532 : i32 to index
        %get3A_2534 = tpu.vector_load %arg4[%get3A_2533] {strides = array<i32>} : memref<32768xf32, #tpu.memory_space<vmem>>, vector<16xf32>,
        %eq3A_2535 = vector.broadcast %bitcast_convert_type3A : f32 to vector<16xf32>
        %eq3A_2536 = arith.cmpf oeq, %get3A_2534, %eq3A_2535 : vector<16xf32>
        %jit3A_2537 = arith.constant 1 : i32
        %jit3A_2538 = arith.constant 0 : i32
        %broadcast_in_dim3A_2539 = vector.broadcast %jit3A_2537 : i32 to vector<16xi32>
        %broadcast_in_dim3A_2540 = vector.broadcast %jit3A_2538 : i32 to vector<16xi32>
        %select_n3A_2541 = arith.select %eq3A_2536, %broadcast_in_dim3A_2539, %broadcast_in_dim3A_2540 : vector<16xi1>, vector<16xi32>
        %broadcast_in_dim3A_2542 = arith.constant true
        %broadcast_in_dim3A_2543 = vector.broadcast %broadcast_in_dim3A_2542 : i1 to vector<16xi1>
        %masked_cumsum3A_2544 = tpu.scan <sum>, %select_n3A_2541 masked %broadcast_in_dim3A_2543 : vector<16xi32>, vector<16xi1> -> vector<16xi32>
        %all_reduce_population_count3A = tpu.all_reduce %eq3A_2536 {dim = 0 : i64, kind = #tpu.reduction_kind<sum>} : vector<16xi1> -> vector<16xi32>
        %sub3A_2545 = arith.subi %all_reduce_population_count3A, %masked_cumsum3A_2544 : vector<16xi32>
        %add3A_2546 = arith.constant 1 : i32
        %add3A_2547 = vector.broadcast %add3A_2546 : i32 to vector<16xi32>
        %add3A_2548 = arith.addi %sub3A_2545, %add3A_2547 : vector<16xi32>
        %le3A = vector.broadcast %while3A_2530 : i32 to vector<16xi32>
        %le3A_2549 = arith.cmpi sle, %add3A_2548, %le3A : vector<16xi32>
        %and3A_2550 = arith.andi %eq3A_2536, %le3A_2549 : vector<16xi1>
        %jit3A_2551 = arith.constant 0.000000e+00 : f32
        %broadcast_in_dim3A_2552 = vector.broadcast %jit3A_2551 : f32 to vector<16xf32>
        %select_n3A_2553 = arith.select %and3A_2550, %broadcast_in_dim3A_2552, %get3A_2534 : vector<16xi1>, vector<16xf32>
        %swap3A_2554 = arith.index_cast %mul3A_2532 : i32 to index
        %swap3A_2555 = tpu.vector_load %arg4[%swap3A_2554] {strides = array<i32>} : memref<32768xf32, #tpu.memory_space<vmem>>, vector<16xf32>,
        tpu.vector_store %arg4[%swap3A_2554], %select_n3A_2553 {strides = array<i32>} : memref<32768xf32, #tpu.memory_space<vmem>>, vector<16xf32>,
        %sub3A_2556 = arith.constant 1 : i32
        %sub3A_2557 = arith.subi %while3A_2529, %sub3A_2556 : i32
        %slice3A = vector.extract_strided_slice %all_reduce_population_count3A {offsets = [0], sizes = [1], strides = [1]} : vector<16xi32> to vector<1xi32>
        %squeeze3A = vector.extract %slice3A[0] : i32 from vector<1xi32>
        %sub3A_2558 = arith.subi %while3A_2530, %squeeze3A : i32
        scf.yield %sub3A_2557, %sub3A_2558 : i32, i32
      }
    } else {
    }
    %dma_start3A_1246 = arith.constant 0 : i32
    %dma_start3A_1247 = tpu.memref_slice %arg3[%mul3A_2, %dma_start3A_1246] : memref<64x32768xf32, #tpu.memory_space<hbm>> -> memref<1x32768xf32, #tpu.memory_space<hbm>>
    %dma_start3A_1248 = tpu.memref_squeeze %dma_start3A_1247 : memref<1x32768xf32, #tpu.memory_space<hbm>> -> memref<32768xf32, #tpu.memory_space<hbm>>
    %dma_start3A_1249 = arith.constant 0 : i32
    %dma_start3A_1250 = tpu.memref_slice %arg3[%mul3A_2, %dma_start3A_1249] : memref<64x32768xf32, #tpu.memory_space<hbm>> -> memref<1x32768xf32, #tpu.memory_space<hbm>>
    %dma_start3A_1251 = tpu.memref_squeeze %dma_start3A_1250 : memref<1x32768xf32, #tpu.memory_space<hbm>> -> memref<32768xf32, #tpu.memory_space<hbm>>
    tpu.enqueue_dma source(%arg4 : memref<32768xf32, #tpu.memory_space<vmem>>) target(%dma_start3A_1251 : memref<32768xf32, #tpu.memory_space<hbm>>) target_semaphore(%arg8 : memref<!tpu.dma_semaphore, #tpu.memory_space<semaphore_mem>>)
    %dma_wait3A_1252 = arith.constant 0 : i32
    %dma_wait3A_1253 = tpu.memref_slice %arg2[%add3A_4, %dma_wait3A_1252] : memref<64x32768xf32, #tpu.memory_space<hbm>> -> memref<1x32768xf32, #tpu.memory_space<hbm>>
    %dma_wait3A_1254 = tpu.memref_squeeze %dma_wait3A_1253 : memref<1x32768xf32, #tpu.memory_space<hbm>> -> memref<32768xf32, #tpu.memory_space<hbm>>
    %dma_wait3A_1255 = arith.constant 0 : i32
    %dma_wait3A_1256 = tpu.memref_slice %arg2[%add3A_4, %dma_wait3A_1255] : memref<64x32768xf32, #tpu.memory_space<hbm>> -> memref<1x32768xf32, #tpu.memory_space<hbm>>
    %dma_wait3A_1257 = tpu.memref_squeeze %dma_wait3A_1256 : memref<1x32768xf32, #tpu.memory_space<hbm>> -> memref<32768xf32, #tpu.memory_space<hbm>>
    tpu.wait_dma2 semaphore(%arg9 : memref<!tpu.dma_semaphore, #tpu.memory_space<semaphore_mem>>) src(%dma_wait3A_1257 : memref<32768xf32, #tpu.memory_space<hbm>>) dst(%arg5 : memref<32768xf32, #tpu.memory_space<vmem>>)
    %iota3A_1258 = tpu.iota {dimensions = array<i32: 0>} : vector<16xi32>
    %mul3A_1259 = arith.constant 16 : i32
    %mul3A_1260 = vector.broadcast %mul3A_1259 : i32 to vector<16xi32>
    %mul3A_1261 = arith.muli %iota3A_1258, %mul3A_1260 : vector<16xi32>
    %broadcast_in_dim3A_1262 = arith.constant 1 : i32
    %broadcast_in_dim3A_1263 = vector.broadcast %broadcast_in_dim3A_1262 : i32 to vector<16xi32>
    %broadcast_in_dim3A_1264 = arith.constant 0 : i32
    %broadcast_in_dim3A_1265 = vector.broadcast %broadcast_in_dim3A_1264 : i32 to vector<16xi32>
    %swap3A_1266 = arith.constant 0 : index
    %swap3A_1267 = tpu.vector_load %arg7[%swap3A_1266] {strides = array<i32>} : memref<256xi32, #tpu.memory_space<vmem>>, vector<16xi32>,
    tpu.vector_store %arg7[%swap3A_1266], %broadcast_in_dim3A_1265 {strides = array<i32>} : memref<256xi32, #tpu.memory_space<vmem>>, vector<16xi32>,
    %swap3A_1268 = arith.constant 16 : index
    %swap3A_1269 = tpu.vector_load %arg7[%swap3A_1268] {strides = array<i32>} : memref<256xi32, #tpu.memory_space<vmem>>, vector<16xi32>,
    tpu.vector_store %arg7[%swap3A_1268], %broadcast_in_dim3A_1265 {strides = array<i32>} : memref<256xi32, #tpu.memory_space<vmem>>, vector<16xi32>,
    %swap3A_1270 = arith.constant 32 : index
    %swap3A_1271 = tpu.vector_load %arg7[%swap3A_1270] {strides = array<i32>} : memref<256xi32, #tpu.memory_space<vmem>>, vector<16xi32>,
    tpu.vector_store %arg7[%swap3A_1270], %broadcast_in_dim3A_1265 {strides = array<i32>} : memref<256xi32, #tpu.memory_space<vmem>>, vector<16xi32>,
    %swap3A_1272 = arith.constant 48 : index
    %swap3A_1273 = tpu.vector_load %arg7[%swap3A_1272] {strides = array<i32>} : memref<256xi32, #tpu.memory_space<vmem>>, vector<16xi32>,
    tpu.vector_store %arg7[%swap3A_1272], %broadcast_in_dim3A_1265 {strides = array<i32>} : memref<256xi32, #tpu.memory_space<vmem>>, vector<16xi32>,
    %swap3A_1274 = arith.constant 64 : index
    %swap3A_1275 = tpu.vector_load %arg7[%swap3A_1274] {strides = array<i32>} : memref<256xi32, #tpu.memory_space<vmem>>, vector<16xi32>,
    tpu.vector_store %arg7[%swap3A_1274], %broadcast_in_dim3A_1265 {strides = array<i32>} : memref<256xi32, #tpu.memory_space<vmem>>, vector<16xi32>,
    %swap3A_1276 = arith.constant 80 : index
    %swap3A_1277 = tpu.vector_load %arg7[%swap3A_1276] {strides = array<i32>} : memref<256xi32, #tpu.memory_space<vmem>>, vector<16xi32>,
    tpu.vector_store %arg7[%swap3A_1276], %broadcast_in_dim3A_1265 {strides = array<i32>} : memref<256xi32, #tpu.memory_space<vmem>>, vector<16xi32>,
    %swap3A_1278 = arith.constant 96 : index
    %swap3A_1279 = tpu.vector_load %arg7[%swap3A_1278] {strides = array<i32>} : memref<256xi32, #tpu.memory_space<vmem>>, vector<16xi32>,
    tpu.vector_store %arg7[%swap3A_1278], %broadcast_in_dim3A_1265 {strides = array<i32>} : memref<256xi32, #tpu.memory_space<vmem>>, vector<16xi32>,
    %swap3A_1280 = arith.constant 112 : index
    %swap3A_1281 = tpu.vector_load %arg7[%swap3A_1280] {strides = array<i32>} : memref<256xi32, #tpu.memory_space<vmem>>, vector<16xi32>,
    tpu.vector_store %arg7[%swap3A_1280], %broadcast_in_dim3A_1265 {strides = array<i32>} : memref<256xi32, #tpu.memory_space<vmem>>, vector<16xi32>,
    %swap3A_1282 = arith.constant 128 : index
    %swap3A_1283 = tpu.vector_load %arg7[%swap3A_1282] {strides = array<i32>} : memref<256xi32, #tpu.memory_space<vmem>>, vector<16xi32>,
    tpu.vector_store %arg7[%swap3A_1282], %broadcast_in_dim3A_1265 {strides = array<i32>} : memref<256xi32, #tpu.memory_space<vmem>>, vector<16xi32>,
    %swap3A_1284 = arith.constant 144 : index
    %swap3A_1285 = tpu.vector_load %arg7[%swap3A_1284] {strides = array<i32>} : memref<256xi32, #tpu.memory_space<vmem>>, vector<16xi32>,
    tpu.vector_store %arg7[%swap3A_1284], %broadcast_in_dim3A_1265 {strides = array<i32>} : memref<256xi32, #tpu.memory_space<vmem>>, vector<16xi32>,
    %swap3A_1286 = arith.constant 160 : index
    %swap3A_1287 = tpu.vector_load %arg7[%swap3A_1286] {strides = array<i32>} : memref<256xi32, #tpu.memory_space<vmem>>, vector<16xi32>,
    tpu.vector_store %arg7[%swap3A_1286], %broadcast_in_dim3A_1265 {strides = array<i32>} : memref<256xi32, #tpu.memory_space<vmem>>, vector<16xi32>,
    %swap3A_1288 = arith.constant 176 : index
    %swap3A_1289 = tpu.vector_load %arg7[%swap3A_1288] {strides = array<i32>} : memref<256xi32, #tpu.memory_space<vmem>>, vector<16xi32>,
    tpu.vector_store %arg7[%swap3A_1288], %broadcast_in_dim3A_1265 {strides = array<i32>} : memref<256xi32, #tpu.memory_space<vmem>>, vector<16xi32>,
    %swap3A_1290 = arith.constant 192 : index
    %swap3A_1291 = tpu.vector_load %arg7[%swap3A_1290] {strides = array<i32>} : memref<256xi32, #tpu.memory_space<vmem>>, vector<16xi32>,
    tpu.vector_store %arg7[%swap3A_1290], %broadcast_in_dim3A_1265 {strides = array<i32>} : memref<256xi32, #tpu.memory_space<vmem>>, vector<16xi32>,
    %swap3A_1292 = arith.constant 208 : index
    %swap3A_1293 = tpu.vector_load %arg7[%swap3A_1292] {strides = array<i32>} : memref<256xi32, #tpu.memory_space<vmem>>, vector<16xi32>,
    tpu.vector_store %arg7[%swap3A_1292], %broadcast_in_dim3A_1265 {strides = array<i32>} : memref<256xi32, #tpu.memory_space<vmem>>, vector<16xi32>,
    %swap3A_1294 = arith.constant 224 : index
    %swap3A_1295 = tpu.vector_load %arg7[%swap3A_1294] {strides = array<i32>} : memref<256xi32, #tpu.memory_space<vmem>>, vector<16xi32>,
    tpu.vector_store %arg7[%swap3A_1294], %broadcast_in_dim3A_1265 {strides = array<i32>} : memref<256xi32, #tpu.memory_space<vmem>>, vector<16xi32>,
    %swap3A_1296 = arith.constant 240 : index
    %swap3A_1297 = tpu.vector_load %arg7[%swap3A_1296] {strides = array<i32>} : memref<256xi32, #tpu.memory_space<vmem>>, vector<16xi32>,
    tpu.vector_store %arg7[%swap3A_1296], %broadcast_in_dim3A_1265 {strides = array<i32>} : memref<256xi32, #tpu.memory_space<vmem>>, vector<16xi32>,
    %parallel_loop3A_1298 = arith.constant 0 : i32
    %parallel_loop3A_1299 = arith.constant 2048 : i32
    %parallel_loop3A_1300 = arith.constant 1 : i32
    scf.for %parallel_loop3A_2527 = %parallel_loop3A_1298 to %parallel_loop3A_1299 step %parallel_loop3A_1300  : i32 {
      %parallel_loop3A_2528 = arith.constant 16 : i32
      %parallel_loop3A_2529 = arith.muli %parallel_loop3A_2527, %parallel_loop3A_2528 : i32
      %parallel_loop3A_2530 = arith.index_cast %parallel_loop3A_2529 : i32 to index
      %parallel_loop3A_2531 = tpu.vector_load %arg5[%parallel_loop3A_2530] {strides = array<i32>} : memref<32768xf32, #tpu.memory_space<vmem>>, vector<16xf32>,
      %parallel_loop3A_2532 = tpu.bitcast %parallel_loop3A_2531 : vector<16xf32> -> vector<16xi32>
      %parallel_loop3A_2533 = arith.constant 28 : i32
      %parallel_loop3A_2534 = vector.broadcast %parallel_loop3A_2533 : i32 to vector<16xi32>
      %parallel_loop3A_2535 = arith.shrui %parallel_loop3A_2532, %parallel_loop3A_2534 : vector<16xi32>
      %parallel_loop3A_2536 = arith.constant 8 : i32
      %parallel_loop3A_2537 = vector.broadcast %parallel_loop3A_2536 : i32 to vector<16xi32>
      %parallel_loop3A_2538 = arith.cmpi uge, %parallel_loop3A_2535, %parallel_loop3A_2537 : vector<16xi32>
      %parallel_loop3A_2539 = arith.constant 15 : i32
      %parallel_loop3A_2540 = arith.constant 8 : i32
      %parallel_loop3A_2541 = vector.broadcast %parallel_loop3A_2539 : i32 to vector<16xi32>
      %parallel_loop3A_2542 = vector.broadcast %parallel_loop3A_2540 : i32 to vector<16xi32>
      %parallel_loop3A_2543 = arith.select %parallel_loop3A_2538, %parallel_loop3A_2541, %parallel_loop3A_2542 : vector<16xi1>, vector<16xi32>
      %parallel_loop3A_2544 = arith.xori %parallel_loop3A_2535, %parallel_loop3A_2543 : vector<16xi32>
      %parallel_loop3A_2545 = tpu.bitcast %parallel_loop3A_2544 : vector<16xi32> -> vector<16xi32>
      %parallel_loop3A_2546 = arith.addi %mul3A_1261, %parallel_loop3A_2545 : vector<16xi32>
      tpu.vector_store_idx %arg7[%parallel_loop3A_2546], %broadcast_in_dim3A_1263 {add = true} : memref<256xi32, #tpu.memory_space<vmem>>[vector<16xi32>], vector<16xi32>,
    } {sc.loop_unroll_factor = 8 : i64, sc.parallel_access}
    %get3A_1301 = arith.constant 0 : index
    %get3A_1302 = tpu.vector_load %arg7[%get3A_1301] {strides = array<i32>} : memref<256xi32, #tpu.memory_space<vmem>>, vector<16xi32>,
    %get3A_1303 = arith.constant 16 : index
    %get3A_1304 = tpu.vector_load %arg7[%get3A_1303] {strides = array<i32>} : memref<256xi32, #tpu.memory_space<vmem>>, vector<16xi32>,
    %get3A_1305 = arith.constant 32 : index
    %get3A_1306 = tpu.vector_load %arg7[%get3A_1305] {strides = array<i32>} : memref<256xi32, #tpu.memory_space<vmem>>, vector<16xi32>,
    %get3A_1307 = arith.constant 48 : index
    %get3A_1308 = tpu.vector_load %arg7[%get3A_1307] {strides = array<i32>} : memref<256xi32, #tpu.memory_space<vmem>>, vector<16xi32>,
    %get3A_1309 = arith.constant 64 : index
    %get3A_1310 = tpu.vector_load %arg7[%get3A_1309] {strides = array<i32>} : memref<256xi32, #tpu.memory_space<vmem>>, vector<16xi32>,
    %get3A_1311 = arith.constant 80 : index
    %get3A_1312 = tpu.vector_load %arg7[%get3A_1311] {strides = array<i32>} : memref<256xi32, #tpu.memory_space<vmem>>, vector<16xi32>,
    %get3A_1313 = arith.constant 96 : index
    %get3A_1314 = tpu.vector_load %arg7[%get3A_1313] {strides = array<i32>} : memref<256xi32, #tpu.memory_space<vmem>>, vector<16xi32>,
    %get3A_1315 = arith.constant 112 : index
    %get3A_1316 = tpu.vector_load %arg7[%get3A_1315] {strides = array<i32>} : memref<256xi32, #tpu.memory_space<vmem>>, vector<16xi32>,
    %get3A_1317 = arith.constant 128 : index
    %get3A_1318 = tpu.vector_load %arg7[%get3A_1317] {strides = array<i32>} : memref<256xi32, #tpu.memory_space<vmem>>, vector<16xi32>,
    %get3A_1319 = arith.constant 144 : index
    %get3A_1320 = tpu.vector_load %arg7[%get3A_1319] {strides = array<i32>} : memref<256xi32, #tpu.memory_space<vmem>>, vector<16xi32>,
    %get3A_1321 = arith.constant 160 : index
    %get3A_1322 = tpu.vector_load %arg7[%get3A_1321] {strides = array<i32>} : memref<256xi32, #tpu.memory_space<vmem>>, vector<16xi32>,
    %get3A_1323 = arith.constant 176 : index
    %get3A_1324 = tpu.vector_load %arg7[%get3A_1323] {strides = array<i32>} : memref<256xi32, #tpu.memory_space<vmem>>, vector<16xi32>,
    %get3A_1325 = arith.constant 192 : index
    %get3A_1326 = tpu.vector_load %arg7[%get3A_1325] {strides = array<i32>} : memref<256xi32, #tpu.memory_space<vmem>>, vector<16xi32>,
    %get3A_1327 = arith.constant 208 : index
    %get3A_1328 = tpu.vector_load %arg7[%get3A_1327] {strides = array<i32>} : memref<256xi32, #tpu.memory_space<vmem>>, vector<16xi32>,
    %get3A_1329 = arith.constant 224 : index
    %get3A_1330 = tpu.vector_load %arg7[%get3A_1329] {strides = array<i32>} : memref<256xi32, #tpu.memory_space<vmem>>, vector<16xi32>,
    %get3A_1331 = arith.constant 240 : index
    %get3A_1332 = tpu.vector_load %arg7[%get3A_1331] {strides = array<i32>} : memref<256xi32, #tpu.memory_space<vmem>>, vector<16xi32>,
    %add3A_1333 = arith.addi %get3A_1302, %get3A_1304 : vector<16xi32>
    %add3A_1334 = arith.addi %get3A_1306, %get3A_1308 : vector<16xi32>
    %add3A_1335 = arith.addi %get3A_1310, %get3A_1312 : vector<16xi32>
    %add3A_1336 = arith.addi %get3A_1314, %get3A_1316 : vector<16xi32>
    %add3A_1337 = arith.addi %get3A_1318, %get3A_1320 : vector<16xi32>
    %add3A_1338 = arith.addi %get3A_1322, %get3A_1324 : vector<16xi32>
    %add3A_1339 = arith.addi %get3A_1326, %get3A_1328 : vector<16xi32>
    %add3A_1340 = arith.addi %get3A_1330, %get3A_1332 : vector<16xi32>
    %add3A_1341 = arith.addi %add3A_1333, %add3A_1334 : vector<16xi32>
    %add3A_1342 = arith.addi %add3A_1335, %add3A_1336 : vector<16xi32>
    %add3A_1343 = arith.addi %add3A_1337, %add3A_1338 : vector<16xi32>
    %add3A_1344 = arith.addi %add3A_1339, %add3A_1340 : vector<16xi32>
    %add3A_1345 = arith.addi %add3A_1341, %add3A_1342 : vector<16xi32>
    %add3A_1346 = arith.addi %add3A_1343, %add3A_1344 : vector<16xi32>
    %add3A_1347 = arith.addi %add3A_1345, %add3A_1346 : vector<16xi32>
    %rev3A_1348 = arith.constant 15 : i32
    %rev3A_1349 = vector.broadcast %rev3A_1348 : i32 to vector<16xi32>
    %rev3A_1350 = tpu.iota {dimensions = array<i32: 0>} : vector<16xi32>
    %rev3A_1351 = arith.subi %rev3A_1349, %rev3A_1350 : vector<16xi32>
    %rev3A_1352 = tpu.dynamic_gather %add3A_1347[%rev3A_1351] in [0] : vector<16xi32>, vector<16xi32> -> vector<16xi32>
    %broadcast_in_dim3A_1353 = arith.constant true
    %broadcast_in_dim3A_1354 = vector.broadcast %broadcast_in_dim3A_1353 : i1 to vector<16xi1>
    %masked_cumsum3A_1355 = tpu.scan <sum>, %rev3A_1352 masked %broadcast_in_dim3A_1354 : vector<16xi32>, vector<16xi1> -> vector<16xi32>
    %rev3A_1356 = arith.constant 15 : i32
    %rev3A_1357 = vector.broadcast %rev3A_1356 : i32 to vector<16xi32>
    %rev3A_1358 = tpu.iota {dimensions = array<i32: 0>} : vector<16xi32>
    %rev3A_1359 = arith.subi %rev3A_1357, %rev3A_1358 : vector<16xi32>
    %rev3A_1360 = tpu.dynamic_gather %masked_cumsum3A_1355[%rev3A_1359] in [0] : vector<16xi32>, vector<16xi32> -> vector<16xi32>
    %ge3A_1361 = arith.constant 256 : i32
    %ge3A_1362 = vector.broadcast %ge3A_1361 : i32 to vector<16xi32>
    %ge3A_1363 = arith.cmpi sge, %rev3A_1360, %ge3A_1362 : vector<16xi32>
    %jit3A_1364 = arith.constant -1 : i32
    %broadcast_in_dim3A_1365 = vector.broadcast %jit3A_1364 : i32 to vector<16xi32>
    %select_n3A_1366 = arith.select %ge3A_1363, %iota3A_1258, %broadcast_in_dim3A_1365 : vector<16xi1>, vector<16xi32>
    %reduce_max3A_1367 = arith.constant true
    %reduce_max3A_1368 = vector.broadcast %reduce_max3A_1367 : i1 to vector<16xi1>
    %reduce_max3A_1369 = arith.constant -2147483648 : i32
    %reduce_max3A_1370 = vector.broadcast %reduce_max3A_1369 : i32 to vector<16xi32>
    %reduce_max3A_1371 = arith.xori %select_n3A_1366, %reduce_max3A_1370 : vector<16xi32>
    %reduce_max3A_1372 = tpu.scan <max>, %reduce_max3A_1371 masked %reduce_max3A_1368 : vector<16xi32>, vector<16xi1> -> vector<16xi32>
    %reduce_max3A_1373 = arith.xori %reduce_max3A_1372, %reduce_max3A_1370 : vector<16xi32>
    %reduce_max3A_1374 = vector.extract %reduce_max3A_1373[15] : i32 from vector<16xi32>
    %sub3A_1375 = arith.subi %rev3A_1360, %add3A_1347 : vector<16xi32>
    %sub3A_1376 = arith.constant 256 : i32
    %sub3A_1377 = vector.broadcast %sub3A_1376 : i32 to vector<16xi32>
    %sub3A_1378 = arith.subi %sub3A_1377, %sub3A_1375 : vector<16xi32>
    %jit3A_1379 = arith.constant -2147483648 : i32
    %broadcast_in_dim3A_1380 = vector.broadcast %jit3A_1379 : i32 to vector<16xi32>
    %select_n3A_1381 = arith.select %ge3A_1363, %sub3A_1378, %broadcast_in_dim3A_1380 : vector<16xi1>, vector<16xi32>
    %reduce_max3A_1382 = arith.constant true
    %reduce_max3A_1383 = vector.broadcast %reduce_max3A_1382 : i1 to vector<16xi1>
    %reduce_max3A_1384 = arith.constant -2147483648 : i32
    %reduce_max3A_1385 = vector.broadcast %reduce_max3A_1384 : i32 to vector<16xi32>
    %reduce_max3A_1386 = arith.xori %select_n3A_1381, %reduce_max3A_1385 : vector<16xi32>
    %reduce_max3A_1387 = tpu.scan <max>, %reduce_max3A_1386 masked %reduce_max3A_1383 : vector<16xi32>, vector<16xi1> -> vector<16xi32>
    %reduce_max3A_1388 = arith.xori %reduce_max3A_1387, %reduce_max3A_1385 : vector<16xi32>
    %reduce_max3A_1389 = vector.extract %reduce_max3A_1388[15] : i32 from vector<16xi32>
    %shift_left3A_1390 = arith.constant 28 : i32
    %shift_left3A_1391 = arith.shli %reduce_max3A_1374, %shift_left3A_1390 : i32
    %swap3A_1392 = arith.constant 0 : index
    %swap3A_1393 = tpu.vector_load %arg7[%swap3A_1392] {strides = array<i32>} : memref<256xi32, #tpu.memory_space<vmem>>, vector<16xi32>,
    tpu.vector_store %arg7[%swap3A_1392], %broadcast_in_dim3A_1265 {strides = array<i32>} : memref<256xi32, #tpu.memory_space<vmem>>, vector<16xi32>,
    %swap3A_1394 = arith.constant 16 : index
    %swap3A_1395 = tpu.vector_load %arg7[%swap3A_1394] {strides = array<i32>} : memref<256xi32, #tpu.memory_space<vmem>>, vector<16xi32>,
    tpu.vector_store %arg7[%swap3A_1394], %broadcast_in_dim3A_1265 {strides = array<i32>} : memref<256xi32, #tpu.memory_space<vmem>>, vector<16xi32>,
    %swap3A_1396 = arith.constant 32 : index
    %swap3A_1397 = tpu.vector_load %arg7[%swap3A_1396] {strides = array<i32>} : memref<256xi32, #tpu.memory_space<vmem>>, vector<16xi32>,
    tpu.vector_store %arg7[%swap3A_1396], %broadcast_in_dim3A_1265 {strides = array<i32>} : memref<256xi32, #tpu.memory_space<vmem>>, vector<16xi32>,
    %swap3A_1398 = arith.constant 48 : index
    %swap3A_1399 = tpu.vector_load %arg7[%swap3A_1398] {strides = array<i32>} : memref<256xi32, #tpu.memory_space<vmem>>, vector<16xi32>,
    tpu.vector_store %arg7[%swap3A_1398], %broadcast_in_dim3A_1265 {strides = array<i32>} : memref<256xi32, #tpu.memory_space<vmem>>, vector<16xi32>,
    %swap3A_1400 = arith.constant 64 : index
    %swap3A_1401 = tpu.vector_load %arg7[%swap3A_1400] {strides = array<i32>} : memref<256xi32, #tpu.memory_space<vmem>>, vector<16xi32>,
    tpu.vector_store %arg7[%swap3A_1400], %broadcast_in_dim3A_1265 {strides = array<i32>} : memref<256xi32, #tpu.memory_space<vmem>>, vector<16xi32>,
    %swap3A_1402 = arith.constant 80 : index
    %swap3A_1403 = tpu.vector_load %arg7[%swap3A_1402] {strides = array<i32>} : memref<256xi32, #tpu.memory_space<vmem>>, vector<16xi32>,
    tpu.vector_store %arg7[%swap3A_1402], %broadcast_in_dim3A_1265 {strides = array<i32>} : memref<256xi32, #tpu.memory_space<vmem>>, vector<16xi32>,
    %swap3A_1404 = arith.constant 96 : index
    %swap3A_1405 = tpu.vector_load %arg7[%swap3A_1404] {strides = array<i32>} : memref<256xi32, #tpu.memory_space<vmem>>, vector<16xi32>,
    tpu.vector_store %arg7[%swap3A_1404], %broadcast_in_dim3A_1265 {strides = array<i32>} : memref<256xi32, #tpu.memory_space<vmem>>, vector<16xi32>,
    %swap3A_1406 = arith.constant 112 : index
    %swap3A_1407 = tpu.vector_load %arg7[%swap3A_1406] {strides = array<i32>} : memref<256xi32, #tpu.memory_space<vmem>>, vector<16xi32>,
    tpu.vector_store %arg7[%swap3A_1406], %broadcast_in_dim3A_1265 {strides = array<i32>} : memref<256xi32, #tpu.memory_space<vmem>>, vector<16xi32>,
    %swap3A_1408 = arith.constant 128 : index
    %swap3A_1409 = tpu.vector_load %arg7[%swap3A_1408] {strides = array<i32>} : memref<256xi32, #tpu.memory_space<vmem>>, vector<16xi32>,
    tpu.vector_store %arg7[%swap3A_1408], %broadcast_in_dim3A_1265 {strides = array<i32>} : memref<256xi32, #tpu.memory_space<vmem>>, vector<16xi32>,
    %swap3A_1410 = arith.constant 144 : index
    %swap3A_1411 = tpu.vector_load %arg7[%swap3A_1410] {strides = array<i32>} : memref<256xi32, #tpu.memory_space<vmem>>, vector<16xi32>,
    tpu.vector_store %arg7[%swap3A_1410], %broadcast_in_dim3A_1265 {strides = array<i32>} : memref<256xi32, #tpu.memory_space<vmem>>, vector<16xi32>,
    %swap3A_1412 = arith.constant 160 : index
    %swap3A_1413 = tpu.vector_load %arg7[%swap3A_1412] {strides = array<i32>} : memref<256xi32, #tpu.memory_space<vmem>>, vector<16xi32>,
    tpu.vector_store %arg7[%swap3A_1412], %broadcast_in_dim3A_1265 {strides = array<i32>} : memref<256xi32, #tpu.memory_space<vmem>>, vector<16xi32>,
    %swap3A_1414 = arith.constant 176 : index
    %swap3A_1415 = tpu.vector_load %arg7[%swap3A_1414] {strides = array<i32>} : memref<256xi32, #tpu.memory_space<vmem>>, vector<16xi32>,
    tpu.vector_store %arg7[%swap3A_1414], %broadcast_in_dim3A_1265 {strides = array<i32>} : memref<256xi32, #tpu.memory_space<vmem>>, vector<16xi32>,
    %swap3A_1416 = arith.constant 192 : index
    %swap3A_1417 = tpu.vector_load %arg7[%swap3A_1416] {strides = array<i32>} : memref<256xi32, #tpu.memory_space<vmem>>, vector<16xi32>,
    tpu.vector_store %arg7[%swap3A_1416], %broadcast_in_dim3A_1265 {strides = array<i32>} : memref<256xi32, #tpu.memory_space<vmem>>, vector<16xi32>,
    %swap3A_1418 = arith.constant 208 : index
    %swap3A_1419 = tpu.vector_load %arg7[%swap3A_1418] {strides = array<i32>} : memref<256xi32, #tpu.memory_space<vmem>>, vector<16xi32>,
    tpu.vector_store %arg7[%swap3A_1418], %broadcast_in_dim3A_1265 {strides = array<i32>} : memref<256xi32, #tpu.memory_space<vmem>>, vector<16xi32>,
    %swap3A_1420 = arith.constant 224 : index
    %swap3A_1421 = tpu.vector_load %arg7[%swap3A_1420] {strides = array<i32>} : memref<256xi32, #tpu.memory_space<vmem>>, vector<16xi32>,
    tpu.vector_store %arg7[%swap3A_1420], %broadcast_in_dim3A_1265 {strides = array<i32>} : memref<256xi32, #tpu.memory_space<vmem>>, vector<16xi32>,
    %swap3A_1422 = arith.constant 240 : index
    %swap3A_1423 = tpu.vector_load %arg7[%swap3A_1422] {strides = array<i32>} : memref<256xi32, #tpu.memory_space<vmem>>, vector<16xi32>,
    tpu.vector_store %arg7[%swap3A_1422], %broadcast_in_dim3A_1265 {strides = array<i32>} : memref<256xi32, #tpu.memory_space<vmem>>, vector<16xi32>,
    %mul3A_1424 = arith.constant 0 : i32
    %mul3A_1425 = arith.muli %reduce_max3A_1374, %mul3A_1424 : i32
    %parallel_loop3A_1426 = arith.constant 0 : i32
    %parallel_loop3A_1427 = arith.constant 2048 : i32
    %parallel_loop3A_1428 = arith.constant 1 : i32
    %parallel_loop3A_1429 = scf.for %parallel_loop3A_2527 = %parallel_loop3A_1426 to %parallel_loop3A_1427 step %parallel_loop3A_1428 iter_args(%parallel_loop3A_2528 = %mul3A_1425) -> (i32)  : i32 {
      %parallel_loop3A_2529 = arith.constant 16 : i32
      %parallel_loop3A_2530 = arith.muli %parallel_loop3A_2527, %parallel_loop3A_2529 : i32
      %parallel_loop3A_2531 = arith.index_cast %parallel_loop3A_2530 : i32 to index
      %parallel_loop3A_2532 = tpu.vector_load %arg5[%parallel_loop3A_2531] {strides = array<i32>} : memref<32768xf32, #tpu.memory_space<vmem>>, vector<16xf32>,
      %parallel_loop3A_2533 = tpu.bitcast %parallel_loop3A_2532 : vector<16xf32> -> vector<16xi32>
      %parallel_loop3A_2534 = arith.constant -2147483648 : i32
      %parallel_loop3A_2535 = vector.broadcast %parallel_loop3A_2534 : i32 to vector<16xi32>
      %parallel_loop3A_2536 = arith.cmpi uge, %parallel_loop3A_2533, %parallel_loop3A_2535 : vector<16xi32>
      %parallel_loop3A_2537 = arith.constant -1 : i32
      %parallel_loop3A_2538 = arith.constant -2147483648 : i32
      %parallel_loop3A_2539 = vector.broadcast %parallel_loop3A_2537 : i32 to vector<16xi32>
      %parallel_loop3A_2540 = vector.broadcast %parallel_loop3A_2538 : i32 to vector<16xi32>
      %parallel_loop3A_2541 = arith.select %parallel_loop3A_2536, %parallel_loop3A_2539, %parallel_loop3A_2540 : vector<16xi1>, vector<16xi32>
      %parallel_loop3A_2542 = arith.xori %parallel_loop3A_2533, %parallel_loop3A_2541 : vector<16xi32>
      %parallel_loop3A_2543 = arith.constant 28 : i32
      %parallel_loop3A_2544 = vector.broadcast %parallel_loop3A_2543 : i32 to vector<16xi32>
      %parallel_loop3A_2545 = arith.shrui %parallel_loop3A_2542, %parallel_loop3A_2544 : vector<16xi32>
      %parallel_loop3A_2546 = vector.broadcast %reduce_max3A_1374 : i32 to vector<16xi32>
      %parallel_loop3A_2547 = arith.cmpi eq, %parallel_loop3A_2545, %parallel_loop3A_2546 : vector<16xi32>
      %parallel_loop3A_2548 = arith.index_cast %parallel_loop3A_2528 : i32 to index
      %parallel_loop3A_2549 = tpu.vector_load %arg6[%parallel_loop3A_2548] masked %parallel_loop3A_2547 {strides = array<i32>} : memref<32768xi32, #tpu.memory_space<vmem>>, vector<16xi32>, vector<16xi1>
      tpu.vector_store %arg6[%parallel_loop3A_2548], %parallel_loop3A_2542 masked %parallel_loop3A_2547 {strides = array<i32>} : memref<32768xi32, #tpu.memory_space<vmem>>, vector<16xi32>, vector<16xi1>
      %parallel_loop3A_2550 = arith.constant 24 : i32
      %parallel_loop3A_2551 = vector.broadcast %parallel_loop3A_2550 : i32 to vector<16xi32>
      %parallel_loop3A_2552 = arith.shrui %parallel_loop3A_2542, %parallel_loop3A_2551 : vector<16xi32>
      %parallel_loop3A_2553 = arith.constant 15 : i32
      %parallel_loop3A_2554 = vector.broadcast %parallel_loop3A_2553 : i32 to vector<16xi32>
      %parallel_loop3A_2555 = arith.andi %parallel_loop3A_2552, %parallel_loop3A_2554 : vector<16xi32>
      %parallel_loop3A_2556 = tpu.bitcast %parallel_loop3A_2555 : vector<16xi32> -> vector<16xi32>
      %parallel_loop3A_2557 = arith.addi %mul3A_1261, %parallel_loop3A_2556 : vector<16xi32>
      tpu.vector_store_idx %arg7[%parallel_loop3A_2557], %broadcast_in_dim3A_1263 masked %parallel_loop3A_2547 {add = true} : memref<256xi32, #tpu.memory_space<vmem>>[vector<16xi32>], vector<16xi32>, vector<16xi1>
      %parallel_loop3A_2558 = tpu.all_reduce %parallel_loop3A_2547 {dim = 0 : i64, kind = #tpu.reduction_kind<sum>} : vector<16xi1> -> vector<16xi32>
      %parallel_loop3A_2559 = vector.extract_strided_slice %parallel_loop3A_2558 {offsets = [0], sizes = [1], strides = [1]} : vector<16xi32> to vector<1xi32>
      %parallel_loop3A_2560 = vector.extract %parallel_loop3A_2559[0] : i32 from vector<1xi32>
      %parallel_loop3A_2561 = arith.addi %parallel_loop3A_2528, %parallel_loop3A_2560 : i32
      scf.yield %parallel_loop3A_2561 : i32
    } {sc.loop_unroll_factor = 8 : i64, sc.parallel_access}
    %get3A_1430 = arith.constant 0 : index
    %get3A_1431 = tpu.vector_load %arg7[%get3A_1430] {strides = array<i32>} : memref<256xi32, #tpu.memory_space<vmem>>, vector<16xi32>,
    %get3A_1432 = arith.constant 16 : index
    %get3A_1433 = tpu.vector_load %arg7[%get3A_1432] {strides = array<i32>} : memref<256xi32, #tpu.memory_space<vmem>>, vector<16xi32>,
    %get3A_1434 = arith.constant 32 : index
    %get3A_1435 = tpu.vector_load %arg7[%get3A_1434] {strides = array<i32>} : memref<256xi32, #tpu.memory_space<vmem>>, vector<16xi32>,
    %get3A_1436 = arith.constant 48 : index
    %get3A_1437 = tpu.vector_load %arg7[%get3A_1436] {strides = array<i32>} : memref<256xi32, #tpu.memory_space<vmem>>, vector<16xi32>,
    %get3A_1438 = arith.constant 64 : index
    %get3A_1439 = tpu.vector_load %arg7[%get3A_1438] {strides = array<i32>} : memref<256xi32, #tpu.memory_space<vmem>>, vector<16xi32>,
    %get3A_1440 = arith.constant 80 : index
    %get3A_1441 = tpu.vector_load %arg7[%get3A_1440] {strides = array<i32>} : memref<256xi32, #tpu.memory_space<vmem>>, vector<16xi32>,
    %get3A_1442 = arith.constant 96 : index
    %get3A_1443 = tpu.vector_load %arg7[%get3A_1442] {strides = array<i32>} : memref<256xi32, #tpu.memory_space<vmem>>, vector<16xi32>,
    %get3A_1444 = arith.constant 112 : index
    %get3A_1445 = tpu.vector_load %arg7[%get3A_1444] {strides = array<i32>} : memref<256xi32, #tpu.memory_space<vmem>>, vector<16xi32>,
    %get3A_1446 = arith.constant 128 : index
    %get3A_1447 = tpu.vector_load %arg7[%get3A_1446] {strides = array<i32>} : memref<256xi32, #tpu.memory_space<vmem>>, vector<16xi32>,
    %get3A_1448 = arith.constant 144 : index
    %get3A_1449 = tpu.vector_load %arg7[%get3A_1448] {strides = array<i32>} : memref<256xi32, #tpu.memory_space<vmem>>, vector<16xi32>,
    %get3A_1450 = arith.constant 160 : index
    %get3A_1451 = tpu.vector_load %arg7[%get3A_1450] {strides = array<i32>} : memref<256xi32, #tpu.memory_space<vmem>>, vector<16xi32>,
    %get3A_1452 = arith.constant 176 : index
    %get3A_1453 = tpu.vector_load %arg7[%get3A_1452] {strides = array<i32>} : memref<256xi32, #tpu.memory_space<vmem>>, vector<16xi32>,
    %get3A_1454 = arith.constant 192 : index
    %get3A_1455 = tpu.vector_load %arg7[%get3A_1454] {strides = array<i32>} : memref<256xi32, #tpu.memory_space<vmem>>, vector<16xi32>,
    %get3A_1456 = arith.constant 208 : index
    %get3A_1457 = tpu.vector_load %arg7[%get3A_1456] {strides = array<i32>} : memref<256xi32, #tpu.memory_space<vmem>>, vector<16xi32>,
    %get3A_1458 = arith.constant 224 : index
    %get3A_1459 = tpu.vector_load %arg7[%get3A_1458] {strides = array<i32>} : memref<256xi32, #tpu.memory_space<vmem>>, vector<16xi32>,
    %get3A_1460 = arith.constant 240 : index
    %get3A_1461 = tpu.vector_load %arg7[%get3A_1460] {strides = array<i32>} : memref<256xi32, #tpu.memory_space<vmem>>, vector<16xi32>,
    %add3A_1462 = arith.addi %get3A_1431, %get3A_1433 : vector<16xi32>
    %add3A_1463 = arith.addi %get3A_1435, %get3A_1437 : vector<16xi32>
    %add3A_1464 = arith.addi %get3A_1439, %get3A_1441 : vector<16xi32>
    %add3A_1465 = arith.addi %get3A_1443, %get3A_1445 : vector<16xi32>
    %add3A_1466 = arith.addi %get3A_1447, %get3A_1449 : vector<16xi32>
    %add3A_1467 = arith.addi %get3A_1451, %get3A_1453 : vector<16xi32>
    %add3A_1468 = arith.addi %get3A_1455, %get3A_1457 : vector<16xi32>
    %add3A_1469 = arith.addi %get3A_1459, %get3A_1461 : vector<16xi32>
    %add3A_1470 = arith.addi %add3A_1462, %add3A_1463 : vector<16xi32>
    %add3A_1471 = arith.addi %add3A_1464, %add3A_1465 : vector<16xi32>
    %add3A_1472 = arith.addi %add3A_1466, %add3A_1467 : vector<16xi32>
    %add3A_1473 = arith.addi %add3A_1468, %add3A_1469 : vector<16xi32>
    %add3A_1474 = arith.addi %add3A_1470, %add3A_1471 : vector<16xi32>
    %add3A_1475 = arith.addi %add3A_1472, %add3A_1473 : vector<16xi32>
    %add3A_1476 = arith.addi %add3A_1474, %add3A_1475 : vector<16xi32>
    %rev3A_1477 = arith.constant 15 : i32
    %rev3A_1478 = vector.broadcast %rev3A_1477 : i32 to vector<16xi32>
    %rev3A_1479 = tpu.iota {dimensions = array<i32: 0>} : vector<16xi32>
    %rev3A_1480 = arith.subi %rev3A_1478, %rev3A_1479 : vector<16xi32>
    %rev3A_1481 = tpu.dynamic_gather %add3A_1476[%rev3A_1480] in [0] : vector<16xi32>, vector<16xi32> -> vector<16xi32>
    %broadcast_in_dim3A_1482 = arith.constant true
    %broadcast_in_dim3A_1483 = vector.broadcast %broadcast_in_dim3A_1482 : i1 to vector<16xi1>
    %masked_cumsum3A_1484 = tpu.scan <sum>, %rev3A_1481 masked %broadcast_in_dim3A_1483 : vector<16xi32>, vector<16xi1> -> vector<16xi32>
    %rev3A_1485 = arith.constant 15 : i32
    %rev3A_1486 = vector.broadcast %rev3A_1485 : i32 to vector<16xi32>
    %rev3A_1487 = tpu.iota {dimensions = array<i32: 0>} : vector<16xi32>
    %rev3A_1488 = arith.subi %rev3A_1486, %rev3A_1487 : vector<16xi32>
    %rev3A_1489 = tpu.dynamic_gather %masked_cumsum3A_1484[%rev3A_1488] in [0] : vector<16xi32>, vector<16xi32> -> vector<16xi32>
    %ge3A_1490 = vector.broadcast %reduce_max3A_1389 : i32 to vector<16xi32>
    %ge3A_1491 = arith.cmpi sge, %rev3A_1489, %ge3A_1490 : vector<16xi32>
    %jit3A_1492 = arith.constant -1 : i32
    %broadcast_in_dim3A_1493 = vector.broadcast %jit3A_1492 : i32 to vector<16xi32>
    %select_n3A_1494 = arith.select %ge3A_1491, %iota3A_1258, %broadcast_in_dim3A_1493 : vector<16xi1>, vector<16xi32>
    %reduce_max3A_1495 = arith.constant true
    %reduce_max3A_1496 = vector.broadcast %reduce_max3A_1495 : i1 to vector<16xi1>
    %reduce_max3A_1497 = arith.constant -2147483648 : i32
    %reduce_max3A_1498 = vector.broadcast %reduce_max3A_1497 : i32 to vector<16xi32>
    %reduce_max3A_1499 = arith.xori %select_n3A_1494, %reduce_max3A_1498 : vector<16xi32>
    %reduce_max3A_1500 = tpu.scan <max>, %reduce_max3A_1499 masked %reduce_max3A_1496 : vector<16xi32>, vector<16xi1> -> vector<16xi32>
    %reduce_max3A_1501 = arith.xori %reduce_max3A_1500, %reduce_max3A_1498 : vector<16xi32>
    %reduce_max3A_1502 = vector.extract %reduce_max3A_1501[15] : i32 from vector<16xi32>
    %sub3A_1503 = arith.subi %rev3A_1489, %add3A_1476 : vector<16xi32>
    %sub3A_1504 = vector.broadcast %reduce_max3A_1389 : i32 to vector<16xi32>
    %sub3A_1505 = arith.subi %sub3A_1504, %sub3A_1503 : vector<16xi32>
    %jit3A_1506 = arith.constant -2147483648 : i32
    %broadcast_in_dim3A_1507 = vector.broadcast %jit3A_1506 : i32 to vector<16xi32>
    %select_n3A_1508 = arith.select %ge3A_1491, %sub3A_1505, %broadcast_in_dim3A_1507 : vector<16xi1>, vector<16xi32>
    %reduce_max3A_1509 = arith.constant true
    %reduce_max3A_1510 = vector.broadcast %reduce_max3A_1509 : i1 to vector<16xi1>
    %reduce_max3A_1511 = arith.constant -2147483648 : i32
    %reduce_max3A_1512 = vector.broadcast %reduce_max3A_1511 : i32 to vector<16xi32>
    %reduce_max3A_1513 = arith.xori %select_n3A_1508, %reduce_max3A_1512 : vector<16xi32>
    %reduce_max3A_1514 = tpu.scan <max>, %reduce_max3A_1513 masked %reduce_max3A_1510 : vector<16xi32>, vector<16xi1> -> vector<16xi32>
    %reduce_max3A_1515 = arith.xori %reduce_max3A_1514, %reduce_max3A_1512 : vector<16xi32>
    %reduce_max3A_1516 = vector.extract %reduce_max3A_1515[15] : i32 from vector<16xi32>
    %shift_left3A_1517 = arith.constant 24 : i32
    %shift_left3A_1518 = arith.shli %reduce_max3A_1502, %shift_left3A_1517 : i32
    %or3A_1519 = arith.ori %shift_left3A_1391, %shift_left3A_1518 : i32
    %swap3A_1520 = arith.constant 0 : index
    %swap3A_1521 = tpu.vector_load %arg7[%swap3A_1520] {strides = array<i32>} : memref<256xi32, #tpu.memory_space<vmem>>, vector<16xi32>,
    tpu.vector_store %arg7[%swap3A_1520], %broadcast_in_dim3A_1265 {strides = array<i32>} : memref<256xi32, #tpu.memory_space<vmem>>, vector<16xi32>,
    %swap3A_1522 = arith.constant 16 : index
    %swap3A_1523 = tpu.vector_load %arg7[%swap3A_1522] {strides = array<i32>} : memref<256xi32, #tpu.memory_space<vmem>>, vector<16xi32>,
    tpu.vector_store %arg7[%swap3A_1522], %broadcast_in_dim3A_1265 {strides = array<i32>} : memref<256xi32, #tpu.memory_space<vmem>>, vector<16xi32>,
    %swap3A_1524 = arith.constant 32 : index
    %swap3A_1525 = tpu.vector_load %arg7[%swap3A_1524] {strides = array<i32>} : memref<256xi32, #tpu.memory_space<vmem>>, vector<16xi32>,
    tpu.vector_store %arg7[%swap3A_1524], %broadcast_in_dim3A_1265 {strides = array<i32>} : memref<256xi32, #tpu.memory_space<vmem>>, vector<16xi32>,
    %swap3A_1526 = arith.constant 48 : index
    %swap3A_1527 = tpu.vector_load %arg7[%swap3A_1526] {strides = array<i32>} : memref<256xi32, #tpu.memory_space<vmem>>, vector<16xi32>,
    tpu.vector_store %arg7[%swap3A_1526], %broadcast_in_dim3A_1265 {strides = array<i32>} : memref<256xi32, #tpu.memory_space<vmem>>, vector<16xi32>,
    %swap3A_1528 = arith.constant 64 : index
    %swap3A_1529 = tpu.vector_load %arg7[%swap3A_1528] {strides = array<i32>} : memref<256xi32, #tpu.memory_space<vmem>>, vector<16xi32>,
    tpu.vector_store %arg7[%swap3A_1528], %broadcast_in_dim3A_1265 {strides = array<i32>} : memref<256xi32, #tpu.memory_space<vmem>>, vector<16xi32>,
    %swap3A_1530 = arith.constant 80 : index
    %swap3A_1531 = tpu.vector_load %arg7[%swap3A_1530] {strides = array<i32>} : memref<256xi32, #tpu.memory_space<vmem>>, vector<16xi32>,
    tpu.vector_store %arg7[%swap3A_1530], %broadcast_in_dim3A_1265 {strides = array<i32>} : memref<256xi32, #tpu.memory_space<vmem>>, vector<16xi32>,
    %swap3A_1532 = arith.constant 96 : index
    %swap3A_1533 = tpu.vector_load %arg7[%swap3A_1532] {strides = array<i32>} : memref<256xi32, #tpu.memory_space<vmem>>, vector<16xi32>,
    tpu.vector_store %arg7[%swap3A_1532], %broadcast_in_dim3A_1265 {strides = array<i32>} : memref<256xi32, #tpu.memory_space<vmem>>, vector<16xi32>,
    %swap3A_1534 = arith.constant 112 : index
    %swap3A_1535 = tpu.vector_load %arg7[%swap3A_1534] {strides = array<i32>} : memref<256xi32, #tpu.memory_space<vmem>>, vector<16xi32>,
    tpu.vector_store %arg7[%swap3A_1534], %broadcast_in_dim3A_1265 {strides = array<i32>} : memref<256xi32, #tpu.memory_space<vmem>>, vector<16xi32>,
    %swap3A_1536 = arith.constant 128 : index
    %swap3A_1537 = tpu.vector_load %arg7[%swap3A_1536] {strides = array<i32>} : memref<256xi32, #tpu.memory_space<vmem>>, vector<16xi32>,
    tpu.vector_store %arg7[%swap3A_1536], %broadcast_in_dim3A_1265 {strides = array<i32>} : memref<256xi32, #tpu.memory_space<vmem>>, vector<16xi32>,
    %swap3A_1538 = arith.constant 144 : index
    %swap3A_1539 = tpu.vector_load %arg7[%swap3A_1538] {strides = array<i32>} : memref<256xi32, #tpu.memory_space<vmem>>, vector<16xi32>,
    tpu.vector_store %arg7[%swap3A_1538], %broadcast_in_dim3A_1265 {strides = array<i32>} : memref<256xi32, #tpu.memory_space<vmem>>, vector<16xi32>,
    %swap3A_1540 = arith.constant 160 : index
    %swap3A_1541 = tpu.vector_load %arg7[%swap3A_1540] {strides = array<i32>} : memref<256xi32, #tpu.memory_space<vmem>>, vector<16xi32>,
    tpu.vector_store %arg7[%swap3A_1540], %broadcast_in_dim3A_1265 {strides = array<i32>} : memref<256xi32, #tpu.memory_space<vmem>>, vector<16xi32>,
    %swap3A_1542 = arith.constant 176 : index
    %swap3A_1543 = tpu.vector_load %arg7[%swap3A_1542] {strides = array<i32>} : memref<256xi32, #tpu.memory_space<vmem>>, vector<16xi32>,
    tpu.vector_store %arg7[%swap3A_1542], %broadcast_in_dim3A_1265 {strides = array<i32>} : memref<256xi32, #tpu.memory_space<vmem>>, vector<16xi32>,
    %swap3A_1544 = arith.constant 192 : index
    %swap3A_1545 = tpu.vector_load %arg7[%swap3A_1544] {strides = array<i32>} : memref<256xi32, #tpu.memory_space<vmem>>, vector<16xi32>,
    tpu.vector_store %arg7[%swap3A_1544], %broadcast_in_dim3A_1265 {strides = array<i32>} : memref<256xi32, #tpu.memory_space<vmem>>, vector<16xi32>,
    %swap3A_1546 = arith.constant 208 : index
    %swap3A_1547 = tpu.vector_load %arg7[%swap3A_1546] {strides = array<i32>} : memref<256xi32, #tpu.memory_space<vmem>>, vector<16xi32>,
    tpu.vector_store %arg7[%swap3A_1546], %broadcast_in_dim3A_1265 {strides = array<i32>} : memref<256xi32, #tpu.memory_space<vmem>>, vector<16xi32>,
    %swap3A_1548 = arith.constant 224 : index
    %swap3A_1549 = tpu.vector_load %arg7[%swap3A_1548] {strides = array<i32>} : memref<256xi32, #tpu.memory_space<vmem>>, vector<16xi32>,
    tpu.vector_store %arg7[%swap3A_1548], %broadcast_in_dim3A_1265 {strides = array<i32>} : memref<256xi32, #tpu.memory_space<vmem>>, vector<16xi32>,
    %swap3A_1550 = arith.constant 240 : index
    %swap3A_1551 = tpu.vector_load %arg7[%swap3A_1550] {strides = array<i32>} : memref<256xi32, #tpu.memory_space<vmem>>, vector<16xi32>,
    tpu.vector_store %arg7[%swap3A_1550], %broadcast_in_dim3A_1265 {strides = array<i32>} : memref<256xi32, #tpu.memory_space<vmem>>, vector<16xi32>,
    %add3A_1552 = arith.constant 15 : i32
    %add3A_1553 = arith.addi %parallel_loop3A_1429, %add3A_1552 : i32
    %jit3A_1554 = arith.constant 16 : i32
    %div3A_1555 = arith.divsi %add3A_1553, %jit3A_1554 : i32
    %sign3A_1556 = arith.constant 0 : i32
    %sign3A_1557 = arith.cmpi sgt, %add3A_1553, %sign3A_1556 : i32
    %sign3A_1558 = arith.extui %sign3A_1557 : i1 to i32
    %sign3A_1559 = arith.constant 0 : i32
    %sign3A_1560 = arith.cmpi slt, %add3A_1553, %sign3A_1559 : i32
    %sign3A_1561 = arith.extui %sign3A_1560 : i1 to i32
    %sign3A_1562 = arith.subi %sign3A_1558, %sign3A_1561 : i32
    %sign3A_1563 = arith.constant 0 : i32
    %sign3A_1564 = arith.cmpi sgt, %jit3A_1554, %sign3A_1563 : i32
    %sign3A_1565 = arith.extui %sign3A_1564 : i1 to i32
    %sign3A_1566 = arith.constant 0 : i32
    %sign3A_1567 = arith.cmpi slt, %jit3A_1554, %sign3A_1566 : i32
    %sign3A_1568 = arith.extui %sign3A_1567 : i1 to i32
    %sign3A_1569 = arith.subi %sign3A_1565, %sign3A_1568 : i32
    %ne3A_1570 = arith.cmpi ne, %sign3A_1562, %sign3A_1569 : i32
    %rem3A_1571 = arith.remsi %add3A_1553, %jit3A_1554 : i32
    %ne3A_1572 = arith.constant 0 : i32
    %ne3A_1573 = arith.cmpi ne, %rem3A_1571, %ne3A_1572 : i32
    %and3A_1574 = arith.andi %ne3A_1570, %ne3A_1573 : i1
    %sub3A_1575 = arith.constant 1 : i32
    %sub3A_1576 = arith.subi %div3A_1555, %sub3A_1575 : i32
    %select_n3A_1577 = arith.select %and3A_1574, %sub3A_1576, %div3A_1555 : i32
    %while3A_1578 = arith.constant 0 : i32
    %while3A_1579 = arith.constant 0 : i32
    %while3A_1580 = arith.subi %select_n3A_1577, %while3A_1578 : i32
    %while3A_1581 = arith.addi %while3A_1578, %while3A_1580 : i32
    %while3A_1582 = arith.constant 1 : i32
    %while3A_1583 = arith.divsi %while3A_1580, %while3A_1582 : i32
    %while3A_1584 = arith.muli %while3A_1583, %while3A_1582 : i32
    %while3A_1585 = arith.addi %while3A_1578, %while3A_1584 : i32
    %while3A_1586 = arith.constant 1 : i32
    %while3A_1587 = scf.for %while3A_2527 = %while3A_1578 to %while3A_1585 step %while3A_1586 iter_args(%while3A_2528 = %while3A_1579) -> (i32)  : i32 {
      %mul3A_2529 = arith.constant 16 : i32
      %mul3A_2530 = arith.muli %while3A_2527, %mul3A_2529 : i32
      %get3A_2531 = arith.index_cast %mul3A_2530 : i32 to index
      %get3A_2532 = tpu.vector_load %arg6[%get3A_2531] {strides = array<i32>} : memref<32768xi32, #tpu.memory_space<vmem>>, vector<16xi32>,
      %shift_right_logical3A = arith.constant 24 : i32
      %shift_right_logical3A_2533 = vector.broadcast %shift_right_logical3A : i32 to vector<16xi32>
      %shift_right_logical3A_2534 = arith.shrui %get3A_2532, %shift_right_logical3A_2533 : vector<16xi32>
      %and3A_2535 = arith.constant 15 : i32
      %and3A_2536 = vector.broadcast %and3A_2535 : i32 to vector<16xi32>
      %and3A_2537 = arith.andi %shift_right_logical3A_2534, %and3A_2536 : vector<16xi32>
      %eq3A_2538 = vector.broadcast %reduce_max3A_1502 : i32 to vector<16xi32>
      %eq3A_2539 = arith.cmpi eq, %and3A_2537, %eq3A_2538 : vector<16xi32>
      %mul3A_2540 = arith.constant 16 : i32
      %mul3A_2541 = arith.muli %while3A_2527, %mul3A_2540 : i32
      %add3A_2542 = vector.broadcast %mul3A_2541 : i32 to vector<16xi32>
      %add3A_2543 = arith.addi %add3A_2542, %iota3A_1258 : vector<16xi32>
      %lt3A = vector.broadcast %parallel_loop3A_1429 : i32 to vector<16xi32>
      %lt3A_2544 = arith.cmpi slt, %add3A_2543, %lt3A : vector<16xi32>
      %and3A_2545 = arith.andi %eq3A_2539, %lt3A_2544 : vector<16xi1>
      %swap3A_2546 = arith.index_cast %while3A_2528 : i32 to index
      %swap3A_2547 = tpu.vector_load %arg6[%swap3A_2546] masked %and3A_2545 {strides = array<i32>} : memref<32768xi32, #tpu.memory_space<vmem>>, vector<16xi32>, vector<16xi1>
      tpu.vector_store %arg6[%swap3A_2546], %get3A_2532 masked %and3A_2545 {strides = array<i32>} : memref<32768xi32, #tpu.memory_space<vmem>>, vector<16xi32>, vector<16xi1>
      %shift_right_logical3A_2548 = arith.constant 20 : i32
      %shift_right_logical3A_2549 = vector.broadcast %shift_right_logical3A_2548 : i32 to vector<16xi32>
      %shift_right_logical3A_2550 = arith.shrui %get3A_2532, %shift_right_logical3A_2549 : vector<16xi32>
      %and3A_2551 = arith.constant 15 : i32
      %and3A_2552 = vector.broadcast %and3A_2551 : i32 to vector<16xi32>
      %and3A_2553 = arith.andi %shift_right_logical3A_2550, %and3A_2552 : vector<16xi32>
      %bitcast_convert_type3A_2554 = tpu.bitcast %and3A_2553 : vector<16xi32> -> vector<16xi32>
      %add3A_2555 = arith.addi %mul3A_1261, %bitcast_convert_type3A_2554 : vector<16xi32>
      tpu.vector_store_idx %arg7[%add3A_2555], %broadcast_in_dim3A_1263 masked %and3A_2545 {add = true} : memref<256xi32, #tpu.memory_space<vmem>>[vector<16xi32>], vector<16xi32>, vector<16xi1>
      %all_reduce_population_count3A = tpu.all_reduce %and3A_2545 {dim = 0 : i64, kind = #tpu.reduction_kind<sum>} : vector<16xi1> -> vector<16xi32>
      %slice3A = vector.extract_strided_slice %all_reduce_population_count3A {offsets = [0], sizes = [1], strides = [1]} : vector<16xi32> to vector<1xi32>
      %squeeze3A = vector.extract %slice3A[0] : i32 from vector<1xi32>
      %add3A_2556 = arith.addi %while3A_2528, %squeeze3A : i32
      scf.yield %add3A_2556 : i32
    }
    %while3A_1588 = arith.constant 1 : i32
    %while3A_1589 = scf.for %while3A_2527 = %while3A_1585 to %while3A_1581 step %while3A_1588 iter_args(%while3A_2528 = %while3A_1587) -> (i32)  : i32 {
      %mul3A_2529 = arith.constant 16 : i32
      %mul3A_2530 = arith.muli %while3A_2527, %mul3A_2529 : i32
      %get3A_2531 = arith.index_cast %mul3A_2530 : i32 to index
      %get3A_2532 = tpu.vector_load %arg6[%get3A_2531] {strides = array<i32>} : memref<32768xi32, #tpu.memory_space<vmem>>, vector<16xi32>,
      %shift_right_logical3A = arith.constant 24 : i32
      %shift_right_logical3A_2533 = vector.broadcast %shift_right_logical3A : i32 to vector<16xi32>
      %shift_right_logical3A_2534 = arith.shrui %get3A_2532, %shift_right_logical3A_2533 : vector<16xi32>
      %and3A_2535 = arith.constant 15 : i32
      %and3A_2536 = vector.broadcast %and3A_2535 : i32 to vector<16xi32>
      %and3A_2537 = arith.andi %shift_right_logical3A_2534, %and3A_2536 : vector<16xi32>
      %eq3A_2538 = vector.broadcast %reduce_max3A_1502 : i32 to vector<16xi32>
      %eq3A_2539 = arith.cmpi eq, %and3A_2537, %eq3A_2538 : vector<16xi32>
      %mul3A_2540 = arith.constant 16 : i32
      %mul3A_2541 = arith.muli %while3A_2527, %mul3A_2540 : i32
      %add3A_2542 = vector.broadcast %mul3A_2541 : i32 to vector<16xi32>
      %add3A_2543 = arith.addi %add3A_2542, %iota3A_1258 : vector<16xi32>
      %lt3A = vector.broadcast %parallel_loop3A_1429 : i32 to vector<16xi32>
      %lt3A_2544 = arith.cmpi slt, %add3A_2543, %lt3A : vector<16xi32>
      %and3A_2545 = arith.andi %eq3A_2539, %lt3A_2544 : vector<16xi1>
      %swap3A_2546 = arith.index_cast %while3A_2528 : i32 to index
      %swap3A_2547 = tpu.vector_load %arg6[%swap3A_2546] masked %and3A_2545 {strides = array<i32>} : memref<32768xi32, #tpu.memory_space<vmem>>, vector<16xi32>, vector<16xi1>
      tpu.vector_store %arg6[%swap3A_2546], %get3A_2532 masked %and3A_2545 {strides = array<i32>} : memref<32768xi32, #tpu.memory_space<vmem>>, vector<16xi32>, vector<16xi1>
      %shift_right_logical3A_2548 = arith.constant 20 : i32
      %shift_right_logical3A_2549 = vector.broadcast %shift_right_logical3A_2548 : i32 to vector<16xi32>
      %shift_right_logical3A_2550 = arith.shrui %get3A_2532, %shift_right_logical3A_2549 : vector<16xi32>
      %and3A_2551 = arith.constant 15 : i32
      %and3A_2552 = vector.broadcast %and3A_2551 : i32 to vector<16xi32>
      %and3A_2553 = arith.andi %shift_right_logical3A_2550, %and3A_2552 : vector<16xi32>
      %bitcast_convert_type3A_2554 = tpu.bitcast %and3A_2553 : vector<16xi32> -> vector<16xi32>
      %add3A_2555 = arith.addi %mul3A_1261, %bitcast_convert_type3A_2554 : vector<16xi32>
      tpu.vector_store_idx %arg7[%add3A_2555], %broadcast_in_dim3A_1263 masked %and3A_2545 {add = true} : memref<256xi32, #tpu.memory_space<vmem>>[vector<16xi32>], vector<16xi32>, vector<16xi1>
      %all_reduce_population_count3A = tpu.all_reduce %and3A_2545 {dim = 0 : i64, kind = #tpu.reduction_kind<sum>} : vector<16xi1> -> vector<16xi32>
      %slice3A = vector.extract_strided_slice %all_reduce_population_count3A {offsets = [0], sizes = [1], strides = [1]} : vector<16xi32> to vector<1xi32>
      %squeeze3A = vector.extract %slice3A[0] : i32 from vector<1xi32>
      %add3A_2556 = arith.addi %while3A_2528, %squeeze3A : i32
      scf.yield %add3A_2556 : i32
    }
    %get3A_1590 = arith.constant 0 : index
    %get3A_1591 = tpu.vector_load %arg7[%get3A_1590] {strides = array<i32>} : memref<256xi32, #tpu.memory_space<vmem>>, vector<16xi32>,
    %get3A_1592 = arith.constant 16 : index
    %get3A_1593 = tpu.vector_load %arg7[%get3A_1592] {strides = array<i32>} : memref<256xi32, #tpu.memory_space<vmem>>, vector<16xi32>,
    %get3A_1594 = arith.constant 32 : index
    %get3A_1595 = tpu.vector_load %arg7[%get3A_1594] {strides = array<i32>} : memref<256xi32, #tpu.memory_space<vmem>>, vector<16xi32>,
    %get3A_1596 = arith.constant 48 : index
    %get3A_1597 = tpu.vector_load %arg7[%get3A_1596] {strides = array<i32>} : memref<256xi32, #tpu.memory_space<vmem>>, vector<16xi32>,
    %get3A_1598 = arith.constant 64 : index
    %get3A_1599 = tpu.vector_load %arg7[%get3A_1598] {strides = array<i32>} : memref<256xi32, #tpu.memory_space<vmem>>, vector<16xi32>,
    %get3A_1600 = arith.constant 80 : index
    %get3A_1601 = tpu.vector_load %arg7[%get3A_1600] {strides = array<i32>} : memref<256xi32, #tpu.memory_space<vmem>>, vector<16xi32>,
    %get3A_1602 = arith.constant 96 : index
    %get3A_1603 = tpu.vector_load %arg7[%get3A_1602] {strides = array<i32>} : memref<256xi32, #tpu.memory_space<vmem>>, vector<16xi32>,
    %get3A_1604 = arith.constant 112 : index
    %get3A_1605 = tpu.vector_load %arg7[%get3A_1604] {strides = array<i32>} : memref<256xi32, #tpu.memory_space<vmem>>, vector<16xi32>,
    %get3A_1606 = arith.constant 128 : index
    %get3A_1607 = tpu.vector_load %arg7[%get3A_1606] {strides = array<i32>} : memref<256xi32, #tpu.memory_space<vmem>>, vector<16xi32>,
    %get3A_1608 = arith.constant 144 : index
    %get3A_1609 = tpu.vector_load %arg7[%get3A_1608] {strides = array<i32>} : memref<256xi32, #tpu.memory_space<vmem>>, vector<16xi32>,
    %get3A_1610 = arith.constant 160 : index
    %get3A_1611 = tpu.vector_load %arg7[%get3A_1610] {strides = array<i32>} : memref<256xi32, #tpu.memory_space<vmem>>, vector<16xi32>,
    %get3A_1612 = arith.constant 176 : index
    %get3A_1613 = tpu.vector_load %arg7[%get3A_1612] {strides = array<i32>} : memref<256xi32, #tpu.memory_space<vmem>>, vector<16xi32>,
    %get3A_1614 = arith.constant 192 : index
    %get3A_1615 = tpu.vector_load %arg7[%get3A_1614] {strides = array<i32>} : memref<256xi32, #tpu.memory_space<vmem>>, vector<16xi32>,
    %get3A_1616 = arith.constant 208 : index
    %get3A_1617 = tpu.vector_load %arg7[%get3A_1616] {strides = array<i32>} : memref<256xi32, #tpu.memory_space<vmem>>, vector<16xi32>,
    %get3A_1618 = arith.constant 224 : index
    %get3A_1619 = tpu.vector_load %arg7[%get3A_1618] {strides = array<i32>} : memref<256xi32, #tpu.memory_space<vmem>>, vector<16xi32>,
    %get3A_1620 = arith.constant 240 : index
    %get3A_1621 = tpu.vector_load %arg7[%get3A_1620] {strides = array<i32>} : memref<256xi32, #tpu.memory_space<vmem>>, vector<16xi32>,
    %add3A_1622 = arith.addi %get3A_1591, %get3A_1593 : vector<16xi32>
    %add3A_1623 = arith.addi %get3A_1595, %get3A_1597 : vector<16xi32>
    %add3A_1624 = arith.addi %get3A_1599, %get3A_1601 : vector<16xi32>
    %add3A_1625 = arith.addi %get3A_1603, %get3A_1605 : vector<16xi32>
    %add3A_1626 = arith.addi %get3A_1607, %get3A_1609 : vector<16xi32>
    %add3A_1627 = arith.addi %get3A_1611, %get3A_1613 : vector<16xi32>
    %add3A_1628 = arith.addi %get3A_1615, %get3A_1617 : vector<16xi32>
    %add3A_1629 = arith.addi %get3A_1619, %get3A_1621 : vector<16xi32>
    %add3A_1630 = arith.addi %add3A_1622, %add3A_1623 : vector<16xi32>
    %add3A_1631 = arith.addi %add3A_1624, %add3A_1625 : vector<16xi32>
    %add3A_1632 = arith.addi %add3A_1626, %add3A_1627 : vector<16xi32>
    %add3A_1633 = arith.addi %add3A_1628, %add3A_1629 : vector<16xi32>
    %add3A_1634 = arith.addi %add3A_1630, %add3A_1631 : vector<16xi32>
    %add3A_1635 = arith.addi %add3A_1632, %add3A_1633 : vector<16xi32>
    %add3A_1636 = arith.addi %add3A_1634, %add3A_1635 : vector<16xi32>
    %rev3A_1637 = arith.constant 15 : i32
    %rev3A_1638 = vector.broadcast %rev3A_1637 : i32 to vector<16xi32>
    %rev3A_1639 = tpu.iota {dimensions = array<i32: 0>} : vector<16xi32>
    %rev3A_1640 = arith.subi %rev3A_1638, %rev3A_1639 : vector<16xi32>
    %rev3A_1641 = tpu.dynamic_gather %add3A_1636[%rev3A_1640] in [0] : vector<16xi32>, vector<16xi32> -> vector<16xi32>
    %broadcast_in_dim3A_1642 = arith.constant true
    %broadcast_in_dim3A_1643 = vector.broadcast %broadcast_in_dim3A_1642 : i1 to vector<16xi1>
    %masked_cumsum3A_1644 = tpu.scan <sum>, %rev3A_1641 masked %broadcast_in_dim3A_1643 : vector<16xi32>, vector<16xi1> -> vector<16xi32>
    %rev3A_1645 = arith.constant 15 : i32
    %rev3A_1646 = vector.broadcast %rev3A_1645 : i32 to vector<16xi32>
    %rev3A_1647 = tpu.iota {dimensions = array<i32: 0>} : vector<16xi32>
    %rev3A_1648 = arith.subi %rev3A_1646, %rev3A_1647 : vector<16xi32>
    %rev3A_1649 = tpu.dynamic_gather %masked_cumsum3A_1644[%rev3A_1648] in [0] : vector<16xi32>, vector<16xi32> -> vector<16xi32>
    %ge3A_1650 = vector.broadcast %reduce_max3A_1516 : i32 to vector<16xi32>
    %ge3A_1651 = arith.cmpi sge, %rev3A_1649, %ge3A_1650 : vector<16xi32>
    %jit3A_1652 = arith.constant -1 : i32
    %broadcast_in_dim3A_1653 = vector.broadcast %jit3A_1652 : i32 to vector<16xi32>
    %select_n3A_1654 = arith.select %ge3A_1651, %iota3A_1258, %broadcast_in_dim3A_1653 : vector<16xi1>, vector<16xi32>
    %reduce_max3A_1655 = arith.constant true
    %reduce_max3A_1656 = vector.broadcast %reduce_max3A_1655 : i1 to vector<16xi1>
    %reduce_max3A_1657 = arith.constant -2147483648 : i32
    %reduce_max3A_1658 = vector.broadcast %reduce_max3A_1657 : i32 to vector<16xi32>
    %reduce_max3A_1659 = arith.xori %select_n3A_1654, %reduce_max3A_1658 : vector<16xi32>
    %reduce_max3A_1660 = tpu.scan <max>, %reduce_max3A_1659 masked %reduce_max3A_1656 : vector<16xi32>, vector<16xi1> -> vector<16xi32>
    %reduce_max3A_1661 = arith.xori %reduce_max3A_1660, %reduce_max3A_1658 : vector<16xi32>
    %reduce_max3A_1662 = vector.extract %reduce_max3A_1661[15] : i32 from vector<16xi32>
    %sub3A_1663 = arith.subi %rev3A_1649, %add3A_1636 : vector<16xi32>
    %sub3A_1664 = vector.broadcast %reduce_max3A_1516 : i32 to vector<16xi32>
    %sub3A_1665 = arith.subi %sub3A_1664, %sub3A_1663 : vector<16xi32>
    %jit3A_1666 = arith.constant -2147483648 : i32
    %broadcast_in_dim3A_1667 = vector.broadcast %jit3A_1666 : i32 to vector<16xi32>
    %select_n3A_1668 = arith.select %ge3A_1651, %sub3A_1665, %broadcast_in_dim3A_1667 : vector<16xi1>, vector<16xi32>
    %reduce_max3A_1669 = arith.constant true
    %reduce_max3A_1670 = vector.broadcast %reduce_max3A_1669 : i1 to vector<16xi1>
    %reduce_max3A_1671 = arith.constant -2147483648 : i32
    %reduce_max3A_1672 = vector.broadcast %reduce_max3A_1671 : i32 to vector<16xi32>
    %reduce_max3A_1673 = arith.xori %select_n3A_1668, %reduce_max3A_1672 : vector<16xi32>
    %reduce_max3A_1674 = tpu.scan <max>, %reduce_max3A_1673 masked %reduce_max3A_1670 : vector<16xi32>, vector<16xi1> -> vector<16xi32>
    %reduce_max3A_1675 = arith.xori %reduce_max3A_1674, %reduce_max3A_1672 : vector<16xi32>
    %reduce_max3A_1676 = vector.extract %reduce_max3A_1675[15] : i32 from vector<16xi32>
    %shift_left3A_1677 = arith.constant 20 : i32
    %shift_left3A_1678 = arith.shli %reduce_max3A_1662, %shift_left3A_1677 : i32
    %or3A_1679 = arith.ori %or3A_1519, %shift_left3A_1678 : i32
    %swap3A_1680 = arith.constant 0 : index
    %swap3A_1681 = tpu.vector_load %arg7[%swap3A_1680] {strides = array<i32>} : memref<256xi32, #tpu.memory_space<vmem>>, vector<16xi32>,
    tpu.vector_store %arg7[%swap3A_1680], %broadcast_in_dim3A_1265 {strides = array<i32>} : memref<256xi32, #tpu.memory_space<vmem>>, vector<16xi32>,
    %swap3A_1682 = arith.constant 16 : index
    %swap3A_1683 = tpu.vector_load %arg7[%swap3A_1682] {strides = array<i32>} : memref<256xi32, #tpu.memory_space<vmem>>, vector<16xi32>,
    tpu.vector_store %arg7[%swap3A_1682], %broadcast_in_dim3A_1265 {strides = array<i32>} : memref<256xi32, #tpu.memory_space<vmem>>, vector<16xi32>,
    %swap3A_1684 = arith.constant 32 : index
    %swap3A_1685 = tpu.vector_load %arg7[%swap3A_1684] {strides = array<i32>} : memref<256xi32, #tpu.memory_space<vmem>>, vector<16xi32>,
    tpu.vector_store %arg7[%swap3A_1684], %broadcast_in_dim3A_1265 {strides = array<i32>} : memref<256xi32, #tpu.memory_space<vmem>>, vector<16xi32>,
    %swap3A_1686 = arith.constant 48 : index
    %swap3A_1687 = tpu.vector_load %arg7[%swap3A_1686] {strides = array<i32>} : memref<256xi32, #tpu.memory_space<vmem>>, vector<16xi32>,
    tpu.vector_store %arg7[%swap3A_1686], %broadcast_in_dim3A_1265 {strides = array<i32>} : memref<256xi32, #tpu.memory_space<vmem>>, vector<16xi32>,
    %swap3A_1688 = arith.constant 64 : index
    %swap3A_1689 = tpu.vector_load %arg7[%swap3A_1688] {strides = array<i32>} : memref<256xi32, #tpu.memory_space<vmem>>, vector<16xi32>,
    tpu.vector_store %arg7[%swap3A_1688], %broadcast_in_dim3A_1265 {strides = array<i32>} : memref<256xi32, #tpu.memory_space<vmem>>, vector<16xi32>,
    %swap3A_1690 = arith.constant 80 : index
    %swap3A_1691 = tpu.vector_load %arg7[%swap3A_1690] {strides = array<i32>} : memref<256xi32, #tpu.memory_space<vmem>>, vector<16xi32>,
    tpu.vector_store %arg7[%swap3A_1690], %broadcast_in_dim3A_1265 {strides = array<i32>} : memref<256xi32, #tpu.memory_space<vmem>>, vector<16xi32>,
    %swap3A_1692 = arith.constant 96 : index
    %swap3A_1693 = tpu.vector_load %arg7[%swap3A_1692] {strides = array<i32>} : memref<256xi32, #tpu.memory_space<vmem>>, vector<16xi32>,
    tpu.vector_store %arg7[%swap3A_1692], %broadcast_in_dim3A_1265 {strides = array<i32>} : memref<256xi32, #tpu.memory_space<vmem>>, vector<16xi32>,
    %swap3A_1694 = arith.constant 112 : index
    %swap3A_1695 = tpu.vector_load %arg7[%swap3A_1694] {strides = array<i32>} : memref<256xi32, #tpu.memory_space<vmem>>, vector<16xi32>,
    tpu.vector_store %arg7[%swap3A_1694], %broadcast_in_dim3A_1265 {strides = array<i32>} : memref<256xi32, #tpu.memory_space<vmem>>, vector<16xi32>,
    %swap3A_1696 = arith.constant 128 : index
    %swap3A_1697 = tpu.vector_load %arg7[%swap3A_1696] {strides = array<i32>} : memref<256xi32, #tpu.memory_space<vmem>>, vector<16xi32>,
    tpu.vector_store %arg7[%swap3A_1696], %broadcast_in_dim3A_1265 {strides = array<i32>} : memref<256xi32, #tpu.memory_space<vmem>>, vector<16xi32>,
    %swap3A_1698 = arith.constant 144 : index
    %swap3A_1699 = tpu.vector_load %arg7[%swap3A_1698] {strides = array<i32>} : memref<256xi32, #tpu.memory_space<vmem>>, vector<16xi32>,
    tpu.vector_store %arg7[%swap3A_1698], %broadcast_in_dim3A_1265 {strides = array<i32>} : memref<256xi32, #tpu.memory_space<vmem>>, vector<16xi32>,
    %swap3A_1700 = arith.constant 160 : index
    %swap3A_1701 = tpu.vector_load %arg7[%swap3A_1700] {strides = array<i32>} : memref<256xi32, #tpu.memory_space<vmem>>, vector<16xi32>,
    tpu.vector_store %arg7[%swap3A_1700], %broadcast_in_dim3A_1265 {strides = array<i32>} : memref<256xi32, #tpu.memory_space<vmem>>, vector<16xi32>,
    %swap3A_1702 = arith.constant 176 : index
    %swap3A_1703 = tpu.vector_load %arg7[%swap3A_1702] {strides = array<i32>} : memref<256xi32, #tpu.memory_space<vmem>>, vector<16xi32>,
    tpu.vector_store %arg7[%swap3A_1702], %broadcast_in_dim3A_1265 {strides = array<i32>} : memref<256xi32, #tpu.memory_space<vmem>>, vector<16xi32>,
    %swap3A_1704 = arith.constant 192 : index
    %swap3A_1705 = tpu.vector_load %arg7[%swap3A_1704] {strides = array<i32>} : memref<256xi32, #tpu.memory_space<vmem>>, vector<16xi32>,
    tpu.vector_store %arg7[%swap3A_1704], %broadcast_in_dim3A_1265 {strides = array<i32>} : memref<256xi32, #tpu.memory_space<vmem>>, vector<16xi32>,
    %swap3A_1706 = arith.constant 208 : index
    %swap3A_1707 = tpu.vector_load %arg7[%swap3A_1706] {strides = array<i32>} : memref<256xi32, #tpu.memory_space<vmem>>, vector<16xi32>,
    tpu.vector_store %arg7[%swap3A_1706], %broadcast_in_dim3A_1265 {strides = array<i32>} : memref<256xi32, #tpu.memory_space<vmem>>, vector<16xi32>,
    %swap3A_1708 = arith.constant 224 : index
    %swap3A_1709 = tpu.vector_load %arg7[%swap3A_1708] {strides = array<i32>} : memref<256xi32, #tpu.memory_space<vmem>>, vector<16xi32>,
    tpu.vector_store %arg7[%swap3A_1708], %broadcast_in_dim3A_1265 {strides = array<i32>} : memref<256xi32, #tpu.memory_space<vmem>>, vector<16xi32>,
    %swap3A_1710 = arith.constant 240 : index
    %swap3A_1711 = tpu.vector_load %arg7[%swap3A_1710] {strides = array<i32>} : memref<256xi32, #tpu.memory_space<vmem>>, vector<16xi32>,
    tpu.vector_store %arg7[%swap3A_1710], %broadcast_in_dim3A_1265 {strides = array<i32>} : memref<256xi32, #tpu.memory_space<vmem>>, vector<16xi32>,
    %add3A_1712 = arith.constant 15 : i32
    %add3A_1713 = arith.addi %while3A_1589, %add3A_1712 : i32
    %jit3A_1714 = arith.constant 16 : i32
    %div3A_1715 = arith.divsi %add3A_1713, %jit3A_1714 : i32
    %sign3A_1716 = arith.constant 0 : i32
    %sign3A_1717 = arith.cmpi sgt, %add3A_1713, %sign3A_1716 : i32
    %sign3A_1718 = arith.extui %sign3A_1717 : i1 to i32
    %sign3A_1719 = arith.constant 0 : i32
    %sign3A_1720 = arith.cmpi slt, %add3A_1713, %sign3A_1719 : i32
    %sign3A_1721 = arith.extui %sign3A_1720 : i1 to i32
    %sign3A_1722 = arith.subi %sign3A_1718, %sign3A_1721 : i32
    %sign3A_1723 = arith.constant 0 : i32
    %sign3A_1724 = arith.cmpi sgt, %jit3A_1714, %sign3A_1723 : i32
    %sign3A_1725 = arith.extui %sign3A_1724 : i1 to i32
    %sign3A_1726 = arith.constant 0 : i32
    %sign3A_1727 = arith.cmpi slt, %jit3A_1714, %sign3A_1726 : i32
    %sign3A_1728 = arith.extui %sign3A_1727 : i1 to i32
    %sign3A_1729 = arith.subi %sign3A_1725, %sign3A_1728 : i32
    %ne3A_1730 = arith.cmpi ne, %sign3A_1722, %sign3A_1729 : i32
    %rem3A_1731 = arith.remsi %add3A_1713, %jit3A_1714 : i32
    %ne3A_1732 = arith.constant 0 : i32
    %ne3A_1733 = arith.cmpi ne, %rem3A_1731, %ne3A_1732 : i32
    %and3A_1734 = arith.andi %ne3A_1730, %ne3A_1733 : i1
    %sub3A_1735 = arith.constant 1 : i32
    %sub3A_1736 = arith.subi %div3A_1715, %sub3A_1735 : i32
    %select_n3A_1737 = arith.select %and3A_1734, %sub3A_1736, %div3A_1715 : i32
    %while3A_1738 = arith.constant 0 : i32
    %while3A_1739 = arith.constant 0 : i32
    %while3A_1740 = arith.subi %select_n3A_1737, %while3A_1738 : i32
    %while3A_1741 = arith.addi %while3A_1738, %while3A_1740 : i32
    %while3A_1742 = arith.constant 1 : i32
    %while3A_1743 = arith.divsi %while3A_1740, %while3A_1742 : i32
    %while3A_1744 = arith.muli %while3A_1743, %while3A_1742 : i32
    %while3A_1745 = arith.addi %while3A_1738, %while3A_1744 : i32
    %while3A_1746 = arith.constant 1 : i32
    %while3A_1747 = scf.for %while3A_2527 = %while3A_1738 to %while3A_1745 step %while3A_1746 iter_args(%while3A_2528 = %while3A_1739) -> (i32)  : i32 {
      %mul3A_2529 = arith.constant 16 : i32
      %mul3A_2530 = arith.muli %while3A_2527, %mul3A_2529 : i32
      %get3A_2531 = arith.index_cast %mul3A_2530 : i32 to index
      %get3A_2532 = tpu.vector_load %arg6[%get3A_2531] {strides = array<i32>} : memref<32768xi32, #tpu.memory_space<vmem>>, vector<16xi32>,
      %shift_right_logical3A = arith.constant 20 : i32
      %shift_right_logical3A_2533 = vector.broadcast %shift_right_logical3A : i32 to vector<16xi32>
      %shift_right_logical3A_2534 = arith.shrui %get3A_2532, %shift_right_logical3A_2533 : vector<16xi32>
      %and3A_2535 = arith.constant 15 : i32
      %and3A_2536 = vector.broadcast %and3A_2535 : i32 to vector<16xi32>
      %and3A_2537 = arith.andi %shift_right_logical3A_2534, %and3A_2536 : vector<16xi32>
      %eq3A_2538 = vector.broadcast %reduce_max3A_1662 : i32 to vector<16xi32>
      %eq3A_2539 = arith.cmpi eq, %and3A_2537, %eq3A_2538 : vector<16xi32>
      %mul3A_2540 = arith.constant 16 : i32
      %mul3A_2541 = arith.muli %while3A_2527, %mul3A_2540 : i32
      %add3A_2542 = vector.broadcast %mul3A_2541 : i32 to vector<16xi32>
      %add3A_2543 = arith.addi %add3A_2542, %iota3A_1258 : vector<16xi32>
      %lt3A = vector.broadcast %while3A_1589 : i32 to vector<16xi32>
      %lt3A_2544 = arith.cmpi slt, %add3A_2543, %lt3A : vector<16xi32>
      %and3A_2545 = arith.andi %eq3A_2539, %lt3A_2544 : vector<16xi1>
      %swap3A_2546 = arith.index_cast %while3A_2528 : i32 to index
      %swap3A_2547 = tpu.vector_load %arg6[%swap3A_2546] masked %and3A_2545 {strides = array<i32>} : memref<32768xi32, #tpu.memory_space<vmem>>, vector<16xi32>, vector<16xi1>
      tpu.vector_store %arg6[%swap3A_2546], %get3A_2532 masked %and3A_2545 {strides = array<i32>} : memref<32768xi32, #tpu.memory_space<vmem>>, vector<16xi32>, vector<16xi1>
      %shift_right_logical3A_2548 = arith.constant 16 : i32
      %shift_right_logical3A_2549 = vector.broadcast %shift_right_logical3A_2548 : i32 to vector<16xi32>
      %shift_right_logical3A_2550 = arith.shrui %get3A_2532, %shift_right_logical3A_2549 : vector<16xi32>
      %and3A_2551 = arith.constant 15 : i32
      %and3A_2552 = vector.broadcast %and3A_2551 : i32 to vector<16xi32>
      %and3A_2553 = arith.andi %shift_right_logical3A_2550, %and3A_2552 : vector<16xi32>
      %bitcast_convert_type3A_2554 = tpu.bitcast %and3A_2553 : vector<16xi32> -> vector<16xi32>
      %add3A_2555 = arith.addi %mul3A_1261, %bitcast_convert_type3A_2554 : vector<16xi32>
      tpu.vector_store_idx %arg7[%add3A_2555], %broadcast_in_dim3A_1263 masked %and3A_2545 {add = true} : memref<256xi32, #tpu.memory_space<vmem>>[vector<16xi32>], vector<16xi32>, vector<16xi1>
      %all_reduce_population_count3A = tpu.all_reduce %and3A_2545 {dim = 0 : i64, kind = #tpu.reduction_kind<sum>} : vector<16xi1> -> vector<16xi32>
      %slice3A = vector.extract_strided_slice %all_reduce_population_count3A {offsets = [0], sizes = [1], strides = [1]} : vector<16xi32> to vector<1xi32>
      %squeeze3A = vector.extract %slice3A[0] : i32 from vector<1xi32>
      %add3A_2556 = arith.addi %while3A_2528, %squeeze3A : i32
      scf.yield %add3A_2556 : i32
    }
    %while3A_1748 = arith.constant 1 : i32
    %while3A_1749 = scf.for %while3A_2527 = %while3A_1745 to %while3A_1741 step %while3A_1748 iter_args(%while3A_2528 = %while3A_1747) -> (i32)  : i32 {
      %mul3A_2529 = arith.constant 16 : i32
      %mul3A_2530 = arith.muli %while3A_2527, %mul3A_2529 : i32
      %get3A_2531 = arith.index_cast %mul3A_2530 : i32 to index
      %get3A_2532 = tpu.vector_load %arg6[%get3A_2531] {strides = array<i32>} : memref<32768xi32, #tpu.memory_space<vmem>>, vector<16xi32>,
      %shift_right_logical3A = arith.constant 20 : i32
      %shift_right_logical3A_2533 = vector.broadcast %shift_right_logical3A : i32 to vector<16xi32>
      %shift_right_logical3A_2534 = arith.shrui %get3A_2532, %shift_right_logical3A_2533 : vector<16xi32>
      %and3A_2535 = arith.constant 15 : i32
      %and3A_2536 = vector.broadcast %and3A_2535 : i32 to vector<16xi32>
      %and3A_2537 = arith.andi %shift_right_logical3A_2534, %and3A_2536 : vector<16xi32>
      %eq3A_2538 = vector.broadcast %reduce_max3A_1662 : i32 to vector<16xi32>
      %eq3A_2539 = arith.cmpi eq, %and3A_2537, %eq3A_2538 : vector<16xi32>
      %mul3A_2540 = arith.constant 16 : i32
      %mul3A_2541 = arith.muli %while3A_2527, %mul3A_2540 : i32
      %add3A_2542 = vector.broadcast %mul3A_2541 : i32 to vector<16xi32>
      %add3A_2543 = arith.addi %add3A_2542, %iota3A_1258 : vector<16xi32>
      %lt3A = vector.broadcast %while3A_1589 : i32 to vector<16xi32>
      %lt3A_2544 = arith.cmpi slt, %add3A_2543, %lt3A : vector<16xi32>
      %and3A_2545 = arith.andi %eq3A_2539, %lt3A_2544 : vector<16xi1>
      %swap3A_2546 = arith.index_cast %while3A_2528 : i32 to index
      %swap3A_2547 = tpu.vector_load %arg6[%swap3A_2546] masked %and3A_2545 {strides = array<i32>} : memref<32768xi32, #tpu.memory_space<vmem>>, vector<16xi32>, vector<16xi1>
      tpu.vector_store %arg6[%swap3A_2546], %get3A_2532 masked %and3A_2545 {strides = array<i32>} : memref<32768xi32, #tpu.memory_space<vmem>>, vector<16xi32>, vector<16xi1>
      %shift_right_logical3A_2548 = arith.constant 16 : i32
      %shift_right_logical3A_2549 = vector.broadcast %shift_right_logical3A_2548 : i32 to vector<16xi32>
      %shift_right_logical3A_2550 = arith.shrui %get3A_2532, %shift_right_logical3A_2549 : vector<16xi32>
      %and3A_2551 = arith.constant 15 : i32
      %and3A_2552 = vector.broadcast %and3A_2551 : i32 to vector<16xi32>
      %and3A_2553 = arith.andi %shift_right_logical3A_2550, %and3A_2552 : vector<16xi32>
      %bitcast_convert_type3A_2554 = tpu.bitcast %and3A_2553 : vector<16xi32> -> vector<16xi32>
      %add3A_2555 = arith.addi %mul3A_1261, %bitcast_convert_type3A_2554 : vector<16xi32>
      tpu.vector_store_idx %arg7[%add3A_2555], %broadcast_in_dim3A_1263 masked %and3A_2545 {add = true} : memref<256xi32, #tpu.memory_space<vmem>>[vector<16xi32>], vector<16xi32>, vector<16xi1>
      %all_reduce_population_count3A = tpu.all_reduce %and3A_2545 {dim = 0 : i64, kind = #tpu.reduction_kind<sum>} : vector<16xi1> -> vector<16xi32>
      %slice3A = vector.extract_strided_slice %all_reduce_population_count3A {offsets = [0], sizes = [1], strides = [1]} : vector<16xi32> to vector<1xi32>
      %squeeze3A = vector.extract %slice3A[0] : i32 from vector<1xi32>
      %add3A_2556 = arith.addi %while3A_2528, %squeeze3A : i32
      scf.yield %add3A_2556 : i32
    }
    %get3A_1750 = arith.constant 0 : index
    %get3A_1751 = tpu.vector_load %arg7[%get3A_1750] {strides = array<i32>} : memref<256xi32, #tpu.memory_space<vmem>>, vector<16xi32>,
    %get3A_1752 = arith.constant 16 : index
    %get3A_1753 = tpu.vector_load %arg7[%get3A_1752] {strides = array<i32>} : memref<256xi32, #tpu.memory_space<vmem>>, vector<16xi32>,
    %get3A_1754 = arith.constant 32 : index
    %get3A_1755 = tpu.vector_load %arg7[%get3A_1754] {strides = array<i32>} : memref<256xi32, #tpu.memory_space<vmem>>, vector<16xi32>,
    %get3A_1756 = arith.constant 48 : index
    %get3A_1757 = tpu.vector_load %arg7[%get3A_1756] {strides = array<i32>} : memref<256xi32, #tpu.memory_space<vmem>>, vector<16xi32>,
    %get3A_1758 = arith.constant 64 : index
    %get3A_1759 = tpu.vector_load %arg7[%get3A_1758] {strides = array<i32>} : memref<256xi32, #tpu.memory_space<vmem>>, vector<16xi32>,
    %get3A_1760 = arith.constant 80 : index
    %get3A_1761 = tpu.vector_load %arg7[%get3A_1760] {strides = array<i32>} : memref<256xi32, #tpu.memory_space<vmem>>, vector<16xi32>,
    %get3A_1762 = arith.constant 96 : index
    %get3A_1763 = tpu.vector_load %arg7[%get3A_1762] {strides = array<i32>} : memref<256xi32, #tpu.memory_space<vmem>>, vector<16xi32>,
    %get3A_1764 = arith.constant 112 : index
    %get3A_1765 = tpu.vector_load %arg7[%get3A_1764] {strides = array<i32>} : memref<256xi32, #tpu.memory_space<vmem>>, vector<16xi32>,
    %get3A_1766 = arith.constant 128 : index
    %get3A_1767 = tpu.vector_load %arg7[%get3A_1766] {strides = array<i32>} : memref<256xi32, #tpu.memory_space<vmem>>, vector<16xi32>,
    %get3A_1768 = arith.constant 144 : index
    %get3A_1769 = tpu.vector_load %arg7[%get3A_1768] {strides = array<i32>} : memref<256xi32, #tpu.memory_space<vmem>>, vector<16xi32>,
    %get3A_1770 = arith.constant 160 : index
    %get3A_1771 = tpu.vector_load %arg7[%get3A_1770] {strides = array<i32>} : memref<256xi32, #tpu.memory_space<vmem>>, vector<16xi32>,
    %get3A_1772 = arith.constant 176 : index
    %get3A_1773 = tpu.vector_load %arg7[%get3A_1772] {strides = array<i32>} : memref<256xi32, #tpu.memory_space<vmem>>, vector<16xi32>,
    %get3A_1774 = arith.constant 192 : index
    %get3A_1775 = tpu.vector_load %arg7[%get3A_1774] {strides = array<i32>} : memref<256xi32, #tpu.memory_space<vmem>>, vector<16xi32>,
    %get3A_1776 = arith.constant 208 : index
    %get3A_1777 = tpu.vector_load %arg7[%get3A_1776] {strides = array<i32>} : memref<256xi32, #tpu.memory_space<vmem>>, vector<16xi32>,
    %get3A_1778 = arith.constant 224 : index
    %get3A_1779 = tpu.vector_load %arg7[%get3A_1778] {strides = array<i32>} : memref<256xi32, #tpu.memory_space<vmem>>, vector<16xi32>,
    %get3A_1780 = arith.constant 240 : index
    %get3A_1781 = tpu.vector_load %arg7[%get3A_1780] {strides = array<i32>} : memref<256xi32, #tpu.memory_space<vmem>>, vector<16xi32>,
    %add3A_1782 = arith.addi %get3A_1751, %get3A_1753 : vector<16xi32>
    %add3A_1783 = arith.addi %get3A_1755, %get3A_1757 : vector<16xi32>
    %add3A_1784 = arith.addi %get3A_1759, %get3A_1761 : vector<16xi32>
    %add3A_1785 = arith.addi %get3A_1763, %get3A_1765 : vector<16xi32>
    %add3A_1786 = arith.addi %get3A_1767, %get3A_1769 : vector<16xi32>
    %add3A_1787 = arith.addi %get3A_1771, %get3A_1773 : vector<16xi32>
    %add3A_1788 = arith.addi %get3A_1775, %get3A_1777 : vector<16xi32>
    %add3A_1789 = arith.addi %get3A_1779, %get3A_1781 : vector<16xi32>
    %add3A_1790 = arith.addi %add3A_1782, %add3A_1783 : vector<16xi32>
    %add3A_1791 = arith.addi %add3A_1784, %add3A_1785 : vector<16xi32>
    %add3A_1792 = arith.addi %add3A_1786, %add3A_1787 : vector<16xi32>
    %add3A_1793 = arith.addi %add3A_1788, %add3A_1789 : vector<16xi32>
    %add3A_1794 = arith.addi %add3A_1790, %add3A_1791 : vector<16xi32>
    %add3A_1795 = arith.addi %add3A_1792, %add3A_1793 : vector<16xi32>
    %add3A_1796 = arith.addi %add3A_1794, %add3A_1795 : vector<16xi32>
    %rev3A_1797 = arith.constant 15 : i32
    %rev3A_1798 = vector.broadcast %rev3A_1797 : i32 to vector<16xi32>
    %rev3A_1799 = tpu.iota {dimensions = array<i32: 0>} : vector<16xi32>
    %rev3A_1800 = arith.subi %rev3A_1798, %rev3A_1799 : vector<16xi32>
    %rev3A_1801 = tpu.dynamic_gather %add3A_1796[%rev3A_1800] in [0] : vector<16xi32>, vector<16xi32> -> vector<16xi32>
    %broadcast_in_dim3A_1802 = arith.constant true
    %broadcast_in_dim3A_1803 = vector.broadcast %broadcast_in_dim3A_1802 : i1 to vector<16xi1>
    %masked_cumsum3A_1804 = tpu.scan <sum>, %rev3A_1801 masked %broadcast_in_dim3A_1803 : vector<16xi32>, vector<16xi1> -> vector<16xi32>
    %rev3A_1805 = arith.constant 15 : i32
    %rev3A_1806 = vector.broadcast %rev3A_1805 : i32 to vector<16xi32>
    %rev3A_1807 = tpu.iota {dimensions = array<i32: 0>} : vector<16xi32>
    %rev3A_1808 = arith.subi %rev3A_1806, %rev3A_1807 : vector<16xi32>
    %rev3A_1809 = tpu.dynamic_gather %masked_cumsum3A_1804[%rev3A_1808] in [0] : vector<16xi32>, vector<16xi32> -> vector<16xi32>
    %ge3A_1810 = vector.broadcast %reduce_max3A_1676 : i32 to vector<16xi32>
    %ge3A_1811 = arith.cmpi sge, %rev3A_1809, %ge3A_1810 : vector<16xi32>
    %jit3A_1812 = arith.constant -1 : i32
    %broadcast_in_dim3A_1813 = vector.broadcast %jit3A_1812 : i32 to vector<16xi32>
    %select_n3A_1814 = arith.select %ge3A_1811, %iota3A_1258, %broadcast_in_dim3A_1813 : vector<16xi1>, vector<16xi32>
    %reduce_max3A_1815 = arith.constant true
    %reduce_max3A_1816 = vector.broadcast %reduce_max3A_1815 : i1 to vector<16xi1>
    %reduce_max3A_1817 = arith.constant -2147483648 : i32
    %reduce_max3A_1818 = vector.broadcast %reduce_max3A_1817 : i32 to vector<16xi32>
    %reduce_max3A_1819 = arith.xori %select_n3A_1814, %reduce_max3A_1818 : vector<16xi32>
    %reduce_max3A_1820 = tpu.scan <max>, %reduce_max3A_1819 masked %reduce_max3A_1816 : vector<16xi32>, vector<16xi1> -> vector<16xi32>
    %reduce_max3A_1821 = arith.xori %reduce_max3A_1820, %reduce_max3A_1818 : vector<16xi32>
    %reduce_max3A_1822 = vector.extract %reduce_max3A_1821[15] : i32 from vector<16xi32>
    %sub3A_1823 = arith.subi %rev3A_1809, %add3A_1796 : vector<16xi32>
    %sub3A_1824 = vector.broadcast %reduce_max3A_1676 : i32 to vector<16xi32>
    %sub3A_1825 = arith.subi %sub3A_1824, %sub3A_1823 : vector<16xi32>
    %jit3A_1826 = arith.constant -2147483648 : i32
    %broadcast_in_dim3A_1827 = vector.broadcast %jit3A_1826 : i32 to vector<16xi32>
    %select_n3A_1828 = arith.select %ge3A_1811, %sub3A_1825, %broadcast_in_dim3A_1827 : vector<16xi1>, vector<16xi32>
    %reduce_max3A_1829 = arith.constant true
    %reduce_max3A_1830 = vector.broadcast %reduce_max3A_1829 : i1 to vector<16xi1>
    %reduce_max3A_1831 = arith.constant -2147483648 : i32
    %reduce_max3A_1832 = vector.broadcast %reduce_max3A_1831 : i32 to vector<16xi32>
    %reduce_max3A_1833 = arith.xori %select_n3A_1828, %reduce_max3A_1832 : vector<16xi32>
    %reduce_max3A_1834 = tpu.scan <max>, %reduce_max3A_1833 masked %reduce_max3A_1830 : vector<16xi32>, vector<16xi1> -> vector<16xi32>
    %reduce_max3A_1835 = arith.xori %reduce_max3A_1834, %reduce_max3A_1832 : vector<16xi32>
    %reduce_max3A_1836 = vector.extract %reduce_max3A_1835[15] : i32 from vector<16xi32>
    %shift_left3A_1837 = arith.constant 16 : i32
    %shift_left3A_1838 = arith.shli %reduce_max3A_1822, %shift_left3A_1837 : i32
    %or3A_1839 = arith.ori %or3A_1679, %shift_left3A_1838 : i32
    %swap3A_1840 = arith.constant 0 : index
    %swap3A_1841 = tpu.vector_load %arg7[%swap3A_1840] {strides = array<i32>} : memref<256xi32, #tpu.memory_space<vmem>>, vector<16xi32>,
    tpu.vector_store %arg7[%swap3A_1840], %broadcast_in_dim3A_1265 {strides = array<i32>} : memref<256xi32, #tpu.memory_space<vmem>>, vector<16xi32>,
    %swap3A_1842 = arith.constant 16 : index
    %swap3A_1843 = tpu.vector_load %arg7[%swap3A_1842] {strides = array<i32>} : memref<256xi32, #tpu.memory_space<vmem>>, vector<16xi32>,
    tpu.vector_store %arg7[%swap3A_1842], %broadcast_in_dim3A_1265 {strides = array<i32>} : memref<256xi32, #tpu.memory_space<vmem>>, vector<16xi32>,
    %swap3A_1844 = arith.constant 32 : index
    %swap3A_1845 = tpu.vector_load %arg7[%swap3A_1844] {strides = array<i32>} : memref<256xi32, #tpu.memory_space<vmem>>, vector<16xi32>,
    tpu.vector_store %arg7[%swap3A_1844], %broadcast_in_dim3A_1265 {strides = array<i32>} : memref<256xi32, #tpu.memory_space<vmem>>, vector<16xi32>,
    %swap3A_1846 = arith.constant 48 : index
    %swap3A_1847 = tpu.vector_load %arg7[%swap3A_1846] {strides = array<i32>} : memref<256xi32, #tpu.memory_space<vmem>>, vector<16xi32>,
    tpu.vector_store %arg7[%swap3A_1846], %broadcast_in_dim3A_1265 {strides = array<i32>} : memref<256xi32, #tpu.memory_space<vmem>>, vector<16xi32>,
    %swap3A_1848 = arith.constant 64 : index
    %swap3A_1849 = tpu.vector_load %arg7[%swap3A_1848] {strides = array<i32>} : memref<256xi32, #tpu.memory_space<vmem>>, vector<16xi32>,
    tpu.vector_store %arg7[%swap3A_1848], %broadcast_in_dim3A_1265 {strides = array<i32>} : memref<256xi32, #tpu.memory_space<vmem>>, vector<16xi32>,
    %swap3A_1850 = arith.constant 80 : index
    %swap3A_1851 = tpu.vector_load %arg7[%swap3A_1850] {strides = array<i32>} : memref<256xi32, #tpu.memory_space<vmem>>, vector<16xi32>,
    tpu.vector_store %arg7[%swap3A_1850], %broadcast_in_dim3A_1265 {strides = array<i32>} : memref<256xi32, #tpu.memory_space<vmem>>, vector<16xi32>,
    %swap3A_1852 = arith.constant 96 : index
    %swap3A_1853 = tpu.vector_load %arg7[%swap3A_1852] {strides = array<i32>} : memref<256xi32, #tpu.memory_space<vmem>>, vector<16xi32>,
    tpu.vector_store %arg7[%swap3A_1852], %broadcast_in_dim3A_1265 {strides = array<i32>} : memref<256xi32, #tpu.memory_space<vmem>>, vector<16xi32>,
    %swap3A_1854 = arith.constant 112 : index
    %swap3A_1855 = tpu.vector_load %arg7[%swap3A_1854] {strides = array<i32>} : memref<256xi32, #tpu.memory_space<vmem>>, vector<16xi32>,
    tpu.vector_store %arg7[%swap3A_1854], %broadcast_in_dim3A_1265 {strides = array<i32>} : memref<256xi32, #tpu.memory_space<vmem>>, vector<16xi32>,
    %swap3A_1856 = arith.constant 128 : index
    %swap3A_1857 = tpu.vector_load %arg7[%swap3A_1856] {strides = array<i32>} : memref<256xi32, #tpu.memory_space<vmem>>, vector<16xi32>,
    tpu.vector_store %arg7[%swap3A_1856], %broadcast_in_dim3A_1265 {strides = array<i32>} : memref<256xi32, #tpu.memory_space<vmem>>, vector<16xi32>,
    %swap3A_1858 = arith.constant 144 : index
    %swap3A_1859 = tpu.vector_load %arg7[%swap3A_1858] {strides = array<i32>} : memref<256xi32, #tpu.memory_space<vmem>>, vector<16xi32>,
    tpu.vector_store %arg7[%swap3A_1858], %broadcast_in_dim3A_1265 {strides = array<i32>} : memref<256xi32, #tpu.memory_space<vmem>>, vector<16xi32>,
    %swap3A_1860 = arith.constant 160 : index
    %swap3A_1861 = tpu.vector_load %arg7[%swap3A_1860] {strides = array<i32>} : memref<256xi32, #tpu.memory_space<vmem>>, vector<16xi32>,
    tpu.vector_store %arg7[%swap3A_1860], %broadcast_in_dim3A_1265 {strides = array<i32>} : memref<256xi32, #tpu.memory_space<vmem>>, vector<16xi32>,
    %swap3A_1862 = arith.constant 176 : index
    %swap3A_1863 = tpu.vector_load %arg7[%swap3A_1862] {strides = array<i32>} : memref<256xi32, #tpu.memory_space<vmem>>, vector<16xi32>,
    tpu.vector_store %arg7[%swap3A_1862], %broadcast_in_dim3A_1265 {strides = array<i32>} : memref<256xi32, #tpu.memory_space<vmem>>, vector<16xi32>,
    %swap3A_1864 = arith.constant 192 : index
    %swap3A_1865 = tpu.vector_load %arg7[%swap3A_1864] {strides = array<i32>} : memref<256xi32, #tpu.memory_space<vmem>>, vector<16xi32>,
    tpu.vector_store %arg7[%swap3A_1864], %broadcast_in_dim3A_1265 {strides = array<i32>} : memref<256xi32, #tpu.memory_space<vmem>>, vector<16xi32>,
    %swap3A_1866 = arith.constant 208 : index
    %swap3A_1867 = tpu.vector_load %arg7[%swap3A_1866] {strides = array<i32>} : memref<256xi32, #tpu.memory_space<vmem>>, vector<16xi32>,
    tpu.vector_store %arg7[%swap3A_1866], %broadcast_in_dim3A_1265 {strides = array<i32>} : memref<256xi32, #tpu.memory_space<vmem>>, vector<16xi32>,
    %swap3A_1868 = arith.constant 224 : index
    %swap3A_1869 = tpu.vector_load %arg7[%swap3A_1868] {strides = array<i32>} : memref<256xi32, #tpu.memory_space<vmem>>, vector<16xi32>,
    tpu.vector_store %arg7[%swap3A_1868], %broadcast_in_dim3A_1265 {strides = array<i32>} : memref<256xi32, #tpu.memory_space<vmem>>, vector<16xi32>,
    %swap3A_1870 = arith.constant 240 : index
    %swap3A_1871 = tpu.vector_load %arg7[%swap3A_1870] {strides = array<i32>} : memref<256xi32, #tpu.memory_space<vmem>>, vector<16xi32>,
    tpu.vector_store %arg7[%swap3A_1870], %broadcast_in_dim3A_1265 {strides = array<i32>} : memref<256xi32, #tpu.memory_space<vmem>>, vector<16xi32>,
    %add3A_1872 = arith.constant 15 : i32
    %add3A_1873 = arith.addi %while3A_1749, %add3A_1872 : i32
    %jit3A_1874 = arith.constant 16 : i32
    %div3A_1875 = arith.divsi %add3A_1873, %jit3A_1874 : i32
    %sign3A_1876 = arith.constant 0 : i32
    %sign3A_1877 = arith.cmpi sgt, %add3A_1873, %sign3A_1876 : i32
    %sign3A_1878 = arith.extui %sign3A_1877 : i1 to i32
    %sign3A_1879 = arith.constant 0 : i32
    %sign3A_1880 = arith.cmpi slt, %add3A_1873, %sign3A_1879 : i32
    %sign3A_1881 = arith.extui %sign3A_1880 : i1 to i32
    %sign3A_1882 = arith.subi %sign3A_1878, %sign3A_1881 : i32
    %sign3A_1883 = arith.constant 0 : i32
    %sign3A_1884 = arith.cmpi sgt, %jit3A_1874, %sign3A_1883 : i32
    %sign3A_1885 = arith.extui %sign3A_1884 : i1 to i32
    %sign3A_1886 = arith.constant 0 : i32
    %sign3A_1887 = arith.cmpi slt, %jit3A_1874, %sign3A_1886 : i32
    %sign3A_1888 = arith.extui %sign3A_1887 : i1 to i32
    %sign3A_1889 = arith.subi %sign3A_1885, %sign3A_1888 : i32
    %ne3A_1890 = arith.cmpi ne, %sign3A_1882, %sign3A_1889 : i32
    %rem3A_1891 = arith.remsi %add3A_1873, %jit3A_1874 : i32
    %ne3A_1892 = arith.constant 0 : i32
    %ne3A_1893 = arith.cmpi ne, %rem3A_1891, %ne3A_1892 : i32
    %and3A_1894 = arith.andi %ne3A_1890, %ne3A_1893 : i1
    %sub3A_1895 = arith.constant 1 : i32
    %sub3A_1896 = arith.subi %div3A_1875, %sub3A_1895 : i32
    %select_n3A_1897 = arith.select %and3A_1894, %sub3A_1896, %div3A_1875 : i32
    %while3A_1898 = arith.constant 0 : i32
    %while3A_1899 = arith.constant 0 : i32
    %while3A_1900 = arith.subi %select_n3A_1897, %while3A_1898 : i32
    %while3A_1901 = arith.addi %while3A_1898, %while3A_1900 : i32
    %while3A_1902 = arith.constant 1 : i32
    %while3A_1903 = arith.divsi %while3A_1900, %while3A_1902 : i32
    %while3A_1904 = arith.muli %while3A_1903, %while3A_1902 : i32
    %while3A_1905 = arith.addi %while3A_1898, %while3A_1904 : i32
    %while3A_1906 = arith.constant 1 : i32
    %while3A_1907 = scf.for %while3A_2527 = %while3A_1898 to %while3A_1905 step %while3A_1906 iter_args(%while3A_2528 = %while3A_1899) -> (i32)  : i32 {
      %mul3A_2529 = arith.constant 16 : i32
      %mul3A_2530 = arith.muli %while3A_2527, %mul3A_2529 : i32
      %get3A_2531 = arith.index_cast %mul3A_2530 : i32 to index
      %get3A_2532 = tpu.vector_load %arg6[%get3A_2531] {strides = array<i32>} : memref<32768xi32, #tpu.memory_space<vmem>>, vector<16xi32>,
      %shift_right_logical3A = arith.constant 16 : i32
      %shift_right_logical3A_2533 = vector.broadcast %shift_right_logical3A : i32 to vector<16xi32>
      %shift_right_logical3A_2534 = arith.shrui %get3A_2532, %shift_right_logical3A_2533 : vector<16xi32>
      %and3A_2535 = arith.constant 15 : i32
      %and3A_2536 = vector.broadcast %and3A_2535 : i32 to vector<16xi32>
      %and3A_2537 = arith.andi %shift_right_logical3A_2534, %and3A_2536 : vector<16xi32>
      %eq3A_2538 = vector.broadcast %reduce_max3A_1822 : i32 to vector<16xi32>
      %eq3A_2539 = arith.cmpi eq, %and3A_2537, %eq3A_2538 : vector<16xi32>
      %mul3A_2540 = arith.constant 16 : i32
      %mul3A_2541 = arith.muli %while3A_2527, %mul3A_2540 : i32
      %add3A_2542 = vector.broadcast %mul3A_2541 : i32 to vector<16xi32>
      %add3A_2543 = arith.addi %add3A_2542, %iota3A_1258 : vector<16xi32>
      %lt3A = vector.broadcast %while3A_1749 : i32 to vector<16xi32>
      %lt3A_2544 = arith.cmpi slt, %add3A_2543, %lt3A : vector<16xi32>
      %and3A_2545 = arith.andi %eq3A_2539, %lt3A_2544 : vector<16xi1>
      %swap3A_2546 = arith.index_cast %while3A_2528 : i32 to index
      %swap3A_2547 = tpu.vector_load %arg6[%swap3A_2546] masked %and3A_2545 {strides = array<i32>} : memref<32768xi32, #tpu.memory_space<vmem>>, vector<16xi32>, vector<16xi1>
      tpu.vector_store %arg6[%swap3A_2546], %get3A_2532 masked %and3A_2545 {strides = array<i32>} : memref<32768xi32, #tpu.memory_space<vmem>>, vector<16xi32>, vector<16xi1>
      %shift_right_logical3A_2548 = arith.constant 12 : i32
      %shift_right_logical3A_2549 = vector.broadcast %shift_right_logical3A_2548 : i32 to vector<16xi32>
      %shift_right_logical3A_2550 = arith.shrui %get3A_2532, %shift_right_logical3A_2549 : vector<16xi32>
      %and3A_2551 = arith.constant 15 : i32
      %and3A_2552 = vector.broadcast %and3A_2551 : i32 to vector<16xi32>
      %and3A_2553 = arith.andi %shift_right_logical3A_2550, %and3A_2552 : vector<16xi32>
      %bitcast_convert_type3A_2554 = tpu.bitcast %and3A_2553 : vector<16xi32> -> vector<16xi32>
      %add3A_2555 = arith.addi %mul3A_1261, %bitcast_convert_type3A_2554 : vector<16xi32>
      tpu.vector_store_idx %arg7[%add3A_2555], %broadcast_in_dim3A_1263 masked %and3A_2545 {add = true} : memref<256xi32, #tpu.memory_space<vmem>>[vector<16xi32>], vector<16xi32>, vector<16xi1>
      %all_reduce_population_count3A = tpu.all_reduce %and3A_2545 {dim = 0 : i64, kind = #tpu.reduction_kind<sum>} : vector<16xi1> -> vector<16xi32>
      %slice3A = vector.extract_strided_slice %all_reduce_population_count3A {offsets = [0], sizes = [1], strides = [1]} : vector<16xi32> to vector<1xi32>
      %squeeze3A = vector.extract %slice3A[0] : i32 from vector<1xi32>
      %add3A_2556 = arith.addi %while3A_2528, %squeeze3A : i32
      scf.yield %add3A_2556 : i32
    }
    %while3A_1908 = arith.constant 1 : i32
    %while3A_1909 = scf.for %while3A_2527 = %while3A_1905 to %while3A_1901 step %while3A_1908 iter_args(%while3A_2528 = %while3A_1907) -> (i32)  : i32 {
      %mul3A_2529 = arith.constant 16 : i32
      %mul3A_2530 = arith.muli %while3A_2527, %mul3A_2529 : i32
      %get3A_2531 = arith.index_cast %mul3A_2530 : i32 to index
      %get3A_2532 = tpu.vector_load %arg6[%get3A_2531] {strides = array<i32>} : memref<32768xi32, #tpu.memory_space<vmem>>, vector<16xi32>,
      %shift_right_logical3A = arith.constant 16 : i32
      %shift_right_logical3A_2533 = vector.broadcast %shift_right_logical3A : i32 to vector<16xi32>
      %shift_right_logical3A_2534 = arith.shrui %get3A_2532, %shift_right_logical3A_2533 : vector<16xi32>
      %and3A_2535 = arith.constant 15 : i32
      %and3A_2536 = vector.broadcast %and3A_2535 : i32 to vector<16xi32>
      %and3A_2537 = arith.andi %shift_right_logical3A_2534, %and3A_2536 : vector<16xi32>
      %eq3A_2538 = vector.broadcast %reduce_max3A_1822 : i32 to vector<16xi32>
      %eq3A_2539 = arith.cmpi eq, %and3A_2537, %eq3A_2538 : vector<16xi32>
      %mul3A_2540 = arith.constant 16 : i32
      %mul3A_2541 = arith.muli %while3A_2527, %mul3A_2540 : i32
      %add3A_2542 = vector.broadcast %mul3A_2541 : i32 to vector<16xi32>
      %add3A_2543 = arith.addi %add3A_2542, %iota3A_1258 : vector<16xi32>
      %lt3A = vector.broadcast %while3A_1749 : i32 to vector<16xi32>
      %lt3A_2544 = arith.cmpi slt, %add3A_2543, %lt3A : vector<16xi32>
      %and3A_2545 = arith.andi %eq3A_2539, %lt3A_2544 : vector<16xi1>
      %swap3A_2546 = arith.index_cast %while3A_2528 : i32 to index
      %swap3A_2547 = tpu.vector_load %arg6[%swap3A_2546] masked %and3A_2545 {strides = array<i32>} : memref<32768xi32, #tpu.memory_space<vmem>>, vector<16xi32>, vector<16xi1>
      tpu.vector_store %arg6[%swap3A_2546], %get3A_2532 masked %and3A_2545 {strides = array<i32>} : memref<32768xi32, #tpu.memory_space<vmem>>, vector<16xi32>, vector<16xi1>
      %shift_right_logical3A_2548 = arith.constant 12 : i32
      %shift_right_logical3A_2549 = vector.broadcast %shift_right_logical3A_2548 : i32 to vector<16xi32>
      %shift_right_logical3A_2550 = arith.shrui %get3A_2532, %shift_right_logical3A_2549 : vector<16xi32>
      %and3A_2551 = arith.constant 15 : i32
      %and3A_2552 = vector.broadcast %and3A_2551 : i32 to vector<16xi32>
      %and3A_2553 = arith.andi %shift_right_logical3A_2550, %and3A_2552 : vector<16xi32>
      %bitcast_convert_type3A_2554 = tpu.bitcast %and3A_2553 : vector<16xi32> -> vector<16xi32>
      %add3A_2555 = arith.addi %mul3A_1261, %bitcast_convert_type3A_2554 : vector<16xi32>
      tpu.vector_store_idx %arg7[%add3A_2555], %broadcast_in_dim3A_1263 masked %and3A_2545 {add = true} : memref<256xi32, #tpu.memory_space<vmem>>[vector<16xi32>], vector<16xi32>, vector<16xi1>
      %all_reduce_population_count3A = tpu.all_reduce %and3A_2545 {dim = 0 : i64, kind = #tpu.reduction_kind<sum>} : vector<16xi1> -> vector<16xi32>
      %slice3A = vector.extract_strided_slice %all_reduce_population_count3A {offsets = [0], sizes = [1], strides = [1]} : vector<16xi32> to vector<1xi32>
      %squeeze3A = vector.extract %slice3A[0] : i32 from vector<1xi32>
      %add3A_2556 = arith.addi %while3A_2528, %squeeze3A : i32
      scf.yield %add3A_2556 : i32
    }
    %get3A_1910 = arith.constant 0 : index
    %get3A_1911 = tpu.vector_load %arg7[%get3A_1910] {strides = array<i32>} : memref<256xi32, #tpu.memory_space<vmem>>, vector<16xi32>,
    %get3A_1912 = arith.constant 16 : index
    %get3A_1913 = tpu.vector_load %arg7[%get3A_1912] {strides = array<i32>} : memref<256xi32, #tpu.memory_space<vmem>>, vector<16xi32>,
    %get3A_1914 = arith.constant 32 : index
    %get3A_1915 = tpu.vector_load %arg7[%get3A_1914] {strides = array<i32>} : memref<256xi32, #tpu.memory_space<vmem>>, vector<16xi32>,
    %get3A_1916 = arith.constant 48 : index
    %get3A_1917 = tpu.vector_load %arg7[%get3A_1916] {strides = array<i32>} : memref<256xi32, #tpu.memory_space<vmem>>, vector<16xi32>,
    %get3A_1918 = arith.constant 64 : index
    %get3A_1919 = tpu.vector_load %arg7[%get3A_1918] {strides = array<i32>} : memref<256xi32, #tpu.memory_space<vmem>>, vector<16xi32>,
    %get3A_1920 = arith.constant 80 : index
    %get3A_1921 = tpu.vector_load %arg7[%get3A_1920] {strides = array<i32>} : memref<256xi32, #tpu.memory_space<vmem>>, vector<16xi32>,
    %get3A_1922 = arith.constant 96 : index
    %get3A_1923 = tpu.vector_load %arg7[%get3A_1922] {strides = array<i32>} : memref<256xi32, #tpu.memory_space<vmem>>, vector<16xi32>,
    %get3A_1924 = arith.constant 112 : index
    %get3A_1925 = tpu.vector_load %arg7[%get3A_1924] {strides = array<i32>} : memref<256xi32, #tpu.memory_space<vmem>>, vector<16xi32>,
    %get3A_1926 = arith.constant 128 : index
    %get3A_1927 = tpu.vector_load %arg7[%get3A_1926] {strides = array<i32>} : memref<256xi32, #tpu.memory_space<vmem>>, vector<16xi32>,
    %get3A_1928 = arith.constant 144 : index
    %get3A_1929 = tpu.vector_load %arg7[%get3A_1928] {strides = array<i32>} : memref<256xi32, #tpu.memory_space<vmem>>, vector<16xi32>,
    %get3A_1930 = arith.constant 160 : index
    %get3A_1931 = tpu.vector_load %arg7[%get3A_1930] {strides = array<i32>} : memref<256xi32, #tpu.memory_space<vmem>>, vector<16xi32>,
    %get3A_1932 = arith.constant 176 : index
    %get3A_1933 = tpu.vector_load %arg7[%get3A_1932] {strides = array<i32>} : memref<256xi32, #tpu.memory_space<vmem>>, vector<16xi32>,
    %get3A_1934 = arith.constant 192 : index
    %get3A_1935 = tpu.vector_load %arg7[%get3A_1934] {strides = array<i32>} : memref<256xi32, #tpu.memory_space<vmem>>, vector<16xi32>,
    %get3A_1936 = arith.constant 208 : index
    %get3A_1937 = tpu.vector_load %arg7[%get3A_1936] {strides = array<i32>} : memref<256xi32, #tpu.memory_space<vmem>>, vector<16xi32>,
    %get3A_1938 = arith.constant 224 : index
    %get3A_1939 = tpu.vector_load %arg7[%get3A_1938] {strides = array<i32>} : memref<256xi32, #tpu.memory_space<vmem>>, vector<16xi32>,
    %get3A_1940 = arith.constant 240 : index
    %get3A_1941 = tpu.vector_load %arg7[%get3A_1940] {strides = array<i32>} : memref<256xi32, #tpu.memory_space<vmem>>, vector<16xi32>,
    %add3A_1942 = arith.addi %get3A_1911, %get3A_1913 : vector<16xi32>
    %add3A_1943 = arith.addi %get3A_1915, %get3A_1917 : vector<16xi32>
    %add3A_1944 = arith.addi %get3A_1919, %get3A_1921 : vector<16xi32>
    %add3A_1945 = arith.addi %get3A_1923, %get3A_1925 : vector<16xi32>
    %add3A_1946 = arith.addi %get3A_1927, %get3A_1929 : vector<16xi32>
    %add3A_1947 = arith.addi %get3A_1931, %get3A_1933 : vector<16xi32>
    %add3A_1948 = arith.addi %get3A_1935, %get3A_1937 : vector<16xi32>
    %add3A_1949 = arith.addi %get3A_1939, %get3A_1941 : vector<16xi32>
    %add3A_1950 = arith.addi %add3A_1942, %add3A_1943 : vector<16xi32>
    %add3A_1951 = arith.addi %add3A_1944, %add3A_1945 : vector<16xi32>
    %add3A_1952 = arith.addi %add3A_1946, %add3A_1947 : vector<16xi32>
    %add3A_1953 = arith.addi %add3A_1948, %add3A_1949 : vector<16xi32>
    %add3A_1954 = arith.addi %add3A_1950, %add3A_1951 : vector<16xi32>
    %add3A_1955 = arith.addi %add3A_1952, %add3A_1953 : vector<16xi32>
    %add3A_1956 = arith.addi %add3A_1954, %add3A_1955 : vector<16xi32>
    %rev3A_1957 = arith.constant 15 : i32
    %rev3A_1958 = vector.broadcast %rev3A_1957 : i32 to vector<16xi32>
    %rev3A_1959 = tpu.iota {dimensions = array<i32: 0>} : vector<16xi32>
    %rev3A_1960 = arith.subi %rev3A_1958, %rev3A_1959 : vector<16xi32>
    %rev3A_1961 = tpu.dynamic_gather %add3A_1956[%rev3A_1960] in [0] : vector<16xi32>, vector<16xi32> -> vector<16xi32>
    %broadcast_in_dim3A_1962 = arith.constant true
    %broadcast_in_dim3A_1963 = vector.broadcast %broadcast_in_dim3A_1962 : i1 to vector<16xi1>
    %masked_cumsum3A_1964 = tpu.scan <sum>, %rev3A_1961 masked %broadcast_in_dim3A_1963 : vector<16xi32>, vector<16xi1> -> vector<16xi32>
    %rev3A_1965 = arith.constant 15 : i32
    %rev3A_1966 = vector.broadcast %rev3A_1965 : i32 to vector<16xi32>
    %rev3A_1967 = tpu.iota {dimensions = array<i32: 0>} : vector<16xi32>
    %rev3A_1968 = arith.subi %rev3A_1966, %rev3A_1967 : vector<16xi32>
    %rev3A_1969 = tpu.dynamic_gather %masked_cumsum3A_1964[%rev3A_1968] in [0] : vector<16xi32>, vector<16xi32> -> vector<16xi32>
    %ge3A_1970 = vector.broadcast %reduce_max3A_1836 : i32 to vector<16xi32>
    %ge3A_1971 = arith.cmpi sge, %rev3A_1969, %ge3A_1970 : vector<16xi32>
    %jit3A_1972 = arith.constant -1 : i32
    %broadcast_in_dim3A_1973 = vector.broadcast %jit3A_1972 : i32 to vector<16xi32>
    %select_n3A_1974 = arith.select %ge3A_1971, %iota3A_1258, %broadcast_in_dim3A_1973 : vector<16xi1>, vector<16xi32>
    %reduce_max3A_1975 = arith.constant true
    %reduce_max3A_1976 = vector.broadcast %reduce_max3A_1975 : i1 to vector<16xi1>
    %reduce_max3A_1977 = arith.constant -2147483648 : i32
    %reduce_max3A_1978 = vector.broadcast %reduce_max3A_1977 : i32 to vector<16xi32>
    %reduce_max3A_1979 = arith.xori %select_n3A_1974, %reduce_max3A_1978 : vector<16xi32>
    %reduce_max3A_1980 = tpu.scan <max>, %reduce_max3A_1979 masked %reduce_max3A_1976 : vector<16xi32>, vector<16xi1> -> vector<16xi32>
    %reduce_max3A_1981 = arith.xori %reduce_max3A_1980, %reduce_max3A_1978 : vector<16xi32>
    %reduce_max3A_1982 = vector.extract %reduce_max3A_1981[15] : i32 from vector<16xi32>
    %sub3A_1983 = arith.subi %rev3A_1969, %add3A_1956 : vector<16xi32>
    %sub3A_1984 = vector.broadcast %reduce_max3A_1836 : i32 to vector<16xi32>
    %sub3A_1985 = arith.subi %sub3A_1984, %sub3A_1983 : vector<16xi32>
    %jit3A_1986 = arith.constant -2147483648 : i32
    %broadcast_in_dim3A_1987 = vector.broadcast %jit3A_1986 : i32 to vector<16xi32>
    %select_n3A_1988 = arith.select %ge3A_1971, %sub3A_1985, %broadcast_in_dim3A_1987 : vector<16xi1>, vector<16xi32>
    %reduce_max3A_1989 = arith.constant true
    %reduce_max3A_1990 = vector.broadcast %reduce_max3A_1989 : i1 to vector<16xi1>
    %reduce_max3A_1991 = arith.constant -2147483648 : i32
    %reduce_max3A_1992 = vector.broadcast %reduce_max3A_1991 : i32 to vector<16xi32>
    %reduce_max3A_1993 = arith.xori %select_n3A_1988, %reduce_max3A_1992 : vector<16xi32>
    %reduce_max3A_1994 = tpu.scan <max>, %reduce_max3A_1993 masked %reduce_max3A_1990 : vector<16xi32>, vector<16xi1> -> vector<16xi32>
    %reduce_max3A_1995 = arith.xori %reduce_max3A_1994, %reduce_max3A_1992 : vector<16xi32>
    %reduce_max3A_1996 = vector.extract %reduce_max3A_1995[15] : i32 from vector<16xi32>
    %shift_left3A_1997 = arith.constant 12 : i32
    %shift_left3A_1998 = arith.shli %reduce_max3A_1982, %shift_left3A_1997 : i32
    %or3A_1999 = arith.ori %or3A_1839, %shift_left3A_1998 : i32
    %swap3A_2000 = arith.constant 0 : index
    %swap3A_2001 = tpu.vector_load %arg7[%swap3A_2000] {strides = array<i32>} : memref<256xi32, #tpu.memory_space<vmem>>, vector<16xi32>,
    tpu.vector_store %arg7[%swap3A_2000], %broadcast_in_dim3A_1265 {strides = array<i32>} : memref<256xi32, #tpu.memory_space<vmem>>, vector<16xi32>,
    %swap3A_2002 = arith.constant 16 : index
    %swap3A_2003 = tpu.vector_load %arg7[%swap3A_2002] {strides = array<i32>} : memref<256xi32, #tpu.memory_space<vmem>>, vector<16xi32>,
    tpu.vector_store %arg7[%swap3A_2002], %broadcast_in_dim3A_1265 {strides = array<i32>} : memref<256xi32, #tpu.memory_space<vmem>>, vector<16xi32>,
    %swap3A_2004 = arith.constant 32 : index
    %swap3A_2005 = tpu.vector_load %arg7[%swap3A_2004] {strides = array<i32>} : memref<256xi32, #tpu.memory_space<vmem>>, vector<16xi32>,
    tpu.vector_store %arg7[%swap3A_2004], %broadcast_in_dim3A_1265 {strides = array<i32>} : memref<256xi32, #tpu.memory_space<vmem>>, vector<16xi32>,
    %swap3A_2006 = arith.constant 48 : index
    %swap3A_2007 = tpu.vector_load %arg7[%swap3A_2006] {strides = array<i32>} : memref<256xi32, #tpu.memory_space<vmem>>, vector<16xi32>,
    tpu.vector_store %arg7[%swap3A_2006], %broadcast_in_dim3A_1265 {strides = array<i32>} : memref<256xi32, #tpu.memory_space<vmem>>, vector<16xi32>,
    %swap3A_2008 = arith.constant 64 : index
    %swap3A_2009 = tpu.vector_load %arg7[%swap3A_2008] {strides = array<i32>} : memref<256xi32, #tpu.memory_space<vmem>>, vector<16xi32>,
    tpu.vector_store %arg7[%swap3A_2008], %broadcast_in_dim3A_1265 {strides = array<i32>} : memref<256xi32, #tpu.memory_space<vmem>>, vector<16xi32>,
    %swap3A_2010 = arith.constant 80 : index
    %swap3A_2011 = tpu.vector_load %arg7[%swap3A_2010] {strides = array<i32>} : memref<256xi32, #tpu.memory_space<vmem>>, vector<16xi32>,
    tpu.vector_store %arg7[%swap3A_2010], %broadcast_in_dim3A_1265 {strides = array<i32>} : memref<256xi32, #tpu.memory_space<vmem>>, vector<16xi32>,
    %swap3A_2012 = arith.constant 96 : index
    %swap3A_2013 = tpu.vector_load %arg7[%swap3A_2012] {strides = array<i32>} : memref<256xi32, #tpu.memory_space<vmem>>, vector<16xi32>,
    tpu.vector_store %arg7[%swap3A_2012], %broadcast_in_dim3A_1265 {strides = array<i32>} : memref<256xi32, #tpu.memory_space<vmem>>, vector<16xi32>,
    %swap3A_2014 = arith.constant 112 : index
    %swap3A_2015 = tpu.vector_load %arg7[%swap3A_2014] {strides = array<i32>} : memref<256xi32, #tpu.memory_space<vmem>>, vector<16xi32>,
    tpu.vector_store %arg7[%swap3A_2014], %broadcast_in_dim3A_1265 {strides = array<i32>} : memref<256xi32, #tpu.memory_space<vmem>>, vector<16xi32>,
    %swap3A_2016 = arith.constant 128 : index
    %swap3A_2017 = tpu.vector_load %arg7[%swap3A_2016] {strides = array<i32>} : memref<256xi32, #tpu.memory_space<vmem>>, vector<16xi32>,
    tpu.vector_store %arg7[%swap3A_2016], %broadcast_in_dim3A_1265 {strides = array<i32>} : memref<256xi32, #tpu.memory_space<vmem>>, vector<16xi32>,
    %swap3A_2018 = arith.constant 144 : index
    %swap3A_2019 = tpu.vector_load %arg7[%swap3A_2018] {strides = array<i32>} : memref<256xi32, #tpu.memory_space<vmem>>, vector<16xi32>,
    tpu.vector_store %arg7[%swap3A_2018], %broadcast_in_dim3A_1265 {strides = array<i32>} : memref<256xi32, #tpu.memory_space<vmem>>, vector<16xi32>,
    %swap3A_2020 = arith.constant 160 : index
    %swap3A_2021 = tpu.vector_load %arg7[%swap3A_2020] {strides = array<i32>} : memref<256xi32, #tpu.memory_space<vmem>>, vector<16xi32>,
    tpu.vector_store %arg7[%swap3A_2020], %broadcast_in_dim3A_1265 {strides = array<i32>} : memref<256xi32, #tpu.memory_space<vmem>>, vector<16xi32>,
    %swap3A_2022 = arith.constant 176 : index
    %swap3A_2023 = tpu.vector_load %arg7[%swap3A_2022] {strides = array<i32>} : memref<256xi32, #tpu.memory_space<vmem>>, vector<16xi32>,
    tpu.vector_store %arg7[%swap3A_2022], %broadcast_in_dim3A_1265 {strides = array<i32>} : memref<256xi32, #tpu.memory_space<vmem>>, vector<16xi32>,
    %swap3A_2024 = arith.constant 192 : index
    %swap3A_2025 = tpu.vector_load %arg7[%swap3A_2024] {strides = array<i32>} : memref<256xi32, #tpu.memory_space<vmem>>, vector<16xi32>,
    tpu.vector_store %arg7[%swap3A_2024], %broadcast_in_dim3A_1265 {strides = array<i32>} : memref<256xi32, #tpu.memory_space<vmem>>, vector<16xi32>,
    %swap3A_2026 = arith.constant 208 : index
    %swap3A_2027 = tpu.vector_load %arg7[%swap3A_2026] {strides = array<i32>} : memref<256xi32, #tpu.memory_space<vmem>>, vector<16xi32>,
    tpu.vector_store %arg7[%swap3A_2026], %broadcast_in_dim3A_1265 {strides = array<i32>} : memref<256xi32, #tpu.memory_space<vmem>>, vector<16xi32>,
    %swap3A_2028 = arith.constant 224 : index
    %swap3A_2029 = tpu.vector_load %arg7[%swap3A_2028] {strides = array<i32>} : memref<256xi32, #tpu.memory_space<vmem>>, vector<16xi32>,
    tpu.vector_store %arg7[%swap3A_2028], %broadcast_in_dim3A_1265 {strides = array<i32>} : memref<256xi32, #tpu.memory_space<vmem>>, vector<16xi32>,
    %swap3A_2030 = arith.constant 240 : index
    %swap3A_2031 = tpu.vector_load %arg7[%swap3A_2030] {strides = array<i32>} : memref<256xi32, #tpu.memory_space<vmem>>, vector<16xi32>,
    tpu.vector_store %arg7[%swap3A_2030], %broadcast_in_dim3A_1265 {strides = array<i32>} : memref<256xi32, #tpu.memory_space<vmem>>, vector<16xi32>,
    %add3A_2032 = arith.constant 15 : i32
    %add3A_2033 = arith.addi %while3A_1909, %add3A_2032 : i32
    %jit3A_2034 = arith.constant 16 : i32
    %div3A_2035 = arith.divsi %add3A_2033, %jit3A_2034 : i32
    %sign3A_2036 = arith.constant 0 : i32
    %sign3A_2037 = arith.cmpi sgt, %add3A_2033, %sign3A_2036 : i32
    %sign3A_2038 = arith.extui %sign3A_2037 : i1 to i32
    %sign3A_2039 = arith.constant 0 : i32
    %sign3A_2040 = arith.cmpi slt, %add3A_2033, %sign3A_2039 : i32
    %sign3A_2041 = arith.extui %sign3A_2040 : i1 to i32
    %sign3A_2042 = arith.subi %sign3A_2038, %sign3A_2041 : i32
    %sign3A_2043 = arith.constant 0 : i32
    %sign3A_2044 = arith.cmpi sgt, %jit3A_2034, %sign3A_2043 : i32
    %sign3A_2045 = arith.extui %sign3A_2044 : i1 to i32
    %sign3A_2046 = arith.constant 0 : i32
    %sign3A_2047 = arith.cmpi slt, %jit3A_2034, %sign3A_2046 : i32
    %sign3A_2048 = arith.extui %sign3A_2047 : i1 to i32
    %sign3A_2049 = arith.subi %sign3A_2045, %sign3A_2048 : i32
    %ne3A_2050 = arith.cmpi ne, %sign3A_2042, %sign3A_2049 : i32
    %rem3A_2051 = arith.remsi %add3A_2033, %jit3A_2034 : i32
    %ne3A_2052 = arith.constant 0 : i32
    %ne3A_2053 = arith.cmpi ne, %rem3A_2051, %ne3A_2052 : i32
    %and3A_2054 = arith.andi %ne3A_2050, %ne3A_2053 : i1
    %sub3A_2055 = arith.constant 1 : i32
    %sub3A_2056 = arith.subi %div3A_2035, %sub3A_2055 : i32
    %select_n3A_2057 = arith.select %and3A_2054, %sub3A_2056, %div3A_2035 : i32
    %while3A_2058 = arith.constant 0 : i32
    %while3A_2059 = arith.constant 0 : i32
    %while3A_2060 = arith.subi %select_n3A_2057, %while3A_2058 : i32
    %while3A_2061 = arith.addi %while3A_2058, %while3A_2060 : i32
    %while3A_2062 = arith.constant 1 : i32
    %while3A_2063 = arith.divsi %while3A_2060, %while3A_2062 : i32
    %while3A_2064 = arith.muli %while3A_2063, %while3A_2062 : i32
    %while3A_2065 = arith.addi %while3A_2058, %while3A_2064 : i32
    %while3A_2066 = arith.constant 1 : i32
    %while3A_2067 = scf.for %while3A_2527 = %while3A_2058 to %while3A_2065 step %while3A_2066 iter_args(%while3A_2528 = %while3A_2059) -> (i32)  : i32 {
      %mul3A_2529 = arith.constant 16 : i32
      %mul3A_2530 = arith.muli %while3A_2527, %mul3A_2529 : i32
      %get3A_2531 = arith.index_cast %mul3A_2530 : i32 to index
      %get3A_2532 = tpu.vector_load %arg6[%get3A_2531] {strides = array<i32>} : memref<32768xi32, #tpu.memory_space<vmem>>, vector<16xi32>,
      %shift_right_logical3A = arith.constant 12 : i32
      %shift_right_logical3A_2533 = vector.broadcast %shift_right_logical3A : i32 to vector<16xi32>
      %shift_right_logical3A_2534 = arith.shrui %get3A_2532, %shift_right_logical3A_2533 : vector<16xi32>
      %and3A_2535 = arith.constant 15 : i32
      %and3A_2536 = vector.broadcast %and3A_2535 : i32 to vector<16xi32>
      %and3A_2537 = arith.andi %shift_right_logical3A_2534, %and3A_2536 : vector<16xi32>
      %eq3A_2538 = vector.broadcast %reduce_max3A_1982 : i32 to vector<16xi32>
      %eq3A_2539 = arith.cmpi eq, %and3A_2537, %eq3A_2538 : vector<16xi32>
      %mul3A_2540 = arith.constant 16 : i32
      %mul3A_2541 = arith.muli %while3A_2527, %mul3A_2540 : i32
      %add3A_2542 = vector.broadcast %mul3A_2541 : i32 to vector<16xi32>
      %add3A_2543 = arith.addi %add3A_2542, %iota3A_1258 : vector<16xi32>
      %lt3A = vector.broadcast %while3A_1909 : i32 to vector<16xi32>
      %lt3A_2544 = arith.cmpi slt, %add3A_2543, %lt3A : vector<16xi32>
      %and3A_2545 = arith.andi %eq3A_2539, %lt3A_2544 : vector<16xi1>
      %swap3A_2546 = arith.index_cast %while3A_2528 : i32 to index
      %swap3A_2547 = tpu.vector_load %arg6[%swap3A_2546] masked %and3A_2545 {strides = array<i32>} : memref<32768xi32, #tpu.memory_space<vmem>>, vector<16xi32>, vector<16xi1>
      tpu.vector_store %arg6[%swap3A_2546], %get3A_2532 masked %and3A_2545 {strides = array<i32>} : memref<32768xi32, #tpu.memory_space<vmem>>, vector<16xi32>, vector<16xi1>
      %shift_right_logical3A_2548 = arith.constant 8 : i32
      %shift_right_logical3A_2549 = vector.broadcast %shift_right_logical3A_2548 : i32 to vector<16xi32>
      %shift_right_logical3A_2550 = arith.shrui %get3A_2532, %shift_right_logical3A_2549 : vector<16xi32>
      %and3A_2551 = arith.constant 15 : i32
      %and3A_2552 = vector.broadcast %and3A_2551 : i32 to vector<16xi32>
      %and3A_2553 = arith.andi %shift_right_logical3A_2550, %and3A_2552 : vector<16xi32>
      %bitcast_convert_type3A_2554 = tpu.bitcast %and3A_2553 : vector<16xi32> -> vector<16xi32>
      %add3A_2555 = arith.addi %mul3A_1261, %bitcast_convert_type3A_2554 : vector<16xi32>
      tpu.vector_store_idx %arg7[%add3A_2555], %broadcast_in_dim3A_1263 masked %and3A_2545 {add = true} : memref<256xi32, #tpu.memory_space<vmem>>[vector<16xi32>], vector<16xi32>, vector<16xi1>
      %all_reduce_population_count3A = tpu.all_reduce %and3A_2545 {dim = 0 : i64, kind = #tpu.reduction_kind<sum>} : vector<16xi1> -> vector<16xi32>
      %slice3A = vector.extract_strided_slice %all_reduce_population_count3A {offsets = [0], sizes = [1], strides = [1]} : vector<16xi32> to vector<1xi32>
      %squeeze3A = vector.extract %slice3A[0] : i32 from vector<1xi32>
      %add3A_2556 = arith.addi %while3A_2528, %squeeze3A : i32
      scf.yield %add3A_2556 : i32
    }
    %while3A_2068 = arith.constant 1 : i32
    %while3A_2069 = scf.for %while3A_2527 = %while3A_2065 to %while3A_2061 step %while3A_2068 iter_args(%while3A_2528 = %while3A_2067) -> (i32)  : i32 {
      %mul3A_2529 = arith.constant 16 : i32
      %mul3A_2530 = arith.muli %while3A_2527, %mul3A_2529 : i32
      %get3A_2531 = arith.index_cast %mul3A_2530 : i32 to index
      %get3A_2532 = tpu.vector_load %arg6[%get3A_2531] {strides = array<i32>} : memref<32768xi32, #tpu.memory_space<vmem>>, vector<16xi32>,
      %shift_right_logical3A = arith.constant 12 : i32
      %shift_right_logical3A_2533 = vector.broadcast %shift_right_logical3A : i32 to vector<16xi32>
      %shift_right_logical3A_2534 = arith.shrui %get3A_2532, %shift_right_logical3A_2533 : vector<16xi32>
      %and3A_2535 = arith.constant 15 : i32
      %and3A_2536 = vector.broadcast %and3A_2535 : i32 to vector<16xi32>
      %and3A_2537 = arith.andi %shift_right_logical3A_2534, %and3A_2536 : vector<16xi32>
      %eq3A_2538 = vector.broadcast %reduce_max3A_1982 : i32 to vector<16xi32>
      %eq3A_2539 = arith.cmpi eq, %and3A_2537, %eq3A_2538 : vector<16xi32>
      %mul3A_2540 = arith.constant 16 : i32
      %mul3A_2541 = arith.muli %while3A_2527, %mul3A_2540 : i32
      %add3A_2542 = vector.broadcast %mul3A_2541 : i32 to vector<16xi32>
      %add3A_2543 = arith.addi %add3A_2542, %iota3A_1258 : vector<16xi32>
      %lt3A = vector.broadcast %while3A_1909 : i32 to vector<16xi32>
      %lt3A_2544 = arith.cmpi slt, %add3A_2543, %lt3A : vector<16xi32>
      %and3A_2545 = arith.andi %eq3A_2539, %lt3A_2544 : vector<16xi1>
      %swap3A_2546 = arith.index_cast %while3A_2528 : i32 to index
      %swap3A_2547 = tpu.vector_load %arg6[%swap3A_2546] masked %and3A_2545 {strides = array<i32>} : memref<32768xi32, #tpu.memory_space<vmem>>, vector<16xi32>, vector<16xi1>
      tpu.vector_store %arg6[%swap3A_2546], %get3A_2532 masked %and3A_2545 {strides = array<i32>} : memref<32768xi32, #tpu.memory_space<vmem>>, vector<16xi32>, vector<16xi1>
      %shift_right_logical3A_2548 = arith.constant 8 : i32
      %shift_right_logical3A_2549 = vector.broadcast %shift_right_logical3A_2548 : i32 to vector<16xi32>
      %shift_right_logical3A_2550 = arith.shrui %get3A_2532, %shift_right_logical3A_2549 : vector<16xi32>
      %and3A_2551 = arith.constant 15 : i32
      %and3A_2552 = vector.broadcast %and3A_2551 : i32 to vector<16xi32>
      %and3A_2553 = arith.andi %shift_right_logical3A_2550, %and3A_2552 : vector<16xi32>
      %bitcast_convert_type3A_2554 = tpu.bitcast %and3A_2553 : vector<16xi32> -> vector<16xi32>
      %add3A_2555 = arith.addi %mul3A_1261, %bitcast_convert_type3A_2554 : vector<16xi32>
      tpu.vector_store_idx %arg7[%add3A_2555], %broadcast_in_dim3A_1263 masked %and3A_2545 {add = true} : memref<256xi32, #tpu.memory_space<vmem>>[vector<16xi32>], vector<16xi32>, vector<16xi1>
      %all_reduce_population_count3A = tpu.all_reduce %and3A_2545 {dim = 0 : i64, kind = #tpu.reduction_kind<sum>} : vector<16xi1> -> vector<16xi32>
      %slice3A = vector.extract_strided_slice %all_reduce_population_count3A {offsets = [0], sizes = [1], strides = [1]} : vector<16xi32> to vector<1xi32>
      %squeeze3A = vector.extract %slice3A[0] : i32 from vector<1xi32>
      %add3A_2556 = arith.addi %while3A_2528, %squeeze3A : i32
      scf.yield %add3A_2556 : i32
    }
    %get3A_2070 = arith.constant 0 : index
    %get3A_2071 = tpu.vector_load %arg7[%get3A_2070] {strides = array<i32>} : memref<256xi32, #tpu.memory_space<vmem>>, vector<16xi32>,
    %get3A_2072 = arith.constant 16 : index
    %get3A_2073 = tpu.vector_load %arg7[%get3A_2072] {strides = array<i32>} : memref<256xi32, #tpu.memory_space<vmem>>, vector<16xi32>,
    %get3A_2074 = arith.constant 32 : index
    %get3A_2075 = tpu.vector_load %arg7[%get3A_2074] {strides = array<i32>} : memref<256xi32, #tpu.memory_space<vmem>>, vector<16xi32>,
    %get3A_2076 = arith.constant 48 : index
    %get3A_2077 = tpu.vector_load %arg7[%get3A_2076] {strides = array<i32>} : memref<256xi32, #tpu.memory_space<vmem>>, vector<16xi32>,
    %get3A_2078 = arith.constant 64 : index
    %get3A_2079 = tpu.vector_load %arg7[%get3A_2078] {strides = array<i32>} : memref<256xi32, #tpu.memory_space<vmem>>, vector<16xi32>,
    %get3A_2080 = arith.constant 80 : index
    %get3A_2081 = tpu.vector_load %arg7[%get3A_2080] {strides = array<i32>} : memref<256xi32, #tpu.memory_space<vmem>>, vector<16xi32>,
    %get3A_2082 = arith.constant 96 : index
    %get3A_2083 = tpu.vector_load %arg7[%get3A_2082] {strides = array<i32>} : memref<256xi32, #tpu.memory_space<vmem>>, vector<16xi32>,
    %get3A_2084 = arith.constant 112 : index
    %get3A_2085 = tpu.vector_load %arg7[%get3A_2084] {strides = array<i32>} : memref<256xi32, #tpu.memory_space<vmem>>, vector<16xi32>,
    %get3A_2086 = arith.constant 128 : index
    %get3A_2087 = tpu.vector_load %arg7[%get3A_2086] {strides = array<i32>} : memref<256xi32, #tpu.memory_space<vmem>>, vector<16xi32>,
    %get3A_2088 = arith.constant 144 : index
    %get3A_2089 = tpu.vector_load %arg7[%get3A_2088] {strides = array<i32>} : memref<256xi32, #tpu.memory_space<vmem>>, vector<16xi32>,
    %get3A_2090 = arith.constant 160 : index
    %get3A_2091 = tpu.vector_load %arg7[%get3A_2090] {strides = array<i32>} : memref<256xi32, #tpu.memory_space<vmem>>, vector<16xi32>,
    %get3A_2092 = arith.constant 176 : index
    %get3A_2093 = tpu.vector_load %arg7[%get3A_2092] {strides = array<i32>} : memref<256xi32, #tpu.memory_space<vmem>>, vector<16xi32>,
    %get3A_2094 = arith.constant 192 : index
    %get3A_2095 = tpu.vector_load %arg7[%get3A_2094] {strides = array<i32>} : memref<256xi32, #tpu.memory_space<vmem>>, vector<16xi32>,
    %get3A_2096 = arith.constant 208 : index
    %get3A_2097 = tpu.vector_load %arg7[%get3A_2096] {strides = array<i32>} : memref<256xi32, #tpu.memory_space<vmem>>, vector<16xi32>,
    %get3A_2098 = arith.constant 224 : index
    %get3A_2099 = tpu.vector_load %arg7[%get3A_2098] {strides = array<i32>} : memref<256xi32, #tpu.memory_space<vmem>>, vector<16xi32>,
    %get3A_2100 = arith.constant 240 : index
    %get3A_2101 = tpu.vector_load %arg7[%get3A_2100] {strides = array<i32>} : memref<256xi32, #tpu.memory_space<vmem>>, vector<16xi32>,
    %add3A_2102 = arith.addi %get3A_2071, %get3A_2073 : vector<16xi32>
    %add3A_2103 = arith.addi %get3A_2075, %get3A_2077 : vector<16xi32>
    %add3A_2104 = arith.addi %get3A_2079, %get3A_2081 : vector<16xi32>
    %add3A_2105 = arith.addi %get3A_2083, %get3A_2085 : vector<16xi32>
    %add3A_2106 = arith.addi %get3A_2087, %get3A_2089 : vector<16xi32>
    %add3A_2107 = arith.addi %get3A_2091, %get3A_2093 : vector<16xi32>
    %add3A_2108 = arith.addi %get3A_2095, %get3A_2097 : vector<16xi32>
    %add3A_2109 = arith.addi %get3A_2099, %get3A_2101 : vector<16xi32>
    %add3A_2110 = arith.addi %add3A_2102, %add3A_2103 : vector<16xi32>
    %add3A_2111 = arith.addi %add3A_2104, %add3A_2105 : vector<16xi32>
    %add3A_2112 = arith.addi %add3A_2106, %add3A_2107 : vector<16xi32>
    %add3A_2113 = arith.addi %add3A_2108, %add3A_2109 : vector<16xi32>
    %add3A_2114 = arith.addi %add3A_2110, %add3A_2111 : vector<16xi32>
    %add3A_2115 = arith.addi %add3A_2112, %add3A_2113 : vector<16xi32>
    %add3A_2116 = arith.addi %add3A_2114, %add3A_2115 : vector<16xi32>
    %rev3A_2117 = arith.constant 15 : i32
    %rev3A_2118 = vector.broadcast %rev3A_2117 : i32 to vector<16xi32>
    %rev3A_2119 = tpu.iota {dimensions = array<i32: 0>} : vector<16xi32>
    %rev3A_2120 = arith.subi %rev3A_2118, %rev3A_2119 : vector<16xi32>
    %rev3A_2121 = tpu.dynamic_gather %add3A_2116[%rev3A_2120] in [0] : vector<16xi32>, vector<16xi32> -> vector<16xi32>
    %broadcast_in_dim3A_2122 = arith.constant true
    %broadcast_in_dim3A_2123 = vector.broadcast %broadcast_in_dim3A_2122 : i1 to vector<16xi1>
    %masked_cumsum3A_2124 = tpu.scan <sum>, %rev3A_2121 masked %broadcast_in_dim3A_2123 : vector<16xi32>, vector<16xi1> -> vector<16xi32>
    %rev3A_2125 = arith.constant 15 : i32
    %rev3A_2126 = vector.broadcast %rev3A_2125 : i32 to vector<16xi32>
    %rev3A_2127 = tpu.iota {dimensions = array<i32: 0>} : vector<16xi32>
    %rev3A_2128 = arith.subi %rev3A_2126, %rev3A_2127 : vector<16xi32>
    %rev3A_2129 = tpu.dynamic_gather %masked_cumsum3A_2124[%rev3A_2128] in [0] : vector<16xi32>, vector<16xi32> -> vector<16xi32>
    %ge3A_2130 = vector.broadcast %reduce_max3A_1996 : i32 to vector<16xi32>
    %ge3A_2131 = arith.cmpi sge, %rev3A_2129, %ge3A_2130 : vector<16xi32>
    %jit3A_2132 = arith.constant -1 : i32
    %broadcast_in_dim3A_2133 = vector.broadcast %jit3A_2132 : i32 to vector<16xi32>
    %select_n3A_2134 = arith.select %ge3A_2131, %iota3A_1258, %broadcast_in_dim3A_2133 : vector<16xi1>, vector<16xi32>
    %reduce_max3A_2135 = arith.constant true
    %reduce_max3A_2136 = vector.broadcast %reduce_max3A_2135 : i1 to vector<16xi1>
    %reduce_max3A_2137 = arith.constant -2147483648 : i32
    %reduce_max3A_2138 = vector.broadcast %reduce_max3A_2137 : i32 to vector<16xi32>
    %reduce_max3A_2139 = arith.xori %select_n3A_2134, %reduce_max3A_2138 : vector<16xi32>
    %reduce_max3A_2140 = tpu.scan <max>, %reduce_max3A_2139 masked %reduce_max3A_2136 : vector<16xi32>, vector<16xi1> -> vector<16xi32>
    %reduce_max3A_2141 = arith.xori %reduce_max3A_2140, %reduce_max3A_2138 : vector<16xi32>
    %reduce_max3A_2142 = vector.extract %reduce_max3A_2141[15] : i32 from vector<16xi32>
    %sub3A_2143 = arith.subi %rev3A_2129, %add3A_2116 : vector<16xi32>
    %sub3A_2144 = vector.broadcast %reduce_max3A_1996 : i32 to vector<16xi32>
    %sub3A_2145 = arith.subi %sub3A_2144, %sub3A_2143 : vector<16xi32>
    %jit3A_2146 = arith.constant -2147483648 : i32
    %broadcast_in_dim3A_2147 = vector.broadcast %jit3A_2146 : i32 to vector<16xi32>
    %select_n3A_2148 = arith.select %ge3A_2131, %sub3A_2145, %broadcast_in_dim3A_2147 : vector<16xi1>, vector<16xi32>
    %reduce_max3A_2149 = arith.constant true
    %reduce_max3A_2150 = vector.broadcast %reduce_max3A_2149 : i1 to vector<16xi1>
    %reduce_max3A_2151 = arith.constant -2147483648 : i32
    %reduce_max3A_2152 = vector.broadcast %reduce_max3A_2151 : i32 to vector<16xi32>
    %reduce_max3A_2153 = arith.xori %select_n3A_2148, %reduce_max3A_2152 : vector<16xi32>
    %reduce_max3A_2154 = tpu.scan <max>, %reduce_max3A_2153 masked %reduce_max3A_2150 : vector<16xi32>, vector<16xi1> -> vector<16xi32>
    %reduce_max3A_2155 = arith.xori %reduce_max3A_2154, %reduce_max3A_2152 : vector<16xi32>
    %reduce_max3A_2156 = vector.extract %reduce_max3A_2155[15] : i32 from vector<16xi32>
    %shift_left3A_2157 = arith.constant 8 : i32
    %shift_left3A_2158 = arith.shli %reduce_max3A_2142, %shift_left3A_2157 : i32
    %or3A_2159 = arith.ori %or3A_1999, %shift_left3A_2158 : i32
    %swap3A_2160 = arith.constant 0 : index
    %swap3A_2161 = tpu.vector_load %arg7[%swap3A_2160] {strides = array<i32>} : memref<256xi32, #tpu.memory_space<vmem>>, vector<16xi32>,
    tpu.vector_store %arg7[%swap3A_2160], %broadcast_in_dim3A_1265 {strides = array<i32>} : memref<256xi32, #tpu.memory_space<vmem>>, vector<16xi32>,
    %swap3A_2162 = arith.constant 16 : index
    %swap3A_2163 = tpu.vector_load %arg7[%swap3A_2162] {strides = array<i32>} : memref<256xi32, #tpu.memory_space<vmem>>, vector<16xi32>,
    tpu.vector_store %arg7[%swap3A_2162], %broadcast_in_dim3A_1265 {strides = array<i32>} : memref<256xi32, #tpu.memory_space<vmem>>, vector<16xi32>,
    %swap3A_2164 = arith.constant 32 : index
    %swap3A_2165 = tpu.vector_load %arg7[%swap3A_2164] {strides = array<i32>} : memref<256xi32, #tpu.memory_space<vmem>>, vector<16xi32>,
    tpu.vector_store %arg7[%swap3A_2164], %broadcast_in_dim3A_1265 {strides = array<i32>} : memref<256xi32, #tpu.memory_space<vmem>>, vector<16xi32>,
    %swap3A_2166 = arith.constant 48 : index
    %swap3A_2167 = tpu.vector_load %arg7[%swap3A_2166] {strides = array<i32>} : memref<256xi32, #tpu.memory_space<vmem>>, vector<16xi32>,
    tpu.vector_store %arg7[%swap3A_2166], %broadcast_in_dim3A_1265 {strides = array<i32>} : memref<256xi32, #tpu.memory_space<vmem>>, vector<16xi32>,
    %swap3A_2168 = arith.constant 64 : index
    %swap3A_2169 = tpu.vector_load %arg7[%swap3A_2168] {strides = array<i32>} : memref<256xi32, #tpu.memory_space<vmem>>, vector<16xi32>,
    tpu.vector_store %arg7[%swap3A_2168], %broadcast_in_dim3A_1265 {strides = array<i32>} : memref<256xi32, #tpu.memory_space<vmem>>, vector<16xi32>,
    %swap3A_2170 = arith.constant 80 : index
    %swap3A_2171 = tpu.vector_load %arg7[%swap3A_2170] {strides = array<i32>} : memref<256xi32, #tpu.memory_space<vmem>>, vector<16xi32>,
    tpu.vector_store %arg7[%swap3A_2170], %broadcast_in_dim3A_1265 {strides = array<i32>} : memref<256xi32, #tpu.memory_space<vmem>>, vector<16xi32>,
    %swap3A_2172 = arith.constant 96 : index
    %swap3A_2173 = tpu.vector_load %arg7[%swap3A_2172] {strides = array<i32>} : memref<256xi32, #tpu.memory_space<vmem>>, vector<16xi32>,
    tpu.vector_store %arg7[%swap3A_2172], %broadcast_in_dim3A_1265 {strides = array<i32>} : memref<256xi32, #tpu.memory_space<vmem>>, vector<16xi32>,
    %swap3A_2174 = arith.constant 112 : index
    %swap3A_2175 = tpu.vector_load %arg7[%swap3A_2174] {strides = array<i32>} : memref<256xi32, #tpu.memory_space<vmem>>, vector<16xi32>,
    tpu.vector_store %arg7[%swap3A_2174], %broadcast_in_dim3A_1265 {strides = array<i32>} : memref<256xi32, #tpu.memory_space<vmem>>, vector<16xi32>,
    %swap3A_2176 = arith.constant 128 : index
    %swap3A_2177 = tpu.vector_load %arg7[%swap3A_2176] {strides = array<i32>} : memref<256xi32, #tpu.memory_space<vmem>>, vector<16xi32>,
    tpu.vector_store %arg7[%swap3A_2176], %broadcast_in_dim3A_1265 {strides = array<i32>} : memref<256xi32, #tpu.memory_space<vmem>>, vector<16xi32>,
    %swap3A_2178 = arith.constant 144 : index
    %swap3A_2179 = tpu.vector_load %arg7[%swap3A_2178] {strides = array<i32>} : memref<256xi32, #tpu.memory_space<vmem>>, vector<16xi32>,
    tpu.vector_store %arg7[%swap3A_2178], %broadcast_in_dim3A_1265 {strides = array<i32>} : memref<256xi32, #tpu.memory_space<vmem>>, vector<16xi32>,
    %swap3A_2180 = arith.constant 160 : index
    %swap3A_2181 = tpu.vector_load %arg7[%swap3A_2180] {strides = array<i32>} : memref<256xi32, #tpu.memory_space<vmem>>, vector<16xi32>,
    tpu.vector_store %arg7[%swap3A_2180], %broadcast_in_dim3A_1265 {strides = array<i32>} : memref<256xi32, #tpu.memory_space<vmem>>, vector<16xi32>,
    %swap3A_2182 = arith.constant 176 : index
    %swap3A_2183 = tpu.vector_load %arg7[%swap3A_2182] {strides = array<i32>} : memref<256xi32, #tpu.memory_space<vmem>>, vector<16xi32>,
    tpu.vector_store %arg7[%swap3A_2182], %broadcast_in_dim3A_1265 {strides = array<i32>} : memref<256xi32, #tpu.memory_space<vmem>>, vector<16xi32>,
    %swap3A_2184 = arith.constant 192 : index
    %swap3A_2185 = tpu.vector_load %arg7[%swap3A_2184] {strides = array<i32>} : memref<256xi32, #tpu.memory_space<vmem>>, vector<16xi32>,
    tpu.vector_store %arg7[%swap3A_2184], %broadcast_in_dim3A_1265 {strides = array<i32>} : memref<256xi32, #tpu.memory_space<vmem>>, vector<16xi32>,
    %swap3A_2186 = arith.constant 208 : index
    %swap3A_2187 = tpu.vector_load %arg7[%swap3A_2186] {strides = array<i32>} : memref<256xi32, #tpu.memory_space<vmem>>, vector<16xi32>,
    tpu.vector_store %arg7[%swap3A_2186], %broadcast_in_dim3A_1265 {strides = array<i32>} : memref<256xi32, #tpu.memory_space<vmem>>, vector<16xi32>,
    %swap3A_2188 = arith.constant 224 : index
    %swap3A_2189 = tpu.vector_load %arg7[%swap3A_2188] {strides = array<i32>} : memref<256xi32, #tpu.memory_space<vmem>>, vector<16xi32>,
    tpu.vector_store %arg7[%swap3A_2188], %broadcast_in_dim3A_1265 {strides = array<i32>} : memref<256xi32, #tpu.memory_space<vmem>>, vector<16xi32>,
    %swap3A_2190 = arith.constant 240 : index
    %swap3A_2191 = tpu.vector_load %arg7[%swap3A_2190] {strides = array<i32>} : memref<256xi32, #tpu.memory_space<vmem>>, vector<16xi32>,
    tpu.vector_store %arg7[%swap3A_2190], %broadcast_in_dim3A_1265 {strides = array<i32>} : memref<256xi32, #tpu.memory_space<vmem>>, vector<16xi32>,
    %add3A_2192 = arith.constant 15 : i32
    %add3A_2193 = arith.addi %while3A_2069, %add3A_2192 : i32
    %jit3A_2194 = arith.constant 16 : i32
    %div3A_2195 = arith.divsi %add3A_2193, %jit3A_2194 : i32
    %sign3A_2196 = arith.constant 0 : i32
    %sign3A_2197 = arith.cmpi sgt, %add3A_2193, %sign3A_2196 : i32
    %sign3A_2198 = arith.extui %sign3A_2197 : i1 to i32
    %sign3A_2199 = arith.constant 0 : i32
    %sign3A_2200 = arith.cmpi slt, %add3A_2193, %sign3A_2199 : i32
    %sign3A_2201 = arith.extui %sign3A_2200 : i1 to i32
    %sign3A_2202 = arith.subi %sign3A_2198, %sign3A_2201 : i32
    %sign3A_2203 = arith.constant 0 : i32
    %sign3A_2204 = arith.cmpi sgt, %jit3A_2194, %sign3A_2203 : i32
    %sign3A_2205 = arith.extui %sign3A_2204 : i1 to i32
    %sign3A_2206 = arith.constant 0 : i32
    %sign3A_2207 = arith.cmpi slt, %jit3A_2194, %sign3A_2206 : i32
    %sign3A_2208 = arith.extui %sign3A_2207 : i1 to i32
    %sign3A_2209 = arith.subi %sign3A_2205, %sign3A_2208 : i32
    %ne3A_2210 = arith.cmpi ne, %sign3A_2202, %sign3A_2209 : i32
    %rem3A_2211 = arith.remsi %add3A_2193, %jit3A_2194 : i32
    %ne3A_2212 = arith.constant 0 : i32
    %ne3A_2213 = arith.cmpi ne, %rem3A_2211, %ne3A_2212 : i32
    %and3A_2214 = arith.andi %ne3A_2210, %ne3A_2213 : i1
    %sub3A_2215 = arith.constant 1 : i32
    %sub3A_2216 = arith.subi %div3A_2195, %sub3A_2215 : i32
    %select_n3A_2217 = arith.select %and3A_2214, %sub3A_2216, %div3A_2195 : i32
    %while3A_2218 = arith.constant 0 : i32
    %while3A_2219 = arith.constant 0 : i32
    %while3A_2220 = arith.subi %select_n3A_2217, %while3A_2218 : i32
    %while3A_2221 = arith.addi %while3A_2218, %while3A_2220 : i32
    %while3A_2222 = arith.constant 1 : i32
    %while3A_2223 = arith.divsi %while3A_2220, %while3A_2222 : i32
    %while3A_2224 = arith.muli %while3A_2223, %while3A_2222 : i32
    %while3A_2225 = arith.addi %while3A_2218, %while3A_2224 : i32
    %while3A_2226 = arith.constant 1 : i32
    %while3A_2227 = scf.for %while3A_2527 = %while3A_2218 to %while3A_2225 step %while3A_2226 iter_args(%while3A_2528 = %while3A_2219) -> (i32)  : i32 {
      %mul3A_2529 = arith.constant 16 : i32
      %mul3A_2530 = arith.muli %while3A_2527, %mul3A_2529 : i32
      %get3A_2531 = arith.index_cast %mul3A_2530 : i32 to index
      %get3A_2532 = tpu.vector_load %arg6[%get3A_2531] {strides = array<i32>} : memref<32768xi32, #tpu.memory_space<vmem>>, vector<16xi32>,
      %shift_right_logical3A = arith.constant 8 : i32
      %shift_right_logical3A_2533 = vector.broadcast %shift_right_logical3A : i32 to vector<16xi32>
      %shift_right_logical3A_2534 = arith.shrui %get3A_2532, %shift_right_logical3A_2533 : vector<16xi32>
      %and3A_2535 = arith.constant 15 : i32
      %and3A_2536 = vector.broadcast %and3A_2535 : i32 to vector<16xi32>
      %and3A_2537 = arith.andi %shift_right_logical3A_2534, %and3A_2536 : vector<16xi32>
      %eq3A_2538 = vector.broadcast %reduce_max3A_2142 : i32 to vector<16xi32>
      %eq3A_2539 = arith.cmpi eq, %and3A_2537, %eq3A_2538 : vector<16xi32>
      %mul3A_2540 = arith.constant 16 : i32
      %mul3A_2541 = arith.muli %while3A_2527, %mul3A_2540 : i32
      %add3A_2542 = vector.broadcast %mul3A_2541 : i32 to vector<16xi32>
      %add3A_2543 = arith.addi %add3A_2542, %iota3A_1258 : vector<16xi32>
      %lt3A = vector.broadcast %while3A_2069 : i32 to vector<16xi32>
      %lt3A_2544 = arith.cmpi slt, %add3A_2543, %lt3A : vector<16xi32>
      %and3A_2545 = arith.andi %eq3A_2539, %lt3A_2544 : vector<16xi1>
      %swap3A_2546 = arith.index_cast %while3A_2528 : i32 to index
      %swap3A_2547 = tpu.vector_load %arg6[%swap3A_2546] masked %and3A_2545 {strides = array<i32>} : memref<32768xi32, #tpu.memory_space<vmem>>, vector<16xi32>, vector<16xi1>
      tpu.vector_store %arg6[%swap3A_2546], %get3A_2532 masked %and3A_2545 {strides = array<i32>} : memref<32768xi32, #tpu.memory_space<vmem>>, vector<16xi32>, vector<16xi1>
      %shift_right_logical3A_2548 = arith.constant 4 : i32
      %shift_right_logical3A_2549 = vector.broadcast %shift_right_logical3A_2548 : i32 to vector<16xi32>
      %shift_right_logical3A_2550 = arith.shrui %get3A_2532, %shift_right_logical3A_2549 : vector<16xi32>
      %and3A_2551 = arith.constant 15 : i32
      %and3A_2552 = vector.broadcast %and3A_2551 : i32 to vector<16xi32>
      %and3A_2553 = arith.andi %shift_right_logical3A_2550, %and3A_2552 : vector<16xi32>
      %bitcast_convert_type3A_2554 = tpu.bitcast %and3A_2553 : vector<16xi32> -> vector<16xi32>
      %add3A_2555 = arith.addi %mul3A_1261, %bitcast_convert_type3A_2554 : vector<16xi32>
      tpu.vector_store_idx %arg7[%add3A_2555], %broadcast_in_dim3A_1263 masked %and3A_2545 {add = true} : memref<256xi32, #tpu.memory_space<vmem>>[vector<16xi32>], vector<16xi32>, vector<16xi1>
      %all_reduce_population_count3A = tpu.all_reduce %and3A_2545 {dim = 0 : i64, kind = #tpu.reduction_kind<sum>} : vector<16xi1> -> vector<16xi32>
      %slice3A = vector.extract_strided_slice %all_reduce_population_count3A {offsets = [0], sizes = [1], strides = [1]} : vector<16xi32> to vector<1xi32>
      %squeeze3A = vector.extract %slice3A[0] : i32 from vector<1xi32>
      %add3A_2556 = arith.addi %while3A_2528, %squeeze3A : i32
      scf.yield %add3A_2556 : i32
    }
    %while3A_2228 = arith.constant 1 : i32
    %while3A_2229 = scf.for %while3A_2527 = %while3A_2225 to %while3A_2221 step %while3A_2228 iter_args(%while3A_2528 = %while3A_2227) -> (i32)  : i32 {
      %mul3A_2529 = arith.constant 16 : i32
      %mul3A_2530 = arith.muli %while3A_2527, %mul3A_2529 : i32
      %get3A_2531 = arith.index_cast %mul3A_2530 : i32 to index
      %get3A_2532 = tpu.vector_load %arg6[%get3A_2531] {strides = array<i32>} : memref<32768xi32, #tpu.memory_space<vmem>>, vector<16xi32>,
      %shift_right_logical3A = arith.constant 8 : i32
      %shift_right_logical3A_2533 = vector.broadcast %shift_right_logical3A : i32 to vector<16xi32>
      %shift_right_logical3A_2534 = arith.shrui %get3A_2532, %shift_right_logical3A_2533 : vector<16xi32>
      %and3A_2535 = arith.constant 15 : i32
      %and3A_2536 = vector.broadcast %and3A_2535 : i32 to vector<16xi32>
      %and3A_2537 = arith.andi %shift_right_logical3A_2534, %and3A_2536 : vector<16xi32>
      %eq3A_2538 = vector.broadcast %reduce_max3A_2142 : i32 to vector<16xi32>
      %eq3A_2539 = arith.cmpi eq, %and3A_2537, %eq3A_2538 : vector<16xi32>
      %mul3A_2540 = arith.constant 16 : i32
      %mul3A_2541 = arith.muli %while3A_2527, %mul3A_2540 : i32
      %add3A_2542 = vector.broadcast %mul3A_2541 : i32 to vector<16xi32>
      %add3A_2543 = arith.addi %add3A_2542, %iota3A_1258 : vector<16xi32>
      %lt3A = vector.broadcast %while3A_2069 : i32 to vector<16xi32>
      %lt3A_2544 = arith.cmpi slt, %add3A_2543, %lt3A : vector<16xi32>
      %and3A_2545 = arith.andi %eq3A_2539, %lt3A_2544 : vector<16xi1>
      %swap3A_2546 = arith.index_cast %while3A_2528 : i32 to index
      %swap3A_2547 = tpu.vector_load %arg6[%swap3A_2546] masked %and3A_2545 {strides = array<i32>} : memref<32768xi32, #tpu.memory_space<vmem>>, vector<16xi32>, vector<16xi1>
      tpu.vector_store %arg6[%swap3A_2546], %get3A_2532 masked %and3A_2545 {strides = array<i32>} : memref<32768xi32, #tpu.memory_space<vmem>>, vector<16xi32>, vector<16xi1>
      %shift_right_logical3A_2548 = arith.constant 4 : i32
      %shift_right_logical3A_2549 = vector.broadcast %shift_right_logical3A_2548 : i32 to vector<16xi32>
      %shift_right_logical3A_2550 = arith.shrui %get3A_2532, %shift_right_logical3A_2549 : vector<16xi32>
      %and3A_2551 = arith.constant 15 : i32
      %and3A_2552 = vector.broadcast %and3A_2551 : i32 to vector<16xi32>
      %and3A_2553 = arith.andi %shift_right_logical3A_2550, %and3A_2552 : vector<16xi32>
      %bitcast_convert_type3A_2554 = tpu.bitcast %and3A_2553 : vector<16xi32> -> vector<16xi32>
      %add3A_2555 = arith.addi %mul3A_1261, %bitcast_convert_type3A_2554 : vector<16xi32>
      tpu.vector_store_idx %arg7[%add3A_2555], %broadcast_in_dim3A_1263 masked %and3A_2545 {add = true} : memref<256xi32, #tpu.memory_space<vmem>>[vector<16xi32>], vector<16xi32>, vector<16xi1>
      %all_reduce_population_count3A = tpu.all_reduce %and3A_2545 {dim = 0 : i64, kind = #tpu.reduction_kind<sum>} : vector<16xi1> -> vector<16xi32>
      %slice3A = vector.extract_strided_slice %all_reduce_population_count3A {offsets = [0], sizes = [1], strides = [1]} : vector<16xi32> to vector<1xi32>
      %squeeze3A = vector.extract %slice3A[0] : i32 from vector<1xi32>
      %add3A_2556 = arith.addi %while3A_2528, %squeeze3A : i32
      scf.yield %add3A_2556 : i32
    }
    %get3A_2230 = arith.constant 0 : index
    %get3A_2231 = tpu.vector_load %arg7[%get3A_2230] {strides = array<i32>} : memref<256xi32, #tpu.memory_space<vmem>>, vector<16xi32>,
    %get3A_2232 = arith.constant 16 : index
    %get3A_2233 = tpu.vector_load %arg7[%get3A_2232] {strides = array<i32>} : memref<256xi32, #tpu.memory_space<vmem>>, vector<16xi32>,
    %get3A_2234 = arith.constant 32 : index
    %get3A_2235 = tpu.vector_load %arg7[%get3A_2234] {strides = array<i32>} : memref<256xi32, #tpu.memory_space<vmem>>, vector<16xi32>,
    %get3A_2236 = arith.constant 48 : index
    %get3A_2237 = tpu.vector_load %arg7[%get3A_2236] {strides = array<i32>} : memref<256xi32, #tpu.memory_space<vmem>>, vector<16xi32>,
    %get3A_2238 = arith.constant 64 : index
    %get3A_2239 = tpu.vector_load %arg7[%get3A_2238] {strides = array<i32>} : memref<256xi32, #tpu.memory_space<vmem>>, vector<16xi32>,
    %get3A_2240 = arith.constant 80 : index
    %get3A_2241 = tpu.vector_load %arg7[%get3A_2240] {strides = array<i32>} : memref<256xi32, #tpu.memory_space<vmem>>, vector<16xi32>,
    %get3A_2242 = arith.constant 96 : index
    %get3A_2243 = tpu.vector_load %arg7[%get3A_2242] {strides = array<i32>} : memref<256xi32, #tpu.memory_space<vmem>>, vector<16xi32>,
    %get3A_2244 = arith.constant 112 : index
    %get3A_2245 = tpu.vector_load %arg7[%get3A_2244] {strides = array<i32>} : memref<256xi32, #tpu.memory_space<vmem>>, vector<16xi32>,
    %get3A_2246 = arith.constant 128 : index
    %get3A_2247 = tpu.vector_load %arg7[%get3A_2246] {strides = array<i32>} : memref<256xi32, #tpu.memory_space<vmem>>, vector<16xi32>,
    %get3A_2248 = arith.constant 144 : index
    %get3A_2249 = tpu.vector_load %arg7[%get3A_2248] {strides = array<i32>} : memref<256xi32, #tpu.memory_space<vmem>>, vector<16xi32>,
    %get3A_2250 = arith.constant 160 : index
    %get3A_2251 = tpu.vector_load %arg7[%get3A_2250] {strides = array<i32>} : memref<256xi32, #tpu.memory_space<vmem>>, vector<16xi32>,
    %get3A_2252 = arith.constant 176 : index
    %get3A_2253 = tpu.vector_load %arg7[%get3A_2252] {strides = array<i32>} : memref<256xi32, #tpu.memory_space<vmem>>, vector<16xi32>,
    %get3A_2254 = arith.constant 192 : index
    %get3A_2255 = tpu.vector_load %arg7[%get3A_2254] {strides = array<i32>} : memref<256xi32, #tpu.memory_space<vmem>>, vector<16xi32>,
    %get3A_2256 = arith.constant 208 : index
    %get3A_2257 = tpu.vector_load %arg7[%get3A_2256] {strides = array<i32>} : memref<256xi32, #tpu.memory_space<vmem>>, vector<16xi32>,
    %get3A_2258 = arith.constant 224 : index
    %get3A_2259 = tpu.vector_load %arg7[%get3A_2258] {strides = array<i32>} : memref<256xi32, #tpu.memory_space<vmem>>, vector<16xi32>,
    %get3A_2260 = arith.constant 240 : index
    %get3A_2261 = tpu.vector_load %arg7[%get3A_2260] {strides = array<i32>} : memref<256xi32, #tpu.memory_space<vmem>>, vector<16xi32>,
    %add3A_2262 = arith.addi %get3A_2231, %get3A_2233 : vector<16xi32>
    %add3A_2263 = arith.addi %get3A_2235, %get3A_2237 : vector<16xi32>
    %add3A_2264 = arith.addi %get3A_2239, %get3A_2241 : vector<16xi32>
    %add3A_2265 = arith.addi %get3A_2243, %get3A_2245 : vector<16xi32>
    %add3A_2266 = arith.addi %get3A_2247, %get3A_2249 : vector<16xi32>
    %add3A_2267 = arith.addi %get3A_2251, %get3A_2253 : vector<16xi32>
    %add3A_2268 = arith.addi %get3A_2255, %get3A_2257 : vector<16xi32>
    %add3A_2269 = arith.addi %get3A_2259, %get3A_2261 : vector<16xi32>
    %add3A_2270 = arith.addi %add3A_2262, %add3A_2263 : vector<16xi32>
    %add3A_2271 = arith.addi %add3A_2264, %add3A_2265 : vector<16xi32>
    %add3A_2272 = arith.addi %add3A_2266, %add3A_2267 : vector<16xi32>
    %add3A_2273 = arith.addi %add3A_2268, %add3A_2269 : vector<16xi32>
    %add3A_2274 = arith.addi %add3A_2270, %add3A_2271 : vector<16xi32>
    %add3A_2275 = arith.addi %add3A_2272, %add3A_2273 : vector<16xi32>
    %add3A_2276 = arith.addi %add3A_2274, %add3A_2275 : vector<16xi32>
    %rev3A_2277 = arith.constant 15 : i32
    %rev3A_2278 = vector.broadcast %rev3A_2277 : i32 to vector<16xi32>
    %rev3A_2279 = tpu.iota {dimensions = array<i32: 0>} : vector<16xi32>
    %rev3A_2280 = arith.subi %rev3A_2278, %rev3A_2279 : vector<16xi32>
    %rev3A_2281 = tpu.dynamic_gather %add3A_2276[%rev3A_2280] in [0] : vector<16xi32>, vector<16xi32> -> vector<16xi32>
    %broadcast_in_dim3A_2282 = arith.constant true
    %broadcast_in_dim3A_2283 = vector.broadcast %broadcast_in_dim3A_2282 : i1 to vector<16xi1>
    %masked_cumsum3A_2284 = tpu.scan <sum>, %rev3A_2281 masked %broadcast_in_dim3A_2283 : vector<16xi32>, vector<16xi1> -> vector<16xi32>
    %rev3A_2285 = arith.constant 15 : i32
    %rev3A_2286 = vector.broadcast %rev3A_2285 : i32 to vector<16xi32>
    %rev3A_2287 = tpu.iota {dimensions = array<i32: 0>} : vector<16xi32>
    %rev3A_2288 = arith.subi %rev3A_2286, %rev3A_2287 : vector<16xi32>
    %rev3A_2289 = tpu.dynamic_gather %masked_cumsum3A_2284[%rev3A_2288] in [0] : vector<16xi32>, vector<16xi32> -> vector<16xi32>
    %ge3A_2290 = vector.broadcast %reduce_max3A_2156 : i32 to vector<16xi32>
    %ge3A_2291 = arith.cmpi sge, %rev3A_2289, %ge3A_2290 : vector<16xi32>
    %jit3A_2292 = arith.constant -1 : i32
    %broadcast_in_dim3A_2293 = vector.broadcast %jit3A_2292 : i32 to vector<16xi32>
    %select_n3A_2294 = arith.select %ge3A_2291, %iota3A_1258, %broadcast_in_dim3A_2293 : vector<16xi1>, vector<16xi32>
    %reduce_max3A_2295 = arith.constant true
    %reduce_max3A_2296 = vector.broadcast %reduce_max3A_2295 : i1 to vector<16xi1>
    %reduce_max3A_2297 = arith.constant -2147483648 : i32
    %reduce_max3A_2298 = vector.broadcast %reduce_max3A_2297 : i32 to vector<16xi32>
    %reduce_max3A_2299 = arith.xori %select_n3A_2294, %reduce_max3A_2298 : vector<16xi32>
    %reduce_max3A_2300 = tpu.scan <max>, %reduce_max3A_2299 masked %reduce_max3A_2296 : vector<16xi32>, vector<16xi1> -> vector<16xi32>
    %reduce_max3A_2301 = arith.xori %reduce_max3A_2300, %reduce_max3A_2298 : vector<16xi32>
    %reduce_max3A_2302 = vector.extract %reduce_max3A_2301[15] : i32 from vector<16xi32>
    %sub3A_2303 = arith.subi %rev3A_2289, %add3A_2276 : vector<16xi32>
    %sub3A_2304 = vector.broadcast %reduce_max3A_2156 : i32 to vector<16xi32>
    %sub3A_2305 = arith.subi %sub3A_2304, %sub3A_2303 : vector<16xi32>
    %jit3A_2306 = arith.constant -2147483648 : i32
    %broadcast_in_dim3A_2307 = vector.broadcast %jit3A_2306 : i32 to vector<16xi32>
    %select_n3A_2308 = arith.select %ge3A_2291, %sub3A_2305, %broadcast_in_dim3A_2307 : vector<16xi1>, vector<16xi32>
    %reduce_max3A_2309 = arith.constant true
    %reduce_max3A_2310 = vector.broadcast %reduce_max3A_2309 : i1 to vector<16xi1>
    %reduce_max3A_2311 = arith.constant -2147483648 : i32
    %reduce_max3A_2312 = vector.broadcast %reduce_max3A_2311 : i32 to vector<16xi32>
    %reduce_max3A_2313 = arith.xori %select_n3A_2308, %reduce_max3A_2312 : vector<16xi32>
    %reduce_max3A_2314 = tpu.scan <max>, %reduce_max3A_2313 masked %reduce_max3A_2310 : vector<16xi32>, vector<16xi1> -> vector<16xi32>
    %reduce_max3A_2315 = arith.xori %reduce_max3A_2314, %reduce_max3A_2312 : vector<16xi32>
    %reduce_max3A_2316 = vector.extract %reduce_max3A_2315[15] : i32 from vector<16xi32>
    %shift_left3A_2317 = arith.constant 4 : i32
    %shift_left3A_2318 = arith.shli %reduce_max3A_2302, %shift_left3A_2317 : i32
    %or3A_2319 = arith.ori %or3A_2159, %shift_left3A_2318 : i32
    %swap3A_2320 = arith.constant 0 : index
    %swap3A_2321 = tpu.vector_load %arg7[%swap3A_2320] {strides = array<i32>} : memref<256xi32, #tpu.memory_space<vmem>>, vector<16xi32>,
    tpu.vector_store %arg7[%swap3A_2320], %broadcast_in_dim3A_1265 {strides = array<i32>} : memref<256xi32, #tpu.memory_space<vmem>>, vector<16xi32>,
    %swap3A_2322 = arith.constant 16 : index
    %swap3A_2323 = tpu.vector_load %arg7[%swap3A_2322] {strides = array<i32>} : memref<256xi32, #tpu.memory_space<vmem>>, vector<16xi32>,
    tpu.vector_store %arg7[%swap3A_2322], %broadcast_in_dim3A_1265 {strides = array<i32>} : memref<256xi32, #tpu.memory_space<vmem>>, vector<16xi32>,
    %swap3A_2324 = arith.constant 32 : index
    %swap3A_2325 = tpu.vector_load %arg7[%swap3A_2324] {strides = array<i32>} : memref<256xi32, #tpu.memory_space<vmem>>, vector<16xi32>,
    tpu.vector_store %arg7[%swap3A_2324], %broadcast_in_dim3A_1265 {strides = array<i32>} : memref<256xi32, #tpu.memory_space<vmem>>, vector<16xi32>,
    %swap3A_2326 = arith.constant 48 : index
    %swap3A_2327 = tpu.vector_load %arg7[%swap3A_2326] {strides = array<i32>} : memref<256xi32, #tpu.memory_space<vmem>>, vector<16xi32>,
    tpu.vector_store %arg7[%swap3A_2326], %broadcast_in_dim3A_1265 {strides = array<i32>} : memref<256xi32, #tpu.memory_space<vmem>>, vector<16xi32>,
    %swap3A_2328 = arith.constant 64 : index
    %swap3A_2329 = tpu.vector_load %arg7[%swap3A_2328] {strides = array<i32>} : memref<256xi32, #tpu.memory_space<vmem>>, vector<16xi32>,
    tpu.vector_store %arg7[%swap3A_2328], %broadcast_in_dim3A_1265 {strides = array<i32>} : memref<256xi32, #tpu.memory_space<vmem>>, vector<16xi32>,
    %swap3A_2330 = arith.constant 80 : index
    %swap3A_2331 = tpu.vector_load %arg7[%swap3A_2330] {strides = array<i32>} : memref<256xi32, #tpu.memory_space<vmem>>, vector<16xi32>,
    tpu.vector_store %arg7[%swap3A_2330], %broadcast_in_dim3A_1265 {strides = array<i32>} : memref<256xi32, #tpu.memory_space<vmem>>, vector<16xi32>,
    %swap3A_2332 = arith.constant 96 : index
    %swap3A_2333 = tpu.vector_load %arg7[%swap3A_2332] {strides = array<i32>} : memref<256xi32, #tpu.memory_space<vmem>>, vector<16xi32>,
    tpu.vector_store %arg7[%swap3A_2332], %broadcast_in_dim3A_1265 {strides = array<i32>} : memref<256xi32, #tpu.memory_space<vmem>>, vector<16xi32>,
    %swap3A_2334 = arith.constant 112 : index
    %swap3A_2335 = tpu.vector_load %arg7[%swap3A_2334] {strides = array<i32>} : memref<256xi32, #tpu.memory_space<vmem>>, vector<16xi32>,
    tpu.vector_store %arg7[%swap3A_2334], %broadcast_in_dim3A_1265 {strides = array<i32>} : memref<256xi32, #tpu.memory_space<vmem>>, vector<16xi32>,
    %swap3A_2336 = arith.constant 128 : index
    %swap3A_2337 = tpu.vector_load %arg7[%swap3A_2336] {strides = array<i32>} : memref<256xi32, #tpu.memory_space<vmem>>, vector<16xi32>,
    tpu.vector_store %arg7[%swap3A_2336], %broadcast_in_dim3A_1265 {strides = array<i32>} : memref<256xi32, #tpu.memory_space<vmem>>, vector<16xi32>,
    %swap3A_2338 = arith.constant 144 : index
    %swap3A_2339 = tpu.vector_load %arg7[%swap3A_2338] {strides = array<i32>} : memref<256xi32, #tpu.memory_space<vmem>>, vector<16xi32>,
    tpu.vector_store %arg7[%swap3A_2338], %broadcast_in_dim3A_1265 {strides = array<i32>} : memref<256xi32, #tpu.memory_space<vmem>>, vector<16xi32>,
    %swap3A_2340 = arith.constant 160 : index
    %swap3A_2341 = tpu.vector_load %arg7[%swap3A_2340] {strides = array<i32>} : memref<256xi32, #tpu.memory_space<vmem>>, vector<16xi32>,
    tpu.vector_store %arg7[%swap3A_2340], %broadcast_in_dim3A_1265 {strides = array<i32>} : memref<256xi32, #tpu.memory_space<vmem>>, vector<16xi32>,
    %swap3A_2342 = arith.constant 176 : index
    %swap3A_2343 = tpu.vector_load %arg7[%swap3A_2342] {strides = array<i32>} : memref<256xi32, #tpu.memory_space<vmem>>, vector<16xi32>,
    tpu.vector_store %arg7[%swap3A_2342], %broadcast_in_dim3A_1265 {strides = array<i32>} : memref<256xi32, #tpu.memory_space<vmem>>, vector<16xi32>,
    %swap3A_2344 = arith.constant 192 : index
    %swap3A_2345 = tpu.vector_load %arg7[%swap3A_2344] {strides = array<i32>} : memref<256xi32, #tpu.memory_space<vmem>>, vector<16xi32>,
    tpu.vector_store %arg7[%swap3A_2344], %broadcast_in_dim3A_1265 {strides = array<i32>} : memref<256xi32, #tpu.memory_space<vmem>>, vector<16xi32>,
    %swap3A_2346 = arith.constant 208 : index
    %swap3A_2347 = tpu.vector_load %arg7[%swap3A_2346] {strides = array<i32>} : memref<256xi32, #tpu.memory_space<vmem>>, vector<16xi32>,
    tpu.vector_store %arg7[%swap3A_2346], %broadcast_in_dim3A_1265 {strides = array<i32>} : memref<256xi32, #tpu.memory_space<vmem>>, vector<16xi32>,
    %swap3A_2348 = arith.constant 224 : index
    %swap3A_2349 = tpu.vector_load %arg7[%swap3A_2348] {strides = array<i32>} : memref<256xi32, #tpu.memory_space<vmem>>, vector<16xi32>,
    tpu.vector_store %arg7[%swap3A_2348], %broadcast_in_dim3A_1265 {strides = array<i32>} : memref<256xi32, #tpu.memory_space<vmem>>, vector<16xi32>,
    %swap3A_2350 = arith.constant 240 : index
    %swap3A_2351 = tpu.vector_load %arg7[%swap3A_2350] {strides = array<i32>} : memref<256xi32, #tpu.memory_space<vmem>>, vector<16xi32>,
    tpu.vector_store %arg7[%swap3A_2350], %broadcast_in_dim3A_1265 {strides = array<i32>} : memref<256xi32, #tpu.memory_space<vmem>>, vector<16xi32>,
    %add3A_2352 = arith.constant 15 : i32
    %add3A_2353 = arith.addi %while3A_2229, %add3A_2352 : i32
    %jit3A_2354 = arith.constant 16 : i32
    %div3A_2355 = arith.divsi %add3A_2353, %jit3A_2354 : i32
    %sign3A_2356 = arith.constant 0 : i32
    %sign3A_2357 = arith.cmpi sgt, %add3A_2353, %sign3A_2356 : i32
    %sign3A_2358 = arith.extui %sign3A_2357 : i1 to i32
    %sign3A_2359 = arith.constant 0 : i32
    %sign3A_2360 = arith.cmpi slt, %add3A_2353, %sign3A_2359 : i32
    %sign3A_2361 = arith.extui %sign3A_2360 : i1 to i32
    %sign3A_2362 = arith.subi %sign3A_2358, %sign3A_2361 : i32
    %sign3A_2363 = arith.constant 0 : i32
    %sign3A_2364 = arith.cmpi sgt, %jit3A_2354, %sign3A_2363 : i32
    %sign3A_2365 = arith.extui %sign3A_2364 : i1 to i32
    %sign3A_2366 = arith.constant 0 : i32
    %sign3A_2367 = arith.cmpi slt, %jit3A_2354, %sign3A_2366 : i32
    %sign3A_2368 = arith.extui %sign3A_2367 : i1 to i32
    %sign3A_2369 = arith.subi %sign3A_2365, %sign3A_2368 : i32
    %ne3A_2370 = arith.cmpi ne, %sign3A_2362, %sign3A_2369 : i32
    %rem3A_2371 = arith.remsi %add3A_2353, %jit3A_2354 : i32
    %ne3A_2372 = arith.constant 0 : i32
    %ne3A_2373 = arith.cmpi ne, %rem3A_2371, %ne3A_2372 : i32
    %and3A_2374 = arith.andi %ne3A_2370, %ne3A_2373 : i1
    %sub3A_2375 = arith.constant 1 : i32
    %sub3A_2376 = arith.subi %div3A_2355, %sub3A_2375 : i32
    %select_n3A_2377 = arith.select %and3A_2374, %sub3A_2376, %div3A_2355 : i32
    %while3A_2378 = arith.constant 0 : i32
    %while3A_2379 = arith.constant 0 : i32
    %while3A_2380 = arith.subi %select_n3A_2377, %while3A_2378 : i32
    %while3A_2381 = arith.addi %while3A_2378, %while3A_2380 : i32
    %while3A_2382 = arith.constant 1 : i32
    %while3A_2383 = arith.divsi %while3A_2380, %while3A_2382 : i32
    %while3A_2384 = arith.muli %while3A_2383, %while3A_2382 : i32
    %while3A_2385 = arith.addi %while3A_2378, %while3A_2384 : i32
    %while3A_2386 = arith.constant 1 : i32
    %while3A_2387 = scf.for %while3A_2527 = %while3A_2378 to %while3A_2385 step %while3A_2386 iter_args(%while3A_2528 = %while3A_2379) -> (i32)  : i32 {
      %mul3A_2529 = arith.constant 16 : i32
      %mul3A_2530 = arith.muli %while3A_2527, %mul3A_2529 : i32
      %get3A_2531 = arith.index_cast %mul3A_2530 : i32 to index
      %get3A_2532 = tpu.vector_load %arg6[%get3A_2531] {strides = array<i32>} : memref<32768xi32, #tpu.memory_space<vmem>>, vector<16xi32>,
      %shift_right_logical3A = arith.constant 4 : i32
      %shift_right_logical3A_2533 = vector.broadcast %shift_right_logical3A : i32 to vector<16xi32>
      %shift_right_logical3A_2534 = arith.shrui %get3A_2532, %shift_right_logical3A_2533 : vector<16xi32>
      %and3A_2535 = arith.constant 15 : i32
      %and3A_2536 = vector.broadcast %and3A_2535 : i32 to vector<16xi32>
      %and3A_2537 = arith.andi %shift_right_logical3A_2534, %and3A_2536 : vector<16xi32>
      %eq3A_2538 = vector.broadcast %reduce_max3A_2302 : i32 to vector<16xi32>
      %eq3A_2539 = arith.cmpi eq, %and3A_2537, %eq3A_2538 : vector<16xi32>
      %mul3A_2540 = arith.constant 16 : i32
      %mul3A_2541 = arith.muli %while3A_2527, %mul3A_2540 : i32
      %add3A_2542 = vector.broadcast %mul3A_2541 : i32 to vector<16xi32>
      %add3A_2543 = arith.addi %add3A_2542, %iota3A_1258 : vector<16xi32>
      %lt3A = vector.broadcast %while3A_2229 : i32 to vector<16xi32>
      %lt3A_2544 = arith.cmpi slt, %add3A_2543, %lt3A : vector<16xi32>
      %and3A_2545 = arith.andi %eq3A_2539, %lt3A_2544 : vector<16xi1>
      %swap3A_2546 = arith.index_cast %while3A_2528 : i32 to index
      %swap3A_2547 = tpu.vector_load %arg6[%swap3A_2546] masked %and3A_2545 {strides = array<i32>} : memref<32768xi32, #tpu.memory_space<vmem>>, vector<16xi32>, vector<16xi1>
      tpu.vector_store %arg6[%swap3A_2546], %get3A_2532 masked %and3A_2545 {strides = array<i32>} : memref<32768xi32, #tpu.memory_space<vmem>>, vector<16xi32>, vector<16xi1>
      %shift_right_logical3A_2548 = arith.constant 0 : i32
      %shift_right_logical3A_2549 = vector.broadcast %shift_right_logical3A_2548 : i32 to vector<16xi32>
      %shift_right_logical3A_2550 = arith.shrui %get3A_2532, %shift_right_logical3A_2549 : vector<16xi32>
      %and3A_2551 = arith.constant 15 : i32
      %and3A_2552 = vector.broadcast %and3A_2551 : i32 to vector<16xi32>
      %and3A_2553 = arith.andi %shift_right_logical3A_2550, %and3A_2552 : vector<16xi32>
      %bitcast_convert_type3A_2554 = tpu.bitcast %and3A_2553 : vector<16xi32> -> vector<16xi32>
      %add3A_2555 = arith.addi %mul3A_1261, %bitcast_convert_type3A_2554 : vector<16xi32>
      tpu.vector_store_idx %arg7[%add3A_2555], %broadcast_in_dim3A_1263 masked %and3A_2545 {add = true} : memref<256xi32, #tpu.memory_space<vmem>>[vector<16xi32>], vector<16xi32>, vector<16xi1>
      %all_reduce_population_count3A = tpu.all_reduce %and3A_2545 {dim = 0 : i64, kind = #tpu.reduction_kind<sum>} : vector<16xi1> -> vector<16xi32>
      %slice3A = vector.extract_strided_slice %all_reduce_population_count3A {offsets = [0], sizes = [1], strides = [1]} : vector<16xi32> to vector<1xi32>
      %squeeze3A = vector.extract %slice3A[0] : i32 from vector<1xi32>
      %add3A_2556 = arith.addi %while3A_2528, %squeeze3A : i32
      scf.yield %add3A_2556 : i32
    }
    %while3A_2388 = arith.constant 1 : i32
    %while3A_2389 = scf.for %while3A_2527 = %while3A_2385 to %while3A_2381 step %while3A_2388 iter_args(%while3A_2528 = %while3A_2387) -> (i32)  : i32 {
      %mul3A_2529 = arith.constant 16 : i32
      %mul3A_2530 = arith.muli %while3A_2527, %mul3A_2529 : i32
      %get3A_2531 = arith.index_cast %mul3A_2530 : i32 to index
      %get3A_2532 = tpu.vector_load %arg6[%get3A_2531] {strides = array<i32>} : memref<32768xi32, #tpu.memory_space<vmem>>, vector<16xi32>,
      %shift_right_logical3A = arith.constant 4 : i32
      %shift_right_logical3A_2533 = vector.broadcast %shift_right_logical3A : i32 to vector<16xi32>
      %shift_right_logical3A_2534 = arith.shrui %get3A_2532, %shift_right_logical3A_2533 : vector<16xi32>
      %and3A_2535 = arith.constant 15 : i32
      %and3A_2536 = vector.broadcast %and3A_2535 : i32 to vector<16xi32>
      %and3A_2537 = arith.andi %shift_right_logical3A_2534, %and3A_2536 : vector<16xi32>
      %eq3A_2538 = vector.broadcast %reduce_max3A_2302 : i32 to vector<16xi32>
      %eq3A_2539 = arith.cmpi eq, %and3A_2537, %eq3A_2538 : vector<16xi32>
      %mul3A_2540 = arith.constant 16 : i32
      %mul3A_2541 = arith.muli %while3A_2527, %mul3A_2540 : i32
      %add3A_2542 = vector.broadcast %mul3A_2541 : i32 to vector<16xi32>
      %add3A_2543 = arith.addi %add3A_2542, %iota3A_1258 : vector<16xi32>
      %lt3A = vector.broadcast %while3A_2229 : i32 to vector<16xi32>
      %lt3A_2544 = arith.cmpi slt, %add3A_2543, %lt3A : vector<16xi32>
      %and3A_2545 = arith.andi %eq3A_2539, %lt3A_2544 : vector<16xi1>
      %swap3A_2546 = arith.index_cast %while3A_2528 : i32 to index
      %swap3A_2547 = tpu.vector_load %arg6[%swap3A_2546] masked %and3A_2545 {strides = array<i32>} : memref<32768xi32, #tpu.memory_space<vmem>>, vector<16xi32>, vector<16xi1>
      tpu.vector_store %arg6[%swap3A_2546], %get3A_2532 masked %and3A_2545 {strides = array<i32>} : memref<32768xi32, #tpu.memory_space<vmem>>, vector<16xi32>, vector<16xi1>
      %shift_right_logical3A_2548 = arith.constant 0 : i32
      %shift_right_logical3A_2549 = vector.broadcast %shift_right_logical3A_2548 : i32 to vector<16xi32>
      %shift_right_logical3A_2550 = arith.shrui %get3A_2532, %shift_right_logical3A_2549 : vector<16xi32>
      %and3A_2551 = arith.constant 15 : i32
      %and3A_2552 = vector.broadcast %and3A_2551 : i32 to vector<16xi32>
      %and3A_2553 = arith.andi %shift_right_logical3A_2550, %and3A_2552 : vector<16xi32>
      %bitcast_convert_type3A_2554 = tpu.bitcast %and3A_2553 : vector<16xi32> -> vector<16xi32>
      %add3A_2555 = arith.addi %mul3A_1261, %bitcast_convert_type3A_2554 : vector<16xi32>
      tpu.vector_store_idx %arg7[%add3A_2555], %broadcast_in_dim3A_1263 masked %and3A_2545 {add = true} : memref<256xi32, #tpu.memory_space<vmem>>[vector<16xi32>], vector<16xi32>, vector<16xi1>
      %all_reduce_population_count3A = tpu.all_reduce %and3A_2545 {dim = 0 : i64, kind = #tpu.reduction_kind<sum>} : vector<16xi1> -> vector<16xi32>
      %slice3A = vector.extract_strided_slice %all_reduce_population_count3A {offsets = [0], sizes = [1], strides = [1]} : vector<16xi32> to vector<1xi32>
      %squeeze3A = vector.extract %slice3A[0] : i32 from vector<1xi32>
      %add3A_2556 = arith.addi %while3A_2528, %squeeze3A : i32
      scf.yield %add3A_2556 : i32
    }
    %get3A_2390 = arith.constant 0 : index
    %get3A_2391 = tpu.vector_load %arg7[%get3A_2390] {strides = array<i32>} : memref<256xi32, #tpu.memory_space<vmem>>, vector<16xi32>,
    %get3A_2392 = arith.constant 16 : index
    %get3A_2393 = tpu.vector_load %arg7[%get3A_2392] {strides = array<i32>} : memref<256xi32, #tpu.memory_space<vmem>>, vector<16xi32>,
    %get3A_2394 = arith.constant 32 : index
    %get3A_2395 = tpu.vector_load %arg7[%get3A_2394] {strides = array<i32>} : memref<256xi32, #tpu.memory_space<vmem>>, vector<16xi32>,
    %get3A_2396 = arith.constant 48 : index
    %get3A_2397 = tpu.vector_load %arg7[%get3A_2396] {strides = array<i32>} : memref<256xi32, #tpu.memory_space<vmem>>, vector<16xi32>,
    %get3A_2398 = arith.constant 64 : index
    %get3A_2399 = tpu.vector_load %arg7[%get3A_2398] {strides = array<i32>} : memref<256xi32, #tpu.memory_space<vmem>>, vector<16xi32>,
    %get3A_2400 = arith.constant 80 : index
    %get3A_2401 = tpu.vector_load %arg7[%get3A_2400] {strides = array<i32>} : memref<256xi32, #tpu.memory_space<vmem>>, vector<16xi32>,
    %get3A_2402 = arith.constant 96 : index
    %get3A_2403 = tpu.vector_load %arg7[%get3A_2402] {strides = array<i32>} : memref<256xi32, #tpu.memory_space<vmem>>, vector<16xi32>,
    %get3A_2404 = arith.constant 112 : index
    %get3A_2405 = tpu.vector_load %arg7[%get3A_2404] {strides = array<i32>} : memref<256xi32, #tpu.memory_space<vmem>>, vector<16xi32>,
    %get3A_2406 = arith.constant 128 : index
    %get3A_2407 = tpu.vector_load %arg7[%get3A_2406] {strides = array<i32>} : memref<256xi32, #tpu.memory_space<vmem>>, vector<16xi32>,
    %get3A_2408 = arith.constant 144 : index
    %get3A_2409 = tpu.vector_load %arg7[%get3A_2408] {strides = array<i32>} : memref<256xi32, #tpu.memory_space<vmem>>, vector<16xi32>,
    %get3A_2410 = arith.constant 160 : index
    %get3A_2411 = tpu.vector_load %arg7[%get3A_2410] {strides = array<i32>} : memref<256xi32, #tpu.memory_space<vmem>>, vector<16xi32>,
    %get3A_2412 = arith.constant 176 : index
    %get3A_2413 = tpu.vector_load %arg7[%get3A_2412] {strides = array<i32>} : memref<256xi32, #tpu.memory_space<vmem>>, vector<16xi32>,
    %get3A_2414 = arith.constant 192 : index
    %get3A_2415 = tpu.vector_load %arg7[%get3A_2414] {strides = array<i32>} : memref<256xi32, #tpu.memory_space<vmem>>, vector<16xi32>,
    %get3A_2416 = arith.constant 208 : index
    %get3A_2417 = tpu.vector_load %arg7[%get3A_2416] {strides = array<i32>} : memref<256xi32, #tpu.memory_space<vmem>>, vector<16xi32>,
    %get3A_2418 = arith.constant 224 : index
    %get3A_2419 = tpu.vector_load %arg7[%get3A_2418] {strides = array<i32>} : memref<256xi32, #tpu.memory_space<vmem>>, vector<16xi32>,
    %get3A_2420 = arith.constant 240 : index
    %get3A_2421 = tpu.vector_load %arg7[%get3A_2420] {strides = array<i32>} : memref<256xi32, #tpu.memory_space<vmem>>, vector<16xi32>,
    %add3A_2422 = arith.addi %get3A_2391, %get3A_2393 : vector<16xi32>
    %add3A_2423 = arith.addi %get3A_2395, %get3A_2397 : vector<16xi32>
    %add3A_2424 = arith.addi %get3A_2399, %get3A_2401 : vector<16xi32>
    %add3A_2425 = arith.addi %get3A_2403, %get3A_2405 : vector<16xi32>
    %add3A_2426 = arith.addi %get3A_2407, %get3A_2409 : vector<16xi32>
    %add3A_2427 = arith.addi %get3A_2411, %get3A_2413 : vector<16xi32>
    %add3A_2428 = arith.addi %get3A_2415, %get3A_2417 : vector<16xi32>
    %add3A_2429 = arith.addi %get3A_2419, %get3A_2421 : vector<16xi32>
    %add3A_2430 = arith.addi %add3A_2422, %add3A_2423 : vector<16xi32>
    %add3A_2431 = arith.addi %add3A_2424, %add3A_2425 : vector<16xi32>
    %add3A_2432 = arith.addi %add3A_2426, %add3A_2427 : vector<16xi32>
    %add3A_2433 = arith.addi %add3A_2428, %add3A_2429 : vector<16xi32>
    %add3A_2434 = arith.addi %add3A_2430, %add3A_2431 : vector<16xi32>
    %add3A_2435 = arith.addi %add3A_2432, %add3A_2433 : vector<16xi32>
    %add3A_2436 = arith.addi %add3A_2434, %add3A_2435 : vector<16xi32>
    %rev3A_2437 = arith.constant 15 : i32
    %rev3A_2438 = vector.broadcast %rev3A_2437 : i32 to vector<16xi32>
    %rev3A_2439 = tpu.iota {dimensions = array<i32: 0>} : vector<16xi32>
    %rev3A_2440 = arith.subi %rev3A_2438, %rev3A_2439 : vector<16xi32>
    %rev3A_2441 = tpu.dynamic_gather %add3A_2436[%rev3A_2440] in [0] : vector<16xi32>, vector<16xi32> -> vector<16xi32>
    %broadcast_in_dim3A_2442 = arith.constant true
    %broadcast_in_dim3A_2443 = vector.broadcast %broadcast_in_dim3A_2442 : i1 to vector<16xi1>
    %masked_cumsum3A_2444 = tpu.scan <sum>, %rev3A_2441 masked %broadcast_in_dim3A_2443 : vector<16xi32>, vector<16xi1> -> vector<16xi32>
    %rev3A_2445 = arith.constant 15 : i32
    %rev3A_2446 = vector.broadcast %rev3A_2445 : i32 to vector<16xi32>
    %rev3A_2447 = tpu.iota {dimensions = array<i32: 0>} : vector<16xi32>
    %rev3A_2448 = arith.subi %rev3A_2446, %rev3A_2447 : vector<16xi32>
    %rev3A_2449 = tpu.dynamic_gather %masked_cumsum3A_2444[%rev3A_2448] in [0] : vector<16xi32>, vector<16xi32> -> vector<16xi32>
    %ge3A_2450 = vector.broadcast %reduce_max3A_2316 : i32 to vector<16xi32>
    %ge3A_2451 = arith.cmpi sge, %rev3A_2449, %ge3A_2450 : vector<16xi32>
    %jit3A_2452 = arith.constant -1 : i32
    %broadcast_in_dim3A_2453 = vector.broadcast %jit3A_2452 : i32 to vector<16xi32>
    %select_n3A_2454 = arith.select %ge3A_2451, %iota3A_1258, %broadcast_in_dim3A_2453 : vector<16xi1>, vector<16xi32>
    %reduce_max3A_2455 = arith.constant true
    %reduce_max3A_2456 = vector.broadcast %reduce_max3A_2455 : i1 to vector<16xi1>
    %reduce_max3A_2457 = arith.constant -2147483648 : i32
    %reduce_max3A_2458 = vector.broadcast %reduce_max3A_2457 : i32 to vector<16xi32>
    %reduce_max3A_2459 = arith.xori %select_n3A_2454, %reduce_max3A_2458 : vector<16xi32>
    %reduce_max3A_2460 = tpu.scan <max>, %reduce_max3A_2459 masked %reduce_max3A_2456 : vector<16xi32>, vector<16xi1> -> vector<16xi32>
    %reduce_max3A_2461 = arith.xori %reduce_max3A_2460, %reduce_max3A_2458 : vector<16xi32>
    %reduce_max3A_2462 = vector.extract %reduce_max3A_2461[15] : i32 from vector<16xi32>
    %sub3A_2463 = arith.subi %rev3A_2449, %add3A_2436 : vector<16xi32>
    %sub3A_2464 = vector.broadcast %reduce_max3A_2316 : i32 to vector<16xi32>
    %sub3A_2465 = arith.subi %sub3A_2464, %sub3A_2463 : vector<16xi32>
    %jit3A_2466 = arith.constant -2147483648 : i32
    %broadcast_in_dim3A_2467 = vector.broadcast %jit3A_2466 : i32 to vector<16xi32>
    %select_n3A_2468 = arith.select %ge3A_2451, %sub3A_2465, %broadcast_in_dim3A_2467 : vector<16xi1>, vector<16xi32>
    %reduce_max3A_2469 = arith.constant true
    %reduce_max3A_2470 = vector.broadcast %reduce_max3A_2469 : i1 to vector<16xi1>
    %reduce_max3A_2471 = arith.constant -2147483648 : i32
    %reduce_max3A_2472 = vector.broadcast %reduce_max3A_2471 : i32 to vector<16xi32>
    %reduce_max3A_2473 = arith.xori %select_n3A_2468, %reduce_max3A_2472 : vector<16xi32>
    %reduce_max3A_2474 = tpu.scan <max>, %reduce_max3A_2473 masked %reduce_max3A_2470 : vector<16xi32>, vector<16xi1> -> vector<16xi32>
    %reduce_max3A_2475 = arith.xori %reduce_max3A_2474, %reduce_max3A_2472 : vector<16xi32>
    %reduce_max3A_2476 = vector.extract %reduce_max3A_2475[15] : i32 from vector<16xi32>
    %shift_left3A_2477 = arith.constant 0 : i32
    %shift_left3A_2478 = arith.shli %reduce_max3A_2462, %shift_left3A_2477 : i32
    %or3A_2479 = arith.ori %or3A_2319, %shift_left3A_2478 : i32
    %eq3A_2480 = vector.broadcast %reduce_max3A_2462 : i32 to vector<16xi32>
    %eq3A_2481 = arith.cmpi eq, %iota3A_1258, %eq3A_2480 : vector<16xi32>
    %jit3A_2482 = arith.constant 0 : i32
    %broadcast_in_dim3A_2483 = vector.broadcast %jit3A_2482 : i32 to vector<16xi32>
    %select_n3A_2484 = arith.select %eq3A_2481, %add3A_2436, %broadcast_in_dim3A_2483 : vector<16xi1>, vector<16xi32>
    %reduce_max3A_2485 = arith.constant true
    %reduce_max3A_2486 = vector.broadcast %reduce_max3A_2485 : i1 to vector<16xi1>
    %reduce_max3A_2487 = arith.constant -2147483648 : i32
    %reduce_max3A_2488 = vector.broadcast %reduce_max3A_2487 : i32 to vector<16xi32>
    %reduce_max3A_2489 = arith.xori %select_n3A_2484, %reduce_max3A_2488 : vector<16xi32>
    %reduce_max3A_2490 = tpu.scan <max>, %reduce_max3A_2489 masked %reduce_max3A_2486 : vector<16xi32>, vector<16xi1> -> vector<16xi32>
    %reduce_max3A_2491 = arith.xori %reduce_max3A_2490, %reduce_max3A_2488 : vector<16xi32>
    %reduce_max3A_2492 = vector.extract %reduce_max3A_2491[15] : i32 from vector<16xi32>
    %sub3A_2493 = arith.subi %reduce_max3A_2492, %reduce_max3A_2476 : i32
    %ge3A_2494 = arith.constant -2147483648 : i32
    %ge3A_2495 = arith.cmpi uge, %or3A_2479, %ge3A_2494 : i32
    %jit3A_2496 = arith.constant -2147483648 : i32
    %jit3A_2497 = arith.constant -1 : i32
    %select_n3A_2498 = arith.select %ge3A_2495, %jit3A_2496, %jit3A_2497 : i32
    %xor3A_2499 = arith.xori %or3A_2479, %select_n3A_2498 : i32
    %bitcast_convert_type3A_2500 = arith.bitcast %xor3A_2499 : i32 to f32
    %parallel_loop3A_2501 = arith.constant 0 : i32
    %parallel_loop3A_2502 = arith.constant 2048 : i32
    %parallel_loop3A_2503 = arith.constant 1 : i32
    scf.for %parallel_loop3A_2527 = %parallel_loop3A_2501 to %parallel_loop3A_2502 step %parallel_loop3A_2503  : i32 {
      %parallel_loop3A_2528 = arith.constant 16 : i32
      %parallel_loop3A_2529 = arith.muli %parallel_loop3A_2527, %parallel_loop3A_2528 : i32
      %parallel_loop3A_2530 = arith.index_cast %parallel_loop3A_2529 : i32 to index
      %parallel_loop3A_2531 = tpu.vector_load %arg5[%parallel_loop3A_2530] {strides = array<i32>} : memref<32768xf32, #tpu.memory_space<vmem>>, vector<16xf32>,
      %parallel_loop3A_2532 = vector.broadcast %bitcast_convert_type3A_2500 : f32 to vector<16xf32>
      %parallel_loop3A_2533 = arith.cmpf oge, %parallel_loop3A_2531, %parallel_loop3A_2532 : vector<16xf32>
      %parallel_loop3A_2534 = arith.constant 0.000000e+00 : f32
      %parallel_loop3A_2535 = vector.broadcast %parallel_loop3A_2534 : f32 to vector<16xf32>
      %parallel_loop3A_2536 = arith.select %parallel_loop3A_2533, %parallel_loop3A_2531, %parallel_loop3A_2535 : vector<16xi1>, vector<16xf32>
      %parallel_loop3A_2537 = arith.index_cast %parallel_loop3A_2529 : i32 to index
      %parallel_loop3A_2538 = tpu.vector_load %arg5[%parallel_loop3A_2537] {strides = array<i32>} : memref<32768xf32, #tpu.memory_space<vmem>>, vector<16xf32>,
      tpu.vector_store %arg5[%parallel_loop3A_2537], %parallel_loop3A_2536 {strides = array<i32>} : memref<32768xf32, #tpu.memory_space<vmem>>, vector<16xf32>,
    } {sc.loop_unroll_factor = 8 : i64, sc.parallel_access}
    %gt3A_2504 = arith.constant 0 : i32
    %gt3A_2505 = arith.cmpi sgt, %sub3A_2493, %gt3A_2504 : i32
    %convert_element_type3A_2506 = arith.extui %gt3A_2505 : i1 to i32
    %cond3A_2507 = arith.constant 0 : i32
    %cond3A_2508 = arith.cmpi ne, %convert_element_type3A_2506, %cond3A_2507 : i32
    scf.if %cond3A_2508 {
      %while3A_2527 = arith.constant 2047 : i32
      %while3A_2528:2 = scf.while (%while3A_2529 = %while3A_2527, %while3A_2530 = %sub3A_2493) : (i32, i32) -> (i32, i32) {
        %ge3A_2531 = arith.constant 0 : i32
        %ge3A_2532 = arith.cmpi sge, %while3A_2529, %ge3A_2531 : i32
        %gt3A_2533 = arith.constant 0 : i32
        %gt3A_2534 = arith.cmpi sgt, %while3A_2530, %gt3A_2533 : i32
        %and3A_2535 = arith.andi %ge3A_2532, %gt3A_2534 : i1
        scf.condition(%and3A_2535) %while3A_2529, %while3A_2530 : i32, i32
      } do {
      ^bb0(%while3A_2529: i32, %while3A_2530: i32):
        %mul3A_2531 = arith.constant 16 : i32
        %mul3A_2532 = arith.muli %while3A_2529, %mul3A_2531 : i32
        %get3A_2533 = arith.index_cast %mul3A_2532 : i32 to index
        %get3A_2534 = tpu.vector_load %arg5[%get3A_2533] {strides = array<i32>} : memref<32768xf32, #tpu.memory_space<vmem>>, vector<16xf32>,
        %eq3A_2535 = vector.broadcast %bitcast_convert_type3A_2500 : f32 to vector<16xf32>
        %eq3A_2536 = arith.cmpf oeq, %get3A_2534, %eq3A_2535 : vector<16xf32>
        %jit3A_2537 = arith.constant 1 : i32
        %jit3A_2538 = arith.constant 0 : i32
        %broadcast_in_dim3A_2539 = vector.broadcast %jit3A_2537 : i32 to vector<16xi32>
        %broadcast_in_dim3A_2540 = vector.broadcast %jit3A_2538 : i32 to vector<16xi32>
        %select_n3A_2541 = arith.select %eq3A_2536, %broadcast_in_dim3A_2539, %broadcast_in_dim3A_2540 : vector<16xi1>, vector<16xi32>
        %broadcast_in_dim3A_2542 = arith.constant true
        %broadcast_in_dim3A_2543 = vector.broadcast %broadcast_in_dim3A_2542 : i1 to vector<16xi1>
        %masked_cumsum3A_2544 = tpu.scan <sum>, %select_n3A_2541 masked %broadcast_in_dim3A_2543 : vector<16xi32>, vector<16xi1> -> vector<16xi32>
        %all_reduce_population_count3A = tpu.all_reduce %eq3A_2536 {dim = 0 : i64, kind = #tpu.reduction_kind<sum>} : vector<16xi1> -> vector<16xi32>
        %sub3A_2545 = arith.subi %all_reduce_population_count3A, %masked_cumsum3A_2544 : vector<16xi32>
        %add3A_2546 = arith.constant 1 : i32
        %add3A_2547 = vector.broadcast %add3A_2546 : i32 to vector<16xi32>
        %add3A_2548 = arith.addi %sub3A_2545, %add3A_2547 : vector<16xi32>
        %le3A = vector.broadcast %while3A_2530 : i32 to vector<16xi32>
        %le3A_2549 = arith.cmpi sle, %add3A_2548, %le3A : vector<16xi32>
        %and3A_2550 = arith.andi %eq3A_2536, %le3A_2549 : vector<16xi1>
        %jit3A_2551 = arith.constant 0.000000e+00 : f32
        %broadcast_in_dim3A_2552 = vector.broadcast %jit3A_2551 : f32 to vector<16xf32>
        %select_n3A_2553 = arith.select %and3A_2550, %broadcast_in_dim3A_2552, %get3A_2534 : vector<16xi1>, vector<16xf32>
        %swap3A_2554 = arith.index_cast %mul3A_2532 : i32 to index
        %swap3A_2555 = tpu.vector_load %arg5[%swap3A_2554] {strides = array<i32>} : memref<32768xf32, #tpu.memory_space<vmem>>, vector<16xf32>,
        tpu.vector_store %arg5[%swap3A_2554], %select_n3A_2553 {strides = array<i32>} : memref<32768xf32, #tpu.memory_space<vmem>>, vector<16xf32>,
        %sub3A_2556 = arith.constant 1 : i32
        %sub3A_2557 = arith.subi %while3A_2529, %sub3A_2556 : i32
        %slice3A = vector.extract_strided_slice %all_reduce_population_count3A {offsets = [0], sizes = [1], strides = [1]} : vector<16xi32> to vector<1xi32>
        %squeeze3A = vector.extract %slice3A[0] : i32 from vector<1xi32>
        %sub3A_2558 = arith.subi %while3A_2530, %squeeze3A : i32
        scf.yield %sub3A_2557, %sub3A_2558 : i32, i32
      }
    } else {
    }
    %dma_wait3A_2509 = arith.constant 0 : i32
    %dma_wait3A_2510 = tpu.memref_slice %arg3[%mul3A_2, %dma_wait3A_2509] : memref<64x32768xf32, #tpu.memory_space<hbm>> -> memref<1x32768xf32, #tpu.memory_space<hbm>>
    %dma_wait3A_2511 = tpu.memref_squeeze %dma_wait3A_2510 : memref<1x32768xf32, #tpu.memory_space<hbm>> -> memref<32768xf32, #tpu.memory_space<hbm>>
    %dma_wait3A_2512 = arith.constant 0 : i32
    %dma_wait3A_2513 = tpu.memref_slice %arg3[%mul3A_2, %dma_wait3A_2512] : memref<64x32768xf32, #tpu.memory_space<hbm>> -> memref<1x32768xf32, #tpu.memory_space<hbm>>
    %dma_wait3A_2514 = tpu.memref_squeeze %dma_wait3A_2513 : memref<1x32768xf32, #tpu.memory_space<hbm>> -> memref<32768xf32, #tpu.memory_space<hbm>>
    tpu.wait_dma2 semaphore(%arg8 : memref<!tpu.dma_semaphore, #tpu.memory_space<semaphore_mem>>) src(%arg4 : memref<32768xf32, #tpu.memory_space<vmem>>) dst(%dma_wait3A_2514 : memref<32768xf32, #tpu.memory_space<hbm>>)
    %dma_start3A_2515 = arith.constant 0 : i32
    %dma_start3A_2516 = tpu.memref_slice %arg3[%add3A_4, %dma_start3A_2515] : memref<64x32768xf32, #tpu.memory_space<hbm>> -> memref<1x32768xf32, #tpu.memory_space<hbm>>
    %dma_start3A_2517 = tpu.memref_squeeze %dma_start3A_2516 : memref<1x32768xf32, #tpu.memory_space<hbm>> -> memref<32768xf32, #tpu.memory_space<hbm>>
    %dma_start3A_2518 = arith.constant 0 : i32
    %dma_start3A_2519 = tpu.memref_slice %arg3[%add3A_4, %dma_start3A_2518] : memref<64x32768xf32, #tpu.memory_space<hbm>> -> memref<1x32768xf32, #tpu.memory_space<hbm>>
    %dma_start3A_2520 = tpu.memref_squeeze %dma_start3A_2519 : memref<1x32768xf32, #tpu.memory_space<hbm>> -> memref<32768xf32, #tpu.memory_space<hbm>>
    tpu.enqueue_dma source(%arg5 : memref<32768xf32, #tpu.memory_space<vmem>>) target(%dma_start3A_2520 : memref<32768xf32, #tpu.memory_space<hbm>>) target_semaphore(%arg9 : memref<!tpu.dma_semaphore, #tpu.memory_space<semaphore_mem>>)
    %dma_wait3A_2521 = arith.constant 0 : i32
    %dma_wait3A_2522 = tpu.memref_slice %arg3[%add3A_4, %dma_wait3A_2521] : memref<64x32768xf32, #tpu.memory_space<hbm>> -> memref<1x32768xf32, #tpu.memory_space<hbm>>
    %dma_wait3A_2523 = tpu.memref_squeeze %dma_wait3A_2522 : memref<1x32768xf32, #tpu.memory_space<hbm>> -> memref<32768xf32, #tpu.memory_space<hbm>>
    %dma_wait3A_2524 = arith.constant 0 : i32
    %dma_wait3A_2525 = tpu.memref_slice %arg3[%add3A_4, %dma_wait3A_2524] : memref<64x32768xf32, #tpu.memory_space<hbm>> -> memref<1x32768xf32, #tpu.memory_space<hbm>>
    %dma_wait3A_2526 = tpu.memref_squeeze %dma_wait3A_2525 : memref<1x32768xf32, #tpu.memory_space<hbm>> -> memref<32768xf32, #tpu.memory_space<hbm>>
    tpu.wait_dma2 semaphore(%arg9 : memref<!tpu.dma_semaphore, #tpu.memory_space<semaphore_mem>>) src(%arg5 : memref<32768xf32, #tpu.memory_space<vmem>>) dst(%dma_wait3A_2526 : memref<32768xf32, #tpu.memory_space<hbm>>)
    return
  }
}

</mosaic_0001>

<sc_bundles>
// kernel: kernel.3.cloned.1.call-start
scs
__scs_entry_jumppad:
0x0: {  	(pc) =	sbr.rel $0x88, $3  }
0x1: {  	(tag) =	ssettag $0x0;
	lr =	simm.s32 $0x1  }
0x2: {  	[smem:$0x3FA0] =	sst lr;
	_ =	strace $0xD0000000  }
0x3: {  	_ = 	snop  }
0x4: {  	_ = 	snop  }
0x5: {  	_ = 	snop  }
0x6: {  	_ = 	snop  }
0x7: {  	_ = 	snop  }
__scs_overlays_trampoline_lowered:
0x8: {  	[smem:$0x3FAF] =	sst s0  }
0x9: {  	[smem:$0x3FB0] =	sst s1  }
0xa: {  	[smem:$0x3FB1] =	sst s2  }
0xb: {  	[smem:$0x3FB2] =	sst s3  }
0xc: {  	[smem:$0x3FB3] =	sst s4  }
0xd: {  	[smem:$0x3FB4] =	sst s5  }
0xe: {  	[smem:$0x3FB5] =	sst s6  }
0xf: {  	[smem:$0x3FB6] =	sst s7  }
0x10: {  	[smem:$0x3FB7] =	sst s8  }
0x11: {  	[smem:$0x3FB8] =	sst s9;
	s0 =	simm.s32 @!p0 $0x0  }
0x12: {  	s1 =	sld [smem:$0x3F9E];
	s0 =	simm.s32 @p0 $0x1  }
0x13: {  	[smem:$0x3FB9] =	sst s0;
	s0 =	simm.s32 @!p1 $0x0  }
0x14: {  	s2 =	sld [smem:$0x3F9D];
	s0 =	simm.s32 @p1 $0x1  }
0x15: {  	[smem:$0x3FBA] =	sst s0;
	s0 =	simm.s32 @!p2 $0x0  }
0x16: {  	s3 =	sld [smem:$0x3FDB];
	s0 =	simm.s32 @p2 $0x1  }
0x17: {  	s4 =	simm.s32 $0x1BF5;
	[smem:$0x3FBC] =	sst s0  }
0x18: {  	s0 =	sld [smem:$0x3F9F];
	_ =	swait.ge [sflag:s4], $0x0  }
0x19: {  	s7 =	sld [smem:$0x3FA0]  }
0x1a: {  	s8 =	sadd.s32 $0xFFFFE003, lr  }
0x1b: {  	s9 =	sadd.s32 $0xFFFFFEF7, lr;
	s5 =	simm.s32 $0xFFFFFFFF;
	p2 =	slt.u32 s8, $0xFFFFF086  }
0x1c: {  	p1 =	slt.u32 s9, $0xF7A;
	s5 =	simm.s32 @!p2 $0x0  }
0x1d: {  	s5 =	simm.s32 @p1 $0x1;
	p0 =	seq.s32 s7, s2  }
0x1e: {  	s7 =	smul.u32 @!p0 $0xF7A, s2;
	p2 =	seq.s32 @!p0 s5, $0x0  }
0x1f: {  	s9 =	smul.u32 $0xF7A, s1;
	s8 =	simm.s32 @!p0 $0x1BF5;
	p2 =	por !p2, p0  }
0x20: {  	[sflag:s8] =	ssyncset.s32 @!p0 $0xFFFFF086;
	s6 =	sadd.s32 @!p0 s3, s7;
	s7 =	simm.s32 @!p0 $0x108  }
0x21: {  	s3 =	sadd.s32 s3, s9;
	s6 =	sadd.s32 @!p0 $0x88, s6;
	s7 =	simm.s32 @p2 $0x1082  }
0x22: {  	[simem:s7], [sflag:s8] =	dma.local @!p0 [hbm:s6], $0xF7A  }
0x23: {  	s9 =	sor.u32 $0xD0000000, s2;
	s6 =	simm.s32 $0x108;
	_ =	swait.ge @!p0 [sflag:s8], $0x0  }
0x24: {  	s3 =	sadd.s32 $0x88, s3;
	s6 =	simm.s32 @!p1 $0x1082;
	[sflag:s4] =	ssyncset.s32 $0xFFFFF086  }
0x25: {  	[simem:s6], [sflag:s4] =	dma.local [hbm:s3], $0xF7A  }
0x26: {  	[smem:$0x3FA0] =	sst s1;
	(tag) =	ssettag s2;
	_ =	strace s9  }
0x27: {  	s1 =	sld [smem:$0x3FB0]  }
0x28: {  	s2 =	sld [smem:$0x3FB1]  }
0x29: {  	s4 =	sld [smem:$0x3FB3]  }
0x2a: {  	p0 =	seq.s32 s5, $0x0;
	s5 =	sld [smem:$0x3FB4]  }
0x2b: {  	s6 =	sld [smem:$0x3FB5]  }
0x2c: {  	s7 =	sld [smem:$0x3FB6]  }
0x2d: {  	s3 =	simm.s32 $0x108;
	s8 =	sld [smem:$0x3FB7]  }
0x2e: {  	s3 =	simm.s32 @!p0 $0x1082;
	s9 =	sld [smem:$0x3FB8]  }
0x2f: {  	lr =	sadd.s32 s0, s3;
	s0 =	sld [smem:$0x3FAF]  }
0x30: {  	s3 =	sld [smem:$0x3FB2]  }
0x31: {  	[smem:$0x3FBB] =	sst s10  }
0x32: {  	s10 =	sld [smem:$0x3FB9];
	_ =	sdelay $0x3  }
0x33: {  	p0 =	seq.s32 s10, $0x1;
	s10 =	sld [smem:$0x3FBB];
	_ =	sdelay $0x3  }
0x34: {  	[smem:$0x3FBB] =	sst s10  }
0x35: {  	s10 =	sld [smem:$0x3FBA];
	_ =	sdelay $0x3  }
0x36: {  	p1 =	seq.s32 s10, $0x1;
	s10 =	sld [smem:$0x3FBB];
	_ =	sdelay $0x3  }
0x37: {  	[smem:$0x3FBB] =	sst s10  }
0x38: {  	s10 =	sld [smem:$0x3FBC]  }
0x39: {  	_ = 	snop;
	(pc) =	sbr.ind lr, $3  }
0x3a: {  	_ = 	snop  }
0x3b: {  	_ = 	snop  }
0x3c: {  	p2 =	seq.s32 s10, $0x1;
	s10 =	sld [smem:$0x3FBB]  }
0x3d: {  	_ =	shalt  }
0x3e: {  	_ =	shalt  }
0x3f: {  	_ =	shalt  }
0x40: {  	_ =	shalt  }
0x41: {  	_ =	shalt  }
0x42: {  	_ =	shalt  }
0x43: {  	_ =	shalt  }
0x44: {  	_ =	shalt  }
0x45: {  	_ =	shalt  }
0x46: {  	_ =	shalt  }
0x47: {  	_ =	shalt  }
0x48: {  	_ =	shalt  }
0x49: {  	_ =	shalt  }
0x4a: {  	_ =	shalt  }
0x4b: {  	_ =	shalt  }
0x4c: {  	_ =	shalt  }
0x4d: {  	_ =	shalt  }
0x4e: {  	_ =	shalt  }
0x4f: {  	_ =	shalt  }
0x50: {  	_ =	shalt  }
0x51: {  	_ =	shalt  }
0x52: {  	_ =	shalt  }
0x53: {  	_ =	shalt  }
0x54: {  	_ =	shalt  }
0x55: {  	_ =	shalt  }
0x56: {  	_ =	shalt  }
0x57: {  	_ =	shalt  }
0x58: {  	_ =	shalt  }
0x59: {  	_ =	shalt  }
0x5a: {  	_ =	shalt  }
0x5b: {  	_ =	shalt  }
0x5c: {  	_ =	shalt  }
0x5d: {  	_ =	shalt  }
0x5e: {  	_ =	shalt  }
0x5f: {  	_ =	shalt  }
0x60: {  	_ =	shalt  }
0x61: {  	_ =	shalt  }
0x62: {  	_ =	shalt  }
0x63: {  	_ =	shalt  }
0x64: {  	_ =	shalt  }
0x65: {  	_ =	shalt  }
0x66: {  	_ =	shalt  }
0x67: {  	_ =	shalt  }
0x68: {  	_ =	shalt  }
0x69: {  	_ =	shalt  }
0x6a: {  	_ =	shalt  }
0x6b: {  	_ =	shalt  }
0x6c: {  	_ =	shalt  }
0x6d: {  	_ =	shalt  }
0x6e: {  	_ =	shalt  }
0x6f: {  	_ =	shalt  }
0x70: {  	_ =	shalt  }
0x71: {  	_ =	shalt  }
0x72: {  	_ =	shalt  }
0x73: {  	_ =	shalt  }
0x74: {  	_ =	shalt  }
0x75: {  	_ =	shalt  }
0x76: {  	_ =	shalt  }
0x77: {  	_ =	shalt  }
0x78: {  	_ =	shalt  }
0x79: {  	_ =	shalt  }
0x7a: {  	_ =	shalt  }
0x7b: {  	_ =	shalt  }
0x7c: {  	_ =	shalt  }
0x7d: {  	_ =	shalt  }
0x7e: {  	_ =	shalt  }
0x7f: {  	_ =	shalt  }
0x80: {  	_ =	shalt  }
0x81: {  	_ =	shalt  }
0x82: {  	_ =	shalt  }
0x83: {  	_ =	shalt  }
0x84: {  	_ =	shalt  }
0x85: {  	_ =	shalt  }
0x86: {  	_ =	shalt  }
0x87: {  	_ =	shalt  }
.Lfunc_end0:
.L_simem_size_0:
called_computation_lowered:
.L_overlay_start_0:
0x88: {  	s2 =	sld [smem:$0x3FD9]  }
0x89: {  	s3 =	sld [smem:$0x3FFE];
	_ =	sdelay $0x1  }
0x8a: {  	s1 =	srdreg.scid  }
0x8b: {  	s0 =	sand.u32 $0x1, s1  }
0x8c: {  	s18 =	sshll.u32 s0, $0xA;
	s2 =	sadd.s32 s3, s2  }
0x8d: {  	s2 =	sadd.s32 s2, s18  }
0x8e: {  	[smem:$0x3FC7] =	sst s2  }
0x8f: {  	_ = 	snop  }
0x90: {  	s2 =	sld [smem:$0x3FC9]  }
0x91: {  	s19 =	sld [smem:$0x3FD0];
	(tm) =	ssettm $0x1  }
0x92: {  	s4 =	sld [smem:$0x3FFB];
	_ =	sdelay $0x3  }
0x93: {  	_ =	strace s4  }
0x94: {  	s4 =	sld [smem:$0x3FFC];
	_ =	sdelay $0x3  }
0x95: {  	_ =	strace s4  }
0x96: {  	s4 =	sld [smem:$0x3FFD];
	_ =	sdelay $0x3  }
0x97: {  	_ =	strace s4  }
0x98: {  	_ =	strace $0x8FFFFFFF  }
0x99: {  	s20 =	sld [smem:$0x3FDB];
	_ =	sdelay $0x1  }
0x9a: {  	s5 =	simm.s32 $_scs_section_size  }
0x9b: {  	s6 =	simm.s32 $_size__tile_overlayer_lowered;
	s7 =	simm.s32 $_tile_overlayer_lowered  }
0x9c: {  	s23 =	simm.s32 $0x1BFF;
	s22 =	sshll.u32 s7, $0x1;
	s4 =	sadd.s32 s5, s20  }
0x9d: {  	s8 =	simm.s32 $0x0;
	s21 =	sshll.u32 s6, $0x1;
	s6 =	sadd.s32 s22, s4  }
0x9e: {  	[timem:s8], [sflag:s23] =	dma.local [hbm:s6], s21  }
0x9f: {  	_ =	swait.ge [sflag:s23], s21  }
0xa0: {  	s5 =	ssub.s32 $0x0, s21;
	[sflag:s23] =	ssyncset.done $0x0  }
0xa1: {  	[sflag:s23] =	ssyncadd.s32 s5;
	_ =	sdelay $0x1  }
0xa2: {  	s24 =	simm.s32 $0x1B8B  }
0xa3: {  	_ =	swait.ge [sflag:s24], $0x1  }
0xa4: {  	[sflag:s24] =	ssyncset.done $0x0  }
0xa5: {  	s25 =	simm.s32 $0x1B8E;
	[sflag:s24] =	ssyncadd.s32 $0xFFFFFFFF  }
0xa6: {  	s26 =	simm.s32 $execute0_lowered;
	[smem:$0x3FD2] =	sst s25  }
0xa7: {  	s5 =	sshll.u32 s26, $0x1;
	_ =	strace $0x80000046;
	[dreg:$0x1] =	wrdreg $0xFFFFFFFF  }
0xa8: {  	s28 =	simm.s32 $_size_execute0_lowered;
	s4 =	sadd.s32 s4, s5;
	[dreg:$0x0] =	wrdreg $0x0  }
0xa9: {  	s5 =	sshll.u32 s28, $0x1;
	[dreg:$0x2] =	wrdreg s4  }
0xaa: {  	[dreg:$0x3] =	wrdreg s5  }
0xab: {  	[dreg:$0x4] =	wrdreg $0xC0  }
0xac: {  	_ =	task [dreg:s8], $0x5FFFF  }
0xad: {  	[dreg:$0x1] =	wrdreg $0xFFFFFFFF  }
0xae: {  	[dreg:$0x0] =	wrdreg $0x60  }
0xaf: {  	[dreg:$0x2] =	wrdreg s2  }
0xb0: {  	[dreg:$0x3] =	wrdreg s19  }
0xb1: {  	[dreg:$0x4] =	wrdreg $0x9  }
0xb2: {  	_ =	task.clear_ibuf [dreg:s8], $0x5FFFF;
	_ =	strace $0x90000046  }
0xb3: {  	s29 =	simm.s32 $0x9;
	_ =	strace $0x80000048  }
0xb4: {  	_ =	swait.ge [sflag:s29], $0x1  }
0xb5: {  	[sflag:s29] =	ssyncadd.s32 $0xFFFFFFFF  }
0xb6: {  	_ =	strace $0x90000048  }
0xb7: {  	_ =	sfence  }
0xb8: {  	s30 =	sld [smem:$0x0];
	_ =	sdelay $0x2  }
0xb9: {  	s31 =	sshll.u32 s1, $0xD;
	s1 =	sshrl.u32 s1, $0x2  }
0xba: {  	s3 =	sand.u32 $0x4000, s31;
	s1 =	sadd.s32 s1, s30  }
0xbb: {  	s0 =	sor.u32 s3, s0;
	s1 =	sshll.u32 s1, $0x11  }
0xbc: {  	s0 =	sor.u32 s1, s0  }
0xbd: {  	s0 =	sadd.s32 $0x8F2B, s0  }
0xbe: {  	[sflag:s0] =	ssyncadd.remote.s32 $0x1  }
0xbf: {  	_ =	sfence.sel $0xFFFF  }
0xc0: {  	[dreg:$0x0] =	wrdreg $0xFFFFFFFF;
	(pc) =	sbr.abs _section_cstart, $3  }
0xc1: {  	[dreg:$0x1] =	wrdreg $0xFFFFFFFF  }
0xc2: {  	_ =	task.clear_ibuf [dreg:s8], $0x2FFFF;
	_ =	strace $0x9FFFFFFF  }
0xc3: {  	(tm) =	ssettm $0x7FFFFFFF  }
tec
execute0_lowered:
.L_overlay_start_1:
0x0: {  	(tag) =	ssettag $0x1  }
0x1: {  	s4 =	rddreg [dreg:$0x0]  }
0x2: {  	s6 =	rddreg [dreg:$0x1]  }
0x3: {  	s0 =	rddreg [dreg:$0x2]  }
0x4: {  	s3 =	srdreg.scid;
	s1 =	stileid.u32;
	s2 =	simm.s32 $0x0  }
0x5: {  	s9 =	simm.s32 $0x400;
	s10 =	simm.s32 $0x8000;
	s11 =	simm.s32 $0x1  }
0x6: {  	s12 =	simm.s32 $0x18000;
	s13 =	simm.s32 $0x2;
	s14 =	simm.s32 $0x0  }
0x7: {  	s3 =	sand.u32 $0x1, s3;
	s5 =	sshll.u32 s1, $0x6;
	s8 =	sshll.u32 s1, $0xE  }
0x8: {  	s7 =	sshll.u32 s3, $0x5;
	s5 =	sand.u32 $0x40, s5;
	s3 =	ssub.s32 $0x2, s3  }
.Ltmp0:
0x9: {  	s8 =	sand.u32 $0x38000, s8;
	s5 =	sor.u32 s7, s5;
	(pc) =	sbr.rel .LBB2_1-.Ltmp0, $4  }
0xa: {  	v0 =	vlaneseq.u32;
	[smem:$0x7FF] =	sst s2;
	s31 =	sshrl.u32 s3, $0x1;
	s5 =	sor.u32 s8, s5  }
0xb: {  	v5 =	vmul.u32 $0xFFFFFFFF, v0;
	_ =	strace $0x80000047;
	s7 =	ssub.s32 s3, s31;
	s8 =	sor.u32 $0x10, s5  }
0xc: {  	v1 =	vimm.s32 $0x0;
	v2 =	vimm.s32 $0x8;
	v4 =	vimm.s32 $0x1;
	s3 =	sadd.s32 s4, s5;
	s5 =	sadd.s32 s6, s5;
	s7 =	smax.u32 s7, $0x1  }
0xd: {  	v3 =	vmul.u32 $0x10, v0;
	v6 =	vor.u32 $0x80000000, v0;
	v5 =	vadd.s32 $0xF, v5;
	s4 =	sadd.s32 s4, s8;
	s6 =	sadd.s32 s6, s8;
	s8 =	simm.s32 $0x80  }
.LBB2_103:
0xe: {  	_ =	swait.ge [sflag:s11], $0x8000;
	s14 =	sadd.s32 $0x1, s14  }
0xf: {  	[sflag:s11] =	ssyncset.done $0x0;
	p0 =	sne.s32 s14, s7  }
.Ltmp1:
0x10: {  	[sflag:s11] =	ssyncadd.s32 $0xFFFF8000;
	(pc) =	sbr.rel @!p0 .LBB2_104-.Ltmp1, $4  }
0x11: {  	[hbm4b:s6+s8] =	stream.strided.scatter [tilespmem:s10], [sflag:$0x2], $0x8000, s9, s8, $0x38;
	[tilespmem:$0x18100] =	vst v63  }
0x12: {  	_ =	swait.ge [sflag:s13], $0x8000  }
0x13: {  	[sflag:s13] =	ssyncset.done $0x0  }
0x14: {  	[sflag:s13] =	ssyncadd.s32 $0xFFFF8000  }
.LBB2_1:
0x15: {  	[tilespmem:s2], [sflag:$0x1] =	stream.strided.gather [hbm4b:s3+s8], $0x8000, s9, s8, $0x38;
	[tilespmem:$0x18100] =	vst v63  }
0x16: {  	_ = 	snop  }
0x17: {  	[tilespmem:s10], [sflag:$0x2] =	stream.strided.gather [hbm4b:s4+s8], $0x8000, s9, s8, $0x38;
	[tilespmem:$0x18100] =	vst v63  }
0x18: {  	_ =	swait.ge [sflag:s11], $0x8000  }
0x19: {  	[sflag:s11] =	ssyncset.done $0x0  }
0x1a: {  	[sflag:s11] =	ssyncadd.s32 $0xFFFF8000  }
0x1b: {  	[tilespmem:$0x18000] =	vst v1  }
0x1c: {  	[tilespmem:$0x18010] =	vst v1  }
0x1d: {  	[tilespmem:$0x18020] =	vst v1  }
0x1e: {  	[tilespmem:$0x18030] =	vst v1  }
0x1f: {  	[tilespmem:$0x18040] =	vst v1  }
0x20: {  	[tilespmem:$0x18050] =	vst v1  }
0x21: {  	[tilespmem:$0x18060] =	vst v1  }
0x22: {  	[tilespmem:$0x18070] =	vst v1  }
0x23: {  	[tilespmem:$0x18080] =	vst v1  }
0x24: {  	[tilespmem:$0x18090] =	vst v1  }
0x25: {  	[tilespmem:$0x180A0] =	vst v1  }
0x26: {  	[tilespmem:$0x180B0] =	vst v1  }
0x27: {  	[tilespmem:$0x180C0] =	vst v1  }
0x28: {  	[tilespmem:$0x180D0] =	vst v1  }
0x29: {  	[tilespmem:$0x180E0] =	vst v1  }
0x2a: {  	s16 =	simm.s32 $0x40;
	[tilespmem:$0x180F0] =	vst v1  }
0x2b: {  	v7 =	vld [tilespmem:s16+$0x10];
	_ =	sdelay $0x1  }
0x2c: {  	v8 =	vld [tilespmem:s16+$0xFFFFFFC0];
	_ =	sdelay $0x1  }
0x2d: {  	v9 =	vld [tilespmem:s16+$0x20]  }
0x2e: {  	vm0 =	vlt.s32 v7, $0x0  }
0x2f: {  	v7 =	vshrl.u32 v7, $0x1C;
	v11 =	vsel vm0, $0xF, v2  }
0x30: {  	v15 =	vld [tilespmem:s16+$0x30];
	vm0 =	vlt.s32 v8, $0x0;
	v7 =	vxor.u32 v7, v11  }
0x31: {  	v10 =	vld [tilespmem:s16+$0xFFFFFFD0];
	v14 =	vor.u32 v3, v7;
	v7 =	vshrl.u32 v8, $0x1C;
	v8 =	vsel vm0, $0xF, v2  }
0x32: {  	v16 =	vld [tilespmem:s16+$0x0];
	vm0 =	vlt.s32 v9, $0x0;
	v7 =	vxor.u32 v7, v8  }
0x33: {  	v8 =	vshrl.u32 v9, $0x1C;
	v12 =	vsel vm0, $0xF, v2;
	v9 =	vor.u32 v3, v7;
	v7 =	vld [tilespmem:s16+$0xFFFFFFE0]  }
0x34: {  	v8 =	vxor.u32 v8, v12  }
0x35: {  	vm1 =	vlt.s32 v15, $0x0;
	v8 =	vor.u32 v3, v8  }
0x36: {  	v11 =	vshrl.u32 v15, $0x1C;
	vm0 =	vlt.s32 v10, $0x0;
	v12 =	vshrl.u32 v10, $0x1C;
	v10 =	vld [tilespmem:s16+$0xFFFFFFF0]  }
0x37: {  	s15 =	simm.s32 $0x0;
	v13 =	vsel vm0, $0xF, v2;
	vm0 =	vlt.s32 v16, $0x0;
	s16 =	simm.s32 $0xC0;
	[tilespmem:v14+s12+$0x0] =	vst.idx.add.s32.msk $0xffff, v4;
	v14 =	vshrl.u32 v16, $0x1C  }
.LBB2_2:
0x38: {  	s15 =	sadd.s32 $0x8, s15;
	[tilespmem:v9+s12+$0x0] =	vst.idx.add.s32.msk $0xffff, v4;
	v9 =	vshrl.u32 v7, $0x1C;
	v15 =	vsel vm0, $0xF, v2;
	v16 =	vsel vm1, $0xF, v2  }
0x39: {  	vm0 =	vlt.s32 v7, $0x0;
	v17 =	vld [tilespmem:s16+$0x10];
	p0 =	slt.u32 s15, $0x7F8;
	v7 =	vxor.u32 v14, v15;
	v11 =	vxor.u32 v11, v16  }
0x3a: {  	v12 =	vxor.u32 v12, v13;
	v13 =	vsel vm0, $0xF, v2;
	[tilespmem:v8+s12+$0x0] =	vst.idx.add.s32.msk $0xffff, v4;
	v8 =	vor.u32 v3, v11  }
0x3b: {  	v9 =	vxor.u32 v9, v13;
	v13 =	vor.u32 v3, v7;
	v11 =	vld [tilespmem:s16+$0xFFFFFFC0]  }
0x3c: {  	v12 =	vor.u32 v3, v12;
	v15 =	vor.u32 v3, v9;
	v14 =	vld [tilespmem:s16+$0xFFFFFFD0];
	vm0 =	vlt.s32 v10, $0x0  }
0x3d: {  	v7 =	vshrl.u32 v10, $0x1C;
	v9 =	vld [tilespmem:s16+$0x20];
	v10 =	vsel vm0, $0xF, v2  }
0x3e: {  	vm0 =	vlt.s32 v17, $0x0;
	v16 =	vld [tilespmem:s16+$0x30];
	v10 =	vxor.u32 v7, v10  }
0x3f: {  	v17 =	vshrl.u32 v17, $0x1C;
	v7 =	vld [tilespmem:s16+$0xFFFFFFE0];
	v18 =	vsel vm0, $0xF, v2;
	v10 =	vor.u32 v3, v10  }
0x40: {  	vm0 =	vlt.s32 v11, $0x0;
	v17 =	vxor.u32 v17, v18;
	[tilespmem:v13+s12+$0x0] =	vst.idx.add.s32.msk $0xffff, v4  }
0x41: {  	v11 =	vshrl.u32 v11, $0x1C;
	v13 =	vsel vm0, $0xF, v2;
	v17 =	vor.u32 v3, v17;
	[tilespmem:v8+s12+$0x0] =	vst.idx.add.s32.msk $0xffff, v4  }
0x42: {  	v8 =	vxor.u32 v11, v13;
	v18 =	vld [tilespmem:s16+$0x0];
	v13 =	vshrl.u32 v9, $0x1C;
	vm0 =	vlt.s32 v9, $0x0  }
.Ltmp2:
0x43: {  	v9 =	vor.u32 v3, v8;
	v8 =	vsel vm0, $0xF, v2;
	v11 =	vshrl.u32 v16, $0x1C;
	[tilespmem:v12+s12+$0x0] =	vst.idx.add.s32.msk $0xffff, v4;
	(pc) =	sbr.rel @p0 .LBB2_2-.Ltmp2, $4  }
0x44: {  	v8 =	vxor.u32 v13, v8;
	[tilespmem:v15+s12+$0x0] =	vst.idx.add.s32.msk $0xffff, v4  }
0x45: {  	vm0 =	vlt.s32 v14, $0x0;
	v8 =	vor.u32 v3, v8;
	[tilespmem:v10+s12+$0x0] =	vst.idx.add.s32.msk $0xffff, v4  }
0x46: {  	v12 =	vshrl.u32 v14, $0x1C;
	v13 =	vsel vm0, $0xF, v2;
	[tilespmem:v17+s12+$0x0] =	vst.idx.add.s32.msk $0xffff, v4  }
0x47: {  	vm1 =	vlt.s32 v16, $0x0;
	v10 =	vld [tilespmem:s16+$0xFFFFFFF0];
	v14 =	vshrl.u32 v18, $0x1C;
	vm0 =	vlt.s32 v18, $0x0;
	s16 =	sadd.s32 $0x80, s16  }
0x48: {  	_ = 	snop  }
0x49: {  	v15 =	vshrl.u32 v7, $0x1C;
	v16 =	vsel vm0, $0xF, v2;
	v17 =	vsel vm1, $0xF, v2  }
0x4a: {  	vm0 =	vlt.s32 v7, $0x0;
	v12 =	vxor.u32 v12, v13;
	v7 =	vxor.u32 v14, v16  }
0x4b: {  	v11 =	vxor.u32 v11, v17;
	v13 =	vsel vm0, $0xF, v2;
	v12 =	vor.u32 v3, v12  }
0x4c: {  	v7 =	vor.u32 v3, v7;
	v11 =	vor.u32 v3, v11;
	vm0 =	vlt.s32 v10, $0x0  }
0x4d: {  	v13 =	vxor.u32 v15, v13;
	v10 =	vshrl.u32 v10, $0x1C;
	v14 =	vsel vm0, $0xF, v2  }
0x4e: {  	[tilespmem:v9+s12+$0x0] =	vst.idx.add.s32.msk $0xffff, v4;
	v9 =	vor.u32 v3, v13;
	v10 =	vxor.u32 v10, v14  }
0x4f: {  	[tilespmem:v8+s12+$0x0] =	vst.idx.add.s32.msk $0xffff, v4;
	v8 =	vor.u32 v3, v10  }
0x50: {  	[tilespmem:v12+s12+$0x0] =	vst.idx.add.s32.msk $0xffff, v4  }
0x51: {  	[tilespmem:v7+s12+$0x0] =	vst.idx.add.s32.msk $0xffff, v4  }
0x52: {  	[tilespmem:v11+s12+$0x0] =	vst.idx.add.s32.msk $0xffff, v4  }
0x53: {  	[tilespmem:v9+s12+$0x0] =	vst.idx.add.s32.msk $0xffff, v4  }
0x54: {  	[tilespmem:v8+s12+$0x0] =	vst.idx.add.s32.msk $0xffff, v4  }
0x55: {  	v7 =	vld [tilespmem:$0x18000]  }
0x56: {  	v8 =	vld [tilespmem:$0x18010]  }
0x57: {  	v9 =	vld [tilespmem:$0x18020]  }
0x58: {  	v10 =	vld [tilespmem:$0x18030]  }
0x59: {  	v11 =	vld [tilespmem:$0x18040]  }
0x5a: {  	v12 =	vld [tilespmem:$0x18050]  }
0x5b: {  	v13 =	vld [tilespmem:$0x18060];
	v7 =	vadd.s32 v7, v8  }
0x5c: {  	v8 =	vld [tilespmem:$0x18070];
	v7 =	vadd.s32 v9, v7  }
0x5d: {  	v9 =	vld [tilespmem:$0x18080];
	v7 =	vadd.s32 v10, v7  }
0x5e: {  	v10 =	vld [tilespmem:$0x18090];
	v7 =	vadd.s32 v11, v7  }
0x5f: {  	v11 =	vld [tilespmem:$0x180A0];
	v7 =	vadd.s32 v12, v7  }
0x60: {  	v12 =	vld [tilespmem:$0x180B0];
	v7 =	vadd.s32 v13, v7  }
0x61: {  	v13 =	vld [tilespmem:$0x180C0];
	v7 =	vadd.s32 v8, v7  }
0x62: {  	v8 =	vld [tilespmem:$0x180D0];
	v7 =	vadd.s32 v9, v7  }
0x63: {  	v9 =	vld [tilespmem:$0x180E0];
	v7 =	vadd.s32 v10, v7  }
0x64: {  	v10 =	vld [tilespmem:$0x180F0];
	v7 =	vadd.s32 v11, v7  }
0x65: {  	v7 =	vadd.s32 v12, v7  }
0x66: {  	v7 =	vadd.s32 v13, v7  }
0x67: {  	v7 =	vadd.s32 v8, v7  }
0x68: {  	v7 =	vadd.s32 v9, v7  }
0x69: {  	v7 =	vadd.s32 v10, v7  }
0x6a: {  	v8 =	vperm.xlane v7, v5;
	_ =	sdelay $0x1  }
0x6b: {  	(xrf0) =	vadd.scan.msk.s32 $0xffff, v8;
	_ =	sdelay $0x1  }
0x6c: {  	[tilespmem:$0x18000] =	vst v1  }
0x6d: {  	[tilespmem:$0x18010] =	vst v1  }
0x6e: {  	[tilespmem:$0x18020] =	vst v1  }
0x6f: {  	[tilespmem:$0x18030] =	vst v1  }
0x70: {  	[tilespmem:$0x18040] =	vst v1;
	v8, _, _ =	vpop (xrf0)  }
0x71: {  	[tilespmem:$0x18050] =	vst v1;
	v8 =	vperm.xlane v8, v5  }
0x72: {  	[tilespmem:$0x18060] =	vst v1  }
0x73: {  	[tilespmem:$0x18070] =	vst v1;
	vm0 =	vgt.s32 v8, $0xFF  }
0x74: {  	[tilespmem:$0x18080] =	vst v1;
	v9 =	vnsel vm0, $0x7FFFFFFF, v6  }
0x75: {  	[tilespmem:$0x18090] =	vst v1;
	(xrf0) =	vmax.scan.msk.u32 $0xffff, v9  }
0x76: {  	[tilespmem:$0x180A0] =	vst v1  }
0x77: {  	[tilespmem:$0x180B0] =	vst v1  }
0x78: {  	[tilespmem:$0x180C0] =	vst v1  }
0x79: {  	[tilespmem:$0x180D0] =	vst v1  }
0x7a: {  	[tilespmem:$0x180E0] =	vst v1  }
0x7b: {  	s16 =	simm.s32 $0x40;
	[tilespmem:$0x180F0] =	vst v1;
	v9, _, _ =	vpop (xrf0)  }
0x7c: {  	v11 =	vld [tilespmem:s16+$0x10];
	(v2sf) =	vpush v9, $0xF  }
0x7d: {  	v14 =	vld [tilespmem:s16+$0xFFFFFFF0]  }
0x7e: {  	v16 =	vld [tilespmem:s16+$0xFFFFFFD0]  }
0x7f: {  	v17 =	vld [tilespmem:s16+$0xFFFFFFC0]  }
0x80: {  	v12 =	vld [tilespmem:s16+$0x0];
	_ =	sdelay $0x1  }
0x81: {  	v13 =	vld [tilespmem:s16+$0xFFFFFFE0];
	_ =	sdelay $0x1  }
0x82: {  	v10 =	vld [tilespmem:s16+$0x20];
	v20 =	vshra.s32 v11, $0x1F;
	v22 =	vshra.s32 v16, $0x1F  }
0x83: {  	v24 =	vshra.s32 v14, $0x1F;
	v25 =	vshra.s32 v17, $0x1F;
	v19 =	vshra.s32 v12, $0x1F  }
0x84: {  	v24 =	vor.u32 $0x80000000, v24;
	v20 =	vor.u32 $0x80000000, v20;
	v25 =	vor.u32 $0x80000000, v25;
	v9 =	vld [tilespmem:s16+$0x30]  }
0x85: {  	v22 =	vor.u32 $0x80000000, v22;
	v23 =	vshra.s32 v13, $0x1F;
	v19 =	vor.u32 $0x80000000, v19  }
0x86: {  	v11 =	vxor.u32 v11, v20;
	v14 =	vxor.u32 v14, v24;
	v17 =	vxor.u32 v17, v25  }
0x87: {  	v16 =	vxor.u32 v16, v22;
	v23 =	vor.u32 $0x80000000, v23;
	v21 =	vshra.s32 v10, $0x1F  }
0x88: {  	v12 =	vxor.u32 v12, v19;
	v19 =	vshrl.u32 v11, $0x1C;
	v21 =	vor.u32 $0x80000000, v21  }
0x89: {  	v13 =	vxor.u32 v13, v23;
	v10 =	vxor.u32 v10, v21;
	v18 =	vshra.s32 v9, $0x1F;
	s15 =	spop (v2sf)  }
0x8a: {  	v59 =	vshrl.u32 v12, $0x1C;
	v21 =	vshrl.u32 v10, $0x1C;
	v18 =	vor.u32 $0x80000000, v18;
	s31 =	sxor.u32 $0x80000000, s15  }
0x8b: {  	v9 =	vxor.u32 v9, v18;
	v18 =	vshrl.u32 v17, $0x1C;
	v15 =	vmov s31  }
0x8c: {  	v20 =	vshrl.u32 v9, $0x1C;
	vm6 =	veq.s32 v18, v15;
	v18 =	vshrl.u32 v16, $0x1C  }
0x8d: {  	v60 =	vmpcnt.ones.xlane vm6;
	vm9 =	veq.s32 v18, v15;
	v18 =	vshrl.u32 v13, $0x1C  }
0x8e: {  	v61 =	vmpcnt.ones.xlane vm9;
	vm10 =	veq.s32 v18, v15;
	v18 =	vshrl.u32 v14, $0x1C  }
0x8f: {  	v62 =	vmpcnt.ones.xlane vm10;
	vm11 =	veq.s32 v18, v15;
	(v2sf) =	vpush v60, $0x0  }
0x90: {  	vm1 =	veq.s32 v59, v15;
	v63 =	vmpcnt.ones.xlane vm11;
	(v2sf) =	vpush v61, $0x0  }
0x91: {  	vm2 =	veq.s32 v19, v15;
	v22 =	vmpcnt.ones.xlane vm1;
	(v2sf) =	vpush v62, $0x0  }
0x92: {  	s18 =	simm.s32 $0x0;
	vm4 =	veq.s32 v21, v15;
	v18 =	vmpcnt.ones.xlane vm2;
	(v2sf) =	vpush v63, $0x0  }
0x93: {  	s17 =	simm.s32 $0xC0;
	s16 =	simm.s32 $0x0;
	vm3 =	veq.s32 v20, v15;
	[tilespmem:s18+$0x10000] =	vst.msk vm6, v17;
	v19 =	vmpcnt.ones.xlane vm4;
	(v2sf) =	vpush v22, $0x0  }
.LBB2_4:
0x94: {  	v17 =	vshrl.u32 v17, $0x18;
	v21 =	vmpcnt.ones.xlane vm3;
	(v2sf) =	vpush v18, $0x0  }
0x95: {  	v20 =	vld [tilespmem:s17+$0x30];
	vm5 =	vmmov vm9;
	vm7 =	vmmov vm10;
	vm8 =	vmmov vm11  }
0x96: {  	v22 =	vshrl.u32 v16, $0x18;
	v23 =	vshrl.u32 v13, $0x18;
	v18 =	vld [tilespmem:s17+$0x20];
	(v2sf) =	vpush v19, $0x0  }
0x97: {  	v24 =	vshrl.u32 v14, $0x18;
	v25 =	vshrl.u32 v12, $0x18;
	v19 =	vld [tilespmem:s17+$0x10];
	(v2sf) =	vpush v21, $0x0  }
0x98: {  	v26 =	vshrl.u32 v11, $0x18;
	v27 =	vshrl.u32 v10, $0x18;
	v28 =	vshrl.u32 v9, $0x18;
	v21 =	vld [tilespmem:s17+$0x0]  }
0x99: {  	v17 =	vand.u32 $0xF, v17;
	v22 =	vand.u32 $0xF, v22;
	v23 =	vand.u32 $0xF, v23;
	v29 =	vld [tilespmem:s17+$0xFFFFFFF0]  }
0x9a: {  	v24 =	vand.u32 $0xF, v24;
	v25 =	vand.u32 $0xF, v25;
	v26 =	vand.u32 $0xF, v26;
	v30 =	vld [tilespmem:s17+$0xFFFFFFE0]  }
0x9b: {  	v27 =	vand.u32 $0xF, v27;
	v28 =	vand.u32 $0xF, v28;
	v17 =	vor.u32 v3, v17;
	v31 =	vld [tilespmem:s17+$0xFFFFFFD0]  }
0x9c: {  	v22 =	vor.u32 v3, v22;
	v23 =	vor.u32 v3, v23;
	v24 =	vor.u32 v3, v24;
	v32 =	vld [tilespmem:s17+$0xFFFFFFC0]  }
0x9d: {  	v25 =	vor.u32 v3, v25;
	v26 =	vor.u32 v3, v26;
	v27 =	vor.u32 v3, v27  }
0x9e: {  	v28 =	vor.u32 v3, v28;
	v33 =	vshra.s32 v20, $0x1F  }
0x9f: {  	s16 =	sadd.s32 $0x8, s16;
	v36 =	vshra.s32 v18, $0x1F;
	v35 =	vshra.s32 v19, $0x1F;
	v34 =	vshra.s32 v21, $0x1F;
	s19 =	spop (v2sf)  }
0xa0: {  	p0 =	slt.u32 s16, $0x7F8;
	v39 =	vshra.s32 v29, $0x1F;
	v38 =	vshra.s32 v30, $0x1F;
	v37 =	vshra.s32 v31, $0x1F;
	[tilespmem:v17+s12+$0x0] =	vst.idx.add.s32.msk vm6, v4;
	s18 =	sadd.s32 s18, s19;
	s19 =	spop (v2sf)  }
0xa1: {  	v33 =	vor.u32 $0x80000000, v33;
	v36 =	vor.u32 $0x80000000, v36;
	v17 =	vshra.s32 v32, $0x1F;
	[tilespmem:s18+$0x10000] =	vst.msk vm5, v16;
	s18 =	sadd.s32 s18, s19;
	s19 =	spop (v2sf)  }
0xa2: {  	v35 =	vor.u32 $0x80000000, v35;
	v34 =	vor.u32 $0x80000000, v34;
	v16 =	vor.u32 $0x80000000, v39;
	[tilespmem:s18+$0x10000] =	vst.msk vm7, v13;
	s18 =	sadd.s32 s18, s19;
	s19 =	spop (v2sf)  }
0xa3: {  	v37 =	vor.u32 $0x80000000, v37;
	v17 =	vor.u32 $0x80000000, v17;
	v13 =	vor.u32 $0x80000000, v38;
	[tilespmem:s18+$0x10000] =	vst.msk vm8, v14;
	s18 =	sadd.s32 s18, s19;
	s19 =	spop (v2sf)  }
0xa4: {  	v20 =	vxor.u32 v20, v33;
	v18 =	vxor.u32 v18, v36;
	v19 =	vxor.u32 v19, v35;
	[tilespmem:s18+$0x10000] =	vst.msk vm1, v12;
	s18 =	sadd.s32 s18, s19;
	s19 =	spop (v2sf)  }
0xa5: {  	v13 =	vxor.u32 v30, v13;
	v14 =	vxor.u32 v29, v16;
	v12 =	vxor.u32 v21, v34;
	[tilespmem:s18+$0x10000] =	vst.msk vm2, v11;
	s18 =	sadd.s32 s18, s19;
	s19 =	spop (v2sf)  }
0xa6: {  	v17 =	vxor.u32 v32, v17;
	v16 =	vxor.u32 v31, v37;
	v21 =	vshrl.u32 v20, $0x1C;
	v11 =	vmovc v19;
	[tilespmem:s18+$0x10000] =	vst.msk vm4, v10;
	s18 =	sadd.s32 s18, s19;
	s19 =	spop (v2sf)  }
0xa7: {  	v30 =	vshrl.u32 v18, $0x1C;
	v19 =	vshrl.u32 v17, $0x1C;
	v29 =	vshrl.u32 v11, $0x1C;
	v10 =	vmovc v18;
	[tilespmem:s18+$0x10000] =	vst.msk vm3, v9;
	s18 =	sadd.s32 s18, s19;
	v9 =	vmovc v20  }
0xa8: {  	vm6 =	veq.s32 v19, v15;
	v18 =	vshrl.u32 v16, $0x1C;
	v19 =	vshrl.u32 v12, $0x1C;
	[tilespmem:v28+s12+$0x0] =	vst.idx.add.s32.msk vm3, v4  }
0xa9: {  	v20 =	vmpcnt.ones.xlane vm6;
	vm9 =	veq.s32 v18, v15;
	v18 =	vshrl.u32 v13, $0x1C;
	[tilespmem:v27+s12+$0x0] =	vst.idx.add.s32.msk vm4, v4  }
0xaa: {  	vm10 =	veq.s32 v18, v15;
	v18 =	vshrl.u32 v14, $0x1C;
	v27 =	vmpcnt.ones.xlane vm9;
	[tilespmem:v26+s12+$0x0] =	vst.idx.add.s32.msk vm2, v4  }
.Ltmp3:
0xab: {  	vm11 =	veq.s32 v18, v15;
	v26 =	vmpcnt.ones.xlane vm10;
	(v2sf) =	vpush v20, $0x0;
	[tilespmem:v25+s12+$0x0] =	vst.idx.add.s32.msk vm1, v4;
	(pc) =	sbr.rel @p0 .LBB2_4-.Ltmp3, $4  }
0xac: {  	v20 =	vmpcnt.ones.xlane vm11;
	vm1 =	veq.s32 v19, v15;
	(v2sf) =	vpush v27, $0x0;
	[tilespmem:v24+s12+$0x0] =	vst.idx.add.s32.msk vm8, v4  }
0xad: {  	vm2 =	veq.s32 v29, v15;
	v24 =	vmpcnt.ones.xlane vm1;
	(v2sf) =	vpush v26, $0x0;
	[tilespmem:v23+s12+$0x0] =	vst.idx.add.s32.msk vm7, v4  }
0xae: {  	vm4 =	veq.s32 v30, v15;
	v18 =	vmpcnt.ones.xlane vm2;
	(v2sf) =	vpush v20, $0x0;
	[tilespmem:v22+s12+$0x0] =	vst.idx.add.s32.msk vm5, v4  }
0xaf: {  	s17 =	sadd.s32 $0x80, s17;
	vm3 =	veq.s32 v21, v15;
	v19 =	vmpcnt.ones.xlane vm4;
	[tilespmem:s18+$0x10000] =	vst.msk vm6, v17;
	(v2sf) =	vpush v24, $0x0  }
0xb0: {  	_ = 	snop  }
0xb1: {  	(v2sf) =	vpush v18, $0x0;
	_ =	sdelay $0x1  }
0xb2: {  	(v2sf) =	vpush v19, $0x0  }
0xb3: {  	v15 =	vshrl.u32 v17, $0x18  }
0xb4: {  	v15 =	vand.u32 $0xF, v15  }
0xb5: {  	v15 =	vor.u32 v3, v15;
	_ =	sdelay $0x3  }
0xb6: {  	v46 =	vshrl.u32 v12, $0x18;
	s16 =	spop (v2sf)  }
0xb7: {  	vm5 =	vmmov vm9;
	v48 =	vand.u32 $0xF, v46;
	[tilespmem:v15+s12+$0x0] =	vst.idx.add.s32.msk vm6, v4;
	s16 =	sadd.s32 s18, s16;
	s17 =	spop (v2sf)  }
0xb8: {  	vm14 =	vmmov vm10;
	v45 =	vshrl.u32 v11, $0x18;
	v50 =	vor.u32 v3, v48;
	[tilespmem:s16+$0x10000] =	vst.msk vm5, v16;
	s16 =	sadd.s32 s16, s17;
	s22 =	spop (v2sf)  }
0xb9: {  	vm7 =	vmmov vm11;
	v18 =	vand.u32 $0xF, v45;
	[tilespmem:s16+$0x10000] =	vst.msk vm14, v13;
	s16 =	sadd.s32 s16, s22;
	s23 =	spop (v2sf)  }
0xba: {  	v44 =	vshrl.u32 v10, $0x18;
	v18 =	vor.u32 v3, v18;
	[tilespmem:s16+$0x10000] =	vst.msk vm7, v14;
	s16 =	sadd.s32 s16, s23;
	s24 =	spop (v2sf)  }
0xbb: {  	v43 =	vshrl.u32 v9, $0x18;
	v17 =	vand.u32 $0xF, v44;
	[tilespmem:s16+$0x10000] =	vst.msk vm1, v12;
	s16 =	sadd.s32 s16, s24  }
0xbc: {  	v47 =	vshrl.u32 v14, $0x18;
	v17 =	vor.u32 v3, v17;
	v15 =	vand.u32 $0xF, v43;
	s25 =	spop (v2sf);
	[tilespmem:s16+$0x10000] =	vst.msk vm2, v11  }
0xbd: {  	v49 =	vshrl.u32 v13, $0x18;
	v15 =	vor.u32 v3, v15;
	v12 =	vand.u32 $0xF, v47;
	s16 =	sadd.s32 s16, s25;
	[tilespmem:v50+s12+$0x0] =	vst.idx.add.s32.msk vm1, v4  }
0xbe: {  	v51 =	vshrl.u32 v16, $0x18;
	s26 =	spop (v2sf);
	v11 =	vand.u32 $0xF, v49;
	v12 =	vor.u32 v3, v12;
	[tilespmem:s16+$0x10000] =	vst.msk vm4, v10  }
0xbf: {  	v52 =	vand.u32 $0xF, v51;
	s16 =	sadd.s32 s16, s26;
	v53 =	vor.u32 v3, v11;
	[tilespmem:v18+s12+$0x0] =	vst.idx.add.s32.msk vm2, v4  }
0xc0: {  	[tilespmem:s16+$0x10000] =	vst.msk vm3, v9;
	v9 =	vor.u32 v3, v52  }
0xc1: {  	[tilespmem:v17+s12+$0x0] =	vst.idx.add.s32.msk vm4, v4  }
0xc2: {  	[tilespmem:v15+s12+$0x0] =	vst.idx.add.s32.msk vm3, v4  }
0xc3: {  	[tilespmem:v12+s12+$0x0] =	vst.idx.add.s32.msk vm11, v4  }
0xc4: {  	[tilespmem:v53+s12+$0x0] =	vst.idx.add.s32.msk vm10, v4  }
0xc5: {  	[tilespmem:v9+s12+$0x0] =	vst.idx.add.s32.msk vm9, v4  }
0xc6: {  	v9 =	vld [tilespmem:$0x18000]  }
0xc7: {  	v10 =	vld [tilespmem:$0x18010]  }
0xc8: {  	v54 =	vld [tilespmem:$0x18020]  }
0xc9: {  	v12 =	vld [tilespmem:$0x18030]  }
0xca: {  	v7 =	vsub.s32 v7, v8;
	v8 =	vld [tilespmem:$0x18040]  }
0xcb: {  	v13 =	vld [tilespmem:$0x18050]  }
0xcc: {  	v7 =	vadd.s32 $0x80000100, v7;
	v55 =	vld [tilespmem:$0x18060];
	v9 =	vadd.s32 v9, v10  }
0xcd: {  	v7 =	vnsel vm0, $0x0, v7;
	v9 =	vadd.s32 v54, v9  }
0xce: {  	(xrf0) =	vmax.scan.msk.u32 $0xffff, v7;
	v7 =	vld [tilespmem:$0x18070];
	v9 =	vadd.s32 v12, v9  }
0xcf: {  	v56 =	vld [tilespmem:$0x18080];
	v8 =	vadd.s32 v8, v9  }
0xd0: {  	v57 =	vld [tilespmem:$0x18090];
	v8 =	vadd.s32 v13, v8  }
0xd1: {  	v58 =	vld [tilespmem:$0x180A0];
	v8 =	vadd.s32 v55, v8  }
0xd2: {  	v59 =	vmpcnt.ones.xlane vm3;
	v60 =	vld [tilespmem:$0x180B0]  }
0xd3: {  	v61 =	vld [tilespmem:$0x180C0];
	v7 =	vadd.s32 v7, v8  }
0xd4: {  	(v2sf) =	vpush v59, $0x0;
	v62 =	vld [tilespmem:$0x180D0];
	v7 =	vadd.s32 v56, v7;
	v8, _, _ =	vpop (xrf0)  }
0xd5: {  	v7 =	vadd.s32 v57, v7;
	(v2sf) =	vpush v8, $0xF;
	v8 =	vld [tilespmem:$0x180E0]  }
0xd6: {  	v63 =	vld [tilespmem:$0x180F0];
	v7 =	vadd.s32 v58, v7  }
0xd7: {  	v7 =	vadd.s32 v60, v7  }
0xd8: {  	v7 =	vadd.s32 v61, v7  }
0xd9: {  	v7 =	vadd.s32 v62, v7  }
0xda: {  	v7 =	vadd.s32 v8, v7  }
0xdb: {  	v7 =	vadd.s32 v63, v7  }
0xdc: {  	v8 =	vperm.xlane v7, v5;
	_ =	sdelay $0x1  }
0xdd: {  	(xrf0) =	vadd.scan.msk.s32 $0xffff, v8;
	_ =	sdelay $0x4  }
0xde: {  	s28 =	spop (v2sf)  }
0xdf: {  	s29 =	spop (v2sf);
	v8, _, _ =	vpop (xrf0)  }
0xe0: {  	s18 =	sxor.u32 $0x80000000, s29;
	v8 =	vperm.xlane v8, v5  }
0xe1: {  	v7 =	vadd.s32 s18, v7  }
0xe2: {  	vm15 =	vlt.s32 v8, s18;
	v7 =	vsub.s32 v7, v8  }
0xe3: {  	v8 =	vsel vm15, $0x7FFFFFFF, v6;
	v7 =	vxor.u32 $0x80000000, v7  }
0xe4: {  	(xrf0) =	vmax.scan.msk.u32 $0xffff, v8;
	v7 =	vsel vm15, $0x0, v7  }
0xe5: {  	(xrf0) =	vmax.scan.msk.u32 $0xffff, v7;
	_ =	sdelay $0x4  }
0xe6: {  	v7, _, _ =	vpop (xrf0)  }
0xe7: {  	(v2sf) =	vpush v7, $0xF;
	v7, _, _ =	vpop (xrf0)  }
0xe8: {  	[tilespmem:$0x18000] =	vst v1;
	(v2sf) =	vpush v7, $0xF  }
0xe9: {  	[tilespmem:$0x18010] =	vst v1  }
0xea: {  	[tilespmem:$0x18020] =	vst v1;
	s18 =	sadd.s32 s16, s28  }
0xeb: {  	[tilespmem:$0x18030] =	vst v1;
	s16 =	sadd.s32 $0xF, s18  }
0xec: {  	[tilespmem:$0x18040] =	vst v1;
	s30 =	sand.u32 $0xF, s16  }
0xed: {  	[tilespmem:$0x18050] =	vst v1;
	s19 =	sshra.s32 s16, $0x1F;
	p0 =	slt.s32 s16, $0x1;
	p1 =	sne.s32 s30, $0x0  }
0xee: {  	[tilespmem:$0x18060] =	vst v1;
	s31 =	sshrl.u32 s19, $0x1C;
	p0 =	por !p0, !p1  }
0xef: {  	s17 =	simm.s32 $0x1;
	[tilespmem:$0x18070] =	vst v1;
	s16 =	sadd.s32 s31, s16;
	p0 =	por !p0, !p0  }
0xf0: {  	[tilespmem:$0x18080] =	vst v1;
	s16 =	sshra.s32 s16, $0x4;
	s17 =	simm.s32 @!p0 $0x0  }
0xf1: {  	[tilespmem:$0x18090] =	vst v1;
	s21 =	ssub.s32 s16, s17  }
0xf2: {  	[tilespmem:$0x180A0] =	vst v1;
	p0 =	slt.s32 s21, $0x1  }
.Ltmp4:
0xf3: {  	[tilespmem:$0x180B0] =	vst v1;
	(pc) =	sbr.rel @p0 .LBB2_12-.Ltmp4, $4  }
0xf4: {  	[tilespmem:$0x180C0] =	vst v1  }
0xf5: {  	[tilespmem:$0x180D0] =	vst v1  }
0xf6: {  	[tilespmem:$0x180F0] =	vst v1;
	s16 =	spop (v2sf)  }
0xf7: {  	s20 =	simm.s32 $0x0;
	[tilespmem:$0x180E0] =	vst v1;
	s19 =	simm.s32 $0x0;
	s17 =	spop (v2sf)  }
0xf8: {  	p1 =	sne.s32 s21, $0x1  }
.Ltmp5:
0xf9: {  	_ = 	snop;
	(pc) =	sbr.rel @!p1 .LBB2_7-.Ltmp5, $3  }
0xfa: {  	_ =	sdelay $0x1  }
0xfb: {  	s20 =	sxor.u32 $0x80000000, s16;
	s22 =	simm.s32 $0x10000  }
0xfc: {  	v8 =	vmov s18;
	s18 =	simm.s32 $0x0;
	p0 =	por $0x0, $0x0;
	v7 =	vmov s20;
	v9 =	vld [tilespmem:s22+$0x0];
	s20 =	sadd.s32 $0xFFFFFFFF, s21  }
0xfd: {  	_ =	sdelay $0x3  }
0xfe: {  	v10 =	vshrl.u32 v9, $0x18  }
0xff: {  	v11 =	vor.u32 s18, v0;
	v10 =	vand.u32 $0xF, v10  }
0x100: {  	vm1 =	vlt.s32 v11, v8;
	vm0 =	veq.s32 v10, v7  }
0x101: {  	v12 =	vshrl.u32 v9, $0x14;
	vm0 =	vmand vm1, vm0  }
0x102: {  	v10 =	vand.u32 $0xF, v12;
	v11 =	vmpcnt.ones.xlane vm0  }
0x103: {  	v10 =	vor.u32 v3, v10  }
0x104: {  	p1 =	sne.s32 s20, $0x1;
	(v2sf) =	vpush v11, $0x0  }
.Ltmp6:
0x105: {  	_ = 	snop;
	(pc) =	sbr.rel @!p1 .LBB2_9-.Ltmp6, $4  }
0x106: {  	_ = 	snop  }
0x107: {  	[tilespmem:s18+$0x10000] =	vst.msk vm0, v9  }
0x108: {  	s22 =	simm.s32 $0x10010;
	s23 =	sadd.s32 $0xFFFFFFFF, s20;
	[tilespmem:v10+s12+$0x0] =	vst.idx.add.s32.msk vm0, v4  }
0x109: {  	p0 =	por $0x1, $0x1;
	s21 =	simm.s32 $0x0;
	s20 =	simm.s32 $0x0;
	v9 =	vld [tilespmem:s22+$0x0]  }
.LBB2_10:
0x10a: {  	p1 =	sne.s32 s23, $0x1;
	_ =	sdelay $0x3  }
0x10b: {  	s21 =	sadd.s32 $0x10, s21;
	v10 =	vshrl.u32 v9, $0x18;
	v11 =	vshrl.u32 v9, $0x14  }
0x10c: {  	v12 =	vor.u32 s21, v0;
	v10 =	vand.u32 $0xF, v10  }
0x10d: {  	vm1 =	vlt.s32 v12, v8;
	vm0 =	veq.s32 v10, v7  }
0x10e: {  	v10 =	vand.u32 $0xF, v11;
	vm0 =	vmand vm1, vm0  }
0x10f: {  	v10 =	vor.u32 v3, v10;
	v11 =	vmpcnt.ones.xlane vm0  }
0x110: {  	s24 =	spop (v2sf)  }
0x111: {  	(v2sf) =	vpush v11, $0x0;
	s20 =	sadd.s32 s20, s24  }
.Ltmp7:
0x112: {  	[tilespmem:s20+$0x10000] =	vst.msk vm0, v9;
	(pc) =	sbr.rel @p1 .LBB2_10-.Ltmp7, $4  }
0x113: {  	_ = 	snop  }
0x114: {  	[tilespmem:v10+s12+$0x0] =	vst.idx.add.s32.msk vm0, v4  }
0x115: {  	s22 =	sadd.s32 $0x10, s22  }
0x116: {  	s23 =	sadd.s32 $0xFFFFFFFF, s23;
	v9 =	vld [tilespmem:s22+$0x0]  }
.LBB2_11:
0x117: {  	_ =	sdelay $0x2  }
0x118: {  	s21 =	sadd.s32 @p0 $0x10, s21;
	s22 =	simm.s32 $0x0  }
0x119: {  	s22 =	smov.u32 @p0 s21;
	v10 =	vshrl.u32 v9, $0x18  }
0x11a: {  	v11 =	vor.u32 s22, v0;
	v10 =	vand.u32 $0xF, v10  }
0x11b: {  	vm1 =	vlt.s32 v11, v8;
	vm0 =	veq.s32 v10, v7  }
0x11c: {  	vm0 =	vmand vm1, vm0  }
0x11d: {  	v7 =	vmpcnt.ones.xlane vm0;
	_ =	sdelay $0x1  }
0x11e: {  	(v2sf) =	vpush v7, $0x0;
	_ =	sdelay $0x8  }
0x11f: {  	v7 =	vshrl.u32 v9, $0x14  }
0x120: {  	v7 =	vand.u32 $0xF, v7  }
0x121: {  	v7 =	vor.u32 v3, v7  }
0x122: {  	s21 =	spop @p0 (v2sf)  }
0x123: {  	s20 =	sadd.s32 @p0 s20, s21  }
0x124: {  	s18 =	smov.u32 @p0 s20  }
0x125: {  	[tilespmem:s18+$0x10000] =	vst.msk vm0, v9;
	s31 =	spop (v2sf)  }
0x126: {  	[tilespmem:v7+s12+$0x0] =	vst.idx.add.s32.msk vm0, v4;
	s20 =	sadd.s32 s18, s31  }
.LBB2_12:
0x127: {  	v7 =	vld [tilespmem:$0x18000]  }
0x128: {  	v8 =	vld [tilespmem:$0x18010]  }
0x129: {  	v9 =	vld [tilespmem:$0x18020]  }
0x12a: {  	v10 =	vld [tilespmem:$0x18030]  }
0x12b: {  	v11 =	vld [tilespmem:$0x18040]  }
0x12c: {  	v12 =	vld [tilespmem:$0x18050]  }
0x12d: {  	v13 =	vld [tilespmem:$0x18060];
	v7 =	vadd.s32 v7, v8  }
0x12e: {  	v8 =	vld [tilespmem:$0x18070];
	v7 =	vadd.s32 v9, v7  }
0x12f: {  	v57 =	vld [tilespmem:$0x18080];
	v7 =	vadd.s32 v10, v7  }
0x130: {  	v58 =	vld [tilespmem:$0x18090];
	v7 =	vadd.s32 v11, v7  }
0x131: {  	v59 =	vld [tilespmem:$0x180A0];
	v7 =	vadd.s32 v12, v7  }
0x132: {  	v60 =	vld [tilespmem:$0x180B0];
	v7 =	vadd.s32 v13, v7  }
0x133: {  	v61 =	vld [tilespmem:$0x180C0];
	v7 =	vadd.s32 v8, v7  }
0x134: {  	v8 =	vld [tilespmem:$0x180D0];
	v7 =	vadd.s32 v57, v7  }
0x135: {  	v62 =	vld [tilespmem:$0x180E0];
	v7 =	vadd.s32 v58, v7  }
0x136: {  	v63 =	vld [tilespmem:$0x180F0];
	v7 =	vadd.s32 v59, v7  }
0x137: {  	v7 =	vadd.s32 v60, v7  }
0x138: {  	v7 =	vadd.s32 v61, v7  }
0x139: {  	v7 =	vadd.s32 v8, v7  }
0x13a: {  	v7 =	vadd.s32 v62, v7  }
0x13b: {  	v7 =	vadd.s32 v63, v7  }
0x13c: {  	v8 =	vperm.xlane v7, v5;
	_ =	sdelay $0x1  }
0x13d: {  	(xrf0) =	vadd.scan.msk.s32 $0xffff, v8;
	_ =	sdelay $0x5  }
0x13e: {  	v8, _, _ =	vpop (xrf0)  }
0x13f: {  	s17 =	sxor.u32 $0x80000000, s17;
	v8 =	vperm.xlane v8, v5  }
0x140: {  	v7 =	vadd.s32 s17, v7  }
0x141: {  	vm0 =	vlt.s32 v8, s17;
	v7 =	vsub.s32 v7, v8  }
0x142: {  	v8 =	vsel vm0, $0x7FFFFFFF, v6;
	v7 =	vxor.u32 $0x80000000, v7  }
0x143: {  	(xrf0) =	vmax.scan.msk.u32 $0xffff, v8;
	v7 =	vsel vm0, $0x0, v7  }
0x144: {  	(xrf0) =	vmax.scan.msk.u32 $0xffff, v7;
	_ =	sdelay $0x4  }
0x145: {  	v7, _, _ =	vpop (xrf0)  }
0x146: {  	(v2sf) =	vpush v7, $0xF;
	v7, _, _ =	vpop (xrf0)  }
0x147: {  	[tilespmem:$0x18000] =	vst v1;
	(v2sf) =	vpush v7, $0xF  }
0x148: {  	[tilespmem:$0x18010] =	vst v1  }
0x149: {  	[tilespmem:$0x18020] =	vst v1  }
0x14a: {  	[tilespmem:$0x18030] =	vst v1;
	s30 =	sadd.s32 $0xF, s20  }
0x14b: {  	[tilespmem:$0x18040] =	vst v1;
	s18 =	sand.u32 $0xF, s30  }
0x14c: {  	[tilespmem:$0x18050] =	vst v1;
	s21 =	sshra.s32 s30, $0x1F;
	p0 =	slt.s32 s30, $0x1;
	p1 =	sne.s32 s18, $0x0  }
0x14d: {  	[tilespmem:$0x18060] =	vst v1;
	s31 =	sshrl.u32 s21, $0x1C;
	p0 =	por !p0, !p1  }
0x14e: {  	[tilespmem:$0x18080] =	vst v1;
	s18 =	simm.s32 $0x1;
	p0 =	por !p0, !p0;
	s17 =	sadd.s32 s31, s30  }
0x14f: {  	[tilespmem:$0x18090] =	vst v1;
	s18 =	simm.s32 @!p0 $0x0;
	s17 =	sshra.s32 s17, $0x4  }
0x150: {  	[tilespmem:$0x180A0] =	vst v1;
	s21 =	ssub.s32 s17, s18  }
0x151: {  	[tilespmem:$0x180B0] =	vst v1;
	p0 =	slt.s32 s21, $0x1  }
.Ltmp8:
0x152: {  	[tilespmem:$0x180C0] =	vst v1;
	(pc) =	sbr.rel @p0 .LBB2_19-.Ltmp8, $4  }
0x153: {  	[tilespmem:$0x180E0] =	vst v1  }
0x154: {  	[tilespmem:$0x180F0] =	vst v1  }
0x155: {  	[tilespmem:$0x18070] =	vst v1;
	s17 =	spop (v2sf)  }
0x156: {  	[tilespmem:$0x180D0] =	vst v1;
	s18 =	spop (v2sf)  }
0x157: {  	p1 =	sne.s32 s21, $0x1  }
.Ltmp9:
0x158: {  	_ = 	snop;
	(pc) =	sbr.rel @!p1 .LBB2_14-.Ltmp9, $3  }
0x159: {  	_ =	sdelay $0x1  }
0x15a: {  	s19 =	sxor.u32 $0x80000000, s17;
	s22 =	simm.s32 $0x10000  }
0x15b: {  	v8 =	vmov s20;
	s20 =	sadd.s32 $0xFFFFFFFF, s21;
	p0 =	por $0x0, $0x0;
	v7 =	vmov s19;
	s19 =	simm.s32 $0x0;
	v9 =	vld [tilespmem:s22+$0x0]  }
0x15c: {  	_ =	sdelay $0x3  }
0x15d: {  	v10 =	vshrl.u32 v9, $0x14  }
0x15e: {  	v11 =	vor.u32 s19, v0;
	v10 =	vand.u32 $0xF, v10  }
0x15f: {  	vm1 =	vlt.s32 v11, v8;
	vm0 =	veq.s32 v10, v7  }
0x160: {  	v12 =	vshrl.u32 v9, $0x10;
	vm0 =	vmand vm1, vm0  }
0x161: {  	v10 =	vand.u32 $0xF, v12;
	v11 =	vmpcnt.ones.xlane vm0  }
0x162: {  	v10 =	vor.u32 v3, v10  }
0x163: {  	p1 =	sne.s32 s20, $0x1;
	(v2sf) =	vpush v11, $0x0  }
.Ltmp10:
0x164: {  	_ = 	snop;
	(pc) =	sbr.rel @!p1 .LBB2_16-.Ltmp10, $4  }
0x165: {  	_ = 	snop  }
0x166: {  	[tilespmem:s19+$0x10000] =	vst.msk vm0, v9  }
0x167: {  	s22 =	simm.s32 $0x10010;
	s23 =	sadd.s32 $0xFFFFFFFF, s20;
	[tilespmem:v10+s12+$0x0] =	vst.idx.add.s32.msk vm0, v4  }
0x168: {  	p0 =	por $0x1, $0x1;
	s21 =	simm.s32 $0x0;
	s20 =	simm.s32 $0x0;
	v9 =	vld [tilespmem:s22+$0x0]  }
.LBB2_17:
0x169: {  	p1 =	sne.s32 s23, $0x1;
	_ =	sdelay $0x3  }
0x16a: {  	s21 =	sadd.s32 $0x10, s21;
	v10 =	vshrl.u32 v9, $0x14;
	v11 =	vshrl.u32 v9, $0x10  }
0x16b: {  	v12 =	vor.u32 s21, v0;
	v10 =	vand.u32 $0xF, v10  }
0x16c: {  	vm1 =	vlt.s32 v12, v8;
	vm0 =	veq.s32 v10, v7  }
0x16d: {  	v10 =	vand.u32 $0xF, v11;
	vm0 =	vmand vm1, vm0  }
0x16e: {  	v10 =	vor.u32 v3, v10;
	v11 =	vmpcnt.ones.xlane vm0  }
0x16f: {  	s24 =	spop (v2sf)  }
0x170: {  	(v2sf) =	vpush v11, $0x0;
	s20 =	sadd.s32 s20, s24  }
.Ltmp11:
0x171: {  	[tilespmem:s20+$0x10000] =	vst.msk vm0, v9;
	(pc) =	sbr.rel @p1 .LBB2_17-.Ltmp11, $4  }
0x172: {  	_ = 	snop  }
0x173: {  	[tilespmem:v10+s12+$0x0] =	vst.idx.add.s32.msk vm0, v4  }
0x174: {  	s22 =	sadd.s32 $0x10, s22  }
0x175: {  	s23 =	sadd.s32 $0xFFFFFFFF, s23;
	v9 =	vld [tilespmem:s22+$0x0]  }
.LBB2_18:
0x176: {  	_ =	sdelay $0x2  }
0x177: {  	s21 =	sadd.s32 @p0 $0x10, s21;
	s22 =	simm.s32 $0x0  }
0x178: {  	s22 =	smov.u32 @p0 s21;
	v10 =	vshrl.u32 v9, $0x14  }
0x179: {  	v11 =	vor.u32 s22, v0;
	v10 =	vand.u32 $0xF, v10  }
0x17a: {  	vm1 =	vlt.s32 v11, v8;
	vm0 =	veq.s32 v10, v7  }
0x17b: {  	vm0 =	vmand vm1, vm0  }
0x17c: {  	v7 =	vmpcnt.ones.xlane vm0;
	_ =	sdelay $0x1  }
0x17d: {  	(v2sf) =	vpush v7, $0x0;
	_ =	sdelay $0x8  }
0x17e: {  	v7 =	vshrl.u32 v9, $0x10  }
0x17f: {  	v7 =	vand.u32 $0xF, v7  }
0x180: {  	v7 =	vor.u32 v3, v7  }
0x181: {  	s21 =	spop @p0 (v2sf)  }
0x182: {  	s20 =	sadd.s32 @p0 s20, s21  }
0x183: {  	s19 =	smov.u32 @p0 s20  }
0x184: {  	[tilespmem:s19+$0x10000] =	vst.msk vm0, v9;
	s31 =	spop (v2sf)  }
0x185: {  	[tilespmem:v7+s12+$0x0] =	vst.idx.add.s32.msk vm0, v4;
	s19 =	sadd.s32 s19, s31  }
.LBB2_19:
0x186: {  	v7 =	vld [tilespmem:$0x18000]  }
0x187: {  	v8 =	vld [tilespmem:$0x18010]  }
0x188: {  	v9 =	vld [tilespmem:$0x18020]  }
0x189: {  	v10 =	vld [tilespmem:$0x18030]  }
0x18a: {  	v11 =	vld [tilespmem:$0x18040]  }
0x18b: {  	v12 =	vld [tilespmem:$0x18050]  }
0x18c: {  	v13 =	vld [tilespmem:$0x18060];
	v7 =	vadd.s32 v7, v8  }
0x18d: {  	v8 =	vld [tilespmem:$0x18070];
	v7 =	vadd.s32 v9, v7  }
0x18e: {  	v57 =	vld [tilespmem:$0x18080];
	v7 =	vadd.s32 v10, v7  }
0x18f: {  	v58 =	vld [tilespmem:$0x18090];
	v7 =	vadd.s32 v11, v7  }
0x190: {  	v59 =	vld [tilespmem:$0x180A0];
	v7 =	vadd.s32 v12, v7  }
0x191: {  	v60 =	vld [tilespmem:$0x180B0];
	v7 =	vadd.s32 v13, v7  }
0x192: {  	v61 =	vld [tilespmem:$0x180C0];
	v7 =	vadd.s32 v8, v7  }
0x193: {  	v8 =	vld [tilespmem:$0x180D0];
	v7 =	vadd.s32 v57, v7  }
0x194: {  	v62 =	vld [tilespmem:$0x180E0];
	v7 =	vadd.s32 v58, v7  }
0x195: {  	v63 =	vld [tilespmem:$0x180F0];
	v7 =	vadd.s32 v59, v7  }
0x196: {  	v7 =	vadd.s32 v60, v7  }
0x197: {  	v7 =	vadd.s32 v61, v7  }
0x198: {  	v7 =	vadd.s32 v8, v7  }
0x199: {  	v7 =	vadd.s32 v62, v7  }
0x19a: {  	v7 =	vadd.s32 v63, v7  }
0x19b: {  	v8 =	vperm.xlane v7, v5;
	_ =	sdelay $0x1  }
0x19c: {  	(xrf0) =	vadd.scan.msk.s32 $0xffff, v8;
	_ =	sdelay $0x5  }
0x19d: {  	v8, _, _ =	vpop (xrf0)  }
0x19e: {  	s18 =	sxor.u32 $0x80000000, s18;
	v8 =	vperm.xlane v8, v5  }
0x19f: {  	v7 =	vadd.s32 s18, v7  }
0x1a0: {  	vm0 =	vlt.s32 v8, s18;
	v7 =	vsub.s32 v7, v8  }
0x1a1: {  	v8 =	vsel vm0, $0x7FFFFFFF, v6;
	v7 =	vxor.u32 $0x80000000, v7  }
0x1a2: {  	(xrf0) =	vmax.scan.msk.u32 $0xffff, v8;
	v7 =	vsel vm0, $0x0, v7  }
0x1a3: {  	(xrf0) =	vmax.scan.msk.u32 $0xffff, v7;
	_ =	sdelay $0x4  }
0x1a4: {  	v7, _, _ =	vpop (xrf0)  }
0x1a5: {  	(v2sf) =	vpush v7, $0xF;
	v7, _, _ =	vpop (xrf0)  }
0x1a6: {  	[tilespmem:$0x18000] =	vst v1;
	(v2sf) =	vpush v7, $0xF  }
0x1a7: {  	[tilespmem:$0x18010] =	vst v1  }
0x1a8: {  	[tilespmem:$0x18020] =	vst v1  }
0x1a9: {  	[tilespmem:$0x18030] =	vst v1;
	s30 =	sadd.s32 $0xF, s19  }
0x1aa: {  	[tilespmem:$0x18040] =	vst v1;
	s20 =	sand.u32 $0xF, s30  }
0x1ab: {  	[tilespmem:$0x18050] =	vst v1;
	s21 =	sshra.s32 s30, $0x1F;
	p0 =	slt.s32 s30, $0x1;
	p1 =	sne.s32 s20, $0x0  }
0x1ac: {  	[tilespmem:$0x18060] =	vst v1;
	s31 =	sshrl.u32 s21, $0x1C;
	p0 =	por !p0, !p1  }
0x1ad: {  	[tilespmem:$0x18080] =	vst v1;
	s20 =	simm.s32 $0x1;
	p0 =	por !p0, !p0;
	s18 =	sadd.s32 s31, s30  }
0x1ae: {  	[tilespmem:$0x18090] =	vst v1;
	s20 =	simm.s32 @!p0 $0x0;
	s18 =	sshra.s32 s18, $0x4  }
0x1af: {  	[tilespmem:$0x180A0] =	vst v1;
	s23 =	ssub.s32 s18, s20  }
0x1b0: {  	[tilespmem:$0x180B0] =	vst v1;
	p0 =	slt.s32 s23, $0x1  }
.Ltmp12:
0x1b1: {  	[tilespmem:$0x180C0] =	vst v1;
	(pc) =	sbr.rel @p0 .LBB2_26-.Ltmp12, $4  }
0x1b2: {  	[tilespmem:$0x180E0] =	vst v1  }
0x1b3: {  	[tilespmem:$0x180F0] =	vst v1  }
0x1b4: {  	[tilespmem:$0x18070] =	vst v1;
	s18 =	spop (v2sf)  }
0x1b5: {  	s22 =	simm.s32 $0x0;
	s21 =	simm.s32 $0x0;
	[tilespmem:$0x180D0] =	vst v1;
	s20 =	spop (v2sf)  }
0x1b6: {  	p1 =	sne.s32 s23, $0x1  }
.Ltmp13:
0x1b7: {  	_ = 	snop;
	(pc) =	sbr.rel @!p1 .LBB2_21-.Ltmp13, $3  }
0x1b8: {  	_ =	sdelay $0x1  }
0x1b9: {  	s22 =	sxor.u32 $0x80000000, s18;
	s24 =	simm.s32 $0x10000  }
0x1ba: {  	v8 =	vmov s19;
	s19 =	simm.s32 $0x0;
	p0 =	por $0x0, $0x0;
	v7 =	vmov s22;
	v9 =	vld [tilespmem:s24+$0x0];
	s22 =	sadd.s32 $0xFFFFFFFF, s23  }
0x1bb: {  	_ =	sdelay $0x3  }
0x1bc: {  	v10 =	vshrl.u32 v9, $0x10  }
0x1bd: {  	v11 =	vor.u32 s19, v0;
	v10 =	vand.u32 $0xF, v10  }
0x1be: {  	vm1 =	vlt.s32 v11, v8;
	vm0 =	veq.s32 v10, v7  }
0x1bf: {  	v12 =	vshrl.u32 v9, $0xC;
	vm0 =	vmand vm1, vm0  }
0x1c0: {  	v10 =	vand.u32 $0xF, v12;
	v11 =	vmpcnt.ones.xlane vm0  }
0x1c1: {  	v10 =	vor.u32 v3, v10  }
0x1c2: {  	p1 =	sne.s32 s22, $0x1;
	(v2sf) =	vpush v11, $0x0  }
.Ltmp14:
0x1c3: {  	_ = 	snop;
	(pc) =	sbr.rel @!p1 .LBB2_23-.Ltmp14, $4  }
0x1c4: {  	_ = 	snop  }
0x1c5: {  	[tilespmem:s19+$0x10000] =	vst.msk vm0, v9  }
0x1c6: {  	s24 =	simm.s32 $0x10010;
	s25 =	sadd.s32 $0xFFFFFFFF, s22;
	[tilespmem:v10+s12+$0x0] =	vst.idx.add.s32.msk vm0, v4  }
0x1c7: {  	p0 =	por $0x1, $0x1;
	s23 =	simm.s32 $0x0;
	s22 =	simm.s32 $0x0;
	v9 =	vld [tilespmem:s24+$0x0]  }
.LBB2_24:
0x1c8: {  	p1 =	sne.s32 s25, $0x1;
	_ =	sdelay $0x3  }
0x1c9: {  	s23 =	sadd.s32 $0x10, s23;
	v10 =	vshrl.u32 v9, $0x10;
	v11 =	vshrl.u32 v9, $0xC  }
0x1ca: {  	v12 =	vor.u32 s23, v0;
	v10 =	vand.u32 $0xF, v10  }
0x1cb: {  	vm1 =	vlt.s32 v12, v8;
	vm0 =	veq.s32 v10, v7  }
0x1cc: {  	v10 =	vand.u32 $0xF, v11;
	vm0 =	vmand vm1, vm0  }
0x1cd: {  	v10 =	vor.u32 v3, v10;
	v11 =	vmpcnt.ones.xlane vm0  }
0x1ce: {  	s26 =	spop (v2sf)  }
0x1cf: {  	(v2sf) =	vpush v11, $0x0;
	s22 =	sadd.s32 s22, s26  }
.Ltmp15:
0x1d0: {  	[tilespmem:s22+$0x10000] =	vst.msk vm0, v9;
	(pc) =	sbr.rel @p1 .LBB2_24-.Ltmp15, $4  }
0x1d1: {  	_ = 	snop  }
0x1d2: {  	[tilespmem:v10+s12+$0x0] =	vst.idx.add.s32.msk vm0, v4  }
0x1d3: {  	s24 =	sadd.s32 $0x10, s24  }
0x1d4: {  	s25 =	sadd.s32 $0xFFFFFFFF, s25;
	v9 =	vld [tilespmem:s24+$0x0]  }
.LBB2_25:
0x1d5: {  	_ =	sdelay $0x2  }
0x1d6: {  	s23 =	sadd.s32 @p0 $0x10, s23;
	s24 =	simm.s32 $0x0  }
0x1d7: {  	s24 =	smov.u32 @p0 s23;
	v10 =	vshrl.u32 v9, $0x10  }
0x1d8: {  	v11 =	vor.u32 s24, v0;
	v10 =	vand.u32 $0xF, v10  }
0x1d9: {  	vm1 =	vlt.s32 v11, v8;
	vm0 =	veq.s32 v10, v7  }
0x1da: {  	vm0 =	vmand vm1, vm0  }
0x1db: {  	v7 =	vmpcnt.ones.xlane vm0;
	_ =	sdelay $0x1  }
0x1dc: {  	(v2sf) =	vpush v7, $0x0;
	_ =	sdelay $0x8  }
0x1dd: {  	v7 =	vshrl.u32 v9, $0xC  }
0x1de: {  	v7 =	vand.u32 $0xF, v7  }
0x1df: {  	v7 =	vor.u32 v3, v7  }
0x1e0: {  	s23 =	spop @p0 (v2sf)  }
0x1e1: {  	s22 =	sadd.s32 @p0 s22, s23  }
0x1e2: {  	s19 =	smov.u32 @p0 s22  }
0x1e3: {  	[tilespmem:s19+$0x10000] =	vst.msk vm0, v9;
	s31 =	spop (v2sf)  }
0x1e4: {  	[tilespmem:v7+s12+$0x0] =	vst.idx.add.s32.msk vm0, v4;
	s22 =	sadd.s32 s19, s31  }
.LBB2_26:
0x1e5: {  	v7 =	vld [tilespmem:$0x18000]  }
0x1e6: {  	v8 =	vld [tilespmem:$0x18010]  }
0x1e7: {  	v9 =	vld [tilespmem:$0x18020]  }
0x1e8: {  	v10 =	vld [tilespmem:$0x18030]  }
0x1e9: {  	v11 =	vld [tilespmem:$0x18040]  }
0x1ea: {  	v12 =	vld [tilespmem:$0x18050]  }
0x1eb: {  	v13 =	vld [tilespmem:$0x18060];
	v7 =	vadd.s32 v7, v8  }
0x1ec: {  	v8 =	vld [tilespmem:$0x18070];
	v7 =	vadd.s32 v9, v7  }
0x1ed: {  	v57 =	vld [tilespmem:$0x18080];
	v7 =	vadd.s32 v10, v7  }
0x1ee: {  	v58 =	vld [tilespmem:$0x18090];
	v7 =	vadd.s32 v11, v7  }
0x1ef: {  	v59 =	vld [tilespmem:$0x180A0];
	v7 =	vadd.s32 v12, v7  }
0x1f0: {  	v60 =	vld [tilespmem:$0x180B0];
	v7 =	vadd.s32 v13, v7  }
0x1f1: {  	v61 =	vld [tilespmem:$0x180C0];
	v7 =	vadd.s32 v8, v7  }
0x1f2: {  	v8 =	vld [tilespmem:$0x180D0];
	v7 =	vadd.s32 v57, v7  }
0x1f3: {  	v62 =	vld [tilespmem:$0x180E0];
	v7 =	vadd.s32 v58, v7  }
0x1f4: {  	v63 =	vld [tilespmem:$0x180F0];
	v7 =	vadd.s32 v59, v7  }
0x1f5: {  	v7 =	vadd.s32 v60, v7  }
0x1f6: {  	v7 =	vadd.s32 v61, v7  }
0x1f7: {  	v7 =	vadd.s32 v8, v7  }
0x1f8: {  	v7 =	vadd.s32 v62, v7  }
0x1f9: {  	v7 =	vadd.s32 v63, v7  }
0x1fa: {  	v8 =	vperm.xlane v7, v5;
	_ =	sdelay $0x1  }
0x1fb: {  	(xrf0) =	vadd.scan.msk.s32 $0xffff, v8;
	_ =	sdelay $0x5  }
0x1fc: {  	v8, _, _ =	vpop (xrf0)  }
0x1fd: {  	s19 =	sxor.u32 $0x80000000, s20;
	v8 =	vperm.xlane v8, v5  }
0x1fe: {  	v7 =	vadd.s32 s19, v7  }
0x1ff: {  	vm0 =	vlt.s32 v8, s19;
	v7 =	vsub.s32 v7, v8  }
0x200: {  	v8 =	vsel vm0, $0x7FFFFFFF, v6;
	v7 =	vxor.u32 $0x80000000, v7  }
0x201: {  	(xrf0) =	vmax.scan.msk.u32 $0xffff, v8;
	v7 =	vsel vm0, $0x0, v7  }
0x202: {  	(xrf0) =	vmax.scan.msk.u32 $0xffff, v7;
	_ =	sdelay $0x4  }
0x203: {  	v7, _, _ =	vpop (xrf0)  }
0x204: {  	(v2sf) =	vpush v7, $0xF;
	v7, _, _ =	vpop (xrf0)  }
0x205: {  	[tilespmem:$0x18000] =	vst v1;
	(v2sf) =	vpush v7, $0xF  }
0x206: {  	[tilespmem:$0x18010] =	vst v1  }
0x207: {  	[tilespmem:$0x18020] =	vst v1  }
0x208: {  	[tilespmem:$0x18030] =	vst v1;
	s29 =	sadd.s32 $0xF, s22  }
0x209: {  	[tilespmem:$0x18040] =	vst v1;
	s30 =	sand.u32 $0xF, s29  }
0x20a: {  	[tilespmem:$0x18050] =	vst v1;
	s23 =	sshra.s32 s29, $0x1F;
	p0 =	slt.s32 s29, $0x1;
	p1 =	sne.s32 s30, $0x0  }
0x20b: {  	[tilespmem:$0x18060] =	vst v1;
	s31 =	sshrl.u32 s23, $0x1C;
	p0 =	por !p0, !p1  }
0x20c: {  	[tilespmem:$0x18080] =	vst v1;
	s20 =	simm.s32 $0x1;
	p0 =	por !p0, !p0;
	s19 =	sadd.s32 s31, s29  }
0x20d: {  	[tilespmem:$0x18090] =	vst v1;
	s20 =	simm.s32 @!p0 $0x0;
	s19 =	sshra.s32 s19, $0x4  }
0x20e: {  	[tilespmem:$0x180A0] =	vst v1;
	s23 =	ssub.s32 s19, s20  }
0x20f: {  	[tilespmem:$0x180B0] =	vst v1;
	p0 =	slt.s32 s23, $0x1  }
.Ltmp16:
0x210: {  	[tilespmem:$0x180C0] =	vst v1;
	(pc) =	sbr.rel @p0 .LBB2_33-.Ltmp16, $4  }
0x211: {  	[tilespmem:$0x180E0] =	vst v1  }
0x212: {  	[tilespmem:$0x180F0] =	vst v1  }
0x213: {  	[tilespmem:$0x18070] =	vst v1;
	s19 =	spop (v2sf)  }
0x214: {  	[tilespmem:$0x180D0] =	vst v1;
	s20 =	spop (v2sf)  }
0x215: {  	p1 =	sne.s32 s23, $0x1  }
.Ltmp17:
0x216: {  	_ = 	snop;
	(pc) =	sbr.rel @!p1 .LBB2_28-.Ltmp17, $3  }
0x217: {  	_ =	sdelay $0x1  }
0x218: {  	s21 =	sxor.u32 $0x80000000, s19;
	s24 =	simm.s32 $0x10000  }
0x219: {  	v8 =	vmov s22;
	s22 =	sadd.s32 $0xFFFFFFFF, s23;
	p0 =	por $0x0, $0x0;
	v7 =	vmov s21;
	s21 =	simm.s32 $0x0;
	v9 =	vld [tilespmem:s24+$0x0]  }
0x21a: {  	_ =	sdelay $0x3  }
0x21b: {  	v10 =	vshrl.u32 v9, $0xC  }
0x21c: {  	v11 =	vor.u32 s21, v0;
	v10 =	vand.u32 $0xF, v10  }
0x21d: {  	vm1 =	vlt.s32 v11, v8;
	vm0 =	veq.s32 v10, v7  }
0x21e: {  	v12 =	vshrl.u32 v9, $0x8;
	vm0 =	vmand vm1, vm0  }
0x21f: {  	v10 =	vand.u32 $0xF, v12;
	v11 =	vmpcnt.ones.xlane vm0  }
0x220: {  	v10 =	vor.u32 v3, v10  }
0x221: {  	p1 =	sne.s32 s22, $0x1;
	(v2sf) =	vpush v11, $0x0  }
.Ltmp18:
0x222: {  	_ = 	snop;
	(pc) =	sbr.rel @!p1 .LBB2_30-.Ltmp18, $4  }
0x223: {  	_ = 	snop  }
0x224: {  	[tilespmem:s21+$0x10000] =	vst.msk vm0, v9  }
0x225: {  	s24 =	simm.s32 $0x10010;
	s25 =	sadd.s32 $0xFFFFFFFF, s22;
	[tilespmem:v10+s12+$0x0] =	vst.idx.add.s32.msk vm0, v4  }
0x226: {  	p0 =	por $0x1, $0x1;
	s23 =	simm.s32 $0x0;
	s22 =	simm.s32 $0x0;
	v9 =	vld [tilespmem:s24+$0x0]  }
.LBB2_31:
0x227: {  	p1 =	sne.s32 s25, $0x1;
	_ =	sdelay $0x3  }
0x228: {  	s23 =	sadd.s32 $0x10, s23;
	v10 =	vshrl.u32 v9, $0xC;
	v11 =	vshrl.u32 v9, $0x8  }
0x229: {  	v12 =	vor.u32 s23, v0;
	v10 =	vand.u32 $0xF, v10  }
0x22a: {  	vm1 =	vlt.s32 v12, v8;
	vm0 =	veq.s32 v10, v7  }
0x22b: {  	v10 =	vand.u32 $0xF, v11;
	vm0 =	vmand vm1, vm0  }
0x22c: {  	v10 =	vor.u32 v3, v10;
	v11 =	vmpcnt.ones.xlane vm0  }
0x22d: {  	s26 =	spop (v2sf)  }
0x22e: {  	(v2sf) =	vpush v11, $0x0;
	s22 =	sadd.s32 s22, s26  }
.Ltmp19:
0x22f: {  	[tilespmem:s22+$0x10000] =	vst.msk vm0, v9;
	(pc) =	sbr.rel @p1 .LBB2_31-.Ltmp19, $4  }
0x230: {  	_ = 	snop  }
0x231: {  	[tilespmem:v10+s12+$0x0] =	vst.idx.add.s32.msk vm0, v4  }
0x232: {  	s24 =	sadd.s32 $0x10, s24  }
0x233: {  	s25 =	sadd.s32 $0xFFFFFFFF, s25;
	v9 =	vld [tilespmem:s24+$0x0]  }
.LBB2_32:
0x234: {  	_ =	sdelay $0x2  }
0x235: {  	s23 =	sadd.s32 @p0 $0x10, s23;
	s24 =	simm.s32 $0x0  }
0x236: {  	s24 =	smov.u32 @p0 s23;
	v10 =	vshrl.u32 v9, $0xC  }
0x237: {  	v11 =	vor.u32 s24, v0;
	v10 =	vand.u32 $0xF, v10  }
0x238: {  	vm1 =	vlt.s32 v11, v8;
	vm0 =	veq.s32 v10, v7  }
0x239: {  	vm0 =	vmand vm1, vm0  }
0x23a: {  	v7 =	vmpcnt.ones.xlane vm0;
	_ =	sdelay $0x1  }
0x23b: {  	(v2sf) =	vpush v7, $0x0;
	_ =	sdelay $0x8  }
0x23c: {  	v7 =	vshrl.u32 v9, $0x8  }
0x23d: {  	v7 =	vand.u32 $0xF, v7  }
0x23e: {  	v7 =	vor.u32 v3, v7  }
0x23f: {  	s23 =	spop @p0 (v2sf)  }
0x240: {  	s22 =	sadd.s32 @p0 s22, s23  }
0x241: {  	s21 =	smov.u32 @p0 s22  }
0x242: {  	[tilespmem:s21+$0x10000] =	vst.msk vm0, v9;
	s31 =	spop (v2sf)  }
0x243: {  	[tilespmem:v7+s12+$0x0] =	vst.idx.add.s32.msk vm0, v4;
	s21 =	sadd.s32 s21, s31  }
.LBB2_33:
0x244: {  	v7 =	vld [tilespmem:$0x18000]  }
0x245: {  	v8 =	vld [tilespmem:$0x18010]  }
0x246: {  	v9 =	vld [tilespmem:$0x18020]  }
0x247: {  	v10 =	vld [tilespmem:$0x18030]  }
0x248: {  	v11 =	vld [tilespmem:$0x18040]  }
0x249: {  	v12 =	vld [tilespmem:$0x18050]  }
0x24a: {  	v13 =	vld [tilespmem:$0x18060];
	v7 =	vadd.s32 v7, v8  }
0x24b: {  	v8 =	vld [tilespmem:$0x18070];
	v7 =	vadd.s32 v9, v7  }
0x24c: {  	v57 =	vld [tilespmem:$0x18080];
	v7 =	vadd.s32 v10, v7  }
0x24d: {  	v58 =	vld [tilespmem:$0x18090];
	v7 =	vadd.s32 v11, v7  }
0x24e: {  	v59 =	vld [tilespmem:$0x180A0];
	v7 =	vadd.s32 v12, v7  }
0x24f: {  	v60 =	vld [tilespmem:$0x180B0];
	v7 =	vadd.s32 v13, v7  }
0x250: {  	v61 =	vld [tilespmem:$0x180C0];
	v7 =	vadd.s32 v8, v7  }
0x251: {  	v8 =	vld [tilespmem:$0x180D0];
	v7 =	vadd.s32 v57, v7  }
0x252: {  	v62 =	vld [tilespmem:$0x180E0];
	v7 =	vadd.s32 v58, v7  }
0x253: {  	v63 =	vld [tilespmem:$0x180F0];
	v7 =	vadd.s32 v59, v7  }
0x254: {  	v7 =	vadd.s32 v60, v7  }
0x255: {  	v7 =	vadd.s32 v61, v7  }
0x256: {  	v7 =	vadd.s32 v8, v7  }
0x257: {  	v7 =	vadd.s32 v62, v7  }
0x258: {  	v7 =	vadd.s32 v63, v7  }
0x259: {  	v8 =	vperm.xlane v7, v5;
	_ =	sdelay $0x1  }
0x25a: {  	(xrf0) =	vadd.scan.msk.s32 $0xffff, v8;
	_ =	sdelay $0x5  }
0x25b: {  	v8, _, _ =	vpop (xrf0)  }
0x25c: {  	s20 =	sxor.u32 $0x80000000, s20;
	v8 =	vperm.xlane v8, v5  }
0x25d: {  	v7 =	vadd.s32 s20, v7  }
0x25e: {  	vm0 =	vlt.s32 v8, s20;
	v7 =	vsub.s32 v7, v8  }
0x25f: {  	v8 =	vsel vm0, $0x7FFFFFFF, v6;
	v7 =	vxor.u32 $0x80000000, v7  }
0x260: {  	(xrf0) =	vmax.scan.msk.u32 $0xffff, v8;
	v7 =	vsel vm0, $0x0, v7  }
0x261: {  	(xrf0) =	vmax.scan.msk.u32 $0xffff, v7;
	_ =	sdelay $0x4  }
0x262: {  	v7, _, _ =	vpop (xrf0)  }
0x263: {  	(v2sf) =	vpush v7, $0xF;
	v7, _, _ =	vpop (xrf0)  }
0x264: {  	[tilespmem:$0x18000] =	vst v1;
	(v2sf) =	vpush v7, $0xF  }
0x265: {  	[tilespmem:$0x18010] =	vst v1  }
0x266: {  	[tilespmem:$0x18020] =	vst v1  }
0x267: {  	[tilespmem:$0x18030] =	vst v1;
	s30 =	sadd.s32 $0xF, s21  }
0x268: {  	[tilespmem:$0x18040] =	vst v1;
	s22 =	sand.u32 $0xF, s30  }
0x269: {  	[tilespmem:$0x18050] =	vst v1;
	s23 =	sshra.s32 s30, $0x1F;
	p0 =	slt.s32 s30, $0x1;
	p1 =	sne.s32 s22, $0x0  }
0x26a: {  	[tilespmem:$0x18060] =	vst v1;
	s31 =	sshrl.u32 s23, $0x1C;
	p0 =	por !p0, !p1  }
0x26b: {  	[tilespmem:$0x18080] =	vst v1;
	s22 =	simm.s32 $0x1;
	p0 =	por !p0, !p0;
	s20 =	sadd.s32 s31, s30  }
0x26c: {  	[tilespmem:$0x18090] =	vst v1;
	s22 =	simm.s32 @!p0 $0x0;
	s20 =	sshra.s32 s20, $0x4  }
0x26d: {  	[tilespmem:$0x180A0] =	vst v1;
	s23 =	ssub.s32 s20, s22  }
0x26e: {  	[tilespmem:$0x180B0] =	vst v1;
	p0 =	slt.s32 s23, $0x1  }
.Ltmp20:
0x26f: {  	[tilespmem:$0x180C0] =	vst v1;
	(pc) =	sbr.rel @p0 .LBB2_34-.Ltmp20, $4  }
0x270: {  	[tilespmem:$0x180E0] =	vst v1  }
0x271: {  	[tilespmem:$0x180F0] =	vst v1  }
0x272: {  	[tilespmem:$0x18070] =	vst v1;
	s20 =	spop (v2sf)  }
0x273: {  	[tilespmem:$0x180D0] =	vst v1;
	s22 =	spop (v2sf)  }
0x274: {  	p1 =	sne.s32 s23, $0x1  }
.Ltmp21:
0x275: {  	_ = 	snop;
	(pc) =	sbr.rel @!p1 .LBB2_36-.Ltmp21, $3  }
0x276: {  	_ =	sdelay $0x1  }
0x277: {  	s24 =	sxor.u32 $0x80000000, s20;
	s25 =	simm.s32 $0x10000  }
0x278: {  	v8 =	vmov s21;
	s21 =	simm.s32 $0x0;
	s23 =	sadd.s32 $0xFFFFFFFF, s23;
	p0 =	por $0x0, $0x0;
	v7 =	vmov s24;
	v9 =	vld [tilespmem:s25+$0x0]  }
0x279: {  	_ =	sdelay $0x3  }
0x27a: {  	v10 =	vshrl.u32 v9, $0x8  }
0x27b: {  	v11 =	vor.u32 s21, v0;
	v10 =	vand.u32 $0xF, v10  }
0x27c: {  	vm1 =	vlt.s32 v11, v8;
	vm0 =	veq.s32 v10, v7  }
0x27d: {  	v12 =	vshrl.u32 v9, $0x4;
	vm0 =	vmand vm1, vm0  }
0x27e: {  	v10 =	vand.u32 $0xF, v12;
	v11 =	vmpcnt.ones.xlane vm0  }
0x27f: {  	v10 =	vor.u32 v3, v10  }
0x280: {  	p1 =	sne.s32 s23, $0x1;
	(v2sf) =	vpush v11, $0x0  }
.Ltmp22:
0x281: {  	_ = 	snop;
	(pc) =	sbr.rel @!p1 .LBB2_38-.Ltmp22, $4  }
0x282: {  	_ = 	snop  }
0x283: {  	[tilespmem:s21+$0x10000] =	vst.msk vm0, v9  }
0x284: {  	s25 =	simm.s32 $0x10010;
	s26 =	sadd.s32 $0xFFFFFFFF, s23;
	[tilespmem:v10+s12+$0x0] =	vst.idx.add.s32.msk vm0, v4  }
0x285: {  	p0 =	por $0x1, $0x1;
	s24 =	simm.s32 $0x0;
	s23 =	simm.s32 $0x0;
	v9 =	vld [tilespmem:s25+$0x0]  }
.LBB2_39:
0x286: {  	p1 =	sne.s32 s26, $0x1;
	_ =	sdelay $0x3  }
0x287: {  	s24 =	sadd.s32 $0x10, s24;
	v10 =	vshrl.u32 v9, $0x8;
	v11 =	vshrl.u32 v9, $0x4  }
0x288: {  	v12 =	vor.u32 s24, v0;
	v10 =	vand.u32 $0xF, v10  }
0x289: {  	vm1 =	vlt.s32 v12, v8;
	vm0 =	veq.s32 v10, v7  }
0x28a: {  	v10 =	vand.u32 $0xF, v11;
	vm0 =	vmand vm1, vm0  }
0x28b: {  	v10 =	vor.u32 v3, v10;
	v11 =	vmpcnt.ones.xlane vm0  }
0x28c: {  	s28 =	spop (v2sf)  }
0x28d: {  	(v2sf) =	vpush v11, $0x0;
	s23 =	sadd.s32 s23, s28  }
.Ltmp23:
0x28e: {  	[tilespmem:s23+$0x10000] =	vst.msk vm0, v9;
	(pc) =	sbr.rel @p1 .LBB2_39-.Ltmp23, $4  }
0x28f: {  	_ = 	snop  }
0x290: {  	[tilespmem:v10+s12+$0x0] =	vst.idx.add.s32.msk vm0, v4  }
0x291: {  	s25 =	sadd.s32 $0x10, s25  }
0x292: {  	s26 =	sadd.s32 $0xFFFFFFFF, s26;
	v9 =	vld [tilespmem:s25+$0x0]  }
.LBB2_40:
0x293: {  	_ =	sdelay $0x2  }
0x294: {  	s24 =	sadd.s32 @p0 $0x10, s24;
	s25 =	simm.s32 $0x0  }
0x295: {  	s25 =	smov.u32 @p0 s24;
	v10 =	vshrl.u32 v9, $0x8  }
0x296: {  	v11 =	vor.u32 s25, v0;
	v10 =	vand.u32 $0xF, v10  }
0x297: {  	vm1 =	vlt.s32 v11, v8;
	vm0 =	veq.s32 v10, v7  }
0x298: {  	vm0 =	vmand vm1, vm0  }
0x299: {  	v7 =	vmpcnt.ones.xlane vm0;
	_ =	sdelay $0x1  }
0x29a: {  	(v2sf) =	vpush v7, $0x0;
	_ =	sdelay $0x8  }
0x29b: {  	v7 =	vshrl.u32 v9, $0x4  }
0x29c: {  	v7 =	vand.u32 $0xF, v7  }
0x29d: {  	v7 =	vor.u32 v3, v7  }
.Ltmp24:
0x29e: {  	s24 =	spop @p0 (v2sf);
	(pc) =	sbr.rel .LBB2_41-.Ltmp24, $4  }
0x29f: {  	s23 =	sadd.s32 @p0 s23, s24  }
0x2a0: {  	s21 =	smov.u32 @p0 s23  }
0x2a1: {  	[tilespmem:s21+$0x10000] =	vst.msk vm0, v9;
	s31 =	spop (v2sf)  }
0x2a2: {  	[tilespmem:v7+s12+$0x0] =	vst.idx.add.s32.msk vm0, v4;
	s23 =	sadd.s32 s21, s31  }
.LBB2_34:
0x2a3: {  	s23 =	simm.s32 $0x0  }
.LBB2_41:
0x2a4: {  	v7 =	vld [tilespmem:$0x18000]  }
0x2a5: {  	v8 =	vld [tilespmem:$0x18010]  }
0x2a6: {  	v9 =	vld [tilespmem:$0x18020]  }
0x2a7: {  	v10 =	vld [tilespmem:$0x18030]  }
0x2a8: {  	v11 =	vld [tilespmem:$0x18040]  }
0x2a9: {  	v12 =	vld [tilespmem:$0x18050]  }
0x2aa: {  	v13 =	vld [tilespmem:$0x18060];
	v7 =	vadd.s32 v7, v8  }
0x2ab: {  	v8 =	vld [tilespmem:$0x18070];
	v7 =	vadd.s32 v9, v7  }
0x2ac: {  	v57 =	vld [tilespmem:$0x18080];
	v7 =	vadd.s32 v10, v7  }
0x2ad: {  	v58 =	vld [tilespmem:$0x18090];
	v7 =	vadd.s32 v11, v7  }
0x2ae: {  	v59 =	vld [tilespmem:$0x180A0];
	v7 =	vadd.s32 v12, v7  }
0x2af: {  	v60 =	vld [tilespmem:$0x180B0];
	v7 =	vadd.s32 v13, v7  }
0x2b0: {  	v61 =	vld [tilespmem:$0x180C0];
	v7 =	vadd.s32 v8, v7  }
0x2b1: {  	v8 =	vld [tilespmem:$0x180D0];
	v7 =	vadd.s32 v57, v7  }
0x2b2: {  	v62 =	vld [tilespmem:$0x180E0];
	v7 =	vadd.s32 v58, v7  }
0x2b3: {  	v63 =	vld [tilespmem:$0x180F0];
	v7 =	vadd.s32 v59, v7  }
0x2b4: {  	v7 =	vadd.s32 v60, v7  }
0x2b5: {  	v7 =	vadd.s32 v61, v7  }
0x2b6: {  	v7 =	vadd.s32 v8, v7  }
0x2b7: {  	v7 =	vadd.s32 v62, v7  }
0x2b8: {  	v7 =	vadd.s32 v63, v7  }
0x2b9: {  	v8 =	vperm.xlane v7, v5;
	_ =	sdelay $0x1  }
0x2ba: {  	(xrf0) =	vadd.scan.msk.s32 $0xffff, v8;
	_ =	sdelay $0x5  }
0x2bb: {  	v8, _, _ =	vpop (xrf0)  }
0x2bc: {  	s21 =	sxor.u32 $0x80000000, s22;
	v8 =	vperm.xlane v8, v5  }
0x2bd: {  	v7 =	vadd.s32 s21, v7  }
0x2be: {  	vm0 =	vlt.s32 v8, s21;
	v7 =	vsub.s32 v7, v8  }
0x2bf: {  	v8 =	vsel vm0, $0x7FFFFFFF, v6;
	v7 =	vxor.u32 $0x80000000, v7  }
0x2c0: {  	(xrf0) =	vmax.scan.msk.u32 $0xffff, v8;
	v7 =	vsel vm0, $0x0, v7  }
0x2c1: {  	(xrf0) =	vmax.scan.msk.u32 $0xffff, v7;
	_ =	sdelay $0x4  }
0x2c2: {  	v7, _, _ =	vpop (xrf0)  }
0x2c3: {  	(v2sf) =	vpush v7, $0xF;
	v7, _, _ =	vpop (xrf0)  }
0x2c4: {  	[tilespmem:$0x18000] =	vst v1;
	(v2sf) =	vpush v7, $0xF  }
0x2c5: {  	[tilespmem:$0x18010] =	vst v1  }
0x2c6: {  	[tilespmem:$0x18020] =	vst v1  }
0x2c7: {  	[tilespmem:$0x18030] =	vst v1;
	s29 =	sadd.s32 $0xF, s23  }
0x2c8: {  	[tilespmem:$0x18040] =	vst v1;
	s30 =	sand.u32 $0xF, s29  }
0x2c9: {  	[tilespmem:$0x18050] =	vst v1;
	s24 =	sshra.s32 s29, $0x1F;
	p0 =	slt.s32 s29, $0x1;
	p1 =	sne.s32 s30, $0x0  }
0x2ca: {  	[tilespmem:$0x18060] =	vst v1;
	s31 =	sshrl.u32 s24, $0x1C;
	p0 =	por !p0, !p1  }
0x2cb: {  	[tilespmem:$0x18080] =	vst v1;
	s22 =	simm.s32 $0x1;
	p0 =	por !p0, !p0;
	s21 =	sadd.s32 s31, s29  }
0x2cc: {  	[tilespmem:$0x18090] =	vst v1;
	s22 =	simm.s32 @!p0 $0x0;
	s21 =	sshra.s32 s21, $0x4  }
0x2cd: {  	[tilespmem:$0x180A0] =	vst v1;
	s24 =	ssub.s32 s21, s22  }
0x2ce: {  	[tilespmem:$0x180B0] =	vst v1;
	p0 =	slt.s32 s24, $0x1  }
.Ltmp25:
0x2cf: {  	[tilespmem:$0x180C0] =	vst v1;
	(pc) =	sbr.rel @p0 .LBB2_48-.Ltmp25, $4  }
0x2d0: {  	[tilespmem:$0x180E0] =	vst v1  }
0x2d1: {  	[tilespmem:$0x180F0] =	vst v1  }
0x2d2: {  	[tilespmem:$0x18070] =	vst v1;
	s21 =	spop (v2sf)  }
0x2d3: {  	[tilespmem:$0x180D0] =	vst v1;
	s22 =	spop (v2sf)  }
0x2d4: {  	p1 =	sne.s32 s24, $0x1  }
.Ltmp26:
0x2d5: {  	_ = 	snop;
	(pc) =	sbr.rel @!p1 .LBB2_43-.Ltmp26, $3  }
0x2d6: {  	_ =	sdelay $0x1  }
0x2d7: {  	s25 =	sxor.u32 $0x80000000, s21;
	s26 =	simm.s32 $0x10000  }
0x2d8: {  	v8 =	vmov s23;
	s23 =	simm.s32 $0x0;
	s24 =	sadd.s32 $0xFFFFFFFF, s24;
	p0 =	por $0x0, $0x0;
	v7 =	vmov s25;
	v9 =	vld [tilespmem:s26+$0x0]  }
0x2d9: {  	_ =	sdelay $0x3  }
0x2da: {  	v10 =	vshrl.u32 v9, $0x4  }
0x2db: {  	v11 =	vor.u32 s23, v0;
	v10 =	vand.u32 $0xF, v10  }
0x2dc: {  	vm1 =	vlt.s32 v11, v8;
	vm0 =	veq.s32 v10, v7  }
0x2dd: {  	vm0 =	vmand vm1, vm0  }
0x2de: {  	v10 =	vand.u32 $0xF, v9;
	v11 =	vmpcnt.ones.xlane vm0  }
0x2df: {  	v10 =	vor.u32 v3, v10  }
0x2e0: {  	p1 =	sne.s32 s24, $0x1;
	(v2sf) =	vpush v11, $0x0  }
.Ltmp27:
0x2e1: {  	_ = 	snop;
	(pc) =	sbr.rel @!p1 .LBB2_45-.Ltmp27, $4  }
0x2e2: {  	_ = 	snop  }
0x2e3: {  	[tilespmem:s23+$0x10000] =	vst.msk vm0, v9  }
0x2e4: {  	s26 =	simm.s32 $0x10010;
	s28 =	sadd.s32 $0xFFFFFFFF, s24;
	[tilespmem:v10+s12+$0x0] =	vst.idx.add.s32.msk vm0, v4  }
0x2e5: {  	p0 =	por $0x1, $0x1;
	s25 =	simm.s32 $0x0;
	s24 =	simm.s32 $0x0;
	v9 =	vld [tilespmem:s26+$0x0]  }
.LBB2_46:
0x2e6: {  	p1 =	sne.s32 s28, $0x1;
	_ =	sdelay $0x3  }
0x2e7: {  	s25 =	sadd.s32 $0x10, s25;
	v10 =	vshrl.u32 v9, $0x4;
	v11 =	vand.u32 $0xF, v9  }
0x2e8: {  	v12 =	vor.u32 s25, v0;
	v10 =	vand.u32 $0xF, v10  }
0x2e9: {  	vm1 =	vlt.s32 v12, v8;
	vm0 =	veq.s32 v10, v7  }
0x2ea: {  	vm0 =	vmand vm1, vm0  }
0x2eb: {  	v10 =	vor.u32 v3, v11;
	v11 =	vmpcnt.ones.xlane vm0  }
0x2ec: {  	s29 =	spop (v2sf)  }
0x2ed: {  	(v2sf) =	vpush v11, $0x0;
	s24 =	sadd.s32 s24, s29  }
.Ltmp28:
0x2ee: {  	[tilespmem:s24+$0x10000] =	vst.msk vm0, v9;
	(pc) =	sbr.rel @p1 .LBB2_46-.Ltmp28, $4  }
0x2ef: {  	_ = 	snop  }
0x2f0: {  	[tilespmem:v10+s12+$0x0] =	vst.idx.add.s32.msk vm0, v4  }
0x2f1: {  	s26 =	sadd.s32 $0x10, s26  }
0x2f2: {  	s28 =	sadd.s32 $0xFFFFFFFF, s28;
	v9 =	vld [tilespmem:s26+$0x0]  }
.LBB2_47:
0x2f3: {  	_ =	sdelay $0x2  }
0x2f4: {  	s25 =	sadd.s32 @p0 $0x10, s25;
	s26 =	simm.s32 $0x0  }
0x2f5: {  	s26 =	smov.u32 @p0 s25;
	v10 =	vshrl.u32 v9, $0x4  }
0x2f6: {  	v11 =	vor.u32 s26, v0;
	v10 =	vand.u32 $0xF, v10  }
0x2f7: {  	vm1 =	vlt.s32 v11, v8;
	vm0 =	veq.s32 v10, v7  }
0x2f8: {  	vm0 =	vmand vm1, vm0  }
0x2f9: {  	v7 =	vmpcnt.ones.xlane vm0;
	_ =	sdelay $0x1  }
0x2fa: {  	(v2sf) =	vpush v7, $0x0;
	_ =	sdelay $0x8  }
0x2fb: {  	v7 =	vand.u32 $0xF, v9  }
0x2fc: {  	v7 =	vor.u32 v3, v7  }
0x2fd: {  	s25 =	spop @p0 (v2sf)  }
0x2fe: {  	s24 =	sadd.s32 @p0 s24, s25  }
0x2ff: {  	s23 =	smov.u32 @p0 s24  }
0x300: {  	[tilespmem:s23+$0x10000] =	vst.msk vm0, v9  }
0x301: {  	[tilespmem:v7+s12+$0x0] =	vst.idx.add.s32.msk vm0, v4;
	s31 =	spop (v2sf)  }
.LBB2_48:
0x302: {  	v7 =	vld [tilespmem:$0x18000]  }
0x303: {  	v8 =	vld [tilespmem:$0x18010]  }
0x304: {  	v9 =	vld [tilespmem:$0x18020]  }
0x305: {  	v10 =	vld [tilespmem:$0x18030]  }
0x306: {  	v11 =	vld [tilespmem:$0x18040]  }
0x307: {  	v12 =	vld [tilespmem:$0x18050]  }
0x308: {  	v13 =	vld [tilespmem:$0x18060];
	v7 =	vadd.s32 v7, v8  }
0x309: {  	v8 =	vld [tilespmem:$0x18070];
	v7 =	vadd.s32 v9, v7  }
0x30a: {  	v9 =	vld [tilespmem:$0x18080];
	v7 =	vadd.s32 v10, v7  }
0x30b: {  	v10 =	vld [tilespmem:$0x18090];
	v7 =	vadd.s32 v11, v7  }
0x30c: {  	v11 =	vld [tilespmem:$0x180A0];
	v7 =	vadd.s32 v12, v7  }
0x30d: {  	v12 =	vld [tilespmem:$0x180B0];
	v7 =	vadd.s32 v13, v7  }
0x30e: {  	v13 =	vld [tilespmem:$0x180C0];
	v7 =	vadd.s32 v8, v7  }
0x30f: {  	v8 =	vld [tilespmem:$0x180D0];
	v7 =	vadd.s32 v9, v7  }
0x310: {  	v9 =	vld [tilespmem:$0x180E0];
	v7 =	vadd.s32 v10, v7  }
0x311: {  	v10 =	vld [tilespmem:$0x180F0];
	v7 =	vadd.s32 v11, v7  }
0x312: {  	v7 =	vadd.s32 v12, v7  }
0x313: {  	v7 =	vadd.s32 v13, v7  }
0x314: {  	v7 =	vadd.s32 v8, v7  }
0x315: {  	v7 =	vadd.s32 v9, v7  }
0x316: {  	v8 =	vadd.s32 v10, v7  }
0x317: {  	v7 =	vperm.xlane v8, v5;
	_ =	sdelay $0x1  }
0x318: {  	(xrf0) =	vadd.scan.msk.s32 $0xffff, v7;
	_ =	sdelay $0x5  }
0x319: {  	v7, _, _ =	vpop (xrf0)  }
0x31a: {  	v9 =	vperm.xlane v7, v5  }
0x31b: {  	s22 =	sxor.u32 $0x80000000, s22  }
0x31c: {  	vm0 =	vlt.s32 v9, s22  }
0x31d: {  	v7 =	vsel vm0, $0x7FFFFFFF, v6  }
0x31e: {  	(xrf0) =	vmax.scan.msk.u32 $0xffff, v7;
	_ =	sdelay $0x5  }
0x31f: {  	v7, _, _ =	vpop (xrf0)  }
0x320: {  	(v2sf) =	vpush v7, $0xF;
	_ =	sdelay $0x9  }
0x321: {  	s15 =	sshll.u32 s15, $0x1C;
	s16 =	sshll.u32 s16, $0x18  }
0x322: {  	s25 =	sshll.u32 s17, $0x14;
	s15 =	sor.u32 s15, s16  }
0x323: {  	s26 =	sshll.u32 s18, $0x10;
	s15 =	sor.u32 s25, s15  }
0x324: {  	s28 =	sshll.u32 s19, $0xC;
	s15 =	sor.u32 s26, s15  }
0x325: {  	s29 =	sshll.u32 s20, $0x8;
	s15 =	sor.u32 s28, s15  }
0x326: {  	s30 =	sshll.u32 s21, $0x4;
	s15 =	sor.u32 s29, s15;
	s31 =	spop (v2sf)  }
0x327: {  	s15 =	sor.u32 s30, s15;
	s16 =	sxor.u32 $0x80000000, s31  }
0x328: {  	s17 =	sor.u32 s16, s15  }
0x329: {  	s18 =	simm.s32 $0xFFFFFFFF;
	s15 =	simm.s32 $0x40;
	p0 =	sgt.s32 s17, $0xFFFFFFFF  }
0x32a: {  	v12 =	vld [tilespmem:s15+$0x30];
	s18 =	simm.s32 @!p0 $0x80000000  }
0x32b: {  	v17 =	vld [tilespmem:s15+$0xFFFFFFD0];
	s17 =	sxor.u32 s17, s18  }
0x32c: {  	v15 =	vld [tilespmem:s15+$0xFFFFFFE0];
	v7 =	vmov s17  }
0x32d: {  	v14 =	vld [tilespmem:s15+$0xFFFFFFF0];
	v7 =	vbroadcast v7, $0x0  }
0x32e: {  	v13 =	vld [tilespmem:s15+$0x0]  }
0x32f: {  	v11 =	vld [tilespmem:s15+$0x10];
	vm0 =	vge.f32 v12, v7  }
0x330: {  	v10 =	vld [tilespmem:s15+$0x20];
	vm1 =	vge.f32 v17, v7;
	v18 =	vnsel vm0, $0x0, v12  }
0x331: {  	v16 =	vmov s22;
	s18 =	simm.s32 $0xC0;
	s17 =	simm.s32 $0x0;
	v12 =	vld [tilespmem:s15+$0xFFFFFFC0];
	v17 =	vnsel vm1, $0x0, v17;
	vm0 =	vge.f32 v15, v7;
	[tilespmem:s15+$0x30] =	vst v18  }
.LBB2_49:
0x332: {  	v18 =	vld [tilespmem:s18+$0x30];
	s17 =	sadd.s32 $0x8, s17;
	[tilespmem:s15+$0xFFFFFFD0] =	vst v17;
	v15 =	vnsel vm0, $0x0, v15;
	vm0 =	vge.f32 v14, v7  }
0x333: {  	v17 =	vld [tilespmem:s18+$0xFFFFFFD0];
	p0 =	slt.u32 s17, $0x7F8;
	[tilespmem:s15+$0xFFFFFFE0] =	vst v15;
	v14 =	vnsel vm0, $0x0, v14;
	vm0 =	vge.f32 v13, v7  }
0x334: {  	v15 =	vld [tilespmem:s18+$0xFFFFFFE0];
	[tilespmem:s15+$0xFFFFFFF0] =	vst v14;
	v13 =	vnsel vm0, $0x0, v13;
	vm0 =	vge.f32 v11, v7  }
.Ltmp29:
0x335: {  	v14 =	vld [tilespmem:s18+$0xFFFFFFF0];
	[tilespmem:s15+$0x0] =	vst v13;
	v11 =	vnsel vm0, $0x0, v11;
	vm0 =	vge.f32 v10, v7;
	(pc) =	sbr.rel @p0 .LBB2_49-.Ltmp29, $4  }
0x336: {  	v13 =	vld [tilespmem:s18+$0x0];
	vm1 =	vge.f32 v12, v7;
	[tilespmem:s15+$0x10] =	vst v11;
	v10 =	vnsel vm0, $0x0, v10  }
0x337: {  	v11 =	vld [tilespmem:s18+$0x10];
	vm0 =	vge.f32 v18, v7;
	v12 =	vnsel vm1, $0x0, v12;
	[tilespmem:s15+$0x20] =	vst v10  }
0x338: {  	vm1 =	vge.f32 v17, v7;
	v10 =	vld [tilespmem:s18+$0x20];
	v18 =	vnsel vm0, $0x0, v18;
	[tilespmem:s15+$0xFFFFFFC0] =	vst v12;
	s15 =	smov.u32 s18  }
0x339: {  	s18 =	sadd.s32 $0x80, s18;
	v12 =	vld [tilespmem:s15+$0xFFFFFFC0];
	v17 =	vnsel vm1, $0x0, v17;
	vm0 =	vge.f32 v15, v7;
	[tilespmem:s15+$0x30] =	vst v18  }
0x33a: {  	v18 =	vadd.s32 v16, v8  }
0x33b: {  	v18 =	vsub.s32 v18, v9  }
0x33c: {  	vm1 =	vlt.s32 v9, v16;
	v62 =	vmov s16;
	v61 =	vxor.u32 $0x80000000, v18  }
0x33d: {  	v8 =	vxor.u32 $0x80000000, v8;
	vm10 =	veq.s32 v62, v0;
	v9 =	vsel vm1, $0x0, v61  }
0x33e: {  	v8 =	vnsel vm10, $0x80000000, v8;
	(xrf0) =	vmax.scan.msk.u32 $0xffff, v9  }
0x33f: {  	(xrf0) =	vmax.scan.msk.u32 $0xffff, v8;
	_ =	sdelay $0x4  }
0x340: {  	v8, _, _ =	vpop (xrf0)  }
0x341: {  	(v2sf) =	vpush v8, $0xF;
	v8, _, _ =	vpop (xrf0)  }
0x342: {  	(v2sf) =	vpush v8, $0xF;
	_ =	sdelay $0xd  }
0x343: {  	s31 =	spop (v2sf)  }
0x344: {  	s17 =	spop (v2sf)  }
0x345: {  	vm15 =	vge.f32 v12, v7;
	s16 =	sxor.u32 $0x80000000, s31;
	s17 =	sxor.u32 $0x80000000, s17  }
0x346: {  	[tilespmem:s15+$0xFFFFFFD0] =	vst v17;
	v63 =	vnsel vm15, $0x0, v12;
	s16 =	ssub.s32 s17, s16  }
0x347: {  	vm11 =	vge.f32 v14, v7;
	[tilespmem:s15+$0xFFFFFFC0] =	vst v63;
	v8 =	vnsel vm0, $0x0, v15;
	p0 =	slt.s32 s16, $0x1  }
.Ltmp30:
0x348: {  	vm12 =	vge.f32 v13, v7;
	[tilespmem:s15+$0xFFFFFFE0] =	vst v8;
	v8 =	vnsel vm11, $0x0, v14;
	(pc) =	sbr.rel @p0 .LBB2_52-.Ltmp30, $4  }
0x349: {  	vm13 =	vge.f32 v11, v7;
	[tilespmem:s15+$0xFFFFFFF0] =	vst v8;
	v8 =	vnsel vm12, $0x0, v13  }
0x34a: {  	vm14 =	vge.f32 v10, v7;
	[tilespmem:s15+$0x0] =	vst v8;
	v8 =	vnsel vm13, $0x0, v11  }
0x34b: {  	[tilespmem:s15+$0x10] =	vst v8;
	v8 =	vnsel vm14, $0x0, v10  }
0x34c: {  	[tilespmem:s15+$0x20] =	vst v8;
	s15 =	simm.s32 $0x1FFC0  }
.LBB2_51:
0x34d: {  	s17 =	sshra.s32 s15, $0x2  }
0x34e: {  	v8 =	vld [tilespmem:s17+$0x0];
	_ =	sdelay $0x4  }
0x34f: {  	vm0 =	veq.f32 v8, v7  }
0x350: {  	v9 =	vmpcnt.ones.xlane vm0;
	_ =	sdelay $0x1  }
0x351: {  	(v2sf) =	vpush v9, $0x0;
	_ =	sdelay $0x5  }
0x352: {  	v10 =	vsel vm0, $0x1, v1  }
0x353: {  	(xrf0) =	vadd.scan.msk.s32 $0xffff, v10;
	_ =	sdelay $0x5  }
0x354: {  	v10, _, _ =	vpop (xrf0)  }
0x355: {  	v9 =	vsub.s32 v9, v10  }
0x356: {  	v9 =	vadd.s32 $0x1, v9;
	s18 =	spop (v2sf)  }
0x357: {  	p0 =	seq.s32 s15, $0x0;
	vm1 =	vle.s32 v9, s16;
	s16 =	ssub.s32 s16, s18  }
0x358: {  	p1 =	sgt.s32 @!p0 s16, $0x0  }
0x359: {  	p0 =	por p0, !p1  }
.Ltmp31:
0x35a: {  	_ = 	snop;
	(pc) =	sbr.rel @!p0 .LBB2_51-.Ltmp31, $4  }
0x35b: {  	_ = 	snop  }
0x35c: {  	vm0 =	vmand vm0, vm1  }
0x35d: {  	v8 =	vsel vm0, $0x0, v8  }
0x35e: {  	s15 =	sadd.s32 $0xFFFFFFC0, s15;
	[tilespmem:s17+$0x0] =	vst v8  }
.LBB2_52:
0x35f: {  	[hbm4b:s5+s8] =	stream.strided.scatter [tilespmem:s2], [sflag:$0x1], $0x8000, s9, s8, $0x38;
	[tilespmem:$0x18100] =	vst v63  }
0x360: {  	_ =	swait.ge [sflag:s13], $0x8000  }
0x361: {  	[sflag:s13] =	ssyncset.done $0x0  }
0x362: {  	[sflag:s13] =	ssyncadd.s32 $0xFFFF8000  }
0x363: {  	[tilespmem:$0x18000] =	vst v1  }
0x364: {  	[tilespmem:$0x18010] =	vst v1  }
0x365: {  	[tilespmem:$0x18020] =	vst v1  }
0x366: {  	[tilespmem:$0x18030] =	vst v1  }
0x367: {  	[tilespmem:$0x18040] =	vst v1  }
0x368: {  	[tilespmem:$0x18050] =	vst v1  }
0x369: {  	[tilespmem:$0x18060] =	vst v1  }
0x36a: {  	[tilespmem:$0x18070] =	vst v1  }
0x36b: {  	[tilespmem:$0x18080] =	vst v1  }
0x36c: {  	[tilespmem:$0x18090] =	vst v1  }
0x36d: {  	[tilespmem:$0x180A0] =	vst v1  }
0x36e: {  	[tilespmem:$0x180B0] =	vst v1  }
0x36f: {  	[tilespmem:$0x180C0] =	vst v1  }
0x370: {  	[tilespmem:$0x180D0] =	vst v1  }
0x371: {  	[tilespmem:$0x180E0] =	vst v1  }
0x372: {  	s16 =	simm.s32 $0x8040;
	[tilespmem:$0x180F0] =	vst v1  }
0x373: {  	v7 =	vld [tilespmem:s16+$0x10];
	_ =	sdelay $0x1  }
0x374: {  	v8 =	vld [tilespmem:s16+$0xFFFFFFC0];
	_ =	sdelay $0x1  }
0x375: {  	v9 =	vld [tilespmem:s16+$0x20]  }
0x376: {  	vm0 =	vlt.s32 v7, $0x0  }
0x377: {  	v7 =	vshrl.u32 v7, $0x1C;
	v11 =	vsel vm0, $0xF, v2  }
0x378: {  	v15 =	vld [tilespmem:s16+$0x30];
	vm0 =	vlt.s32 v8, $0x0;
	v7 =	vxor.u32 v7, v11  }
0x379: {  	v10 =	vld [tilespmem:s16+$0xFFFFFFD0];
	v14 =	vor.u32 v3, v7;
	v7 =	vshrl.u32 v8, $0x1C;
	v8 =	vsel vm0, $0xF, v2  }
0x37a: {  	v16 =	vld [tilespmem:s16+$0x0];
	vm0 =	vlt.s32 v9, $0x0;
	v7 =	vxor.u32 v7, v8  }
0x37b: {  	v8 =	vshrl.u32 v9, $0x1C;
	v12 =	vsel vm0, $0xF, v2;
	v9 =	vor.u32 v3, v7;
	v7 =	vld [tilespmem:s16+$0xFFFFFFE0]  }
0x37c: {  	v8 =	vxor.u32 v8, v12  }
0x37d: {  	vm1 =	vlt.s32 v15, $0x0;
	v8 =	vor.u32 v3, v8  }
0x37e: {  	v11 =	vshrl.u32 v15, $0x1C;
	vm0 =	vlt.s32 v10, $0x0;
	v12 =	vshrl.u32 v10, $0x1C;
	v10 =	vld [tilespmem:s16+$0xFFFFFFF0]  }
0x37f: {  	s15 =	simm.s32 $0x0;
	v13 =	vsel vm0, $0xF, v2;
	vm0 =	vlt.s32 v16, $0x0;
	s16 =	simm.s32 $0x80C0;
	[tilespmem:v14+s12+$0x0] =	vst.idx.add.s32.msk $0xffff, v4;
	v14 =	vshrl.u32 v16, $0x1C  }
.LBB2_53:
0x380: {  	s15 =	sadd.s32 $0x8, s15;
	[tilespmem:v9+s12+$0x0] =	vst.idx.add.s32.msk $0xffff, v4;
	v9 =	vshrl.u32 v7, $0x1C;
	v15 =	vsel vm0, $0xF, v2;
	v16 =	vsel vm1, $0xF, v2  }
0x381: {  	vm0 =	vlt.s32 v7, $0x0;
	v17 =	vld [tilespmem:s16+$0x10];
	p0 =	slt.u32 s15, $0x7F8;
	v7 =	vxor.u32 v14, v15;
	v11 =	vxor.u32 v11, v16  }
0x382: {  	v12 =	vxor.u32 v12, v13;
	v13 =	vsel vm0, $0xF, v2;
	[tilespmem:v8+s12+$0x0] =	vst.idx.add.s32.msk $0xffff, v4;
	v8 =	vor.u32 v3, v11  }
0x383: {  	v9 =	vxor.u32 v9, v13;
	v13 =	vor.u32 v3, v7;
	v11 =	vld [tilespmem:s16+$0xFFFFFFC0]  }
0x384: {  	v12 =	vor.u32 v3, v12;
	v15 =	vor.u32 v3, v9;
	v14 =	vld [tilespmem:s16+$0xFFFFFFD0];
	vm0 =	vlt.s32 v10, $0x0  }
0x385: {  	v7 =	vshrl.u32 v10, $0x1C;
	v9 =	vld [tilespmem:s16+$0x20];
	v10 =	vsel vm0, $0xF, v2  }
0x386: {  	vm0 =	vlt.s32 v17, $0x0;
	v16 =	vld [tilespmem:s16+$0x30];
	v10 =	vxor.u32 v7, v10  }
0x387: {  	v17 =	vshrl.u32 v17, $0x1C;
	v7 =	vld [tilespmem:s16+$0xFFFFFFE0];
	v18 =	vsel vm0, $0xF, v2;
	v10 =	vor.u32 v3, v10  }
0x388: {  	vm0 =	vlt.s32 v11, $0x0;
	v17 =	vxor.u32 v17, v18;
	[tilespmem:v13+s12+$0x0] =	vst.idx.add.s32.msk $0xffff, v4  }
0x389: {  	v11 =	vshrl.u32 v11, $0x1C;
	v13 =	vsel vm0, $0xF, v2;
	v17 =	vor.u32 v3, v17;
	[tilespmem:v8+s12+$0x0] =	vst.idx.add.s32.msk $0xffff, v4  }
0x38a: {  	v8 =	vxor.u32 v11, v13;
	v18 =	vld [tilespmem:s16+$0x0];
	v13 =	vshrl.u32 v9, $0x1C;
	vm0 =	vlt.s32 v9, $0x0  }
.Ltmp32:
0x38b: {  	v9 =	vor.u32 v3, v8;
	v8 =	vsel vm0, $0xF, v2;
	v11 =	vshrl.u32 v16, $0x1C;
	[tilespmem:v12+s12+$0x0] =	vst.idx.add.s32.msk $0xffff, v4;
	(pc) =	sbr.rel @p0 .LBB2_53-.Ltmp32, $4  }
0x38c: {  	v8 =	vxor.u32 v13, v8;
	[tilespmem:v15+s12+$0x0] =	vst.idx.add.s32.msk $0xffff, v4  }
0x38d: {  	vm0 =	vlt.s32 v14, $0x0;
	v8 =	vor.u32 v3, v8;
	[tilespmem:v10+s12+$0x0] =	vst.idx.add.s32.msk $0xffff, v4  }
0x38e: {  	v12 =	vshrl.u32 v14, $0x1C;
	v13 =	vsel vm0, $0xF, v2;
	[tilespmem:v17+s12+$0x0] =	vst.idx.add.s32.msk $0xffff, v4  }
0x38f: {  	vm1 =	vlt.s32 v16, $0x0;
	v10 =	vld [tilespmem:s16+$0xFFFFFFF0];
	v14 =	vshrl.u32 v18, $0x1C;
	vm0 =	vlt.s32 v18, $0x0;
	s16 =	sadd.s32 $0x80, s16  }
0x390: {  	_ = 	snop  }
0x391: {  	v15 =	vshrl.u32 v7, $0x1C;
	v16 =	vsel vm0, $0xF, v2;
	v17 =	vsel vm1, $0xF, v2  }
0x392: {  	vm0 =	vlt.s32 v7, $0x0;
	v12 =	vxor.u32 v12, v13;
	v7 =	vxor.u32 v14, v16  }
0x393: {  	v11 =	vxor.u32 v11, v17;
	v13 =	vsel vm0, $0xF, v2;
	v12 =	vor.u32 v3, v12  }
0x394: {  	v7 =	vor.u32 v3, v7;
	v11 =	vor.u32 v3, v11;
	vm0 =	vlt.s32 v10, $0x0  }
0x395: {  	v13 =	vxor.u32 v15, v13;
	v10 =	vshrl.u32 v10, $0x1C;
	v14 =	vsel vm0, $0xF, v2  }
0x396: {  	[tilespmem:v9+s12+$0x0] =	vst.idx.add.s32.msk $0xffff, v4;
	v9 =	vor.u32 v3, v13;
	v10 =	vxor.u32 v10, v14  }
0x397: {  	[tilespmem:v8+s12+$0x0] =	vst.idx.add.s32.msk $0xffff, v4;
	v8 =	vor.u32 v3, v10  }
0x398: {  	[tilespmem:v12+s12+$0x0] =	vst.idx.add.s32.msk $0xffff, v4  }
0x399: {  	[tilespmem:v7+s12+$0x0] =	vst.idx.add.s32.msk $0xffff, v4  }
0x39a: {  	[tilespmem:v11+s12+$0x0] =	vst.idx.add.s32.msk $0xffff, v4  }
0x39b: {  	[tilespmem:v9+s12+$0x0] =	vst.idx.add.s32.msk $0xffff, v4  }
0x39c: {  	[tilespmem:v8+s12+$0x0] =	vst.idx.add.s32.msk $0xffff, v4  }
0x39d: {  	v7 =	vld [tilespmem:$0x18000]  }
0x39e: {  	v8 =	vld [tilespmem:$0x18010]  }
0x39f: {  	v9 =	vld [tilespmem:$0x18020]  }
0x3a0: {  	v10 =	vld [tilespmem:$0x18030]  }
0x3a1: {  	v11 =	vld [tilespmem:$0x18040]  }
0x3a2: {  	v12 =	vld [tilespmem:$0x18050]  }
0x3a3: {  	v13 =	vld [tilespmem:$0x18060];
	v7 =	vadd.s32 v7, v8  }
0x3a4: {  	v8 =	vld [tilespmem:$0x18070];
	v7 =	vadd.s32 v9, v7  }
0x3a5: {  	v9 =	vld [tilespmem:$0x18080];
	v7 =	vadd.s32 v10, v7  }
0x3a6: {  	v10 =	vld [tilespmem:$0x18090];
	v7 =	vadd.s32 v11, v7  }
0x3a7: {  	v11 =	vld [tilespmem:$0x180A0];
	v7 =	vadd.s32 v12, v7  }
0x3a8: {  	v12 =	vld [tilespmem:$0x180B0];
	v7 =	vadd.s32 v13, v7  }
0x3a9: {  	v13 =	vld [tilespmem:$0x180C0];
	v7 =	vadd.s32 v8, v7  }
0x3aa: {  	v8 =	vld [tilespmem:$0x180D0];
	v7 =	vadd.s32 v9, v7  }
0x3ab: {  	v9 =	vld [tilespmem:$0x180E0];
	v7 =	vadd.s32 v10, v7  }
0x3ac: {  	v10 =	vld [tilespmem:$0x180F0];
	v7 =	vadd.s32 v11, v7  }
0x3ad: {  	v7 =	vadd.s32 v12, v7  }
0x3ae: {  	v7 =	vadd.s32 v13, v7  }
0x3af: {  	v7 =	vadd.s32 v8, v7  }
0x3b0: {  	v7 =	vadd.s32 v9, v7  }
0x3b1: {  	v7 =	vadd.s32 v10, v7  }
0x3b2: {  	v8 =	vperm.xlane v7, v5;
	_ =	sdelay $0x1  }
0x3b3: {  	(xrf0) =	vadd.scan.msk.s32 $0xffff, v8;
	_ =	sdelay $0x1  }
0x3b4: {  	[tilespmem:$0x18000] =	vst v1  }
0x3b5: {  	[tilespmem:$0x18010] =	vst v1  }
0x3b6: {  	[tilespmem:$0x18020] =	vst v1  }
0x3b7: {  	[tilespmem:$0x18030] =	vst v1  }
0x3b8: {  	[tilespmem:$0x18040] =	vst v1;
	v8, _, _ =	vpop (xrf0)  }
0x3b9: {  	[tilespmem:$0x18050] =	vst v1;
	v8 =	vperm.xlane v8, v5  }
0x3ba: {  	[tilespmem:$0x18060] =	vst v1  }
0x3bb: {  	[tilespmem:$0x18070] =	vst v1;
	vm0 =	vgt.s32 v8, $0xFF  }
0x3bc: {  	[tilespmem:$0x18080] =	vst v1;
	v9 =	vnsel vm0, $0x7FFFFFFF, v6  }
0x3bd: {  	[tilespmem:$0x18090] =	vst v1;
	(xrf0) =	vmax.scan.msk.u32 $0xffff, v9  }
0x3be: {  	[tilespmem:$0x180A0] =	vst v1  }
0x3bf: {  	[tilespmem:$0x180B0] =	vst v1  }
0x3c0: {  	[tilespmem:$0x180C0] =	vst v1  }
0x3c1: {  	[tilespmem:$0x180D0] =	vst v1  }
0x3c2: {  	[tilespmem:$0x180E0] =	vst v1  }
0x3c3: {  	s16 =	simm.s32 $0x8040;
	[tilespmem:$0x180F0] =	vst v1;
	v9, _, _ =	vpop (xrf0)  }
0x3c4: {  	v11 =	vld [tilespmem:s16+$0x10];
	(v2sf) =	vpush v9, $0xF  }
0x3c5: {  	v14 =	vld [tilespmem:s16+$0xFFFFFFF0]  }
0x3c6: {  	v16 =	vld [tilespmem:s16+$0xFFFFFFD0]  }
0x3c7: {  	v17 =	vld [tilespmem:s16+$0xFFFFFFC0]  }
0x3c8: {  	v12 =	vld [tilespmem:s16+$0x0];
	_ =	sdelay $0x1  }
0x3c9: {  	v13 =	vld [tilespmem:s16+$0xFFFFFFE0];
	_ =	sdelay $0x1  }
0x3ca: {  	v10 =	vld [tilespmem:s16+$0x20];
	v20 =	vshra.s32 v11, $0x1F;
	v22 =	vshra.s32 v16, $0x1F  }
0x3cb: {  	v24 =	vshra.s32 v14, $0x1F;
	v25 =	vshra.s32 v17, $0x1F;
	v19 =	vshra.s32 v12, $0x1F  }
0x3cc: {  	v24 =	vor.u32 $0x80000000, v24;
	v20 =	vor.u32 $0x80000000, v20;
	v25 =	vor.u32 $0x80000000, v25;
	v9 =	vld [tilespmem:s16+$0x30]  }
0x3cd: {  	v22 =	vor.u32 $0x80000000, v22;
	v23 =	vshra.s32 v13, $0x1F;
	v19 =	vor.u32 $0x80000000, v19  }
0x3ce: {  	v11 =	vxor.u32 v11, v20;
	v14 =	vxor.u32 v14, v24;
	v17 =	vxor.u32 v17, v25  }
0x3cf: {  	v16 =	vxor.u32 v16, v22;
	v23 =	vor.u32 $0x80000000, v23;
	v21 =	vshra.s32 v10, $0x1F  }
0x3d0: {  	v12 =	vxor.u32 v12, v19;
	v19 =	vshrl.u32 v11, $0x1C;
	v21 =	vor.u32 $0x80000000, v21  }
0x3d1: {  	v13 =	vxor.u32 v13, v23;
	v10 =	vxor.u32 v10, v21;
	v18 =	vshra.s32 v9, $0x1F;
	s15 =	spop (v2sf)  }
0x3d2: {  	v59 =	vshrl.u32 v12, $0x1C;
	v21 =	vshrl.u32 v10, $0x1C;
	v18 =	vor.u32 $0x80000000, v18;
	s31 =	sxor.u32 $0x80000000, s15  }
0x3d3: {  	v9 =	vxor.u32 v9, v18;
	v18 =	vshrl.u32 v17, $0x1C;
	v15 =	vmov s31  }
0x3d4: {  	v20 =	vshrl.u32 v9, $0x1C;
	vm6 =	veq.s32 v18, v15;
	v18 =	vshrl.u32 v16, $0x1C  }
0x3d5: {  	v60 =	vmpcnt.ones.xlane vm6;
	vm9 =	veq.s32 v18, v15;
	v18 =	vshrl.u32 v13, $0x1C  }
0x3d6: {  	v61 =	vmpcnt.ones.xlane vm9;
	vm10 =	veq.s32 v18, v15;
	v18 =	vshrl.u32 v14, $0x1C  }
0x3d7: {  	v62 =	vmpcnt.ones.xlane vm10;
	vm11 =	veq.s32 v18, v15;
	(v2sf) =	vpush v60, $0x0  }
0x3d8: {  	vm1 =	veq.s32 v59, v15;
	v63 =	vmpcnt.ones.xlane vm11;
	(v2sf) =	vpush v61, $0x0  }
0x3d9: {  	vm2 =	veq.s32 v19, v15;
	v22 =	vmpcnt.ones.xlane vm1;
	(v2sf) =	vpush v62, $0x0  }
0x3da: {  	s18 =	simm.s32 $0x0;
	vm4 =	veq.s32 v21, v15;
	v18 =	vmpcnt.ones.xlane vm2;
	(v2sf) =	vpush v63, $0x0  }
0x3db: {  	s17 =	simm.s32 $0x80C0;
	s16 =	simm.s32 $0x0;
	vm3 =	veq.s32 v20, v15;
	[tilespmem:s18+$0x10000] =	vst.msk vm6, v17;
	v19 =	vmpcnt.ones.xlane vm4;
	(v2sf) =	vpush v22, $0x0  }
.LBB2_55:
0x3dc: {  	v17 =	vshrl.u32 v17, $0x18;
	v21 =	vmpcnt.ones.xlane vm3;
	(v2sf) =	vpush v18, $0x0  }
0x3dd: {  	v20 =	vld [tilespmem:s17+$0x30];
	vm5 =	vmmov vm9;
	vm7 =	vmmov vm10;
	vm8 =	vmmov vm11  }
0x3de: {  	v22 =	vshrl.u32 v16, $0x18;
	v23 =	vshrl.u32 v13, $0x18;
	v18 =	vld [tilespmem:s17+$0x20];
	(v2sf) =	vpush v19, $0x0  }
0x3df: {  	v24 =	vshrl.u32 v14, $0x18;
	v25 =	vshrl.u32 v12, $0x18;
	v19 =	vld [tilespmem:s17+$0x10];
	(v2sf) =	vpush v21, $0x0  }
0x3e0: {  	v26 =	vshrl.u32 v11, $0x18;
	v27 =	vshrl.u32 v10, $0x18;
	v28 =	vshrl.u32 v9, $0x18;
	v21 =	vld [tilespmem:s17+$0x0]  }
0x3e1: {  	v17 =	vand.u32 $0xF, v17;
	v22 =	vand.u32 $0xF, v22;
	v23 =	vand.u32 $0xF, v23;
	v29 =	vld [tilespmem:s17+$0xFFFFFFF0]  }
0x3e2: {  	v24 =	vand.u32 $0xF, v24;
	v25 =	vand.u32 $0xF, v25;
	v26 =	vand.u32 $0xF, v26;
	v30 =	vld [tilespmem:s17+$0xFFFFFFE0]  }
0x3e3: {  	v27 =	vand.u32 $0xF, v27;
	v28 =	vand.u32 $0xF, v28;
	v17 =	vor.u32 v3, v17;
	v31 =	vld [tilespmem:s17+$0xFFFFFFD0]  }
0x3e4: {  	v22 =	vor.u32 v3, v22;
	v23 =	vor.u32 v3, v23;
	v24 =	vor.u32 v3, v24;
	v32 =	vld [tilespmem:s17+$0xFFFFFFC0]  }
0x3e5: {  	v25 =	vor.u32 v3, v25;
	v26 =	vor.u32 v3, v26;
	v27 =	vor.u32 v3, v27  }
0x3e6: {  	v28 =	vor.u32 v3, v28;
	v33 =	vshra.s32 v20, $0x1F  }
0x3e7: {  	s16 =	sadd.s32 $0x8, s16;
	v36 =	vshra.s32 v18, $0x1F;
	v35 =	vshra.s32 v19, $0x1F;
	v34 =	vshra.s32 v21, $0x1F;
	s19 =	spop (v2sf)  }
0x3e8: {  	p0 =	slt.u32 s16, $0x7F8;
	v39 =	vshra.s32 v29, $0x1F;
	v38 =	vshra.s32 v30, $0x1F;
	v37 =	vshra.s32 v31, $0x1F;
	[tilespmem:v17+s12+$0x0] =	vst.idx.add.s32.msk vm6, v4;
	s18 =	sadd.s32 s18, s19;
	s19 =	spop (v2sf)  }
0x3e9: {  	v33 =	vor.u32 $0x80000000, v33;
	v36 =	vor.u32 $0x80000000, v36;
	v17 =	vshra.s32 v32, $0x1F;
	[tilespmem:s18+$0x10000] =	vst.msk vm5, v16;
	s18 =	sadd.s32 s18, s19;
	s19 =	spop (v2sf)  }
0x3ea: {  	v35 =	vor.u32 $0x80000000, v35;
	v34 =	vor.u32 $0x80000000, v34;
	v16 =	vor.u32 $0x80000000, v39;
	[tilespmem:s18+$0x10000] =	vst.msk vm7, v13;
	s18 =	sadd.s32 s18, s19;
	s19 =	spop (v2sf)  }
0x3eb: {  	v37 =	vor.u32 $0x80000000, v37;
	v17 =	vor.u32 $0x80000000, v17;
	v13 =	vor.u32 $0x80000000, v38;
	[tilespmem:s18+$0x10000] =	vst.msk vm8, v14;
	s18 =	sadd.s32 s18, s19;
	s19 =	spop (v2sf)  }
0x3ec: {  	v20 =	vxor.u32 v20, v33;
	v18 =	vxor.u32 v18, v36;
	v19 =	vxor.u32 v19, v35;
	[tilespmem:s18+$0x10000] =	vst.msk vm1, v12;
	s18 =	sadd.s32 s18, s19;
	s19 =	spop (v2sf)  }
0x3ed: {  	v13 =	vxor.u32 v30, v13;
	v14 =	vxor.u32 v29, v16;
	v12 =	vxor.u32 v21, v34;
	[tilespmem:s18+$0x10000] =	vst.msk vm2, v11;
	s18 =	sadd.s32 s18, s19;
	s19 =	spop (v2sf)  }
0x3ee: {  	v17 =	vxor.u32 v32, v17;
	v16 =	vxor.u32 v31, v37;
	v21 =	vshrl.u32 v20, $0x1C;
	v11 =	vmovc v19;
	[tilespmem:s18+$0x10000] =	vst.msk vm4, v10;
	s18 =	sadd.s32 s18, s19;
	s19 =	spop (v2sf)  }
0x3ef: {  	v30 =	vshrl.u32 v18, $0x1C;
	v19 =	vshrl.u32 v17, $0x1C;
	v29 =	vshrl.u32 v11, $0x1C;
	v10 =	vmovc v18;
	[tilespmem:s18+$0x10000] =	vst.msk vm3, v9;
	s18 =	sadd.s32 s18, s19;
	v9 =	vmovc v20  }
0x3f0: {  	vm6 =	veq.s32 v19, v15;
	v18 =	vshrl.u32 v16, $0x1C;
	v19 =	vshrl.u32 v12, $0x1C;
	[tilespmem:v28+s12+$0x0] =	vst.idx.add.s32.msk vm3, v4  }
0x3f1: {  	v20 =	vmpcnt.ones.xlane vm6;
	vm9 =	veq.s32 v18, v15;
	v18 =	vshrl.u32 v13, $0x1C;
	[tilespmem:v27+s12+$0x0] =	vst.idx.add.s32.msk vm4, v4  }
0x3f2: {  	vm10 =	veq.s32 v18, v15;
	v18 =	vshrl.u32 v14, $0x1C;
	v27 =	vmpcnt.ones.xlane vm9;
	[tilespmem:v26+s12+$0x0] =	vst.idx.add.s32.msk vm2, v4  }
.Ltmp33:
0x3f3: {  	vm11 =	veq.s32 v18, v15;
	v26 =	vmpcnt.ones.xlane vm10;
	(v2sf) =	vpush v20, $0x0;
	[tilespmem:v25+s12+$0x0] =	vst.idx.add.s32.msk vm1, v4;
	(pc) =	sbr.rel @p0 .LBB2_55-.Ltmp33, $4  }
0x3f4: {  	v20 =	vmpcnt.ones.xlane vm11;
	vm1 =	veq.s32 v19, v15;
	(v2sf) =	vpush v27, $0x0;
	[tilespmem:v24+s12+$0x0] =	vst.idx.add.s32.msk vm8, v4  }
0x3f5: {  	vm2 =	veq.s32 v29, v15;
	v24 =	vmpcnt.ones.xlane vm1;
	(v2sf) =	vpush v26, $0x0;
	[tilespmem:v23+s12+$0x0] =	vst.idx.add.s32.msk vm7, v4  }
0x3f6: {  	vm4 =	veq.s32 v30, v15;
	v18 =	vmpcnt.ones.xlane vm2;
	(v2sf) =	vpush v20, $0x0;
	[tilespmem:v22+s12+$0x0] =	vst.idx.add.s32.msk vm5, v4  }
0x3f7: {  	s17 =	sadd.s32 $0x80, s17;
	vm3 =	veq.s32 v21, v15;
	v19 =	vmpcnt.ones.xlane vm4;
	[tilespmem:s18+$0x10000] =	vst.msk vm6, v17;
	(v2sf) =	vpush v24, $0x0  }
0x3f8: {  	_ = 	snop  }
0x3f9: {  	(v2sf) =	vpush v18, $0x0;
	_ =	sdelay $0x1  }
0x3fa: {  	(v2sf) =	vpush v19, $0x0  }
0x3fb: {  	v15 =	vshrl.u32 v17, $0x18  }
0x3fc: {  	v15 =	vand.u32 $0xF, v15  }
0x3fd: {  	v15 =	vor.u32 v3, v15;
	_ =	sdelay $0x3  }
0x3fe: {  	v46 =	vshrl.u32 v12, $0x18;
	s16 =	spop (v2sf)  }
0x3ff: {  	vm5 =	vmmov vm9;
	v48 =	vand.u32 $0xF, v46;
	[tilespmem:v15+s12+$0x0] =	vst.idx.add.s32.msk vm6, v4;
	s16 =	sadd.s32 s18, s16;
	s17 =	spop (v2sf)  }
0x400: {  	vm14 =	vmmov vm10;
	v45 =	vshrl.u32 v11, $0x18;
	v50 =	vor.u32 v3, v48;
	[tilespmem:s16+$0x10000] =	vst.msk vm5, v16;
	s16 =	sadd.s32 s16, s17;
	s22 =	spop (v2sf)  }
0x401: {  	vm7 =	vmmov vm11;
	v18 =	vand.u32 $0xF, v45;
	[tilespmem:s16+$0x10000] =	vst.msk vm14, v13;
	s16 =	sadd.s32 s16, s22;
	s23 =	spop (v2sf)  }
0x402: {  	v44 =	vshrl.u32 v10, $0x18;
	v18 =	vor.u32 v3, v18;
	[tilespmem:s16+$0x10000] =	vst.msk vm7, v14;
	s16 =	sadd.s32 s16, s23;
	s24 =	spop (v2sf)  }
0x403: {  	v43 =	vshrl.u32 v9, $0x18;
	v17 =	vand.u32 $0xF, v44;
	[tilespmem:s16+$0x10000] =	vst.msk vm1, v12;
	s16 =	sadd.s32 s16, s24  }
0x404: {  	v47 =	vshrl.u32 v14, $0x18;
	v17 =	vor.u32 v3, v17;
	v15 =	vand.u32 $0xF, v43;
	s25 =	spop (v2sf);
	[tilespmem:s16+$0x10000] =	vst.msk vm2, v11  }
0x405: {  	v49 =	vshrl.u32 v13, $0x18;
	v15 =	vor.u32 v3, v15;
	v12 =	vand.u32 $0xF, v47;
	s16 =	sadd.s32 s16, s25;
	[tilespmem:v50+s12+$0x0] =	vst.idx.add.s32.msk vm1, v4  }
0x406: {  	v51 =	vshrl.u32 v16, $0x18;
	s26 =	spop (v2sf);
	v11 =	vand.u32 $0xF, v49;
	v12 =	vor.u32 v3, v12;
	[tilespmem:s16+$0x10000] =	vst.msk vm4, v10  }
0x407: {  	v52 =	vand.u32 $0xF, v51;
	s16 =	sadd.s32 s16, s26;
	v53 =	vor.u32 v3, v11;
	[tilespmem:v18+s12+$0x0] =	vst.idx.add.s32.msk vm2, v4  }
0x408: {  	[tilespmem:s16+$0x10000] =	vst.msk vm3, v9;
	v9 =	vor.u32 v3, v52  }
0x409: {  	[tilespmem:v17+s12+$0x0] =	vst.idx.add.s32.msk vm4, v4  }
0x40a: {  	[tilespmem:v15+s12+$0x0] =	vst.idx.add.s32.msk vm3, v4  }
0x40b: {  	[tilespmem:v12+s12+$0x0] =	vst.idx.add.s32.msk vm11, v4  }
0x40c: {  	[tilespmem:v53+s12+$0x0] =	vst.idx.add.s32.msk vm10, v4  }
0x40d: {  	[tilespmem:v9+s12+$0x0] =	vst.idx.add.s32.msk vm9, v4  }
0x40e: {  	v9 =	vld [tilespmem:$0x18000]  }
0x40f: {  	v10 =	vld [tilespmem:$0x18010]  }
0x410: {  	v54 =	vld [tilespmem:$0x18020]  }
0x411: {  	v12 =	vld [tilespmem:$0x18030]  }
0x412: {  	v7 =	vsub.s32 v7, v8;
	v8 =	vld [tilespmem:$0x18040]  }
0x413: {  	v13 =	vld [tilespmem:$0x18050]  }
0x414: {  	v7 =	vadd.s32 $0x80000100, v7;
	v55 =	vld [tilespmem:$0x18060];
	v9 =	vadd.s32 v9, v10  }
0x415: {  	v7 =	vnsel vm0, $0x0, v7;
	v9 =	vadd.s32 v54, v9  }
0x416: {  	(xrf0) =	vmax.scan.msk.u32 $0xffff, v7;
	v7 =	vld [tilespmem:$0x18070];
	v9 =	vadd.s32 v12, v9  }
0x417: {  	v56 =	vld [tilespmem:$0x18080];
	v8 =	vadd.s32 v8, v9  }
0x418: {  	v57 =	vld [tilespmem:$0x18090];
	v8 =	vadd.s32 v13, v8  }
0x419: {  	v58 =	vld [tilespmem:$0x180A0];
	v8 =	vadd.s32 v55, v8  }
0x41a: {  	v59 =	vmpcnt.ones.xlane vm3;
	v60 =	vld [tilespmem:$0x180B0]  }
0x41b: {  	v61 =	vld [tilespmem:$0x180C0];
	v7 =	vadd.s32 v7, v8  }
0x41c: {  	(v2sf) =	vpush v59, $0x0;
	v62 =	vld [tilespmem:$0x180D0];
	v7 =	vadd.s32 v56, v7;
	v8, _, _ =	vpop (xrf0)  }
0x41d: {  	v7 =	vadd.s32 v57, v7;
	(v2sf) =	vpush v8, $0xF;
	v8 =	vld [tilespmem:$0x180E0]  }
0x41e: {  	v63 =	vld [tilespmem:$0x180F0];
	v7 =	vadd.s32 v58, v7  }
0x41f: {  	v7 =	vadd.s32 v60, v7  }
0x420: {  	v7 =	vadd.s32 v61, v7  }
0x421: {  	v7 =	vadd.s32 v62, v7  }
0x422: {  	v7 =	vadd.s32 v8, v7  }
0x423: {  	v7 =	vadd.s32 v63, v7  }
0x424: {  	v8 =	vperm.xlane v7, v5;
	_ =	sdelay $0x1  }
0x425: {  	(xrf0) =	vadd.scan.msk.s32 $0xffff, v8;
	_ =	sdelay $0x4  }
0x426: {  	s28 =	spop (v2sf)  }
0x427: {  	s29 =	spop (v2sf);
	v8, _, _ =	vpop (xrf0)  }
0x428: {  	s18 =	sxor.u32 $0x80000000, s29;
	v8 =	vperm.xlane v8, v5  }
0x429: {  	v7 =	vadd.s32 s18, v7  }
0x42a: {  	vm15 =	vlt.s32 v8, s18;
	v7 =	vsub.s32 v7, v8  }
0x42b: {  	v8 =	vsel vm15, $0x7FFFFFFF, v6;
	v7 =	vxor.u32 $0x80000000, v7  }
0x42c: {  	(xrf0) =	vmax.scan.msk.u32 $0xffff, v8;
	v7 =	vsel vm15, $0x0, v7  }
0x42d: {  	(xrf0) =	vmax.scan.msk.u32 $0xffff, v7;
	_ =	sdelay $0x4  }
0x42e: {  	v7, _, _ =	vpop (xrf0)  }
0x42f: {  	(v2sf) =	vpush v7, $0xF;
	v7, _, _ =	vpop (xrf0)  }
0x430: {  	[tilespmem:$0x18000] =	vst v1;
	(v2sf) =	vpush v7, $0xF  }
0x431: {  	[tilespmem:$0x18010] =	vst v1  }
0x432: {  	[tilespmem:$0x18020] =	vst v1;
	s18 =	sadd.s32 s16, s28  }
0x433: {  	[tilespmem:$0x18030] =	vst v1;
	s16 =	sadd.s32 $0xF, s18  }
0x434: {  	[tilespmem:$0x18040] =	vst v1;
	s30 =	sand.u32 $0xF, s16  }
0x435: {  	[tilespmem:$0x18050] =	vst v1;
	s19 =	sshra.s32 s16, $0x1F;
	p0 =	slt.s32 s16, $0x1;
	p1 =	sne.s32 s30, $0x0  }
0x436: {  	[tilespmem:$0x18060] =	vst v1;
	s31 =	sshrl.u32 s19, $0x1C;
	p0 =	por !p0, !p1  }
0x437: {  	s17 =	simm.s32 $0x1;
	[tilespmem:$0x18070] =	vst v1;
	s16 =	sadd.s32 s31, s16;
	p0 =	por !p0, !p0  }
0x438: {  	[tilespmem:$0x18080] =	vst v1;
	s16 =	sshra.s32 s16, $0x4;
	s17 =	simm.s32 @!p0 $0x0  }
0x439: {  	[tilespmem:$0x18090] =	vst v1;
	s21 =	ssub.s32 s16, s17  }
0x43a: {  	[tilespmem:$0x180A0] =	vst v1;
	p0 =	slt.s32 s21, $0x1  }
.Ltmp34:
0x43b: {  	[tilespmem:$0x180B0] =	vst v1;
	(pc) =	sbr.rel @p0 .LBB2_63-.Ltmp34, $4  }
0x43c: {  	[tilespmem:$0x180C0] =	vst v1  }
0x43d: {  	[tilespmem:$0x180D0] =	vst v1  }
0x43e: {  	[tilespmem:$0x180F0] =	vst v1;
	s16 =	spop (v2sf)  }
0x43f: {  	s20 =	simm.s32 $0x0;
	[tilespmem:$0x180E0] =	vst v1;
	s19 =	simm.s32 $0x0;
	s17 =	spop (v2sf)  }
0x440: {  	p1 =	sne.s32 s21, $0x1  }
.Ltmp35:
0x441: {  	_ = 	snop;
	(pc) =	sbr.rel @!p1 .LBB2_58-.Ltmp35, $3  }
0x442: {  	_ =	sdelay $0x1  }
0x443: {  	s20 =	sxor.u32 $0x80000000, s16;
	s22 =	simm.s32 $0x10000  }
0x444: {  	v8 =	vmov s18;
	s18 =	simm.s32 $0x0;
	p0 =	por $0x0, $0x0;
	v7 =	vmov s20;
	v9 =	vld [tilespmem:s22+$0x0];
	s20 =	sadd.s32 $0xFFFFFFFF, s21  }
0x445: {  	_ =	sdelay $0x3  }
0x446: {  	v10 =	vshrl.u32 v9, $0x18  }
0x447: {  	v11 =	vor.u32 s18, v0;
	v10 =	vand.u32 $0xF, v10  }
0x448: {  	vm1 =	vlt.s32 v11, v8;
	vm0 =	veq.s32 v10, v7  }
0x449: {  	v12 =	vshrl.u32 v9, $0x14;
	vm0 =	vmand vm1, vm0  }
0x44a: {  	v10 =	vand.u32 $0xF, v12;
	v11 =	vmpcnt.ones.xlane vm0  }
0x44b: {  	v10 =	vor.u32 v3, v10  }
0x44c: {  	p1 =	sne.s32 s20, $0x1;
	(v2sf) =	vpush v11, $0x0  }
.Ltmp36:
0x44d: {  	_ = 	snop;
	(pc) =	sbr.rel @!p1 .LBB2_60-.Ltmp36, $4  }
0x44e: {  	_ = 	snop  }
0x44f: {  	[tilespmem:s18+$0x10000] =	vst.msk vm0, v9  }
0x450: {  	s22 =	simm.s32 $0x10010;
	s23 =	sadd.s32 $0xFFFFFFFF, s20;
	[tilespmem:v10+s12+$0x0] =	vst.idx.add.s32.msk vm0, v4  }
0x451: {  	p0 =	por $0x1, $0x1;
	s21 =	simm.s32 $0x0;
	s20 =	simm.s32 $0x0;
	v9 =	vld [tilespmem:s22+$0x0]  }
.LBB2_61:
0x452: {  	p1 =	sne.s32 s23, $0x1;
	_ =	sdelay $0x3  }
0x453: {  	s21 =	sadd.s32 $0x10, s21;
	v10 =	vshrl.u32 v9, $0x18;
	v11 =	vshrl.u32 v9, $0x14  }
0x454: {  	v12 =	vor.u32 s21, v0;
	v10 =	vand.u32 $0xF, v10  }
0x455: {  	vm1 =	vlt.s32 v12, v8;
	vm0 =	veq.s32 v10, v7  }
0x456: {  	v10 =	vand.u32 $0xF, v11;
	vm0 =	vmand vm1, vm0  }
0x457: {  	v10 =	vor.u32 v3, v10;
	v11 =	vmpcnt.ones.xlane vm0  }
0x458: {  	s24 =	spop (v2sf)  }
0x459: {  	(v2sf) =	vpush v11, $0x0;
	s20 =	sadd.s32 s20, s24  }
.Ltmp37:
0x45a: {  	[tilespmem:s20+$0x10000] =	vst.msk vm0, v9;
	(pc) =	sbr.rel @p1 .LBB2_61-.Ltmp37, $4  }
0x45b: {  	_ = 	snop  }
0x45c: {  	[tilespmem:v10+s12+$0x0] =	vst.idx.add.s32.msk vm0, v4  }
0x45d: {  	s22 =	sadd.s32 $0x10, s22  }
0x45e: {  	s23 =	sadd.s32 $0xFFFFFFFF, s23;
	v9 =	vld [tilespmem:s22+$0x0]  }
.LBB2_62:
0x45f: {  	_ =	sdelay $0x2  }
0x460: {  	s21 =	sadd.s32 @p0 $0x10, s21;
	s22 =	simm.s32 $0x0  }
0x461: {  	s22 =	smov.u32 @p0 s21;
	v10 =	vshrl.u32 v9, $0x18  }
0x462: {  	v11 =	vor.u32 s22, v0;
	v10 =	vand.u32 $0xF, v10  }
0x463: {  	vm1 =	vlt.s32 v11, v8;
	vm0 =	veq.s32 v10, v7  }
0x464: {  	vm0 =	vmand vm1, vm0  }
0x465: {  	v7 =	vmpcnt.ones.xlane vm0;
	_ =	sdelay $0x1  }
0x466: {  	(v2sf) =	vpush v7, $0x0;
	_ =	sdelay $0x8  }
0x467: {  	v7 =	vshrl.u32 v9, $0x14  }
0x468: {  	v7 =	vand.u32 $0xF, v7  }
0x469: {  	v7 =	vor.u32 v3, v7  }
0x46a: {  	s21 =	spop @p0 (v2sf)  }
0x46b: {  	s20 =	sadd.s32 @p0 s20, s21  }
0x46c: {  	s18 =	smov.u32 @p0 s20  }
0x46d: {  	[tilespmem:s18+$0x10000] =	vst.msk vm0, v9;
	s31 =	spop (v2sf)  }
0x46e: {  	[tilespmem:v7+s12+$0x0] =	vst.idx.add.s32.msk vm0, v4;
	s20 =	sadd.s32 s18, s31  }
.LBB2_63:
0x46f: {  	v7 =	vld [tilespmem:$0x18000]  }
0x470: {  	v8 =	vld [tilespmem:$0x18010]  }
0x471: {  	v9 =	vld [tilespmem:$0x18020]  }
0x472: {  	v10 =	vld [tilespmem:$0x18030]  }
0x473: {  	v11 =	vld [tilespmem:$0x18040]  }
0x474: {  	v12 =	vld [tilespmem:$0x18050]  }
0x475: {  	v13 =	vld [tilespmem:$0x18060];
	v7 =	vadd.s32 v7, v8  }
0x476: {  	v8 =	vld [tilespmem:$0x18070];
	v7 =	vadd.s32 v9, v7  }
0x477: {  	v57 =	vld [tilespmem:$0x18080];
	v7 =	vadd.s32 v10, v7  }
0x478: {  	v58 =	vld [tilespmem:$0x18090];
	v7 =	vadd.s32 v11, v7  }
0x479: {  	v59 =	vld [tilespmem:$0x180A0];
	v7 =	vadd.s32 v12, v7  }
0x47a: {  	v60 =	vld [tilespmem:$0x180B0];
	v7 =	vadd.s32 v13, v7  }
0x47b: {  	v61 =	vld [tilespmem:$0x180C0];
	v7 =	vadd.s32 v8, v7  }
0x47c: {  	v8 =	vld [tilespmem:$0x180D0];
	v7 =	vadd.s32 v57, v7  }
0x47d: {  	v62 =	vld [tilespmem:$0x180E0];
	v7 =	vadd.s32 v58, v7  }
0x47e: {  	v63 =	vld [tilespmem:$0x180F0];
	v7 =	vadd.s32 v59, v7  }
0x47f: {  	v7 =	vadd.s32 v60, v7  }
0x480: {  	v7 =	vadd.s32 v61, v7  }
0x481: {  	v7 =	vadd.s32 v8, v7  }
0x482: {  	v7 =	vadd.s32 v62, v7  }
0x483: {  	v7 =	vadd.s32 v63, v7  }
0x484: {  	v8 =	vperm.xlane v7, v5;
	_ =	sdelay $0x1  }
0x485: {  	(xrf0) =	vadd.scan.msk.s32 $0xffff, v8;
	_ =	sdelay $0x5  }
0x486: {  	v8, _, _ =	vpop (xrf0)  }
0x487: {  	s17 =	sxor.u32 $0x80000000, s17;
	v8 =	vperm.xlane v8, v5  }
0x488: {  	v7 =	vadd.s32 s17, v7  }
0x489: {  	vm0 =	vlt.s32 v8, s17;
	v7 =	vsub.s32 v7, v8  }
0x48a: {  	v8 =	vsel vm0, $0x7FFFFFFF, v6;
	v7 =	vxor.u32 $0x80000000, v7  }
0x48b: {  	(xrf0) =	vmax.scan.msk.u32 $0xffff, v8;
	v7 =	vsel vm0, $0x0, v7  }
0x48c: {  	(xrf0) =	vmax.scan.msk.u32 $0xffff, v7;
	_ =	sdelay $0x4  }
0x48d: {  	v7, _, _ =	vpop (xrf0)  }
0x48e: {  	(v2sf) =	vpush v7, $0xF;
	v7, _, _ =	vpop (xrf0)  }
0x48f: {  	[tilespmem:$0x18000] =	vst v1;
	(v2sf) =	vpush v7, $0xF  }
0x490: {  	[tilespmem:$0x18010] =	vst v1  }
0x491: {  	[tilespmem:$0x18020] =	vst v1  }
0x492: {  	[tilespmem:$0x18030] =	vst v1;
	s30 =	sadd.s32 $0xF, s20  }
0x493: {  	[tilespmem:$0x18040] =	vst v1;
	s18 =	sand.u32 $0xF, s30  }
0x494: {  	[tilespmem:$0x18050] =	vst v1;
	s21 =	sshra.s32 s30, $0x1F;
	p0 =	slt.s32 s30, $0x1;
	p1 =	sne.s32 s18, $0x0  }
0x495: {  	[tilespmem:$0x18060] =	vst v1;
	s31 =	sshrl.u32 s21, $0x1C;
	p0 =	por !p0, !p1  }
0x496: {  	[tilespmem:$0x18080] =	vst v1;
	s18 =	simm.s32 $0x1;
	p0 =	por !p0, !p0;
	s17 =	sadd.s32 s31, s30  }
0x497: {  	[tilespmem:$0x18090] =	vst v1;
	s18 =	simm.s32 @!p0 $0x0;
	s17 =	sshra.s32 s17, $0x4  }
0x498: {  	[tilespmem:$0x180A0] =	vst v1;
	s21 =	ssub.s32 s17, s18  }
0x499: {  	[tilespmem:$0x180B0] =	vst v1;
	p0 =	slt.s32 s21, $0x1  }
.Ltmp38:
0x49a: {  	[tilespmem:$0x180C0] =	vst v1;
	(pc) =	sbr.rel @p0 .LBB2_70-.Ltmp38, $4  }
0x49b: {  	[tilespmem:$0x180E0] =	vst v1  }
0x49c: {  	[tilespmem:$0x180F0] =	vst v1  }
0x49d: {  	[tilespmem:$0x18070] =	vst v1;
	s17 =	spop (v2sf)  }
0x49e: {  	[tilespmem:$0x180D0] =	vst v1;
	s18 =	spop (v2sf)  }
0x49f: {  	p1 =	sne.s32 s21, $0x1  }
.Ltmp39:
0x4a0: {  	_ = 	snop;
	(pc) =	sbr.rel @!p1 .LBB2_65-.Ltmp39, $3  }
0x4a1: {  	_ =	sdelay $0x1  }
0x4a2: {  	s19 =	sxor.u32 $0x80000000, s17;
	s22 =	simm.s32 $0x10000  }
0x4a3: {  	v8 =	vmov s20;
	s20 =	sadd.s32 $0xFFFFFFFF, s21;
	p0 =	por $0x0, $0x0;
	v7 =	vmov s19;
	s19 =	simm.s32 $0x0;
	v9 =	vld [tilespmem:s22+$0x0]  }
0x4a4: {  	_ =	sdelay $0x3  }
0x4a5: {  	v10 =	vshrl.u32 v9, $0x14  }
0x4a6: {  	v11 =	vor.u32 s19, v0;
	v10 =	vand.u32 $0xF, v10  }
0x4a7: {  	vm1 =	vlt.s32 v11, v8;
	vm0 =	veq.s32 v10, v7  }
0x4a8: {  	v12 =	vshrl.u32 v9, $0x10;
	vm0 =	vmand vm1, vm0  }
0x4a9: {  	v10 =	vand.u32 $0xF, v12;
	v11 =	vmpcnt.ones.xlane vm0  }
0x4aa: {  	v10 =	vor.u32 v3, v10  }
0x4ab: {  	p1 =	sne.s32 s20, $0x1;
	(v2sf) =	vpush v11, $0x0  }
.Ltmp40:
0x4ac: {  	_ = 	snop;
	(pc) =	sbr.rel @!p1 .LBB2_67-.Ltmp40, $4  }
0x4ad: {  	_ = 	snop  }
0x4ae: {  	[tilespmem:s19+$0x10000] =	vst.msk vm0, v9  }
0x4af: {  	s22 =	simm.s32 $0x10010;
	s23 =	sadd.s32 $0xFFFFFFFF, s20;
	[tilespmem:v10+s12+$0x0] =	vst.idx.add.s32.msk vm0, v4  }
0x4b0: {  	p0 =	por $0x1, $0x1;
	s21 =	simm.s32 $0x0;
	s20 =	simm.s32 $0x0;
	v9 =	vld [tilespmem:s22+$0x0]  }
.LBB2_68:
0x4b1: {  	p1 =	sne.s32 s23, $0x1;
	_ =	sdelay $0x3  }
0x4b2: {  	s21 =	sadd.s32 $0x10, s21;
	v10 =	vshrl.u32 v9, $0x14;
	v11 =	vshrl.u32 v9, $0x10  }
0x4b3: {  	v12 =	vor.u32 s21, v0;
	v10 =	vand.u32 $0xF, v10  }
0x4b4: {  	vm1 =	vlt.s32 v12, v8;
	vm0 =	veq.s32 v10, v7  }
0x4b5: {  	v10 =	vand.u32 $0xF, v11;
	vm0 =	vmand vm1, vm0  }
0x4b6: {  	v10 =	vor.u32 v3, v10;
	v11 =	vmpcnt.ones.xlane vm0  }
0x4b7: {  	s24 =	spop (v2sf)  }
0x4b8: {  	(v2sf) =	vpush v11, $0x0;
	s20 =	sadd.s32 s20, s24  }
.Ltmp41:
0x4b9: {  	[tilespmem:s20+$0x10000] =	vst.msk vm0, v9;
	(pc) =	sbr.rel @p1 .LBB2_68-.Ltmp41, $4  }
0x4ba: {  	_ = 	snop  }
0x4bb: {  	[tilespmem:v10+s12+$0x0] =	vst.idx.add.s32.msk vm0, v4  }
0x4bc: {  	s22 =	sadd.s32 $0x10, s22  }
0x4bd: {  	s23 =	sadd.s32 $0xFFFFFFFF, s23;
	v9 =	vld [tilespmem:s22+$0x0]  }
.LBB2_69:
0x4be: {  	_ =	sdelay $0x2  }
0x4bf: {  	s21 =	sadd.s32 @p0 $0x10, s21;
	s22 =	simm.s32 $0x0  }
0x4c0: {  	s22 =	smov.u32 @p0 s21;
	v10 =	vshrl.u32 v9, $0x14  }
0x4c1: {  	v11 =	vor.u32 s22, v0;
	v10 =	vand.u32 $0xF, v10  }
0x4c2: {  	vm1 =	vlt.s32 v11, v8;
	vm0 =	veq.s32 v10, v7  }
0x4c3: {  	vm0 =	vmand vm1, vm0  }
0x4c4: {  	v7 =	vmpcnt.ones.xlane vm0;
	_ =	sdelay $0x1  }
0x4c5: {  	(v2sf) =	vpush v7, $0x0;
	_ =	sdelay $0x8  }
0x4c6: {  	v7 =	vshrl.u32 v9, $0x10  }
0x4c7: {  	v7 =	vand.u32 $0xF, v7  }
0x4c8: {  	v7 =	vor.u32 v3, v7  }
0x4c9: {  	s21 =	spop @p0 (v2sf)  }
0x4ca: {  	s20 =	sadd.s32 @p0 s20, s21  }
0x4cb: {  	s19 =	smov.u32 @p0 s20  }
0x4cc: {  	[tilespmem:s19+$0x10000] =	vst.msk vm0, v9;
	s31 =	spop (v2sf)  }
0x4cd: {  	[tilespmem:v7+s12+$0x0] =	vst.idx.add.s32.msk vm0, v4;
	s19 =	sadd.s32 s19, s31  }
.LBB2_70:
0x4ce: {  	v7 =	vld [tilespmem:$0x18000]  }
0x4cf: {  	v8 =	vld [tilespmem:$0x18010]  }
0x4d0: {  	v9 =	vld [tilespmem:$0x18020]  }
0x4d1: {  	v10 =	vld [tilespmem:$0x18030]  }
0x4d2: {  	v11 =	vld [tilespmem:$0x18040]  }
0x4d3: {  	v12 =	vld [tilespmem:$0x18050]  }
0x4d4: {  	v13 =	vld [tilespmem:$0x18060];
	v7 =	vadd.s32 v7, v8  }
0x4d5: {  	v8 =	vld [tilespmem:$0x18070];
	v7 =	vadd.s32 v9, v7  }
0x4d6: {  	v57 =	vld [tilespmem:$0x18080];
	v7 =	vadd.s32 v10, v7  }
0x4d7: {  	v58 =	vld [tilespmem:$0x18090];
	v7 =	vadd.s32 v11, v7  }
0x4d8: {  	v59 =	vld [tilespmem:$0x180A0];
	v7 =	vadd.s32 v12, v7  }
0x4d9: {  	v60 =	vld [tilespmem:$0x180B0];
	v7 =	vadd.s32 v13, v7  }
0x4da: {  	v61 =	vld [tilespmem:$0x180C0];
	v7 =	vadd.s32 v8, v7  }
0x4db: {  	v8 =	vld [tilespmem:$0x180D0];
	v7 =	vadd.s32 v57, v7  }
0x4dc: {  	v62 =	vld [tilespmem:$0x180E0];
	v7 =	vadd.s32 v58, v7  }
0x4dd: {  	v63 =	vld [tilespmem:$0x180F0];
	v7 =	vadd.s32 v59, v7  }
0x4de: {  	v7 =	vadd.s32 v60, v7  }
0x4df: {  	v7 =	vadd.s32 v61, v7  }
0x4e0: {  	v7 =	vadd.s32 v8, v7  }
0x4e1: {  	v7 =	vadd.s32 v62, v7  }
0x4e2: {  	v7 =	vadd.s32 v63, v7  }
0x4e3: {  	v8 =	vperm.xlane v7, v5;
	_ =	sdelay $0x1  }
0x4e4: {  	(xrf0) =	vadd.scan.msk.s32 $0xffff, v8;
	_ =	sdelay $0x5  }
0x4e5: {  	v8, _, _ =	vpop (xrf0)  }
0x4e6: {  	s18 =	sxor.u32 $0x80000000, s18;
	v8 =	vperm.xlane v8, v5  }
0x4e7: {  	v7 =	vadd.s32 s18, v7  }
0x4e8: {  	vm0 =	vlt.s32 v8, s18;
	v7 =	vsub.s32 v7, v8  }
0x4e9: {  	v8 =	vsel vm0, $0x7FFFFFFF, v6;
	v7 =	vxor.u32 $0x80000000, v7  }
0x4ea: {  	(xrf0) =	vmax.scan.msk.u32 $0xffff, v8;
	v7 =	vsel vm0, $0x0, v7  }
0x4eb: {  	(xrf0) =	vmax.scan.msk.u32 $0xffff, v7;
	_ =	sdelay $0x4  }
0x4ec: {  	v7, _, _ =	vpop (xrf0)  }
0x4ed: {  	(v2sf) =	vpush v7, $0xF;
	v7, _, _ =	vpop (xrf0)  }
0x4ee: {  	[tilespmem:$0x18000] =	vst v1;
	(v2sf) =	vpush v7, $0xF  }
0x4ef: {  	[tilespmem:$0x18010] =	vst v1  }
0x4f0: {  	[tilespmem:$0x18020] =	vst v1  }
0x4f1: {  	[tilespmem:$0x18030] =	vst v1;
	s30 =	sadd.s32 $0xF, s19  }
0x4f2: {  	[tilespmem:$0x18040] =	vst v1;
	s20 =	sand.u32 $0xF, s30  }
0x4f3: {  	[tilespmem:$0x18050] =	vst v1;
	s21 =	sshra.s32 s30, $0x1F;
	p0 =	slt.s32 s30, $0x1;
	p1 =	sne.s32 s20, $0x0  }
0x4f4: {  	[tilespmem:$0x18060] =	vst v1;
	s31 =	sshrl.u32 s21, $0x1C;
	p0 =	por !p0, !p1  }
0x4f5: {  	[tilespmem:$0x18080] =	vst v1;
	s20 =	simm.s32 $0x1;
	p0 =	por !p0, !p0;
	s18 =	sadd.s32 s31, s30  }
0x4f6: {  	[tilespmem:$0x18090] =	vst v1;
	s20 =	simm.s32 @!p0 $0x0;
	s18 =	sshra.s32 s18, $0x4  }
0x4f7: {  	[tilespmem:$0x180A0] =	vst v1;
	s23 =	ssub.s32 s18, s20  }
0x4f8: {  	[tilespmem:$0x180B0] =	vst v1;
	p0 =	slt.s32 s23, $0x1  }
.Ltmp42:
0x4f9: {  	[tilespmem:$0x180C0] =	vst v1;
	(pc) =	sbr.rel @p0 .LBB2_77-.Ltmp42, $4  }
0x4fa: {  	[tilespmem:$0x180E0] =	vst v1  }
0x4fb: {  	[tilespmem:$0x180F0] =	vst v1  }
0x4fc: {  	[tilespmem:$0x18070] =	vst v1;
	s18 =	spop (v2sf)  }
0x4fd: {  	s22 =	simm.s32 $0x0;
	s21 =	simm.s32 $0x0;
	[tilespmem:$0x180D0] =	vst v1;
	s20 =	spop (v2sf)  }
0x4fe: {  	p1 =	sne.s32 s23, $0x1  }
.Ltmp43:
0x4ff: {  	_ = 	snop;
	(pc) =	sbr.rel @!p1 .LBB2_72-.Ltmp43, $3  }
0x500: {  	_ =	sdelay $0x1  }
0x501: {  	s22 =	sxor.u32 $0x80000000, s18;
	s24 =	simm.s32 $0x10000  }
0x502: {  	v8 =	vmov s19;
	s19 =	simm.s32 $0x0;
	p0 =	por $0x0, $0x0;
	v7 =	vmov s22;
	v9 =	vld [tilespmem:s24+$0x0];
	s22 =	sadd.s32 $0xFFFFFFFF, s23  }
0x503: {  	_ =	sdelay $0x3  }
0x504: {  	v10 =	vshrl.u32 v9, $0x10  }
0x505: {  	v11 =	vor.u32 s19, v0;
	v10 =	vand.u32 $0xF, v10  }
0x506: {  	vm1 =	vlt.s32 v11, v8;
	vm0 =	veq.s32 v10, v7  }
0x507: {  	v12 =	vshrl.u32 v9, $0xC;
	vm0 =	vmand vm1, vm0  }
0x508: {  	v10 =	vand.u32 $0xF, v12;
	v11 =	vmpcnt.ones.xlane vm0  }
0x509: {  	v10 =	vor.u32 v3, v10  }
0x50a: {  	p1 =	sne.s32 s22, $0x1;
	(v2sf) =	vpush v11, $0x0  }
.Ltmp44:
0x50b: {  	_ = 	snop;
	(pc) =	sbr.rel @!p1 .LBB2_74-.Ltmp44, $4  }
0x50c: {  	_ = 	snop  }
0x50d: {  	[tilespmem:s19+$0x10000] =	vst.msk vm0, v9  }
0x50e: {  	s24 =	simm.s32 $0x10010;
	s25 =	sadd.s32 $0xFFFFFFFF, s22;
	[tilespmem:v10+s12+$0x0] =	vst.idx.add.s32.msk vm0, v4  }
0x50f: {  	p0 =	por $0x1, $0x1;
	s23 =	simm.s32 $0x0;
	s22 =	simm.s32 $0x0;
	v9 =	vld [tilespmem:s24+$0x0]  }
.LBB2_75:
0x510: {  	p1 =	sne.s32 s25, $0x1;
	_ =	sdelay $0x3  }
0x511: {  	s23 =	sadd.s32 $0x10, s23;
	v10 =	vshrl.u32 v9, $0x10;
	v11 =	vshrl.u32 v9, $0xC  }
0x512: {  	v12 =	vor.u32 s23, v0;
	v10 =	vand.u32 $0xF, v10  }
0x513: {  	vm1 =	vlt.s32 v12, v8;
	vm0 =	veq.s32 v10, v7  }
0x514: {  	v10 =	vand.u32 $0xF, v11;
	vm0 =	vmand vm1, vm0  }
0x515: {  	v10 =	vor.u32 v3, v10;
	v11 =	vmpcnt.ones.xlane vm0  }
0x516: {  	s26 =	spop (v2sf)  }
0x517: {  	(v2sf) =	vpush v11, $0x0;
	s22 =	sadd.s32 s22, s26  }
.Ltmp45:
0x518: {  	[tilespmem:s22+$0x10000] =	vst.msk vm0, v9;
	(pc) =	sbr.rel @p1 .LBB2_75-.Ltmp45, $4  }
0x519: {  	_ = 	snop  }
0x51a: {  	[tilespmem:v10+s12+$0x0] =	vst.idx.add.s32.msk vm0, v4  }
0x51b: {  	s24 =	sadd.s32 $0x10, s24  }
0x51c: {  	s25 =	sadd.s32 $0xFFFFFFFF, s25;
	v9 =	vld [tilespmem:s24+$0x0]  }
.LBB2_76:
0x51d: {  	_ =	sdelay $0x2  }
0x51e: {  	s23 =	sadd.s32 @p0 $0x10, s23;
	s24 =	simm.s32 $0x0  }
0x51f: {  	s24 =	smov.u32 @p0 s23;
	v10 =	vshrl.u32 v9, $0x10  }
0x520: {  	v11 =	vor.u32 s24, v0;
	v10 =	vand.u32 $0xF, v10  }
0x521: {  	vm1 =	vlt.s32 v11, v8;
	vm0 =	veq.s32 v10, v7  }
0x522: {  	vm0 =	vmand vm1, vm0  }
0x523: {  	v7 =	vmpcnt.ones.xlane vm0;
	_ =	sdelay $0x1  }
0x524: {  	(v2sf) =	vpush v7, $0x0;
	_ =	sdelay $0x8  }
0x525: {  	v7 =	vshrl.u32 v9, $0xC  }
0x526: {  	v7 =	vand.u32 $0xF, v7  }
0x527: {  	v7 =	vor.u32 v3, v7  }
0x528: {  	s23 =	spop @p0 (v2sf)  }
0x529: {  	s22 =	sadd.s32 @p0 s22, s23  }
0x52a: {  	s19 =	smov.u32 @p0 s22  }
0x52b: {  	[tilespmem:s19+$0x10000] =	vst.msk vm0, v9;
	s31 =	spop (v2sf)  }
0x52c: {  	[tilespmem:v7+s12+$0x0] =	vst.idx.add.s32.msk vm0, v4;
	s22 =	sadd.s32 s19, s31  }
.LBB2_77:
0x52d: {  	v7 =	vld [tilespmem:$0x18000]  }
0x52e: {  	v8 =	vld [tilespmem:$0x18010]  }
0x52f: {  	v9 =	vld [tilespmem:$0x18020]  }
0x530: {  	v10 =	vld [tilespmem:$0x18030]  }
0x531: {  	v11 =	vld [tilespmem:$0x18040]  }
0x532: {  	v12 =	vld [tilespmem:$0x18050]  }
0x533: {  	v13 =	vld [tilespmem:$0x18060];
	v7 =	vadd.s32 v7, v8  }
0x534: {  	v8 =	vld [tilespmem:$0x18070];
	v7 =	vadd.s32 v9, v7  }
0x535: {  	v57 =	vld [tilespmem:$0x18080];
	v7 =	vadd.s32 v10, v7  }
0x536: {  	v58 =	vld [tilespmem:$0x18090];
	v7 =	vadd.s32 v11, v7  }
0x537: {  	v59 =	vld [tilespmem:$0x180A0];
	v7 =	vadd.s32 v12, v7  }
0x538: {  	v60 =	vld [tilespmem:$0x180B0];
	v7 =	vadd.s32 v13, v7  }
0x539: {  	v61 =	vld [tilespmem:$0x180C0];
	v7 =	vadd.s32 v8, v7  }
0x53a: {  	v8 =	vld [tilespmem:$0x180D0];
	v7 =	vadd.s32 v57, v7  }
0x53b: {  	v62 =	vld [tilespmem:$0x180E0];
	v7 =	vadd.s32 v58, v7  }
0x53c: {  	v63 =	vld [tilespmem:$0x180F0];
	v7 =	vadd.s32 v59, v7  }
0x53d: {  	v7 =	vadd.s32 v60, v7  }
0x53e: {  	v7 =	vadd.s32 v61, v7  }
0x53f: {  	v7 =	vadd.s32 v8, v7  }
0x540: {  	v7 =	vadd.s32 v62, v7  }
0x541: {  	v7 =	vadd.s32 v63, v7  }
0x542: {  	v8 =	vperm.xlane v7, v5;
	_ =	sdelay $0x1  }
0x543: {  	(xrf0) =	vadd.scan.msk.s32 $0xffff, v8;
	_ =	sdelay $0x5  }
0x544: {  	v8, _, _ =	vpop (xrf0)  }
0x545: {  	s19 =	sxor.u32 $0x80000000, s20;
	v8 =	vperm.xlane v8, v5  }
0x546: {  	v7 =	vadd.s32 s19, v7  }
0x547: {  	vm0 =	vlt.s32 v8, s19;
	v7 =	vsub.s32 v7, v8  }
0x548: {  	v8 =	vsel vm0, $0x7FFFFFFF, v6;
	v7 =	vxor.u32 $0x80000000, v7  }
0x549: {  	(xrf0) =	vmax.scan.msk.u32 $0xffff, v8;
	v7 =	vsel vm0, $0x0, v7  }
0x54a: {  	(xrf0) =	vmax.scan.msk.u32 $0xffff, v7;
	_ =	sdelay $0x4  }
0x54b: {  	v7, _, _ =	vpop (xrf0)  }
0x54c: {  	(v2sf) =	vpush v7, $0xF;
	v7, _, _ =	vpop (xrf0)  }
0x54d: {  	[tilespmem:$0x18000] =	vst v1;
	(v2sf) =	vpush v7, $0xF  }
0x54e: {  	[tilespmem:$0x18010] =	vst v1  }
0x54f: {  	[tilespmem:$0x18020] =	vst v1  }
0x550: {  	[tilespmem:$0x18030] =	vst v1;
	s29 =	sadd.s32 $0xF, s22  }
0x551: {  	[tilespmem:$0x18040] =	vst v1;
	s30 =	sand.u32 $0xF, s29  }
0x552: {  	[tilespmem:$0x18050] =	vst v1;
	s23 =	sshra.s32 s29, $0x1F;
	p0 =	slt.s32 s29, $0x1;
	p1 =	sne.s32 s30, $0x0  }
0x553: {  	[tilespmem:$0x18060] =	vst v1;
	s31 =	sshrl.u32 s23, $0x1C;
	p0 =	por !p0, !p1  }
0x554: {  	[tilespmem:$0x18080] =	vst v1;
	s20 =	simm.s32 $0x1;
	p0 =	por !p0, !p0;
	s19 =	sadd.s32 s31, s29  }
0x555: {  	[tilespmem:$0x18090] =	vst v1;
	s20 =	simm.s32 @!p0 $0x0;
	s19 =	sshra.s32 s19, $0x4  }
0x556: {  	[tilespmem:$0x180A0] =	vst v1;
	s23 =	ssub.s32 s19, s20  }
0x557: {  	[tilespmem:$0x180B0] =	vst v1;
	p0 =	slt.s32 s23, $0x1  }
.Ltmp46:
0x558: {  	[tilespmem:$0x180C0] =	vst v1;
	(pc) =	sbr.rel @p0 .LBB2_84-.Ltmp46, $4  }
0x559: {  	[tilespmem:$0x180E0] =	vst v1  }
0x55a: {  	[tilespmem:$0x180F0] =	vst v1  }
0x55b: {  	[tilespmem:$0x18070] =	vst v1;
	s19 =	spop (v2sf)  }
0x55c: {  	[tilespmem:$0x180D0] =	vst v1;
	s20 =	spop (v2sf)  }
0x55d: {  	p1 =	sne.s32 s23, $0x1  }
.Ltmp47:
0x55e: {  	_ = 	snop;
	(pc) =	sbr.rel @!p1 .LBB2_79-.Ltmp47, $3  }
0x55f: {  	_ =	sdelay $0x1  }
0x560: {  	s21 =	sxor.u32 $0x80000000, s19;
	s24 =	simm.s32 $0x10000  }
0x561: {  	v8 =	vmov s22;
	s22 =	sadd.s32 $0xFFFFFFFF, s23;
	p0 =	por $0x0, $0x0;
	v7 =	vmov s21;
	s21 =	simm.s32 $0x0;
	v9 =	vld [tilespmem:s24+$0x0]  }
0x562: {  	_ =	sdelay $0x3  }
0x563: {  	v10 =	vshrl.u32 v9, $0xC  }
0x564: {  	v11 =	vor.u32 s21, v0;
	v10 =	vand.u32 $0xF, v10  }
0x565: {  	vm1 =	vlt.s32 v11, v8;
	vm0 =	veq.s32 v10, v7  }
0x566: {  	v12 =	vshrl.u32 v9, $0x8;
	vm0 =	vmand vm1, vm0  }
0x567: {  	v10 =	vand.u32 $0xF, v12;
	v11 =	vmpcnt.ones.xlane vm0  }
0x568: {  	v10 =	vor.u32 v3, v10  }
0x569: {  	p1 =	sne.s32 s22, $0x1;
	(v2sf) =	vpush v11, $0x0  }
.Ltmp48:
0x56a: {  	_ = 	snop;
	(pc) =	sbr.rel @!p1 .LBB2_81-.Ltmp48, $4  }
0x56b: {  	_ = 	snop  }
0x56c: {  	[tilespmem:s21+$0x10000] =	vst.msk vm0, v9  }
0x56d: {  	s24 =	simm.s32 $0x10010;
	s25 =	sadd.s32 $0xFFFFFFFF, s22;
	[tilespmem:v10+s12+$0x0] =	vst.idx.add.s32.msk vm0, v4  }
0x56e: {  	p0 =	por $0x1, $0x1;
	s23 =	simm.s32 $0x0;
	s22 =	simm.s32 $0x0;
	v9 =	vld [tilespmem:s24+$0x0]  }
.LBB2_82:
0x56f: {  	p1 =	sne.s32 s25, $0x1;
	_ =	sdelay $0x3  }
0x570: {  	s23 =	sadd.s32 $0x10, s23;
	v10 =	vshrl.u32 v9, $0xC;
	v11 =	vshrl.u32 v9, $0x8  }
0x571: {  	v12 =	vor.u32 s23, v0;
	v10 =	vand.u32 $0xF, v10  }
0x572: {  	vm1 =	vlt.s32 v12, v8;
	vm0 =	veq.s32 v10, v7  }
0x573: {  	v10 =	vand.u32 $0xF, v11;
	vm0 =	vmand vm1, vm0  }
0x574: {  	v10 =	vor.u32 v3, v10;
	v11 =	vmpcnt.ones.xlane vm0  }
0x575: {  	s26 =	spop (v2sf)  }
0x576: {  	(v2sf) =	vpush v11, $0x0;
	s22 =	sadd.s32 s22, s26  }
.Ltmp49:
0x577: {  	[tilespmem:s22+$0x10000] =	vst.msk vm0, v9;
	(pc) =	sbr.rel @p1 .LBB2_82-.Ltmp49, $4  }
0x578: {  	_ = 	snop  }
0x579: {  	[tilespmem:v10+s12+$0x0] =	vst.idx.add.s32.msk vm0, v4  }
0x57a: {  	s24 =	sadd.s32 $0x10, s24  }
0x57b: {  	s25 =	sadd.s32 $0xFFFFFFFF, s25;
	v9 =	vld [tilespmem:s24+$0x0]  }
.LBB2_83:
0x57c: {  	_ =	sdelay $0x2  }
0x57d: {  	s23 =	sadd.s32 @p0 $0x10, s23;
	s24 =	simm.s32 $0x0  }
0x57e: {  	s24 =	smov.u32 @p0 s23;
	v10 =	vshrl.u32 v9, $0xC  }
0x57f: {  	v11 =	vor.u32 s24, v0;
	v10 =	vand.u32 $0xF, v10  }
0x580: {  	vm1 =	vlt.s32 v11, v8;
	vm0 =	veq.s32 v10, v7  }
0x581: {  	vm0 =	vmand vm1, vm0  }
0x582: {  	v7 =	vmpcnt.ones.xlane vm0;
	_ =	sdelay $0x1  }
0x583: {  	(v2sf) =	vpush v7, $0x0;
	_ =	sdelay $0x8  }
0x584: {  	v7 =	vshrl.u32 v9, $0x8  }
0x585: {  	v7 =	vand.u32 $0xF, v7  }
0x586: {  	v7 =	vor.u32 v3, v7  }
0x587: {  	s23 =	spop @p0 (v2sf)  }
0x588: {  	s22 =	sadd.s32 @p0 s22, s23  }
0x589: {  	s21 =	smov.u32 @p0 s22  }
0x58a: {  	[tilespmem:s21+$0x10000] =	vst.msk vm0, v9;
	s31 =	spop (v2sf)  }
0x58b: {  	[tilespmem:v7+s12+$0x0] =	vst.idx.add.s32.msk vm0, v4;
	s21 =	sadd.s32 s21, s31  }
.LBB2_84:
0x58c: {  	v7 =	vld [tilespmem:$0x18000]  }
0x58d: {  	v8 =	vld [tilespmem:$0x18010]  }
0x58e: {  	v9 =	vld [tilespmem:$0x18020]  }
0x58f: {  	v10 =	vld [tilespmem:$0x18030]  }
0x590: {  	v11 =	vld [tilespmem:$0x18040]  }
0x591: {  	v12 =	vld [tilespmem:$0x18050]  }
0x592: {  	v13 =	vld [tilespmem:$0x18060];
	v7 =	vadd.s32 v7, v8  }
0x593: {  	v8 =	vld [tilespmem:$0x18070];
	v7 =	vadd.s32 v9, v7  }
0x594: {  	v57 =	vld [tilespmem:$0x18080];
	v7 =	vadd.s32 v10, v7  }
0x595: {  	v58 =	vld [tilespmem:$0x18090];
	v7 =	vadd.s32 v11, v7  }
0x596: {  	v59 =	vld [tilespmem:$0x180A0];
	v7 =	vadd.s32 v12, v7  }
0x597: {  	v60 =	vld [tilespmem:$0x180B0];
	v7 =	vadd.s32 v13, v7  }
0x598: {  	v61 =	vld [tilespmem:$0x180C0];
	v7 =	vadd.s32 v8, v7  }
0x599: {  	v8 =	vld [tilespmem:$0x180D0];
	v7 =	vadd.s32 v57, v7  }
0x59a: {  	v62 =	vld [tilespmem:$0x180E0];
	v7 =	vadd.s32 v58, v7  }
0x59b: {  	v63 =	vld [tilespmem:$0x180F0];
	v7 =	vadd.s32 v59, v7  }
0x59c: {  	v7 =	vadd.s32 v60, v7  }
0x59d: {  	v7 =	vadd.s32 v61, v7  }
0x59e: {  	v7 =	vadd.s32 v8, v7  }
0x59f: {  	v7 =	vadd.s32 v62, v7  }
0x5a0: {  	v7 =	vadd.s32 v63, v7  }
0x5a1: {  	v8 =	vperm.xlane v7, v5;
	_ =	sdelay $0x1  }
0x5a2: {  	(xrf0) =	vadd.scan.msk.s32 $0xffff, v8;
	_ =	sdelay $0x5  }
0x5a3: {  	v8, _, _ =	vpop (xrf0)  }
0x5a4: {  	s20 =	sxor.u32 $0x80000000, s20;
	v8 =	vperm.xlane v8, v5  }
0x5a5: {  	v7 =	vadd.s32 s20, v7  }
0x5a6: {  	vm0 =	vlt.s32 v8, s20;
	v7 =	vsub.s32 v7, v8  }
0x5a7: {  	v8 =	vsel vm0, $0x7FFFFFFF, v6;
	v7 =	vxor.u32 $0x80000000, v7  }
0x5a8: {  	(xrf0) =	vmax.scan.msk.u32 $0xffff, v8;
	v7 =	vsel vm0, $0x0, v7  }
0x5a9: {  	(xrf0) =	vmax.scan.msk.u32 $0xffff, v7;
	_ =	sdelay $0x4  }
0x5aa: {  	v7, _, _ =	vpop (xrf0)  }
0x5ab: {  	(v2sf) =	vpush v7, $0xF;
	v7, _, _ =	vpop (xrf0)  }
0x5ac: {  	[tilespmem:$0x18000] =	vst v1;
	(v2sf) =	vpush v7, $0xF  }
0x5ad: {  	[tilespmem:$0x18010] =	vst v1  }
0x5ae: {  	[tilespmem:$0x18020] =	vst v1  }
0x5af: {  	[tilespmem:$0x18030] =	vst v1;
	s30 =	sadd.s32 $0xF, s21  }
0x5b0: {  	[tilespmem:$0x18040] =	vst v1;
	s22 =	sand.u32 $0xF, s30  }
0x5b1: {  	[tilespmem:$0x18050] =	vst v1;
	s23 =	sshra.s32 s30, $0x1F;
	p0 =	slt.s32 s30, $0x1;
	p1 =	sne.s32 s22, $0x0  }
0x5b2: {  	[tilespmem:$0x18060] =	vst v1;
	s31 =	sshrl.u32 s23, $0x1C;
	p0 =	por !p0, !p1  }
0x5b3: {  	[tilespmem:$0x18080] =	vst v1;
	s22 =	simm.s32 $0x1;
	p0 =	por !p0, !p0;
	s20 =	sadd.s32 s31, s30  }
0x5b4: {  	[tilespmem:$0x18090] =	vst v1;
	s22 =	simm.s32 @!p0 $0x0;
	s20 =	sshra.s32 s20, $0x4  }
0x5b5: {  	[tilespmem:$0x180A0] =	vst v1;
	s23 =	ssub.s32 s20, s22  }
0x5b6: {  	[tilespmem:$0x180B0] =	vst v1;
	p0 =	slt.s32 s23, $0x1  }
.Ltmp50:
0x5b7: {  	[tilespmem:$0x180C0] =	vst v1;
	(pc) =	sbr.rel @p0 .LBB2_85-.Ltmp50, $4  }
0x5b8: {  	[tilespmem:$0x180E0] =	vst v1  }
0x5b9: {  	[tilespmem:$0x180F0] =	vst v1  }
0x5ba: {  	[tilespmem:$0x18070] =	vst v1;
	s20 =	spop (v2sf)  }
0x5bb: {  	[tilespmem:$0x180D0] =	vst v1;
	s22 =	spop (v2sf)  }
0x5bc: {  	p1 =	sne.s32 s23, $0x1  }
.Ltmp51:
0x5bd: {  	_ = 	snop;
	(pc) =	sbr.rel @!p1 .LBB2_87-.Ltmp51, $3  }
0x5be: {  	_ =	sdelay $0x1  }
0x5bf: {  	s24 =	sxor.u32 $0x80000000, s20;
	s25 =	simm.s32 $0x10000  }
0x5c0: {  	v8 =	vmov s21;
	s21 =	simm.s32 $0x0;
	s23 =	sadd.s32 $0xFFFFFFFF, s23;
	p0 =	por $0x0, $0x0;
	v7 =	vmov s24;
	v9 =	vld [tilespmem:s25+$0x0]  }
0x5c1: {  	_ =	sdelay $0x3  }
0x5c2: {  	v10 =	vshrl.u32 v9, $0x8  }
0x5c3: {  	v11 =	vor.u32 s21, v0;
	v10 =	vand.u32 $0xF, v10  }
0x5c4: {  	vm1 =	vlt.s32 v11, v8;
	vm0 =	veq.s32 v10, v7  }
0x5c5: {  	v12 =	vshrl.u32 v9, $0x4;
	vm0 =	vmand vm1, vm0  }
0x5c6: {  	v10 =	vand.u32 $0xF, v12;
	v11 =	vmpcnt.ones.xlane vm0  }
0x5c7: {  	v10 =	vor.u32 v3, v10  }
0x5c8: {  	p1 =	sne.s32 s23, $0x1;
	(v2sf) =	vpush v11, $0x0  }
.Ltmp52:
0x5c9: {  	_ = 	snop;
	(pc) =	sbr.rel @!p1 .LBB2_89-.Ltmp52, $4  }
0x5ca: {  	_ = 	snop  }
0x5cb: {  	[tilespmem:s21+$0x10000] =	vst.msk vm0, v9  }
0x5cc: {  	s25 =	simm.s32 $0x10010;
	s26 =	sadd.s32 $0xFFFFFFFF, s23;
	[tilespmem:v10+s12+$0x0] =	vst.idx.add.s32.msk vm0, v4  }
0x5cd: {  	p0 =	por $0x1, $0x1;
	s24 =	simm.s32 $0x0;
	s23 =	simm.s32 $0x0;
	v9 =	vld [tilespmem:s25+$0x0]  }
.LBB2_90:
0x5ce: {  	p1 =	sne.s32 s26, $0x1;
	_ =	sdelay $0x3  }
0x5cf: {  	s24 =	sadd.s32 $0x10, s24;
	v10 =	vshrl.u32 v9, $0x8;
	v11 =	vshrl.u32 v9, $0x4  }
0x5d0: {  	v12 =	vor.u32 s24, v0;
	v10 =	vand.u32 $0xF, v10  }
0x5d1: {  	vm1 =	vlt.s32 v12, v8;
	vm0 =	veq.s32 v10, v7  }
0x5d2: {  	v10 =	vand.u32 $0xF, v11;
	vm0 =	vmand vm1, vm0  }
0x5d3: {  	v10 =	vor.u32 v3, v10;
	v11 =	vmpcnt.ones.xlane vm0  }
0x5d4: {  	s28 =	spop (v2sf)  }
0x5d5: {  	(v2sf) =	vpush v11, $0x0;
	s23 =	sadd.s32 s23, s28  }
.Ltmp53:
0x5d6: {  	[tilespmem:s23+$0x10000] =	vst.msk vm0, v9;
	(pc) =	sbr.rel @p1 .LBB2_90-.Ltmp53, $4  }
0x5d7: {  	_ = 	snop  }
0x5d8: {  	[tilespmem:v10+s12+$0x0] =	vst.idx.add.s32.msk vm0, v4  }
0x5d9: {  	s25 =	sadd.s32 $0x10, s25  }
0x5da: {  	s26 =	sadd.s32 $0xFFFFFFFF, s26;
	v9 =	vld [tilespmem:s25+$0x0]  }
.LBB2_91:
0x5db: {  	_ =	sdelay $0x2  }
0x5dc: {  	s24 =	sadd.s32 @p0 $0x10, s24;
	s25 =	simm.s32 $0x0  }
0x5dd: {  	s25 =	smov.u32 @p0 s24;
	v10 =	vshrl.u32 v9, $0x8  }
0x5de: {  	v11 =	vor.u32 s25, v0;
	v10 =	vand.u32 $0xF, v10  }
0x5df: {  	vm1 =	vlt.s32 v11, v8;
	vm0 =	veq.s32 v10, v7  }
0x5e0: {  	vm0 =	vmand vm1, vm0  }
0x5e1: {  	v7 =	vmpcnt.ones.xlane vm0;
	_ =	sdelay $0x1  }
0x5e2: {  	(v2sf) =	vpush v7, $0x0;
	_ =	sdelay $0x8  }
0x5e3: {  	v7 =	vshrl.u32 v9, $0x4  }
0x5e4: {  	v7 =	vand.u32 $0xF, v7  }
0x5e5: {  	v7 =	vor.u32 v3, v7  }
.Ltmp54:
0x5e6: {  	s24 =	spop @p0 (v2sf);
	(pc) =	sbr.rel .LBB2_92-.Ltmp54, $4  }
0x5e7: {  	s23 =	sadd.s32 @p0 s23, s24  }
0x5e8: {  	s21 =	smov.u32 @p0 s23  }
0x5e9: {  	[tilespmem:s21+$0x10000] =	vst.msk vm0, v9;
	s31 =	spop (v2sf)  }
0x5ea: {  	[tilespmem:v7+s12+$0x0] =	vst.idx.add.s32.msk vm0, v4;
	s23 =	sadd.s32 s21, s31  }
.LBB2_85:
0x5eb: {  	s23 =	simm.s32 $0x0  }
.LBB2_92:
0x5ec: {  	v7 =	vld [tilespmem:$0x18000]  }
0x5ed: {  	v8 =	vld [tilespmem:$0x18010]  }
0x5ee: {  	v9 =	vld [tilespmem:$0x18020]  }
0x5ef: {  	v10 =	vld [tilespmem:$0x18030]  }
0x5f0: {  	v11 =	vld [tilespmem:$0x18040]  }
0x5f1: {  	v12 =	vld [tilespmem:$0x18050]  }
0x5f2: {  	v13 =	vld [tilespmem:$0x18060];
	v7 =	vadd.s32 v7, v8  }
0x5f3: {  	v8 =	vld [tilespmem:$0x18070];
	v7 =	vadd.s32 v9, v7  }
0x5f4: {  	v57 =	vld [tilespmem:$0x18080];
	v7 =	vadd.s32 v10, v7  }
0x5f5: {  	v58 =	vld [tilespmem:$0x18090];
	v7 =	vadd.s32 v11, v7  }
0x5f6: {  	v59 =	vld [tilespmem:$0x180A0];
	v7 =	vadd.s32 v12, v7  }
0x5f7: {  	v60 =	vld [tilespmem:$0x180B0];
	v7 =	vadd.s32 v13, v7  }
0x5f8: {  	v61 =	vld [tilespmem:$0x180C0];
	v7 =	vadd.s32 v8, v7  }
0x5f9: {  	v8 =	vld [tilespmem:$0x180D0];
	v7 =	vadd.s32 v57, v7  }
0x5fa: {  	v62 =	vld [tilespmem:$0x180E0];
	v7 =	vadd.s32 v58, v7  }
0x5fb: {  	v63 =	vld [tilespmem:$0x180F0];
	v7 =	vadd.s32 v59, v7  }
0x5fc: {  	v7 =	vadd.s32 v60, v7  }
0x5fd: {  	v7 =	vadd.s32 v61, v7  }
0x5fe: {  	v7 =	vadd.s32 v8, v7  }
0x5ff: {  	v7 =	vadd.s32 v62, v7  }
0x600: {  	v7 =	vadd.s32 v63, v7  }
0x601: {  	v8 =	vperm.xlane v7, v5;
	_ =	sdelay $0x1  }
0x602: {  	(xrf0) =	vadd.scan.msk.s32 $0xffff, v8;
	_ =	sdelay $0x5  }
0x603: {  	v8, _, _ =	vpop (xrf0)  }
0x604: {  	s21 =	sxor.u32 $0x80000000, s22;
	v8 =	vperm.xlane v8, v5  }
0x605: {  	v7 =	vadd.s32 s21, v7  }
0x606: {  	vm0 =	vlt.s32 v8, s21;
	v7 =	vsub.s32 v7, v8  }
0x607: {  	v8 =	vsel vm0, $0x7FFFFFFF, v6;
	v7 =	vxor.u32 $0x80000000, v7  }
0x608: {  	(xrf0) =	vmax.scan.msk.u32 $0xffff, v8;
	v7 =	vsel vm0, $0x0, v7  }
0x609: {  	(xrf0) =	vmax.scan.msk.u32 $0xffff, v7;
	_ =	sdelay $0x4  }
0x60a: {  	v7, _, _ =	vpop (xrf0)  }
0x60b: {  	(v2sf) =	vpush v7, $0xF;
	v7, _, _ =	vpop (xrf0)  }
0x60c: {  	[tilespmem:$0x18000] =	vst v1;
	(v2sf) =	vpush v7, $0xF  }
0x60d: {  	[tilespmem:$0x18010] =	vst v1  }
0x60e: {  	[tilespmem:$0x18020] =	vst v1  }
0x60f: {  	[tilespmem:$0x18030] =	vst v1;
	s29 =	sadd.s32 $0xF, s23  }
0x610: {  	[tilespmem:$0x18040] =	vst v1;
	s30 =	sand.u32 $0xF, s29  }
0x611: {  	[tilespmem:$0x18050] =	vst v1;
	s24 =	sshra.s32 s29, $0x1F;
	p0 =	slt.s32 s29, $0x1;
	p1 =	sne.s32 s30, $0x0  }
0x612: {  	[tilespmem:$0x18060] =	vst v1;
	s31 =	sshrl.u32 s24, $0x1C;
	p0 =	por !p0, !p1  }
0x613: {  	[tilespmem:$0x18080] =	vst v1;
	s22 =	simm.s32 $0x1;
	p0 =	por !p0, !p0;
	s21 =	sadd.s32 s31, s29  }
0x614: {  	[tilespmem:$0x18090] =	vst v1;
	s22 =	simm.s32 @!p0 $0x0;
	s21 =	sshra.s32 s21, $0x4  }
0x615: {  	[tilespmem:$0x180A0] =	vst v1;
	s24 =	ssub.s32 s21, s22  }
0x616: {  	[tilespmem:$0x180B0] =	vst v1;
	p0 =	slt.s32 s24, $0x1  }
.Ltmp55:
0x617: {  	[tilespmem:$0x180C0] =	vst v1;
	(pc) =	sbr.rel @p0 .LBB2_99-.Ltmp55, $4  }
0x618: {  	[tilespmem:$0x180E0] =	vst v1  }
0x619: {  	[tilespmem:$0x180F0] =	vst v1  }
0x61a: {  	[tilespmem:$0x18070] =	vst v1;
	s21 =	spop (v2sf)  }
0x61b: {  	[tilespmem:$0x180D0] =	vst v1;
	s22 =	spop (v2sf)  }
0x61c: {  	p1 =	sne.s32 s24, $0x1  }
.Ltmp56:
0x61d: {  	_ = 	snop;
	(pc) =	sbr.rel @!p1 .LBB2_94-.Ltmp56, $3  }
0x61e: {  	_ =	sdelay $0x1  }
0x61f: {  	s25 =	sxor.u32 $0x80000000, s21;
	s26 =	simm.s32 $0x10000  }
0x620: {  	v8 =	vmov s23;
	s23 =	simm.s32 $0x0;
	s24 =	sadd.s32 $0xFFFFFFFF, s24;
	p0 =	por $0x0, $0x0;
	v7 =	vmov s25;
	v9 =	vld [tilespmem:s26+$0x0]  }
0x621: {  	_ =	sdelay $0x3  }
0x622: {  	v10 =	vshrl.u32 v9, $0x4  }
0x623: {  	v11 =	vor.u32 s23, v0;
	v10 =	vand.u32 $0xF, v10  }
0x624: {  	vm1 =	vlt.s32 v11, v8;
	vm0 =	veq.s32 v10, v7  }
0x625: {  	vm0 =	vmand vm1, vm0  }
0x626: {  	v10 =	vand.u32 $0xF, v9;
	v11 =	vmpcnt.ones.xlane vm0  }
0x627: {  	v10 =	vor.u32 v3, v10  }
0x628: {  	p1 =	sne.s32 s24, $0x1;
	(v2sf) =	vpush v11, $0x0  }
.Ltmp57:
0x629: {  	_ = 	snop;
	(pc) =	sbr.rel @!p1 .LBB2_96-.Ltmp57, $4  }
0x62a: {  	_ = 	snop  }
0x62b: {  	[tilespmem:s23+$0x10000] =	vst.msk vm0, v9  }
0x62c: {  	s26 =	simm.s32 $0x10010;
	s28 =	sadd.s32 $0xFFFFFFFF, s24;
	[tilespmem:v10+s12+$0x0] =	vst.idx.add.s32.msk vm0, v4  }
0x62d: {  	p0 =	por $0x1, $0x1;
	s25 =	simm.s32 $0x0;
	s24 =	simm.s32 $0x0;
	v9 =	vld [tilespmem:s26+$0x0]  }
.LBB2_97:
0x62e: {  	p1 =	sne.s32 s28, $0x1;
	_ =	sdelay $0x3  }
0x62f: {  	s25 =	sadd.s32 $0x10, s25;
	v10 =	vshrl.u32 v9, $0x4;
	v11 =	vand.u32 $0xF, v9  }
0x630: {  	v12 =	vor.u32 s25, v0;
	v10 =	vand.u32 $0xF, v10  }
0x631: {  	vm1 =	vlt.s32 v12, v8;
	vm0 =	veq.s32 v10, v7  }
0x632: {  	vm0 =	vmand vm1, vm0  }
0x633: {  	v10 =	vor.u32 v3, v11;
	v11 =	vmpcnt.ones.xlane vm0  }
0x634: {  	s29 =	spop (v2sf)  }
0x635: {  	(v2sf) =	vpush v11, $0x0;
	s24 =	sadd.s32 s24, s29  }
.Ltmp58:
0x636: {  	[tilespmem:s24+$0x10000] =	vst.msk vm0, v9;
	(pc) =	sbr.rel @p1 .LBB2_97-.Ltmp58, $4  }
0x637: {  	_ = 	snop  }
0x638: {  	[tilespmem:v10+s12+$0x0] =	vst.idx.add.s32.msk vm0, v4  }
0x639: {  	s26 =	sadd.s32 $0x10, s26  }
0x63a: {  	s28 =	sadd.s32 $0xFFFFFFFF, s28;
	v9 =	vld [tilespmem:s26+$0x0]  }
.LBB2_98:
0x63b: {  	_ =	sdelay $0x2  }
0x63c: {  	s25 =	sadd.s32 @p0 $0x10, s25;
	s26 =	simm.s32 $0x0  }
0x63d: {  	s26 =	smov.u32 @p0 s25;
	v10 =	vshrl.u32 v9, $0x4  }
0x63e: {  	v11 =	vor.u32 s26, v0;
	v10 =	vand.u32 $0xF, v10  }
0x63f: {  	vm1 =	vlt.s32 v11, v8;
	vm0 =	veq.s32 v10, v7  }
0x640: {  	vm0 =	vmand vm1, vm0  }
0x641: {  	v7 =	vmpcnt.ones.xlane vm0;
	_ =	sdelay $0x1  }
0x642: {  	(v2sf) =	vpush v7, $0x0;
	_ =	sdelay $0x8  }
0x643: {  	v7 =	vand.u32 $0xF, v9  }
0x644: {  	v7 =	vor.u32 v3, v7  }
0x645: {  	s25 =	spop @p0 (v2sf)  }
0x646: {  	s24 =	sadd.s32 @p0 s24, s25  }
0x647: {  	s23 =	smov.u32 @p0 s24  }
0x648: {  	[tilespmem:s23+$0x10000] =	vst.msk vm0, v9  }
0x649: {  	[tilespmem:v7+s12+$0x0] =	vst.idx.add.s32.msk vm0, v4;
	s31 =	spop (v2sf)  }
.LBB2_99:
0x64a: {  	v7 =	vld [tilespmem:$0x18000]  }
0x64b: {  	v8 =	vld [tilespmem:$0x18010]  }
0x64c: {  	v9 =	vld [tilespmem:$0x18020]  }
0x64d: {  	v10 =	vld [tilespmem:$0x18030]  }
0x64e: {  	v11 =	vld [tilespmem:$0x18040]  }
0x64f: {  	v12 =	vld [tilespmem:$0x18050]  }
0x650: {  	v13 =	vld [tilespmem:$0x18060];
	v7 =	vadd.s32 v7, v8  }
0x651: {  	v8 =	vld [tilespmem:$0x18070];
	v7 =	vadd.s32 v9, v7  }
0x652: {  	v9 =	vld [tilespmem:$0x18080];
	v7 =	vadd.s32 v10, v7  }
0x653: {  	v10 =	vld [tilespmem:$0x18090];
	v7 =	vadd.s32 v11, v7  }
0x654: {  	v11 =	vld [tilespmem:$0x180A0];
	v7 =	vadd.s32 v12, v7  }
0x655: {  	v12 =	vld [tilespmem:$0x180B0];
	v7 =	vadd.s32 v13, v7  }
0x656: {  	v13 =	vld [tilespmem:$0x180C0];
	v7 =	vadd.s32 v8, v7  }
0x657: {  	v8 =	vld [tilespmem:$0x180D0];
	v7 =	vadd.s32 v9, v7  }
0x658: {  	v9 =	vld [tilespmem:$0x180E0];
	v7 =	vadd.s32 v10, v7  }
0x659: {  	v10 =	vld [tilespmem:$0x180F0];
	v7 =	vadd.s32 v11, v7  }
0x65a: {  	v7 =	vadd.s32 v12, v7  }
0x65b: {  	v7 =	vadd.s32 v13, v7  }
0x65c: {  	v7 =	vadd.s32 v8, v7  }
0x65d: {  	v7 =	vadd.s32 v9, v7  }
0x65e: {  	v8 =	vadd.s32 v10, v7  }
0x65f: {  	v7 =	vperm.xlane v8, v5;
	_ =	sdelay $0x1  }
0x660: {  	(xrf0) =	vadd.scan.msk.s32 $0xffff, v7;
	_ =	sdelay $0x5  }
0x661: {  	v7, _, _ =	vpop (xrf0)  }
0x662: {  	v9 =	vperm.xlane v7, v5  }
0x663: {  	s22 =	sxor.u32 $0x80000000, s22  }
0x664: {  	vm0 =	vlt.s32 v9, s22  }
0x665: {  	v7 =	vsel vm0, $0x7FFFFFFF, v6  }
0x666: {  	(xrf0) =	vmax.scan.msk.u32 $0xffff, v7;
	_ =	sdelay $0x5  }
0x667: {  	v7, _, _ =	vpop (xrf0)  }
0x668: {  	(v2sf) =	vpush v7, $0xF;
	_ =	sdelay $0x9  }
0x669: {  	s15 =	sshll.u32 s15, $0x1C;
	s16 =	sshll.u32 s16, $0x18  }
0x66a: {  	s25 =	sshll.u32 s17, $0x14;
	s15 =	sor.u32 s15, s16  }
0x66b: {  	s26 =	sshll.u32 s18, $0x10;
	s15 =	sor.u32 s25, s15  }
0x66c: {  	s28 =	sshll.u32 s19, $0xC;
	s15 =	sor.u32 s26, s15  }
0x66d: {  	s29 =	sshll.u32 s20, $0x8;
	s15 =	sor.u32 s28, s15  }
0x66e: {  	s30 =	sshll.u32 s21, $0x4;
	s15 =	sor.u32 s29, s15;
	s31 =	spop (v2sf)  }
0x66f: {  	s15 =	sor.u32 s30, s15;
	s16 =	sxor.u32 $0x80000000, s31  }
0x670: {  	s17 =	sor.u32 s16, s15  }
0x671: {  	s18 =	simm.s32 $0xFFFFFFFF;
	s15 =	simm.s32 $0x8040;
	p0 =	sgt.s32 s17, $0xFFFFFFFF  }
0x672: {  	v12 =	vld [tilespmem:s15+$0x30];
	s18 =	simm.s32 @!p0 $0x80000000  }
0x673: {  	v17 =	vld [tilespmem:s15+$0xFFFFFFD0];
	s17 =	sxor.u32 s17, s18  }
0x674: {  	v15 =	vld [tilespmem:s15+$0xFFFFFFE0];
	v7 =	vmov s17  }
0x675: {  	v14 =	vld [tilespmem:s15+$0xFFFFFFF0];
	v7 =	vbroadcast v7, $0x0  }
0x676: {  	v13 =	vld [tilespmem:s15+$0x0]  }
0x677: {  	v11 =	vld [tilespmem:s15+$0x10];
	vm0 =	vge.f32 v12, v7  }
0x678: {  	v10 =	vld [tilespmem:s15+$0x20];
	vm1 =	vge.f32 v17, v7;
	v18 =	vnsel vm0, $0x0, v12  }
0x679: {  	v16 =	vmov s22;
	s18 =	simm.s32 $0x80C0;
	s17 =	simm.s32 $0x0;
	v12 =	vld [tilespmem:s15+$0xFFFFFFC0];
	v17 =	vnsel vm1, $0x0, v17;
	vm0 =	vge.f32 v15, v7;
	[tilespmem:s15+$0x30] =	vst v18  }
.LBB2_100:
0x67a: {  	v18 =	vld [tilespmem:s18+$0x30];
	s17 =	sadd.s32 $0x8, s17;
	[tilespmem:s15+$0xFFFFFFD0] =	vst v17;
	v15 =	vnsel vm0, $0x0, v15;
	vm0 =	vge.f32 v14, v7  }
0x67b: {  	v17 =	vld [tilespmem:s18+$0xFFFFFFD0];
	p0 =	slt.u32 s17, $0x7F8;
	[tilespmem:s15+$0xFFFFFFE0] =	vst v15;
	v14 =	vnsel vm0, $0x0, v14;
	vm0 =	vge.f32 v13, v7  }
0x67c: {  	v15 =	vld [tilespmem:s18+$0xFFFFFFE0];
	[tilespmem:s15+$0xFFFFFFF0] =	vst v14;
	v13 =	vnsel vm0, $0x0, v13;
	vm0 =	vge.f32 v11, v7  }
.Ltmp59:
0x67d: {  	v14 =	vld [tilespmem:s18+$0xFFFFFFF0];
	[tilespmem:s15+$0x0] =	vst v13;
	v11 =	vnsel vm0, $0x0, v11;
	vm0 =	vge.f32 v10, v7;
	(pc) =	sbr.rel @p0 .LBB2_100-.Ltmp59, $4  }
0x67e: {  	v13 =	vld [tilespmem:s18+$0x0];
	vm1 =	vge.f32 v12, v7;
	[tilespmem:s15+$0x10] =	vst v11;
	v10 =	vnsel vm0, $0x0, v10  }
0x67f: {  	v11 =	vld [tilespmem:s18+$0x10];
	vm0 =	vge.f32 v18, v7;
	v12 =	vnsel vm1, $0x0, v12;
	[tilespmem:s15+$0x20] =	vst v10  }
0x680: {  	vm1 =	vge.f32 v17, v7;
	v10 =	vld [tilespmem:s18+$0x20];
	v18 =	vnsel vm0, $0x0, v18;
	[tilespmem:s15+$0xFFFFFFC0] =	vst v12;
	s15 =	smov.u32 s18  }
0x681: {  	s18 =	sadd.s32 $0x80, s18;
	v12 =	vld [tilespmem:s15+$0xFFFFFFC0];
	v17 =	vnsel vm1, $0x0, v17;
	vm0 =	vge.f32 v15, v7;
	[tilespmem:s15+$0x30] =	vst v18  }
0x682: {  	v18 =	vadd.s32 v16, v8  }
0x683: {  	v18 =	vsub.s32 v18, v9  }
0x684: {  	vm1 =	vlt.s32 v9, v16;
	v62 =	vmov s16;
	v61 =	vxor.u32 $0x80000000, v18  }
0x685: {  	v8 =	vxor.u32 $0x80000000, v8;
	vm10 =	veq.s32 v62, v0;
	v9 =	vsel vm1, $0x0, v61  }
0x686: {  	v8 =	vnsel vm10, $0x80000000, v8;
	(xrf0) =	vmax.scan.msk.u32 $0xffff, v9  }
0x687: {  	(xrf0) =	vmax.scan.msk.u32 $0xffff, v8;
	_ =	sdelay $0x4  }
0x688: {  	v8, _, _ =	vpop (xrf0)  }
0x689: {  	(v2sf) =	vpush v8, $0xF;
	v8, _, _ =	vpop (xrf0)  }
0x68a: {  	(v2sf) =	vpush v8, $0xF;
	_ =	sdelay $0xd  }
0x68b: {  	s31 =	spop (v2sf)  }
0x68c: {  	s17 =	spop (v2sf)  }
0x68d: {  	vm15 =	vge.f32 v12, v7;
	s16 =	sxor.u32 $0x80000000, s31;
	s17 =	sxor.u32 $0x80000000, s17  }
0x68e: {  	[tilespmem:s15+$0xFFFFFFD0] =	vst v17;
	v63 =	vnsel vm15, $0x0, v12;
	s16 =	ssub.s32 s17, s16  }
0x68f: {  	vm11 =	vge.f32 v14, v7;
	[tilespmem:s15+$0xFFFFFFC0] =	vst v63;
	v8 =	vnsel vm0, $0x0, v15;
	p0 =	slt.s32 s16, $0x1  }
.Ltmp60:
0x690: {  	vm12 =	vge.f32 v13, v7;
	[tilespmem:s15+$0xFFFFFFE0] =	vst v8;
	v8 =	vnsel vm11, $0x0, v14;
	(pc) =	sbr.rel @p0 .LBB2_103-.Ltmp60, $4  }
0x691: {  	vm13 =	vge.f32 v11, v7;
	[tilespmem:s15+$0xFFFFFFF0] =	vst v8;
	v8 =	vnsel vm12, $0x0, v13  }
0x692: {  	vm14 =	vge.f32 v10, v7;
	[tilespmem:s15+$0x0] =	vst v8;
	v8 =	vnsel vm13, $0x0, v11  }
0x693: {  	[tilespmem:s15+$0x10] =	vst v8;
	v8 =	vnsel vm14, $0x0, v10  }
0x694: {  	[tilespmem:s15+$0x20] =	vst v8;
	s15 =	simm.s32 $0x1FFC0  }
.LBB2_102:
0x695: {  	s17 =	sshra.s32 s15, $0x2  }
0x696: {  	v8 =	vld [tilespmem:s17+$0x8000];
	_ =	sdelay $0x4  }
0x697: {  	vm0 =	veq.f32 v8, v7  }
0x698: {  	v9 =	vmpcnt.ones.xlane vm0;
	_ =	sdelay $0x1  }
0x699: {  	(v2sf) =	vpush v9, $0x0;
	_ =	sdelay $0x5  }
0x69a: {  	v10 =	vsel vm0, $0x1, v1  }
0x69b: {  	(xrf0) =	vadd.scan.msk.s32 $0xffff, v10;
	_ =	sdelay $0x5  }
0x69c: {  	v10, _, _ =	vpop (xrf0)  }
0x69d: {  	v9 =	vsub.s32 v9, v10  }
0x69e: {  	v9 =	vadd.s32 $0x1, v9;
	s18 =	spop (v2sf)  }
0x69f: {  	p0 =	seq.s32 s15, $0x0;
	vm1 =	vle.s32 v9, s16;
	s16 =	ssub.s32 s16, s18  }
0x6a0: {  	p1 =	sgt.s32 @!p0 s16, $0x0  }
0x6a1: {  	p0 =	por p0, !p1  }
.Ltmp61:
0x6a2: {  	_ = 	snop;
	(pc) =	sbr.rel @!p0 .LBB2_102-.Ltmp61, $4  }
0x6a3: {  	_ = 	snop  }
0x6a4: {  	vm0 =	vmand vm0, vm1  }
0x6a5: {  	v8 =	vsel vm0, $0x0, v8  }
0x6a6: {  	s15 =	sadd.s32 $0xFFFFFFC0, s15;
	[tilespmem:s17+$0x8000] =	vst v8  }
.Ltmp62:
0x6a7: {  	_ = 	snop;
	(pc) =	sbr.rel .LBB2_103-.Ltmp62, $1  }
0x6a8: {  	_ =	sdelay $0x3  }
.LBB2_7:
.Ltmp63:
0x6a9: {  	(pc) =	sbr.rel .LBB2_11-.Ltmp63, $2  }
0x6aa: {  	_ =	sdelay $0x2  }
0x6ab: {  	s21 =	simm.s32 $0x0;
	s20 =	simm.s32 $0x0  }
.LBB2_14:
.Ltmp64:
0x6ac: {  	(pc) =	sbr.rel .LBB2_18-.Ltmp64, $2  }
0x6ad: {  	_ =	sdelay $0x2  }
0x6ae: {  	s21 =	simm.s32 $0x0;
	s20 =	simm.s32 $0x0  }
.LBB2_21:
.Ltmp65:
0x6af: {  	(pc) =	sbr.rel .LBB2_25-.Ltmp65, $2  }
0x6b0: {  	_ =	sdelay $0x2  }
0x6b1: {  	s23 =	simm.s32 $0x0;
	s22 =	simm.s32 $0x0  }
.LBB2_28:
.Ltmp66:
0x6b2: {  	(pc) =	sbr.rel .LBB2_32-.Ltmp66, $2  }
0x6b3: {  	_ =	sdelay $0x2  }
0x6b4: {  	s23 =	simm.s32 $0x0;
	s22 =	simm.s32 $0x0  }
.LBB2_36:
.Ltmp67:
0x6b5: {  	(pc) =	sbr.rel .LBB2_40-.Ltmp67, $2  }
0x6b6: {  	_ =	sdelay $0x2  }
0x6b7: {  	s24 =	simm.s32 $0x0;
	s23 =	simm.s32 $0x0  }
.LBB2_43:
.Ltmp68:
0x6b8: {  	(pc) =	sbr.rel .LBB2_47-.Ltmp68, $2  }
0x6b9: {  	_ =	sdelay $0x2  }
0x6ba: {  	s25 =	simm.s32 $0x0;
	s24 =	simm.s32 $0x0  }
.LBB2_58:
.Ltmp69:
0x6bb: {  	(pc) =	sbr.rel .LBB2_62-.Ltmp69, $2  }
0x6bc: {  	_ =	sdelay $0x2  }
0x6bd: {  	s21 =	simm.s32 $0x0;
	s20 =	simm.s32 $0x0  }
.LBB2_65:
.Ltmp70:
0x6be: {  	(pc) =	sbr.rel .LBB2_69-.Ltmp70, $2  }
0x6bf: {  	_ =	sdelay $0x2  }
0x6c0: {  	s21 =	simm.s32 $0x0;
	s20 =	simm.s32 $0x0  }
.LBB2_72:
.Ltmp71:
0x6c1: {  	(pc) =	sbr.rel .LBB2_76-.Ltmp71, $2  }
0x6c2: {  	_ =	sdelay $0x2  }
0x6c3: {  	s23 =	simm.s32 $0x0;
	s22 =	simm.s32 $0x0  }
.LBB2_79:
.Ltmp72:
0x6c4: {  	(pc) =	sbr.rel .LBB2_83-.Ltmp72, $2  }
0x6c5: {  	_ =	sdelay $0x2  }
0x6c6: {  	s23 =	simm.s32 $0x0;
	s22 =	simm.s32 $0x0  }
.LBB2_87:
.Ltmp73:
0x6c7: {  	(pc) =	sbr.rel .LBB2_91-.Ltmp73, $2  }
0x6c8: {  	_ =	sdelay $0x2  }
0x6c9: {  	s24 =	simm.s32 $0x0;
	s23 =	simm.s32 $0x0  }
.LBB2_94:
.Ltmp74:
0x6ca: {  	(pc) =	sbr.rel .LBB2_98-.Ltmp74, $2  }
0x6cb: {  	_ =	sdelay $0x2  }
0x6cc: {  	s25 =	simm.s32 $0x0;
	s24 =	simm.s32 $0x0  }
.LBB2_9:
.Ltmp75:
0x6cd: {  	(pc) =	sbr.rel .LBB2_11-.Ltmp75, $2  }
0x6ce: {  	_ =	sdelay $0x2  }
0x6cf: {  	s21 =	simm.s32 $0x0;
	s20 =	simm.s32 $0x0  }
.LBB2_16:
.Ltmp76:
0x6d0: {  	(pc) =	sbr.rel .LBB2_18-.Ltmp76, $2  }
0x6d1: {  	_ =	sdelay $0x2  }
0x6d2: {  	s21 =	simm.s32 $0x0;
	s20 =	simm.s32 $0x0  }
.LBB2_23:
.Ltmp77:
0x6d3: {  	(pc) =	sbr.rel .LBB2_25-.Ltmp77, $2  }
0x6d4: {  	_ =	sdelay $0x2  }
0x6d5: {  	s23 =	simm.s32 $0x0;
	s22 =	simm.s32 $0x0  }
.LBB2_30:
.Ltmp78:
0x6d6: {  	(pc) =	sbr.rel .LBB2_32-.Ltmp78, $2  }
0x6d7: {  	_ =	sdelay $0x2  }
0x6d8: {  	s23 =	simm.s32 $0x0;
	s22 =	simm.s32 $0x0  }
.LBB2_38:
.Ltmp79:
0x6d9: {  	(pc) =	sbr.rel .LBB2_40-.Ltmp79, $2  }
0x6da: {  	_ =	sdelay $0x2  }
0x6db: {  	s24 =	simm.s32 $0x0;
	s23 =	simm.s32 $0x0  }
.LBB2_45:
.Ltmp80:
0x6dc: {  	(pc) =	sbr.rel .LBB2_47-.Ltmp80, $2  }
0x6dd: {  	_ =	sdelay $0x2  }
0x6de: {  	s25 =	simm.s32 $0x0;
	s24 =	simm.s32 $0x0  }
.LBB2_60:
.Ltmp81:
0x6df: {  	(pc) =	sbr.rel .LBB2_62-.Ltmp81, $2  }
0x6e0: {  	_ =	sdelay $0x2  }
0x6e1: {  	s21 =	simm.s32 $0x0;
	s20 =	simm.s32 $0x0  }
.LBB2_67:
.Ltmp82:
0x6e2: {  	(pc) =	sbr.rel .LBB2_69-.Ltmp82, $2  }
0x6e3: {  	_ =	sdelay $0x2  }
0x6e4: {  	s21 =	simm.s32 $0x0;
	s20 =	simm.s32 $0x0  }
.LBB2_74:
.Ltmp83:
0x6e5: {  	(pc) =	sbr.rel .LBB2_76-.Ltmp83, $2  }
0x6e6: {  	_ =	sdelay $0x2  }
0x6e7: {  	s23 =	simm.s32 $0x0;
	s22 =	simm.s32 $0x0  }
.LBB2_81:
.Ltmp84:
0x6e8: {  	(pc) =	sbr.rel .LBB2_83-.Ltmp84, $2  }
0x6e9: {  	_ =	sdelay $0x2  }
0x6ea: {  	s23 =	simm.s32 $0x0;
	s22 =	simm.s32 $0x0  }
.LBB2_89:
.Ltmp85:
0x6eb: {  	(pc) =	sbr.rel .LBB2_91-.Ltmp85, $2  }
0x6ec: {  	_ =	sdelay $0x2  }
0x6ed: {  	s24 =	simm.s32 $0x0;
	s23 =	simm.s32 $0x0  }
.LBB2_96:
.Ltmp86:
0x6ee: {  	(pc) =	sbr.rel .LBB2_98-.Ltmp86, $2  }
0x6ef: {  	_ =	sdelay $0x2  }
0x6f0: {  	s25 =	simm.s32 $0x0;
	s24 =	simm.s32 $0x0  }
.LBB2_104:
0x6f1: {  	_ =	sfence.sel $0x180000  }
0x6f2: {  	[bflag:$0x0] =	sbarrier.arrive $0xFFFF  }
0x6f3: {  	p0 =	sne.s32 s1, $0x0;
	_ =	strace $0x90000047  }
0x6f4: {  	s0 =	sadd.s32 @!p0 $0x100000, s0;
	[bflag:$0x2] =	sbarrier.arrive $0xFFFF  }
0x6f5: {  	[sflag:s0] =	ssyncadd.tile.s32 @!p0 $0x1;
	_ =	shalt  }
.Lfunc_end2:
_tile_overlayer_lowered:
.L_overlay_start_2:
0x6f6: {  	(tag) =	ssettag $0x2  }
0x6f7: {  	s0 =	rddreg [dreg:$0x0];
	s2 =	stileid.u32  }
0x6f8: {  	s1 =	rddreg [dreg:$0x1];
	p0 =	sne.s32 s2, $0x0  }
0x6f9: {  	s3 =	rddreg [dreg:$0x2];
	[bflag:$0x3] =	sbarrier.arrive $0xFFFF;
	s2 =	simm.s32 @!p0 $0x1C03  }
0x6fa: {  	[timem:s3], [sflag:s2] =	dma.local @!p0 [hbm:s0], s1  }
0x6fb: {  	s0 =	simm.s32 @!p0 $0x3  }
0x6fc: {  	_ =	swait.ge @!p0 [sflag:s0], s1  }
0x6fd: {  	s1 =	ssub.s32 @!p0 $0x0, s1;
	[sflag:s0] =	ssyncset.done @!p0 $0x0  }
0x6fe: {  	[sflag:s0] =	ssyncadd.s32 @!p0 s1  }
0x6ff: {  	[bflag:$0x3] =	sbarrier.arrive $0xFFFF  }
0x700: {  	_ =	shalt  }

</sc_bundles>
